<compile_context>
chip_gen: v7x
topology: tpu7x:2x2x1
jax: 0.10.2.dev20260603
libtpu: 0.0.44.dev20260713+nightly
codegen_flags: <defaults>
</compile_context>

<pallas_src>
import functools
import jax
import jax.numpy as jnp
from jax import lax
from jax.experimental import pallas as pl
from jax.experimental.pallas import tpu as pltpu
from jax.experimental.pallas import tpu_sc as plsc

N = 10000
E = 320000
D = 128
G = 64
NC, NS = 2, 16
NW = NC * NS
BF = jnp.bfloat16
F32 = jnp.float32
NEGINF = float("-inf")


def _mesh():
    return plsc.VectorSubcoreMesh(core_axis_name="c", subcore_axis_name="s",
                                  num_cores=NC, num_subcores=NS)


def _make_edge_gather(Dw, B, take=None):
    take = Dw if take is None else take
    EW = E // NW
    n_it = EW // B
    if take == Dw:
        out_t = (jax.ShapeDtypeStruct((E, Dw), F32),
                 jax.ShapeDtypeStruct((E, Dw), F32))
        pack_t = []
    else:
        out_t = (jax.ShapeDtypeStruct((E * take,), F32),
                 jax.ShapeDtypeStruct((E * take,), F32))
        pack_t = [pltpu.VMEM((B * take,), F32), pltpu.VMEM((B * take,), F32)]

    @functools.partial(
        pl.kernel,
        out_type=out_t,
        mesh=_mesh(),
        scratch_types=[
            pltpu.VMEM((B,), jnp.int32),
            pltpu.VMEM((B,), jnp.int32),
            pltpu.VMEM((B, Dw), F32),
            pltpu.VMEM((B, Dw), F32),
        ] + pack_t + [
            pltpu.SemaphoreType.DMA,
            pltpu.SemaphoreType.DMA,
        ])
    def k(tbl, dst, src, xd_out, xs_out, di, si, rd, rs, *rest):
        if take == Dw:
            s1, s2 = rest
        else:
            pd, ps, s1, s2 = rest
        wid = lax.axis_index("s") * NC + lax.axis_index("c")
        base = wid * EW

        def body(i, carry):
            b = base + i * B
            pltpu.sync_copy(dst.at[pl.ds(b, B)], di)
            pltpu.sync_copy(src.at[pl.ds(b, B)], si)
            cd = pltpu.async_copy(tbl.at[di], rd, s1)
            cs = pltpu.async_copy(tbl.at[si], rs, s2)
            cd.wait()
            cs.wait()
            if take == Dw:
                pltpu.sync_copy(rd, xd_out.at[pl.ds(b, B)])
                pltpu.sync_copy(rs, xs_out.at[pl.ds(b, B)])
            else:
                def packrow(e, c2):
                    pd[pl.ds(e * take, take)] = rd[e, pl.ds(0, take)]
                    ps[pl.ds(e * take, take)] = rs[e, pl.ds(0, take)]
                    return c2

                lax.fori_loop(0, B, packrow, 0)
                pltpu.sync_copy(pd, xd_out.at[pl.ds(b * take, B * take)])
                pltpu.sync_copy(ps, xs_out.at[pl.ds(b * take, B * take)])
            return carry

        lax.fori_loop(0, n_it, body, 0)

    return k


def _make_scatter_max(F, P, B2):
    C = NW // P
    SPAN = N // P
    EW = E // C
    n_it = EW // B2
    nf = F // 16

    @functools.partial(
        pl.kernel,
        out_type=jax.ShapeDtypeStruct((P * C, SPAN * F), F32),
        mesh=_mesh(),
        scratch_types=[
            pltpu.VMEM(((SPAN + 1) * F,), F32),
            pltpu.VMEM((B2,), jnp.int32),
            pltpu.VMEM((B2 * F,), F32),
        ])
    def k(m_hbm, dst, out, tbl, di, mr):
        wid = lax.axis_index("s") * NC + lax.axis_index("c")
        part = wid % P
        chunk = wid // P
        lo = part * SPAN

        def initb(r, carry):
            tbl[pl.ds(r * 16, 16)] = jnp.full((16,), NEGINF, F32)
            return carry

        lax.fori_loop(0, (SPAN + 1) * F // 16, initb, 0)

        ebase = chunk * EW

        def body(i, carry):
            b = ebase + i * B2
            pltpu.sync_copy(dst.at[pl.ds(b, B2)], di)
            pltpu.sync_copy(m_hbm.at[pl.ds(b * F, B2 * F)], mr)

            def grp(g, c2):
                dvec = di[pl.ds(g * 16, 16)]
                for j in range(16):
                    dl = dvec[j] - lo
                    valid = (dl >= 0) & (dl < SPAN)
                    dlc = lax.select(valid, dl, SPAN)
                    row = g * 16 + j
                    for f in range(nf):
                        ts = pl.ds(dlc * F + 16 * f, 16)
                        ms = pl.ds(row * F + 16 * f, 16)
                        tbl[ts] = jnp.maximum(tbl[ts], mr[ms])
                return c2

            lax.fori_loop(0, B2 // 16, grp, 0)
            return carry

        lax.fori_loop(0, n_it, body, 0)
        pltpu.sync_copy(tbl.at[pl.ds(0, SPAN * F)], out.at[part * C + chunk])

    return k


def _merge_relu(parts, P, F):
    PC, SF = parts.shape
    C = PC // P
    parts = parts.reshape(P, C, SF)

    def body(p_ref, o_ref):
        for p in range(P):
            acc = p_ref[p, 0]
            for kk in range(1, C):
                acc = jnp.maximum(acc, p_ref[p, kk])
            o_ref[p, :] = jnp.maximum(acc, 0.0)

    out = pl.pallas_call(
        body,
        out_shape=jax.ShapeDtypeStruct((P, SF), F32),
    )(parts)
    return out.reshape(N * F)


def _bdot(a, b):
    return jnp.dot(a.astype(BF), b, preferred_element_type=F32)


def _edge_mlp1(xd, xs, top, bot, b1a, w1b, b1b, bm=6400):

    def body(xd_ref, xs_ref, top_ref, bot_ref, ba_ref, wb_ref, bb_ref, o_ref):
        hd = xd_ref[...]
        hs = xs_ref[...]
        m = _bdot(hd, top_ref[...]) + _bdot(hs - hd, bot_ref[...])
        m = jax.nn.relu(m + ba_ref[...])
        o_ref[...] = _bdot(m, wb_ref[...]) + bb_ref[...]

    grid = E // bm
    return pl.pallas_call(
        body,
        grid=(grid,),
        in_specs=[
            pl.BlockSpec((bm, D), lambda i: (i, 0)),
            pl.BlockSpec((bm, D), lambda i: (i, 0)),
            pl.BlockSpec((D, 16), lambda i: (0, 0)),
            pl.BlockSpec((D, 16), lambda i: (0, 0)),
            pl.BlockSpec((1, 16), lambda i: (0, 0)),
            pl.BlockSpec((16, 16), lambda i: (0, 0)),
            pl.BlockSpec((1, 16), lambda i: (0, 0)),
        ],
        out_specs=pl.BlockSpec((bm, 16), lambda i: (i, 0)),
        out_shape=jax.ShapeDtypeStruct((E, 16), F32),
    )(xd, xs, top, bot, b1a, w1b, b1b)


def _edge_mlp2(hd2p, hs2p, bdtop2, bdbot2, b2a8, bdw2b, b2b8, bm8=4000):

    def body(hd_ref, hs_ref, top_ref, bot_ref, ba_ref, wb_ref, bb_ref,
             o_ref, o2_ref):
        hd = hd_ref[...]
        hs = hs_ref[...]
        m = _bdot(hd, top_ref[...]) + _bdot(hs - hd, bot_ref[...])
        m = jax.nn.relu(m + ba_ref[...])
        mm = _bdot(m, wb_ref[...]) + bb_ref[...]
        o_ref[...] = jnp.concatenate(
            [mm[:, 32 * j:32 * j + 16] for j in range(8)], axis=1)
        o2_ref[...] = jnp.concatenate(
            [mm[:, 32 * j + 16:32 * j + 32] for j in range(8)], axis=1)

    E8 = E // 8
    grid = E8 // bm8
    return pl.pallas_call(
        body,
        grid=(grid,),
        in_specs=[
            pl.BlockSpec((bm8, 128), lambda i: (i, 0)),
            pl.BlockSpec((bm8, 128), lambda i: (i, 0)),
            pl.BlockSpec((128, 256), lambda i: (0, 0)),
            pl.BlockSpec((128, 256), lambda i: (0, 0)),
            pl.BlockSpec((1, 256), lambda i: (0, 0)),
            pl.BlockSpec((256, 256), lambda i: (0, 0)),
            pl.BlockSpec((1, 256), lambda i: (0, 0)),
        ],
        out_specs=[pl.BlockSpec((bm8, 128), lambda i: (i, 0)),
                   pl.BlockSpec((bm8, 128), lambda i: (i, 0))],
        out_shape=(jax.ShapeDtypeStruct((E8, 128), F32),
                   jax.ShapeDtypeStruct((E8, 128), F32)),
    )(hd2p, hs2p, bdtop2, bdbot2, b2a8, bdw2b, b2b8)


def _tail(h2, batch_col, batch_row, gw1, gb1, gw2, gb2, cw1, cb1, cw2, cb2):
    def body(h_ref, bc_ref, br_ref, gw1_ref, gb1_ref, gw2_ref, gb2_ref,
             cw1_ref, cb1_ref, cw2_ref, cb2_ref, o_ref):
        h = h_ref[...]
        gate = _bdot(jax.nn.relu(_bdot(h, gw1_ref[...]) + gb1_ref[...]),
                     gw2_ref[...]) + gb2_ref[...]
        iota_ng = lax.broadcasted_iota(jnp.int32, (N, G), 1)
        mask = (bc_ref[...] == iota_ng)
        iota_gn = lax.broadcasted_iota(jnp.int32, (G, N), 0)
        mask_t = (br_ref[...] == iota_gn)

        a = jnp.where(mask, gate, NEGINF)
        gmax = jnp.max(a, axis=0, keepdims=True)
        gmax = jnp.where(jnp.isfinite(gmax), gmax, 0.0)
        gm = jnp.max(jnp.where(mask, gmax, NEGINF), axis=1, keepdims=True)
        e = jnp.exp(gate - gm)
        denom = jnp.sum(jnp.where(mask, e, 0.0), axis=0, keepdims=True)
        dn = jnp.sum(jnp.where(mask, denom, 0.0), axis=1, keepdims=True)
        alpha = e / (dn + 1e-16)
        pooled = jnp.dot(mask_t.astype(F32), alpha * h,
                         preferred_element_type=F32,
                         precision=jax.lax.Precision.HIGHEST)
        out = _bdot(jax.nn.relu(_bdot(pooled, cw1_ref[...]) + cb1_ref[...]),
                    cw2_ref[...]) + cb2_ref[...]
        o_ref[...] = out

    return pl.pallas_call(
        body,
        out_shape=jax.ShapeDtypeStruct((G, 1), F32),
    )(h2, batch_col, batch_row, gw1, gb1, gw2, gb2, cw1, cb1, cw2, cb2)


def kernel(x, edge_index, batch, W1a, b1a, W1b, b1b, W2a, b2a, W2b, b2b,
           gW1, gb1, gW2, gb2, cW1, cb1, cW2, cb2):
    src = edge_index[0]
    dst = edge_index[1]

    gather1 = _make_edge_gather(D, 400)
    xd, xs = gather1(x, dst, src)
    M1 = _edge_mlp1(xd, xs,
                    W1a[:D].astype(BF), W1a[D:].astype(BF),
                    b1a.reshape(1, 16), W1b.astype(BF), b1b.reshape(1, 16))
    scat1 = _make_scatter_max(16, 2, 800)
    h1f = _merge_relu(scat1(M1.reshape(E * 16), dst), 2, 16)
    h1 = jnp.pad(h1f.reshape(N, 16), ((0, 0), (0, 112)))

    gather2 = _make_edge_gather(128, 400, take=16)
    hd2f, hs2f = gather2(h1, dst, src)
    eye8 = jnp.eye(8, dtype=F32)
    bdtop2 = jnp.kron(eye8, W2a[:16]).astype(BF)
    bdbot2 = jnp.kron(eye8, W2a[16:]).astype(BF)
    bdw2b = jnp.kron(eye8, W2b).astype(BF)
    M2a, M2b = _edge_mlp2(hd2f.reshape(E // 8, 128), hs2f.reshape(E // 8, 128),
                          bdtop2, bdbot2,
                          jnp.tile(b2a, 8).reshape(1, 256), bdw2b,
                          jnp.tile(b2b, 8).reshape(1, 256))
    scat2 = _make_scatter_max(16, 2, 800)
    h2a = _merge_relu(scat2(M2a.reshape(E * 16), dst), 2, 16)
    h2b = _merge_relu(scat2(M2b.reshape(E * 16), dst), 2, 16)
    h2 = jnp.concatenate([h2a.reshape(N, 16), h2b.reshape(N, 16)], axis=1)

    out = _tail(h2, batch.reshape(N, 1), batch.reshape(1, N),
                gW1.astype(BF), gb1.reshape(1, 16), gW2.astype(BF),
                gb2.reshape(1, 1), cW1.astype(BF), cb1.reshape(1, 16),
                cW2.astype(BF), cb2.reshape(1, 1))
    return out[:, 0]

# --- scband reference (transcript-rebuilt; emitter-appended) ---
"""Pipeline reference for scband-edge-conv-gnn-62474594287977 (READ-ONLY COPY).

The authoritative reference and input builder live on the scoring server;
editing this copy changes nothing except your own understanding.
"""

import jax, jax.numpy as jnp
import numpy as np

N = 10000
E = 320000
D = 128
G = 64


def _lin(key, fi, fo):
    k1, k2 = jax.random.split(key)
    W = jax.random.normal(k1, (fi, fo), jnp.float32) / np.sqrt(fi)
    b = jax.random.normal(k2, (fo,), jnp.float32) * 0.01
    return W, b


def setup_inputs(seed: int = 0) -> dict:
    key = jax.random.key(seed)
    ks = jax.random.split(key, 12)
    x = jax.random.normal(ks[0], (N, D), jnp.float32)
    edge_index = jax.random.randint(ks[1], (2, E), 0, N, jnp.int32)
    batch = jnp.sort(jax.random.randint(ks[2], (N,), 0, G, jnp.int32))
    W1a, b1a = _lin(ks[3], 2 * D, 16)
    W1b, b1b = _lin(ks[4], 16, 16)
    W2a, b2a = _lin(ks[5], 2 * 16, 32)
    W2b, b2b = _lin(ks[6], 32, 32)
    gW1, gb1 = _lin(ks[7], 32, 16)
    gW2, gb2 = _lin(ks[8], 16, 1)
    cW1, cb1 = _lin(ks[9], 32, 16)
    cW2, cb2 = _lin(ks[10], 16, 1)
    return {"x": x, "edge_index": edge_index, "batch": batch,
            "W1a": W1a, "b1a": b1a, "W1b": W1b, "b1b": b1b,
            "W2a": W2a, "b2a": b2a, "W2b": W2b, "b2b": b2b,
            "gW1": gW1, "gb1": gb1, "gW2": gW2, "gb2": gb2,
            "cW1": cW1, "cb1": cb1, "cW2": cW2, "cb2": cb2}


def reference(x, edge_index, batch, W1a, b1a, W1b, b1b, W2a, b2a, W2b, b2b,
              gW1, gb1, gW2, gb2, cW1, cb1, cW2, cb2):
    src = edge_index[0]
    dst = edge_index[1]

    def econv(h, Wa, ba, Wb, bb):
        # PyG EdgeConv: message = nn([x_i, x_j - x_i]), aggr='max' at dst (x_i)
        hi = h[dst]
        hj = h[src]
        m = jnp.concatenate([hi, hj - hi], axis=-1)
        m = jax.nn.relu(m @ Wa + ba) @ Wb + bb
        agg = jax.ops.segment_max(m, dst, num_segments=N)
        return jnp.where(jnp.isfinite(agg), agg, 0.0)

    h = jax.nn.relu(econv(x, W1a, b1a, W1b, b1b))
    h = jax.nn.relu(econv(h, W2a, b2a, W2b, b2b))

    # GlobalAttention pooling: softmax(gate_nn(h)) per-graph, weighted sum
    gate = jax.nn.relu(h @ gW1 + gb1) @ gW2 + gb2  # [N, 1]
    gmax = jax.ops.segment_max(gate, batch, num_segments=G)
    gmax = jnp.where(jnp.isfinite(gmax), gmax, 0.0)
    e = jnp.exp(gate - gmax[batch])
    denom = jax.ops.segment_sum(e, batch, num_segments=G)
    alpha = e / (denom[batch] + 1e-16)
    pooled = jax.ops.segment_sum(alpha * h, batch, num_segments=G)  # [G, 32]

    # classifier (dropout is identity in eval)
    out = jax.nn.relu(pooled @ cW1 + cb1) @ cW2 + cb2
    return out.squeeze(-1)

if __name__ == "__main__":
    import jax
    _d = setup_inputs()
    print(jax.jit(kernel)(*tuple(_d.values())))

</pallas_src>

<mosaic_0001>
#map = affine_map<(d0, d1) -> (0, 0)>
#map1 = affine_map<(d0, d1) -> (0)>
module attributes {stable_mosaic.version = 14 : i64} {
  func.func @k(%arg0: i32, %arg1: i32, %arg2: memref<10000x128xf32, #tpu.memory_space<hbm>>, %arg3: memref<320000xi32, #tpu.memory_space<hbm>>, %arg4: memref<320000xi32, #tpu.memory_space<hbm>>, %arg5: memref<320000x128xf32, #tpu.memory_space<hbm>>, %arg6: memref<320000x128xf32, #tpu.memory_space<hbm>>, %arg7: memref<400xi32, #tpu.memory_space<vmem>>, %arg8: memref<400xi32, #tpu.memory_space<vmem>>, %arg9: memref<400x128xf32, #tpu.memory_space<vmem>>, %arg10: memref<400x128xf32, #tpu.memory_space<vmem>>, %arg11: memref<!tpu.dma_semaphore, #tpu.memory_space<semaphore_mem>>, %arg12: memref<!tpu.dma_semaphore, #tpu.memory_space<semaphore_mem>>) attributes {dimension_semantics = [#tpu.dimension_semantics<core_parallel>, #tpu.dimension_semantics<subcore_parallel>], iteration_bounds = array<i64: 2, 16>, scalar_prefetch = 0 : i64, scratch_operands = 6 : i64, tpu.core_type = #tpu.core_type<sc_vector_subcore>, window_params = [{transform_indices = #map}, {transform_indices = #map1}, {transform_indices = #map1}, {transform_indices = #map}, {transform_indices = #map}]} {
    %mul3A = arith.constant 2 : i32
    %mul3A_0 = arith.muli %arg1, %mul3A : i32
    %add3A = arith.addi %mul3A_0, %arg0 : i32
    %mul3A_1 = arith.constant 10000 : i32
    %mul3A_2 = arith.muli %add3A, %mul3A_1 : i32
    %scan3A = arith.constant 0 : i32
    %scan3A_3 = arith.constant 0 : i32
    %scan3A_4 = arith.constant 25 : i32
    %scan3A_5 = arith.addi %scan3A_3, %scan3A_4 : i32
    %scan3A_6 = arith.constant 1 : i32
    scf.for %scan3A_8 = %scan3A_3 to %scan3A_5 step %scan3A_6  : i32 {
      %mul3A_9 = arith.constant 400 : i32
      %mul3A_10 = arith.muli %scan3A_8, %mul3A_9 : i32
      %add3A_11 = arith.addi %mul3A_2, %mul3A_10 : i32
      "tpu.region"() ({
        %run_scoped3A = tpu.sem_alloc : memref<!tpu.dma_semaphore, #tpu.memory_space<semaphore_mem>>
        %dma_start3A_22 = tpu.memref_slice %arg3[%add3A_11] : memref<320000xi32, #tpu.memory_space<hbm>> -> memref<400xi32, #tpu.memory_space<hbm>>
        %dma_start3A_23 = tpu.memref_slice %arg3[%add3A_11] : memref<320000xi32, #tpu.memory_space<hbm>> -> memref<400xi32, #tpu.memory_space<hbm>>
        tpu.enqueue_dma source(%dma_start3A_23 : memref<400xi32, #tpu.memory_space<hbm>>) target(%arg7 : memref<400xi32, #tpu.memory_space<vmem>>) target_semaphore(%run_scoped3A : memref<!tpu.dma_semaphore, #tpu.memory_space<semaphore_mem>>)
        %dma_wait3A_24 = tpu.memref_slice %arg3[%add3A_11] : memref<320000xi32, #tpu.memory_space<hbm>> -> memref<400xi32, #tpu.memory_space<hbm>>
        %dma_wait3A_25 = tpu.memref_slice %arg3[%add3A_11] : memref<320000xi32, #tpu.memory_space<hbm>> -> memref<400xi32, #tpu.memory_space<hbm>>
        tpu.wait_dma2 semaphore(%run_scoped3A : memref<!tpu.dma_semaphore, #tpu.memory_space<semaphore_mem>>) src(%dma_wait3A_25 : memref<400xi32, #tpu.memory_space<hbm>>) dst(%arg7 : memref<400xi32, #tpu.memory_space<vmem>>)
        tpu.yield
      }) : () -> ()
      "tpu.region"() ({
        %run_scoped3A = tpu.sem_alloc : memref<!tpu.dma_semaphore, #tpu.memory_space<semaphore_mem>>
        %dma_start3A_22 = tpu.memref_slice %arg4[%add3A_11] : memref<320000xi32, #tpu.memory_space<hbm>> -> memref<400xi32, #tpu.memory_space<hbm>>
        %dma_start3A_23 = tpu.memref_slice %arg4[%add3A_11] : memref<320000xi32, #tpu.memory_space<hbm>> -> memref<400xi32, #tpu.memory_space<hbm>>
        tpu.enqueue_dma source(%dma_start3A_23 : memref<400xi32, #tpu.memory_space<hbm>>) target(%arg8 : memref<400xi32, #tpu.memory_space<vmem>>) target_semaphore(%run_scoped3A : memref<!tpu.dma_semaphore, #tpu.memory_space<semaphore_mem>>)
        %dma_wait3A_24 = tpu.memref_slice %arg4[%add3A_11] : memref<320000xi32, #tpu.memory_space<hbm>> -> memref<400xi32, #tpu.memory_space<hbm>>
        %dma_wait3A_25 = tpu.memref_slice %arg4[%add3A_11] : memref<320000xi32, #tpu.memory_space<hbm>> -> memref<400xi32, #tpu.memory_space<hbm>>
        tpu.wait_dma2 semaphore(%run_scoped3A : memref<!tpu.dma_semaphore, #tpu.memory_space<semaphore_mem>>) src(%dma_wait3A_25 : memref<400xi32, #tpu.memory_space<hbm>>) dst(%arg8 : memref<400xi32, #tpu.memory_space<vmem>>)
        tpu.yield
      }) : () -> ()
      %dma_start3A = arith.constant 0 : i32
      %dma_start3A_12 = arith.constant 0 : i32
      %dma_start3A_13 = tpu.memref_slice %arg2[%dma_start3A, %dma_start3A_12] : memref<10000x128xf32, #tpu.memory_space<hbm>> -> memref<10000x128xf32, #tpu.memory_space<hbm>>
      tpu.enqueue_indirect_dma source(%dma_start3A_13 : memref<10000x128xf32, #tpu.memory_space<hbm>>) target(%arg9 : memref<400x128xf32, #tpu.memory_space<vmem>>) offsets(%arg7 : memref<400xi32, #tpu.memory_space<vmem>>) semaphore(%arg11 : memref<!tpu.dma_semaphore, #tpu.memory_space<semaphore_mem>>)
      %dma_start3A_14 = arith.constant 0 : i32
      %dma_start3A_15 = arith.constant 0 : i32
      %dma_start3A_16 = tpu.memref_slice %arg2[%dma_start3A_14, %dma_start3A_15] : memref<10000x128xf32, #tpu.memory_space<hbm>> -> memref<10000x128xf32, #tpu.memory_space<hbm>>
      tpu.enqueue_indirect_dma source(%dma_start3A_16 : memref<10000x128xf32, #tpu.memory_space<hbm>>) target(%arg10 : memref<400x128xf32, #tpu.memory_space<vmem>>) offsets(%arg8 : memref<400xi32, #tpu.memory_space<vmem>>) semaphore(%arg12 : memref<!tpu.dma_semaphore, #tpu.memory_space<semaphore_mem>>)
      %dma_wait3A = arith.constant 0 : i32
      %dma_wait3A_17 = arith.constant 0 : i32
      %dma_wait3A_18 = tpu.memref_slice %arg2[%dma_wait3A, %dma_wait3A_17] : memref<10000x128xf32, #tpu.memory_space<hbm>> -> memref<10000x128xf32, #tpu.memory_space<hbm>>
      tpu.wait_indirect_dma semaphore(%arg11 : memref<!tpu.dma_semaphore, #tpu.memory_space<semaphore_mem>>) src(%dma_wait3A_18 : memref<10000x128xf32, #tpu.memory_space<hbm>>) dst(%arg9 : memref<400x128xf32, #tpu.memory_space<vmem>>)
      %dma_wait3A_19 = arith.constant 0 : i32
      %dma_wait3A_20 = arith.constant 0 : i32
      %dma_wait3A_21 = tpu.memref_slice %arg2[%dma_wait3A_19, %dma_wait3A_20] : memref<10000x128xf32, #tpu.memory_space<hbm>> -> memref<10000x128xf32, #tpu.memory_space<hbm>>
      tpu.wait_indirect_dma semaphore(%arg12 : memref<!tpu.dma_semaphore, #tpu.memory_space<semaphore_mem>>) src(%dma_wait3A_21 : memref<10000x128xf32, #tpu.memory_space<hbm>>) dst(%arg10 : memref<400x128xf32, #tpu.memory_space<vmem>>)
      "tpu.region"() ({
        %run_scoped3A = tpu.sem_alloc : memref<!tpu.dma_semaphore, #tpu.memory_space<semaphore_mem>>
        %dma_start3A_22 = arith.constant 0 : i32
        %dma_start3A_23 = tpu.memref_slice %arg5[%add3A_11, %dma_start3A_22] : memref<320000x128xf32, #tpu.memory_space<hbm>> -> memref<400x128xf32, #tpu.memory_space<hbm>>
        %dma_start3A_24 = arith.constant 0 : i32
        %dma_start3A_25 = tpu.memref_slice %arg5[%add3A_11, %dma_start3A_24] : memref<320000x128xf32, #tpu.memory_space<hbm>> -> memref<400x128xf32, #tpu.memory_space<hbm>>
        tpu.enqueue_dma source(%arg9 : memref<400x128xf32, #tpu.memory_space<vmem>>) target(%dma_start3A_25 : memref<400x128xf32, #tpu.memory_space<hbm>>) target_semaphore(%run_scoped3A : memref<!tpu.dma_semaphore, #tpu.memory_space<semaphore_mem>>)
        %dma_wait3A_26 = arith.constant 0 : i32
        %dma_wait3A_27 = tpu.memref_slice %arg5[%add3A_11, %dma_wait3A_26] : memref<320000x128xf32, #tpu.memory_space<hbm>> -> memref<400x128xf32, #tpu.memory_space<hbm>>
        %dma_wait3A_28 = arith.constant 0 : i32
        %dma_wait3A_29 = tpu.memref_slice %arg5[%add3A_11, %dma_wait3A_28] : memref<320000x128xf32, #tpu.memory_space<hbm>> -> memref<400x128xf32, #tpu.memory_space<hbm>>
        tpu.wait_dma2 semaphore(%run_scoped3A : memref<!tpu.dma_semaphore, #tpu.memory_space<semaphore_mem>>) src(%arg9 : memref<400x128xf32, #tpu.memory_space<vmem>>) dst(%dma_wait3A_29 : memref<400x128xf32, #tpu.memory_space<hbm>>)
        tpu.yield
      }) : () -> ()
      "tpu.region"() ({
        %run_scoped3A = tpu.sem_alloc : memref<!tpu.dma_semaphore, #tpu.memory_space<semaphore_mem>>
        %dma_start3A_22 = arith.constant 0 : i32
        %dma_start3A_23 = tpu.memref_slice %arg6[%add3A_11, %dma_start3A_22] : memref<320000x128xf32, #tpu.memory_space<hbm>> -> memref<400x128xf32, #tpu.memory_space<hbm>>
        %dma_start3A_24 = arith.constant 0 : i32
        %dma_start3A_25 = tpu.memref_slice %arg6[%add3A_11, %dma_start3A_24] : memref<320000x128xf32, #tpu.memory_space<hbm>> -> memref<400x128xf32, #tpu.memory_space<hbm>>
        tpu.enqueue_dma source(%arg10 : memref<400x128xf32, #tpu.memory_space<vmem>>) target(%dma_start3A_25 : memref<400x128xf32, #tpu.memory_space<hbm>>) target_semaphore(%run_scoped3A : memref<!tpu.dma_semaphore, #tpu.memory_space<semaphore_mem>>)
        %dma_wait3A_26 = arith.constant 0 : i32
        %dma_wait3A_27 = tpu.memref_slice %arg6[%add3A_11, %dma_wait3A_26] : memref<320000x128xf32, #tpu.memory_space<hbm>> -> memref<400x128xf32, #tpu.memory_space<hbm>>
        %dma_wait3A_28 = arith.constant 0 : i32
        %dma_wait3A_29 = tpu.memref_slice %arg6[%add3A_11, %dma_wait3A_28] : memref<320000x128xf32, #tpu.memory_space<hbm>> -> memref<400x128xf32, #tpu.memory_space<hbm>>
        tpu.wait_dma2 semaphore(%run_scoped3A : memref<!tpu.dma_semaphore, #tpu.memory_space<semaphore_mem>>) src(%arg10 : memref<400x128xf32, #tpu.memory_space<vmem>>) dst(%dma_wait3A_29 : memref<400x128xf32, #tpu.memory_space<hbm>>)
        tpu.yield
      }) : () -> ()
    }
    %scan3A_7 = arith.constant 25 : i32
    return
  }
}

#map = affine_map<(d0, d1) -> (0, 0)>
#map1 = affine_map<(d0, d1) -> (0)>
module attributes {stable_mosaic.version = 14 : i64} {
  func.func @k(%arg0: i32, %arg1: i32, %arg2: memref<10000x128xf32, #tpu.memory_space<hbm>>, %arg3: memref<320000xi32, #tpu.memory_space<hbm>>, %arg4: memref<320000xi32, #tpu.memory_space<hbm>>, %arg5: memref<5120000xf32, #tpu.memory_space<hbm>>, %arg6: memref<5120000xf32, #tpu.memory_space<hbm>>, %arg7: memref<400xi32, #tpu.memory_space<vmem>>, %arg8: memref<400xi32, #tpu.memory_space<vmem>>, %arg9: memref<400x128xf32, #tpu.memory_space<vmem>>, %arg10: memref<400x128xf32, #tpu.memory_space<vmem>>, %arg11: memref<6400xf32, #tpu.memory_space<vmem>>, %arg12: memref<6400xf32, #tpu.memory_space<vmem>>, %arg13: memref<!tpu.dma_semaphore, #tpu.memory_space<semaphore_mem>>, %arg14: memref<!tpu.dma_semaphore, #tpu.memory_space<semaphore_mem>>) attributes {dimension_semantics = [#tpu.dimension_semantics<core_parallel>, #tpu.dimension_semantics<subcore_parallel>], iteration_bounds = array<i64: 2, 16>, scalar_prefetch = 0 : i64, scratch_operands = 8 : i64, tpu.core_type = #tpu.core_type<sc_vector_subcore>, window_params = [{transform_indices = #map}, {transform_indices = #map1}, {transform_indices = #map1}, {transform_indices = #map1}, {transform_indices = #map1}]} {
    %mul3A = arith.constant 2 : i32
    %mul3A_0 = arith.muli %arg1, %mul3A : i32
    %add3A = arith.addi %mul3A_0, %arg0 : i32
    %mul3A_1 = arith.constant 10000 : i32
    %mul3A_2 = arith.muli %add3A, %mul3A_1 : i32
    %scan3A = arith.constant 0 : i32
    %scan3A_3 = arith.constant 0 : i32
    %scan3A_4 = arith.constant 25 : i32
    %scan3A_5 = arith.addi %scan3A_3, %scan3A_4 : i32
    %scan3A_6 = arith.constant 1 : i32
    scf.for %scan3A_8 = %scan3A_3 to %scan3A_5 step %scan3A_6  : i32 {
      %mul3A_9 = arith.constant 400 : i32
      %mul3A_10 = arith.muli %scan3A_8, %mul3A_9 : i32
      %add3A_11 = arith.addi %mul3A_2, %mul3A_10 : i32
      "tpu.region"() ({
        %run_scoped3A = tpu.sem_alloc : memref<!tpu.dma_semaphore, #tpu.memory_space<semaphore_mem>>
        %dma_start3A_32 = tpu.memref_slice %arg3[%add3A_11] : memref<320000xi32, #tpu.memory_space<hbm>> -> memref<400xi32, #tpu.memory_space<hbm>>
        %dma_start3A_33 = tpu.memref_slice %arg3[%add3A_11] : memref<320000xi32, #tpu.memory_space<hbm>> -> memref<400xi32, #tpu.memory_space<hbm>>
        tpu.enqueue_dma source(%dma_start3A_33 : memref<400xi32, #tpu.memory_space<hbm>>) target(%arg7 : memref<400xi32, #tpu.memory_space<vmem>>) target_semaphore(%run_scoped3A : memref<!tpu.dma_semaphore, #tpu.memory_space<semaphore_mem>>)
        %dma_wait3A_34 = tpu.memref_slice %arg3[%add3A_11] : memref<320000xi32, #tpu.memory_space<hbm>> -> memref<400xi32, #tpu.memory_space<hbm>>
        %dma_wait3A_35 = tpu.memref_slice %arg3[%add3A_11] : memref<320000xi32, #tpu.memory_space<hbm>> -> memref<400xi32, #tpu.memory_space<hbm>>
        tpu.wait_dma2 semaphore(%run_scoped3A : memref<!tpu.dma_semaphore, #tpu.memory_space<semaphore_mem>>) src(%dma_wait3A_35 : memref<400xi32, #tpu.memory_space<hbm>>) dst(%arg7 : memref<400xi32, #tpu.memory_space<vmem>>)
        tpu.yield
      }) : () -> ()
      "tpu.region"() ({
        %run_scoped3A = tpu.sem_alloc : memref<!tpu.dma_semaphore, #tpu.memory_space<semaphore_mem>>
        %dma_start3A_32 = tpu.memref_slice %arg4[%add3A_11] : memref<320000xi32, #tpu.memory_space<hbm>> -> memref<400xi32, #tpu.memory_space<hbm>>
        %dma_start3A_33 = tpu.memref_slice %arg4[%add3A_11] : memref<320000xi32, #tpu.memory_space<hbm>> -> memref<400xi32, #tpu.memory_space<hbm>>
        tpu.enqueue_dma source(%dma_start3A_33 : memref<400xi32, #tpu.memory_space<hbm>>) target(%arg8 : memref<400xi32, #tpu.memory_space<vmem>>) target_semaphore(%run_scoped3A : memref<!tpu.dma_semaphore, #tpu.memory_space<semaphore_mem>>)
        %dma_wait3A_34 = tpu.memref_slice %arg4[%add3A_11] : memref<320000xi32, #tpu.memory_space<hbm>> -> memref<400xi32, #tpu.memory_space<hbm>>
        %dma_wait3A_35 = tpu.memref_slice %arg4[%add3A_11] : memref<320000xi32, #tpu.memory_space<hbm>> -> memref<400xi32, #tpu.memory_space<hbm>>
        tpu.wait_dma2 semaphore(%run_scoped3A : memref<!tpu.dma_semaphore, #tpu.memory_space<semaphore_mem>>) src(%dma_wait3A_35 : memref<400xi32, #tpu.memory_space<hbm>>) dst(%arg8 : memref<400xi32, #tpu.memory_space<vmem>>)
        tpu.yield
      }) : () -> ()
      %dma_start3A = arith.constant 0 : i32
      %dma_start3A_12 = arith.constant 0 : i32
      %dma_start3A_13 = tpu.memref_slice %arg2[%dma_start3A, %dma_start3A_12] : memref<10000x128xf32, #tpu.memory_space<hbm>> -> memref<10000x128xf32, #tpu.memory_space<hbm>>
      tpu.enqueue_indirect_dma source(%dma_start3A_13 : memref<10000x128xf32, #tpu.memory_space<hbm>>) target(%arg9 : memref<400x128xf32, #tpu.memory_space<vmem>>) offsets(%arg7 : memref<400xi32, #tpu.memory_space<vmem>>) semaphore(%arg13 : memref<!tpu.dma_semaphore, #tpu.memory_space<semaphore_mem>>)
      %dma_start3A_14 = arith.constant 0 : i32
      %dma_start3A_15 = arith.constant 0 : i32
      %dma_start3A_16 = tpu.memref_slice %arg2[%dma_start3A_14, %dma_start3A_15] : memref<10000x128xf32, #tpu.memory_space<hbm>> -> memref<10000x128xf32, #tpu.memory_space<hbm>>
      tpu.enqueue_indirect_dma source(%dma_start3A_16 : memref<10000x128xf32, #tpu.memory_space<hbm>>) target(%arg10 : memref<400x128xf32, #tpu.memory_space<vmem>>) offsets(%arg8 : memref<400xi32, #tpu.memory_space<vmem>>) semaphore(%arg14 : memref<!tpu.dma_semaphore, #tpu.memory_space<semaphore_mem>>)
      %dma_wait3A = arith.constant 0 : i32
      %dma_wait3A_17 = arith.constant 0 : i32
      %dma_wait3A_18 = tpu.memref_slice %arg2[%dma_wait3A, %dma_wait3A_17] : memref<10000x128xf32, #tpu.memory_space<hbm>> -> memref<10000x128xf32, #tpu.memory_space<hbm>>
      tpu.wait_indirect_dma semaphore(%arg13 : memref<!tpu.dma_semaphore, #tpu.memory_space<semaphore_mem>>) src(%dma_wait3A_18 : memref<10000x128xf32, #tpu.memory_space<hbm>>) dst(%arg9 : memref<400x128xf32, #tpu.memory_space<vmem>>)
      %dma_wait3A_19 = arith.constant 0 : i32
      %dma_wait3A_20 = arith.constant 0 : i32
      %dma_wait3A_21 = tpu.memref_slice %arg2[%dma_wait3A_19, %dma_wait3A_20] : memref<10000x128xf32, #tpu.memory_space<hbm>> -> memref<10000x128xf32, #tpu.memory_space<hbm>>
      tpu.wait_indirect_dma semaphore(%arg14 : memref<!tpu.dma_semaphore, #tpu.memory_space<semaphore_mem>>) src(%dma_wait3A_21 : memref<10000x128xf32, #tpu.memory_space<hbm>>) dst(%arg10 : memref<400x128xf32, #tpu.memory_space<vmem>>)
      %scan3A_22 = arith.constant 0 : i32
      %scan3A_23 = arith.constant 0 : i32
      %scan3A_24 = arith.constant 400 : i32
      %scan3A_25 = arith.addi %scan3A_23, %scan3A_24 : i32
      %scan3A_26 = arith.constant 1 : i32
      scf.for %scan3A_32 = %scan3A_23 to %scan3A_25 step %scan3A_26  : i32 {
        %get3A = arith.index_cast %scan3A_32 : i32 to index
        %get3A_33 = arith.constant 0 : index
        %get3A_34 = tpu.vector_load %arg9[%get3A, %get3A_33] {strides = array<i32>} : memref<400x128xf32, #tpu.memory_space<vmem>>, vector<1x16xf32>,
        %get3A_35 = vector.shape_cast %get3A_34 : vector<1x16xf32> to vector<16xf32>
        %mul3A_36 = arith.constant 16 : i32
        %mul3A_37 = arith.muli %scan3A_32, %mul3A_36 : i32
        %swap3A = arith.index_cast %mul3A_37 : i32 to index
        %swap3A_38 = tpu.vector_load %arg11[%swap3A] {strides = array<i32>} : memref<6400xf32, #tpu.memory_space<vmem>>, vector<16xf32>,
        %swap3A_39 = vector.shape_cast %swap3A_38 : vector<16xf32> to vector<16xf32>
        %swap3A_40 = vector.shape_cast %get3A_35 : vector<16xf32> to vector<16xf32>
        tpu.vector_store %arg11[%swap3A], %swap3A_40 {strides = array<i32>} : memref<6400xf32, #tpu.memory_space<vmem>>, vector<16xf32>,
        %get3A_41 = arith.index_cast %scan3A_32 : i32 to index
        %get3A_42 = arith.constant 0 : index
        %get3A_43 = tpu.vector_load %arg10[%get3A_41, %get3A_42] {strides = array<i32>} : memref<400x128xf32, #tpu.memory_space<vmem>>, vector<1x16xf32>,
        %get3A_44 = vector.shape_cast %get3A_43 : vector<1x16xf32> to vector<16xf32>
        %mul3A_45 = arith.constant 16 : i32
        %mul3A_46 = arith.muli %scan3A_32, %mul3A_45 : i32
        %swap3A_47 = arith.index_cast %mul3A_46 : i32 to index
        %swap3A_48 = tpu.vector_load %arg12[%swap3A_47] {strides = array<i32>} : memref<6400xf32, #tpu.memory_space<vmem>>, vector<16xf32>,
        %swap3A_49 = vector.shape_cast %swap3A_48 : vector<16xf32> to vector<16xf32>
        %swap3A_50 = vector.shape_cast %get3A_44 : vector<16xf32> to vector<16xf32>
        tpu.vector_store %arg12[%swap3A_47], %swap3A_50 {strides = array<i32>} : memref<6400xf32, #tpu.memory_space<vmem>>, vector<16xf32>,
      }
      %scan3A_27 = arith.constant 400 : i32
      %mul3A_28 = arith.constant 16 : i32
      %mul3A_29 = arith.muli %add3A_11, %mul3A_28 : i32
      "tpu.region"() ({
        %run_scoped3A = tpu.sem_alloc : memref<!tpu.dma_semaphore, #tpu.memory_space<semaphore_mem>>
        %dma_start3A_32 = tpu.memref_slice %arg5[%mul3A_29] : memref<5120000xf32, #tpu.memory_space<hbm>> -> memref<6400xf32, #tpu.memory_space<hbm>>
        %dma_start3A_33 = tpu.memref_slice %arg5[%mul3A_29] : memref<5120000xf32, #tpu.memory_space<hbm>> -> memref<6400xf32, #tpu.memory_space<hbm>>
        tpu.enqueue_dma source(%arg11 : memref<6400xf32, #tpu.memory_space<vmem>>) target(%dma_start3A_33 : memref<6400xf32, #tpu.memory_space<hbm>>) target_semaphore(%run_scoped3A : memref<!tpu.dma_semaphore, #tpu.memory_space<semaphore_mem>>)
        %dma_wait3A_34 = tpu.memref_slice %arg5[%mul3A_29] : memref<5120000xf32, #tpu.memory_space<hbm>> -> memref<6400xf32, #tpu.memory_space<hbm>>
        %dma_wait3A_35 = tpu.memref_slice %arg5[%mul3A_29] : memref<5120000xf32, #tpu.memory_space<hbm>> -> memref<6400xf32, #tpu.memory_space<hbm>>
        tpu.wait_dma2 semaphore(%run_scoped3A : memref<!tpu.dma_semaphore, #tpu.memory_space<semaphore_mem>>) src(%arg11 : memref<6400xf32, #tpu.memory_space<vmem>>) dst(%dma_wait3A_35 : memref<6400xf32, #tpu.memory_space<hbm>>)
        tpu.yield
      }) : () -> ()
      %mul3A_30 = arith.constant 16 : i32
      %mul3A_31 = arith.muli %add3A_11, %mul3A_30 : i32
      "tpu.region"() ({
        %run_scoped3A = tpu.sem_alloc : memref<!tpu.dma_semaphore, #tpu.memory_space<semaphore_mem>>
        %dma_start3A_32 = tpu.memref_slice %arg6[%mul3A_31] : memref<5120000xf32, #tpu.memory_space<hbm>> -> memref<6400xf32, #tpu.memory_space<hbm>>
        %dma_start3A_33 = tpu.memref_slice %arg6[%mul3A_31] : memref<5120000xf32, #tpu.memory_space<hbm>> -> memref<6400xf32, #tpu.memory_space<hbm>>
        tpu.enqueue_dma source(%arg12 : memref<6400xf32, #tpu.memory_space<vmem>>) target(%dma_start3A_33 : memref<6400xf32, #tpu.memory_space<hbm>>) target_semaphore(%run_scoped3A : memref<!tpu.dma_semaphore, #tpu.memory_space<semaphore_mem>>)
        %dma_wait3A_34 = tpu.memref_slice %arg6[%mul3A_31] : memref<5120000xf32, #tpu.memory_space<hbm>> -> memref<6400xf32, #tpu.memory_space<hbm>>
        %dma_wait3A_35 = tpu.memref_slice %arg6[%mul3A_31] : memref<5120000xf32, #tpu.memory_space<hbm>> -> memref<6400xf32, #tpu.memory_space<hbm>>
        tpu.wait_dma2 semaphore(%run_scoped3A : memref<!tpu.dma_semaphore, #tpu.memory_space<semaphore_mem>>) src(%arg12 : memref<6400xf32, #tpu.memory_space<vmem>>) dst(%dma_wait3A_35 : memref<6400xf32, #tpu.memory_space<hbm>>)
        tpu.yield
      }) : () -> ()
    }
    %scan3A_7 = arith.constant 25 : i32
    return
  }
}

#map = affine_map<(d0, d1) -> (0)>
#map1 = affine_map<(d0, d1) -> (0, 0)>
module attributes {stable_mosaic.version = 14 : i64} {
  func.func @k(%arg0: i32, %arg1: i32, %arg2: memref<5120000xf32, #tpu.memory_space<hbm>>, %arg3: memref<320000xi32, #tpu.memory_space<hbm>>, %arg4: memref<32x80000xf32, #tpu.memory_space<hbm>>, %arg5: memref<80016xf32, #tpu.memory_space<vmem>>, %arg6: memref<800xi32, #tpu.memory_space<vmem>>, %arg7: memref<12800xf32, #tpu.memory_space<vmem>>) attributes {dimension_semantics = [#tpu.dimension_semantics<core_parallel>, #tpu.dimension_semantics<subcore_parallel>], iteration_bounds = array<i64: 2, 16>, scalar_prefetch = 0 : i64, scratch_operands = 3 : i64, tpu.core_type = #tpu.core_type<sc_vector_subcore>, window_params = [{transform_indices = #map}, {transform_indices = #map}, {transform_indices = #map1}]} {
    %mul3A = arith.constant 2 : i32
    %mul3A_0 = arith.muli %arg1, %mul3A : i32
    %add3A = arith.addi %mul3A_0, %arg0 : i32
    %jit3A = arith.constant 2 : i32
    %eq3A = arith.constant 0 : i32
    %eq3A_1 = arith.cmpi eq, %jit3A, %eq3A : i32
    %jit3A_2 = arith.constant 1 : i32
    %select_n3A = arith.select %eq3A_1, %jit3A_2, %jit3A : i32
    %rem3A = arith.remsi %add3A, %select_n3A : i32
    %ne3A = arith.constant 0 : i32
    %ne3A_3 = arith.cmpi ne, %rem3A, %ne3A : i32
    %lt3A = arith.constant 0 : i32
    %lt3A_4 = arith.cmpi slt, %rem3A, %lt3A : i32
    %lt3A_5 = arith.constant 0 : i32
    %lt3A_6 = arith.cmpi slt, %select_n3A, %lt3A_5 : i32
    %ne3A_7 = arith.xori %lt3A_4, %lt3A_6 : i1
    %and3A = arith.andi %ne3A_7, %ne3A_3 : i1
    %add3A_8 = arith.addi %rem3A, %select_n3A : i32
    %select_n3A_9 = arith.select %and3A, %add3A_8, %rem3A : i32
    %jit3A_10 = arith.constant 2 : i32
    %div3A = arith.divsi %add3A, %jit3A_10 : i32
    %sign3A = arith.constant 0 : i32
    %sign3A_11 = arith.cmpi sgt, %add3A, %sign3A : i32
    %sign3A_12 = arith.extui %sign3A_11 : i1 to i32
    %sign3A_13 = arith.constant 0 : i32
    %sign3A_14 = arith.cmpi slt, %add3A, %sign3A_13 : i32
    %sign3A_15 = arith.extui %sign3A_14 : i1 to i32
    %sign3A_16 = arith.subi %sign3A_12, %sign3A_15 : i32
    %sign3A_17 = arith.constant 0 : i32
    %sign3A_18 = arith.cmpi sgt, %jit3A_10, %sign3A_17 : i32
    %sign3A_19 = arith.extui %sign3A_18 : i1 to i32
    %sign3A_20 = arith.constant 0 : i32
    %sign3A_21 = arith.cmpi slt, %jit3A_10, %sign3A_20 : i32
    %sign3A_22 = arith.extui %sign3A_21 : i1 to i32
    %sign3A_23 = arith.subi %sign3A_19, %sign3A_22 : i32
    %ne3A_24 = arith.cmpi ne, %sign3A_16, %sign3A_23 : i32
    %rem3A_25 = arith.remsi %add3A, %jit3A_10 : i32
    %ne3A_26 = arith.constant 0 : i32
    %ne3A_27 = arith.cmpi ne, %rem3A_25, %ne3A_26 : i32
    %and3A_28 = arith.andi %ne3A_24, %ne3A_27 : i1
    %sub3A = arith.constant 1 : i32
    %sub3A_29 = arith.subi %div3A, %sub3A : i32
    %select_n3A_30 = arith.select %and3A_28, %sub3A_29, %div3A : i32
    %mul3A_31 = arith.constant 5000 : i32
    %mul3A_32 = arith.muli %select_n3A_9, %mul3A_31 : i32
    %scan3A = arith.constant 0 : i32
    %scan3A_33 = arith.constant 0 : i32
    %scan3A_34 = arith.constant 5001 : i32
    %scan3A_35 = arith.addi %scan3A_33, %scan3A_34 : i32
    %scan3A_36 = arith.constant 1 : i32
    scf.for %scan3A_49 = %scan3A_33 to %scan3A_35 step %scan3A_36  : i32 {
      %broadcast_in_dim3A = arith.constant 0xFF800000 : f32
      %broadcast_in_dim3A_50 = vector.broadcast %broadcast_in_dim3A : f32 to vector<16xf32>
      %mul3A_51 = arith.constant 16 : i32
      %mul3A_52 = arith.muli %scan3A_49, %mul3A_51 : i32
      %swap3A = arith.index_cast %mul3A_52 : i32 to index
      %swap3A_53 = tpu.vector_load %arg5[%swap3A] {strides = array<i32>} : memref<80016xf32, #tpu.memory_space<vmem>>, vector<16xf32>,
      %swap3A_54 = vector.shape_cast %swap3A_53 : vector<16xf32> to vector<16xf32>
      %swap3A_55 = vector.shape_cast %broadcast_in_dim3A_50 : vector<16xf32> to vector<16xf32>
      tpu.vector_store %arg5[%swap3A], %swap3A_55 {strides = array<i32>} : memref<80016xf32, #tpu.memory_space<vmem>>, vector<16xf32>,
    }
    %scan3A_37 = arith.constant 5001 : i32
    %mul3A_38 = arith.constant 20000 : i32
    %mul3A_39 = arith.muli %select_n3A_30, %mul3A_38 : i32
    %scan3A_40 = arith.constant 0 : i32
    %scan3A_41 = arith.constant 0 : i32
    %scan3A_42 = arith.constant 25 : i32
    %scan3A_43 = arith.addi %scan3A_41, %scan3A_42 : i32
    %scan3A_44 = arith.constant 1 : i32
    scf.for %scan3A_49 = %scan3A_41 to %scan3A_43 step %scan3A_44  : i32 {
      %mul3A_50 = arith.constant 800 : i32
      %mul3A_51 = arith.muli %scan3A_49, %mul3A_50 : i32
      %add3A_52 = arith.addi %mul3A_39, %mul3A_51 : i32
      "tpu.region"() ({
        %run_scoped3A = tpu.sem_alloc : memref<!tpu.dma_semaphore, #tpu.memory_space<semaphore_mem>>
        %dma_start3A = tpu.memref_slice %arg3[%add3A_52] : memref<320000xi32, #tpu.memory_space<hbm>> -> memref<800xi32, #tpu.memory_space<hbm>>
        %dma_start3A_61 = tpu.memref_slice %arg3[%add3A_52] : memref<320000xi32, #tpu.memory_space<hbm>> -> memref<800xi32, #tpu.memory_space<hbm>>
        tpu.enqueue_dma source(%dma_start3A_61 : memref<800xi32, #tpu.memory_space<hbm>>) target(%arg6 : memref<800xi32, #tpu.memory_space<vmem>>) target_semaphore(%run_scoped3A : memref<!tpu.dma_semaphore, #tpu.memory_space<semaphore_mem>>)
        %dma_wait3A = tpu.memref_slice %arg3[%add3A_52] : memref<320000xi32, #tpu.memory_space<hbm>> -> memref<800xi32, #tpu.memory_space<hbm>>
        %dma_wait3A_62 = tpu.memref_slice %arg3[%add3A_52] : memref<320000xi32, #tpu.memory_space<hbm>> -> memref<800xi32, #tpu.memory_space<hbm>>
        tpu.wait_dma2 semaphore(%run_scoped3A : memref<!tpu.dma_semaphore, #tpu.memory_space<semaphore_mem>>) src(%dma_wait3A_62 : memref<800xi32, #tpu.memory_space<hbm>>) dst(%arg6 : memref<800xi32, #tpu.memory_space<vmem>>)
        tpu.yield
      }) : () -> ()
      %mul3A_53 = arith.constant 16 : i32
      %mul3A_54 = arith.muli %add3A_52, %mul3A_53 : i32
      "tpu.region"() ({
        %run_scoped3A = tpu.sem_alloc : memref<!tpu.dma_semaphore, #tpu.memory_space<semaphore_mem>>
        %dma_start3A = tpu.memref_slice %arg2[%mul3A_54] : memref<5120000xf32, #tpu.memory_space<hbm>> -> memref<12800xf32, #tpu.memory_space<hbm>>
        %dma_start3A_61 = tpu.memref_slice %arg2[%mul3A_54] : memref<5120000xf32, #tpu.memory_space<hbm>> -> memref<12800xf32, #tpu.memory_space<hbm>>
        tpu.enqueue_dma source(%dma_start3A_61 : memref<12800xf32, #tpu.memory_space<hbm>>) target(%arg7 : memref<12800xf32, #tpu.memory_space<vmem>>) target_semaphore(%run_scoped3A : memref<!tpu.dma_semaphore, #tpu.memory_space<semaphore_mem>>)
        %dma_wait3A = tpu.memref_slice %arg2[%mul3A_54] : memref<5120000xf32, #tpu.memory_space<hbm>> -> memref<12800xf32, #tpu.memory_space<hbm>>
        %dma_wait3A_62 = tpu.memref_slice %arg2[%mul3A_54] : memref<5120000xf32, #tpu.memory_space<hbm>> -> memref<12800xf32, #tpu.memory_space<hbm>>
        tpu.wait_dma2 semaphore(%run_scoped3A : memref<!tpu.dma_semaphore, #tpu.memory_space<semaphore_mem>>) src(%dma_wait3A_62 : memref<12800xf32, #tpu.memory_space<hbm>>) dst(%arg7 : memref<12800xf32, #tpu.memory_space<vmem>>)
        tpu.yield
      }) : () -> ()
      %scan3A_55 = arith.constant 0 : i32
      %scan3A_56 = arith.constant 0 : i32
      %scan3A_57 = arith.constant 50 : i32
      %scan3A_58 = arith.addi %scan3A_56, %scan3A_57 : i32
      %scan3A_59 = arith.constant 1 : i32
      scf.for %scan3A_61 = %scan3A_56 to %scan3A_58 step %scan3A_59  : i32 {
        %mul3A_62 = arith.constant 16 : i32
        %mul3A_63 = arith.muli %scan3A_61, %mul3A_62 : i32
        %get3A = arith.index_cast %mul3A_63 : i32 to index
        %get3A_64 = tpu.vector_load %arg6[%get3A] {strides = array<i32>} : memref<800xi32, #tpu.memory_space<vmem>>, vector<16xi32>,
        %get3A_65 = vector.shape_cast %get3A_64 : vector<16xi32> to vector<16xi32>
        %slice3A = vector.extract_strided_slice %get3A_65 {offsets = [0], sizes = [1], strides = [1]} : vector<16xi32> to vector<1xi32>
        %squeeze3A = vector.extract %slice3A[0] : i32 from vector<1xi32>
        %sub3A_66 = arith.subi %squeeze3A, %mul3A_32 : i32
        %ge3A = arith.constant 0 : i32
        %ge3A_67 = arith.cmpi sge, %sub3A_66, %ge3A : i32
        %lt3A_68 = arith.constant 5000 : i32
        %lt3A_69 = arith.cmpi slt, %sub3A_66, %lt3A_68 : i32
        %and3A_70 = arith.andi %ge3A_67, %lt3A_69 : i1
        %select_n3A_71 = arith.constant 5000 : i32
        %select_n3A_72 = arith.select %and3A_70, %sub3A_66, %select_n3A_71 : i32
        %mul3A_73 = arith.constant 16 : i32
        %mul3A_74 = arith.muli %scan3A_61, %mul3A_73 : i32
        %add3A_75 = arith.constant 0 : i32
        %add3A_76 = arith.addi %mul3A_74, %add3A_75 : i32
        %mul3A_77 = arith.constant 16 : i32
        %mul3A_78 = arith.muli %select_n3A_72, %mul3A_77 : i32
        %add3A_79 = arith.constant 0 : i32
        %add3A_80 = arith.addi %mul3A_78, %add3A_79 : i32
        %mul3A_81 = arith.constant 16 : i32
        %mul3A_82 = arith.muli %add3A_76, %mul3A_81 : i32
        %add3A_83 = arith.constant 0 : i32
        %add3A_84 = arith.addi %mul3A_82, %add3A_83 : i32
        %get3A_85 = arith.index_cast %add3A_80 : i32 to index
        %get3A_86 = tpu.vector_load %arg5[%get3A_85] {strides = array<i32>} : memref<80016xf32, #tpu.memory_space<vmem>>, vector<16xf32>,
        %get3A_87 = vector.shape_cast %get3A_86 : vector<16xf32> to vector<16xf32>
        %get3A_88 = arith.index_cast %add3A_84 : i32 to index
        %get3A_89 = tpu.vector_load %arg7[%get3A_88] {strides = array<i32>} : memref<12800xf32, #tpu.memory_space<vmem>>, vector<16xf32>,
        %get3A_90 = vector.shape_cast %get3A_89 : vector<16xf32> to vector<16xf32>
        %max3A = arith.maximumf %get3A_87, %get3A_90 : vector<16xf32>
        %swap3A = arith.index_cast %add3A_80 : i32 to index
        %swap3A_91 = tpu.vector_load %arg5[%swap3A] {strides = array<i32>} : memref<80016xf32, #tpu.memory_space<vmem>>, vector<16xf32>,
        %swap3A_92 = vector.shape_cast %swap3A_91 : vector<16xf32> to vector<16xf32>
        %swap3A_93 = vector.shape_cast %max3A : vector<16xf32> to vector<16xf32>
        tpu.vector_store %arg5[%swap3A], %swap3A_93 {strides = array<i32>} : memref<80016xf32, #tpu.memory_space<vmem>>, vector<16xf32>,
        %slice3A_94 = vector.extract_strided_slice %get3A_65 {offsets = [1], sizes = [1], strides = [1]} : vector<16xi32> to vector<1xi32>
        %squeeze3A_95 = vector.extract %slice3A_94[0] : i32 from vector<1xi32>
        %sub3A_96 = arith.subi %squeeze3A_95, %mul3A_32 : i32
        %ge3A_97 = arith.constant 0 : i32
        %ge3A_98 = arith.cmpi sge, %sub3A_96, %ge3A_97 : i32
        %lt3A_99 = arith.constant 5000 : i32
        %lt3A_100 = arith.cmpi slt, %sub3A_96, %lt3A_99 : i32
        %and3A_101 = arith.andi %ge3A_98, %lt3A_100 : i1
        %select_n3A_102 = arith.constant 5000 : i32
        %select_n3A_103 = arith.select %and3A_101, %sub3A_96, %select_n3A_102 : i32
        %mul3A_104 = arith.constant 16 : i32
        %mul3A_105 = arith.muli %scan3A_61, %mul3A_104 : i32
        %add3A_106 = arith.constant 1 : i32
        %add3A_107 = arith.addi %mul3A_105, %add3A_106 : i32
        %mul3A_108 = arith.constant 16 : i32
        %mul3A_109 = arith.muli %select_n3A_103, %mul3A_108 : i32
        %add3A_110 = arith.constant 0 : i32
        %add3A_111 = arith.addi %mul3A_109, %add3A_110 : i32
        %mul3A_112 = arith.constant 16 : i32
        %mul3A_113 = arith.muli %add3A_107, %mul3A_112 : i32
        %add3A_114 = arith.constant 0 : i32
        %add3A_115 = arith.addi %mul3A_113, %add3A_114 : i32
        %get3A_116 = arith.index_cast %add3A_111 : i32 to index
        %get3A_117 = tpu.vector_load %arg5[%get3A_116] {strides = array<i32>} : memref<80016xf32, #tpu.memory_space<vmem>>, vector<16xf32>,
        %get3A_118 = vector.shape_cast %get3A_117 : vector<16xf32> to vector<16xf32>
        %get3A_119 = arith.index_cast %add3A_115 : i32 to index
        %get3A_120 = tpu.vector_load %arg7[%get3A_119] {strides = array<i32>} : memref<12800xf32, #tpu.memory_space<vmem>>, vector<16xf32>,
        %get3A_121 = vector.shape_cast %get3A_120 : vector<16xf32> to vector<16xf32>
        %max3A_122 = arith.maximumf %get3A_118, %get3A_121 : vector<16xf32>
        %swap3A_123 = arith.index_cast %add3A_111 : i32 to index
        %swap3A_124 = tpu.vector_load %arg5[%swap3A_123] {strides = array<i32>} : memref<80016xf32, #tpu.memory_space<vmem>>, vector<16xf32>,
        %swap3A_125 = vector.shape_cast %swap3A_124 : vector<16xf32> to vector<16xf32>
        %swap3A_126 = vector.shape_cast %max3A_122 : vector<16xf32> to vector<16xf32>
        tpu.vector_store %arg5[%swap3A_123], %swap3A_126 {strides = array<i32>} : memref<80016xf32, #tpu.memory_space<vmem>>, vector<16xf32>,
        %slice3A_127 = vector.extract_strided_slice %get3A_65 {offsets = [2], sizes = [1], strides = [1]} : vector<16xi32> to vector<1xi32>
        %squeeze3A_128 = vector.extract %slice3A_127[0] : i32 from vector<1xi32>
        %sub3A_129 = arith.subi %squeeze3A_128, %mul3A_32 : i32
        %ge3A_130 = arith.constant 0 : i32
        %ge3A_131 = arith.cmpi sge, %sub3A_129, %ge3A_130 : i32
        %lt3A_132 = arith.constant 5000 : i32
        %lt3A_133 = arith.cmpi slt, %sub3A_129, %lt3A_132 : i32
        %and3A_134 = arith.andi %ge3A_131, %lt3A_133 : i1
        %select_n3A_135 = arith.constant 5000 : i32
        %select_n3A_136 = arith.select %and3A_134, %sub3A_129, %select_n3A_135 : i32
        %mul3A_137 = arith.constant 16 : i32
        %mul3A_138 = arith.muli %scan3A_61, %mul3A_137 : i32
        %add3A_139 = arith.constant 2 : i32
        %add3A_140 = arith.addi %mul3A_138, %add3A_139 : i32
        %mul3A_141 = arith.constant 16 : i32
        %mul3A_142 = arith.muli %select_n3A_136, %mul3A_141 : i32
        %add3A_143 = arith.constant 0 : i32
        %add3A_144 = arith.addi %mul3A_142, %add3A_143 : i32
        %mul3A_145 = arith.constant 16 : i32
        %mul3A_146 = arith.muli %add3A_140, %mul3A_145 : i32
        %add3A_147 = arith.constant 0 : i32
        %add3A_148 = arith.addi %mul3A_146, %add3A_147 : i32
        %get3A_149 = arith.index_cast %add3A_144 : i32 to index
        %get3A_150 = tpu.vector_load %arg5[%get3A_149] {strides = array<i32>} : memref<80016xf32, #tpu.memory_space<vmem>>, vector<16xf32>,
        %get3A_151 = vector.shape_cast %get3A_150 : vector<16xf32> to vector<16xf32>
        %get3A_152 = arith.index_cast %add3A_148 : i32 to index
        %get3A_153 = tpu.vector_load %arg7[%get3A_152] {strides = array<i32>} : memref<12800xf32, #tpu.memory_space<vmem>>, vector<16xf32>,
        %get3A_154 = vector.shape_cast %get3A_153 : vector<16xf32> to vector<16xf32>
        %max3A_155 = arith.maximumf %get3A_151, %get3A_154 : vector<16xf32>
        %swap3A_156 = arith.index_cast %add3A_144 : i32 to index
        %swap3A_157 = tpu.vector_load %arg5[%swap3A_156] {strides = array<i32>} : memref<80016xf32, #tpu.memory_space<vmem>>, vector<16xf32>,
        %swap3A_158 = vector.shape_cast %swap3A_157 : vector<16xf32> to vector<16xf32>
        %swap3A_159 = vector.shape_cast %max3A_155 : vector<16xf32> to vector<16xf32>
        tpu.vector_store %arg5[%swap3A_156], %swap3A_159 {strides = array<i32>} : memref<80016xf32, #tpu.memory_space<vmem>>, vector<16xf32>,
        %slice3A_160 = vector.extract_strided_slice %get3A_65 {offsets = [3], sizes = [1], strides = [1]} : vector<16xi32> to vector<1xi32>
        %squeeze3A_161 = vector.extract %slice3A_160[0] : i32 from vector<1xi32>
        %sub3A_162 = arith.subi %squeeze3A_161, %mul3A_32 : i32
        %ge3A_163 = arith.constant 0 : i32
        %ge3A_164 = arith.cmpi sge, %sub3A_162, %ge3A_163 : i32
        %lt3A_165 = arith.constant 5000 : i32
        %lt3A_166 = arith.cmpi slt, %sub3A_162, %lt3A_165 : i32
        %and3A_167 = arith.andi %ge3A_164, %lt3A_166 : i1
        %select_n3A_168 = arith.constant 5000 : i32
        %select_n3A_169 = arith.select %and3A_167, %sub3A_162, %select_n3A_168 : i32
        %mul3A_170 = arith.constant 16 : i32
        %mul3A_171 = arith.muli %scan3A_61, %mul3A_170 : i32
        %add3A_172 = arith.constant 3 : i32
        %add3A_173 = arith.addi %mul3A_171, %add3A_172 : i32
        %mul3A_174 = arith.constant 16 : i32
        %mul3A_175 = arith.muli %select_n3A_169, %mul3A_174 : i32
        %add3A_176 = arith.constant 0 : i32
        %add3A_177 = arith.addi %mul3A_175, %add3A_176 : i32
        %mul3A_178 = arith.constant 16 : i32
        %mul3A_179 = arith.muli %add3A_173, %mul3A_178 : i32
        %add3A_180 = arith.constant 0 : i32
        %add3A_181 = arith.addi %mul3A_179, %add3A_180 : i32
        %get3A_182 = arith.index_cast %add3A_177 : i32 to index
        %get3A_183 = tpu.vector_load %arg5[%get3A_182] {strides = array<i32>} : memref<80016xf32, #tpu.memory_space<vmem>>, vector<16xf32>,
        %get3A_184 = vector.shape_cast %get3A_183 : vector<16xf32> to vector<16xf32>
        %get3A_185 = arith.index_cast %add3A_181 : i32 to index
        %get3A_186 = tpu.vector_load %arg7[%get3A_185] {strides = array<i32>} : memref<12800xf32, #tpu.memory_space<vmem>>, vector<16xf32>,
        %get3A_187 = vector.shape_cast %get3A_186 : vector<16xf32> to vector<16xf32>
        %max3A_188 = arith.maximumf %get3A_184, %get3A_187 : vector<16xf32>
        %swap3A_189 = arith.index_cast %add3A_177 : i32 to index
        %swap3A_190 = tpu.vector_load %arg5[%swap3A_189] {strides = array<i32>} : memref<80016xf32, #tpu.memory_space<vmem>>, vector<16xf32>,
        %swap3A_191 = vector.shape_cast %swap3A_190 : vector<16xf32> to vector<16xf32>
        %swap3A_192 = vector.shape_cast %max3A_188 : vector<16xf32> to vector<16xf32>
        tpu.vector_store %arg5[%swap3A_189], %swap3A_192 {strides = array<i32>} : memref<80016xf32, #tpu.memory_space<vmem>>, vector<16xf32>,
        %slice3A_193 = vector.extract_strided_slice %get3A_65 {offsets = [4], sizes = [1], strides = [1]} : vector<16xi32> to vector<1xi32>
        %squeeze3A_194 = vector.extract %slice3A_193[0] : i32 from vector<1xi32>
        %sub3A_195 = arith.subi %squeeze3A_194, %mul3A_32 : i32
        %ge3A_196 = arith.constant 0 : i32
        %ge3A_197 = arith.cmpi sge, %sub3A_195, %ge3A_196 : i32
        %lt3A_198 = arith.constant 5000 : i32
        %lt3A_199 = arith.cmpi slt, %sub3A_195, %lt3A_198 : i32
        %and3A_200 = arith.andi %ge3A_197, %lt3A_199 : i1
        %select_n3A_201 = arith.constant 5000 : i32
        %select_n3A_202 = arith.select %and3A_200, %sub3A_195, %select_n3A_201 : i32
        %mul3A_203 = arith.constant 16 : i32
        %mul3A_204 = arith.muli %scan3A_61, %mul3A_203 : i32
        %add3A_205 = arith.constant 4 : i32
        %add3A_206 = arith.addi %mul3A_204, %add3A_205 : i32
        %mul3A_207 = arith.constant 16 : i32
        %mul3A_208 = arith.muli %select_n3A_202, %mul3A_207 : i32
        %add3A_209 = arith.constant 0 : i32
        %add3A_210 = arith.addi %mul3A_208, %add3A_209 : i32
        %mul3A_211 = arith.constant 16 : i32
        %mul3A_212 = arith.muli %add3A_206, %mul3A_211 : i32
        %add3A_213 = arith.constant 0 : i32
        %add3A_214 = arith.addi %mul3A_212, %add3A_213 : i32
        %get3A_215 = arith.index_cast %add3A_210 : i32 to index
        %get3A_216 = tpu.vector_load %arg5[%get3A_215] {strides = array<i32>} : memref<80016xf32, #tpu.memory_space<vmem>>, vector<16xf32>,
        %get3A_217 = vector.shape_cast %get3A_216 : vector<16xf32> to vector<16xf32>
        %get3A_218 = arith.index_cast %add3A_214 : i32 to index
        %get3A_219 = tpu.vector_load %arg7[%get3A_218] {strides = array<i32>} : memref<12800xf32, #tpu.memory_space<vmem>>, vector<16xf32>,
        %get3A_220 = vector.shape_cast %get3A_219 : vector<16xf32> to vector<16xf32>
        %max3A_221 = arith.maximumf %get3A_217, %get3A_220 : vector<16xf32>
        %swap3A_222 = arith.index_cast %add3A_210 : i32 to index
        %swap3A_223 = tpu.vector_load %arg5[%swap3A_222] {strides = array<i32>} : memref<80016xf32, #tpu.memory_space<vmem>>, vector<16xf32>,
        %swap3A_224 = vector.shape_cast %swap3A_223 : vector<16xf32> to vector<16xf32>
        %swap3A_225 = vector.shape_cast %max3A_221 : vector<16xf32> to vector<16xf32>
        tpu.vector_store %arg5[%swap3A_222], %swap3A_225 {strides = array<i32>} : memref<80016xf32, #tpu.memory_space<vmem>>, vector<16xf32>,
        %slice3A_226 = vector.extract_strided_slice %get3A_65 {offsets = [5], sizes = [1], strides = [1]} : vector<16xi32> to vector<1xi32>
        %squeeze3A_227 = vector.extract %slice3A_226[0] : i32 from vector<1xi32>
        %sub3A_228 = arith.subi %squeeze3A_227, %mul3A_32 : i32
        %ge3A_229 = arith.constant 0 : i32
        %ge3A_230 = arith.cmpi sge, %sub3A_228, %ge3A_229 : i32
        %lt3A_231 = arith.constant 5000 : i32
        %lt3A_232 = arith.cmpi slt, %sub3A_228, %lt3A_231 : i32
        %and3A_233 = arith.andi %ge3A_230, %lt3A_232 : i1
        %select_n3A_234 = arith.constant 5000 : i32
        %select_n3A_235 = arith.select %and3A_233, %sub3A_228, %select_n3A_234 : i32
        %mul3A_236 = arith.constant 16 : i32
        %mul3A_237 = arith.muli %scan3A_61, %mul3A_236 : i32
        %add3A_238 = arith.constant 5 : i32
        %add3A_239 = arith.addi %mul3A_237, %add3A_238 : i32
        %mul3A_240 = arith.constant 16 : i32
        %mul3A_241 = arith.muli %select_n3A_235, %mul3A_240 : i32
        %add3A_242 = arith.constant 0 : i32
        %add3A_243 = arith.addi %mul3A_241, %add3A_242 : i32
        %mul3A_244 = arith.constant 16 : i32
        %mul3A_245 = arith.muli %add3A_239, %mul3A_244 : i32
        %add3A_246 = arith.constant 0 : i32
        %add3A_247 = arith.addi %mul3A_245, %add3A_246 : i32
        %get3A_248 = arith.index_cast %add3A_243 : i32 to index
        %get3A_249 = tpu.vector_load %arg5[%get3A_248] {strides = array<i32>} : memref<80016xf32, #tpu.memory_space<vmem>>, vector<16xf32>,
        %get3A_250 = vector.shape_cast %get3A_249 : vector<16xf32> to vector<16xf32>
        %get3A_251 = arith.index_cast %add3A_247 : i32 to index
        %get3A_252 = tpu.vector_load %arg7[%get3A_251] {strides = array<i32>} : memref<12800xf32, #tpu.memory_space<vmem>>, vector<16xf32>,
        %get3A_253 = vector.shape_cast %get3A_252 : vector<16xf32> to vector<16xf32>
        %max3A_254 = arith.maximumf %get3A_250, %get3A_253 : vector<16xf32>
        %swap3A_255 = arith.index_cast %add3A_243 : i32 to index
        %swap3A_256 = tpu.vector_load %arg5[%swap3A_255] {strides = array<i32>} : memref<80016xf32, #tpu.memory_space<vmem>>, vector<16xf32>,
        %swap3A_257 = vector.shape_cast %swap3A_256 : vector<16xf32> to vector<16xf32>
        %swap3A_258 = vector.shape_cast %max3A_254 : vector<16xf32> to vector<16xf32>
        tpu.vector_store %arg5[%swap3A_255], %swap3A_258 {strides = array<i32>} : memref<80016xf32, #tpu.memory_space<vmem>>, vector<16xf32>,
        %slice3A_259 = vector.extract_strided_slice %get3A_65 {offsets = [6], sizes = [1], strides = [1]} : vector<16xi32> to vector<1xi32>
        %squeeze3A_260 = vector.extract %slice3A_259[0] : i32 from vector<1xi32>
        %sub3A_261 = arith.subi %squeeze3A_260, %mul3A_32 : i32
        %ge3A_262 = arith.constant 0 : i32
        %ge3A_263 = arith.cmpi sge, %sub3A_261, %ge3A_262 : i32
        %lt3A_264 = arith.constant 5000 : i32
        %lt3A_265 = arith.cmpi slt, %sub3A_261, %lt3A_264 : i32
        %and3A_266 = arith.andi %ge3A_263, %lt3A_265 : i1
        %select_n3A_267 = arith.constant 5000 : i32
        %select_n3A_268 = arith.select %and3A_266, %sub3A_261, %select_n3A_267 : i32
        %mul3A_269 = arith.constant 16 : i32
        %mul3A_270 = arith.muli %scan3A_61, %mul3A_269 : i32
        %add3A_271 = arith.constant 6 : i32
        %add3A_272 = arith.addi %mul3A_270, %add3A_271 : i32
        %mul3A_273 = arith.constant 16 : i32
        %mul3A_274 = arith.muli %select_n3A_268, %mul3A_273 : i32
        %add3A_275 = arith.constant 0 : i32
        %add3A_276 = arith.addi %mul3A_274, %add3A_275 : i32
        %mul3A_277 = arith.constant 16 : i32
        %mul3A_278 = arith.muli %add3A_272, %mul3A_277 : i32
        %add3A_279 = arith.constant 0 : i32
        %add3A_280 = arith.addi %mul3A_278, %add3A_279 : i32
        %get3A_281 = arith.index_cast %add3A_276 : i32 to index
        %get3A_282 = tpu.vector_load %arg5[%get3A_281] {strides = array<i32>} : memref<80016xf32, #tpu.memory_space<vmem>>, vector<16xf32>,
        %get3A_283 = vector.shape_cast %get3A_282 : vector<16xf32> to vector<16xf32>
        %get3A_284 = arith.index_cast %add3A_280 : i32 to index
        %get3A_285 = tpu.vector_load %arg7[%get3A_284] {strides = array<i32>} : memref<12800xf32, #tpu.memory_space<vmem>>, vector<16xf32>,
        %get3A_286 = vector.shape_cast %get3A_285 : vector<16xf32> to vector<16xf32>
        %max3A_287 = arith.maximumf %get3A_283, %get3A_286 : vector<16xf32>
        %swap3A_288 = arith.index_cast %add3A_276 : i32 to index
        %swap3A_289 = tpu.vector_load %arg5[%swap3A_288] {strides = array<i32>} : memref<80016xf32, #tpu.memory_space<vmem>>, vector<16xf32>,
        %swap3A_290 = vector.shape_cast %swap3A_289 : vector<16xf32> to vector<16xf32>
        %swap3A_291 = vector.shape_cast %max3A_287 : vector<16xf32> to vector<16xf32>
        tpu.vector_store %arg5[%swap3A_288], %swap3A_291 {strides = array<i32>} : memref<80016xf32, #tpu.memory_space<vmem>>, vector<16xf32>,
        %slice3A_292 = vector.extract_strided_slice %get3A_65 {offsets = [7], sizes = [1], strides = [1]} : vector<16xi32> to vector<1xi32>
        %squeeze3A_293 = vector.extract %slice3A_292[0] : i32 from vector<1xi32>
        %sub3A_294 = arith.subi %squeeze3A_293, %mul3A_32 : i32
        %ge3A_295 = arith.constant 0 : i32
        %ge3A_296 = arith.cmpi sge, %sub3A_294, %ge3A_295 : i32
        %lt3A_297 = arith.constant 5000 : i32
        %lt3A_298 = arith.cmpi slt, %sub3A_294, %lt3A_297 : i32
        %and3A_299 = arith.andi %ge3A_296, %lt3A_298 : i1
        %select_n3A_300 = arith.constant 5000 : i32
        %select_n3A_301 = arith.select %and3A_299, %sub3A_294, %select_n3A_300 : i32
        %mul3A_302 = arith.constant 16 : i32
        %mul3A_303 = arith.muli %scan3A_61, %mul3A_302 : i32
        %add3A_304 = arith.constant 7 : i32
        %add3A_305 = arith.addi %mul3A_303, %add3A_304 : i32
        %mul3A_306 = arith.constant 16 : i32
        %mul3A_307 = arith.muli %select_n3A_301, %mul3A_306 : i32
        %add3A_308 = arith.constant 0 : i32
        %add3A_309 = arith.addi %mul3A_307, %add3A_308 : i32
        %mul3A_310 = arith.constant 16 : i32
        %mul3A_311 = arith.muli %add3A_305, %mul3A_310 : i32
        %add3A_312 = arith.constant 0 : i32
        %add3A_313 = arith.addi %mul3A_311, %add3A_312 : i32
        %get3A_314 = arith.index_cast %add3A_309 : i32 to index
        %get3A_315 = tpu.vector_load %arg5[%get3A_314] {strides = array<i32>} : memref<80016xf32, #tpu.memory_space<vmem>>, vector<16xf32>,
        %get3A_316 = vector.shape_cast %get3A_315 : vector<16xf32> to vector<16xf32>
        %get3A_317 = arith.index_cast %add3A_313 : i32 to index
        %get3A_318 = tpu.vector_load %arg7[%get3A_317] {strides = array<i32>} : memref<12800xf32, #tpu.memory_space<vmem>>, vector<16xf32>,
        %get3A_319 = vector.shape_cast %get3A_318 : vector<16xf32> to vector<16xf32>
        %max3A_320 = arith.maximumf %get3A_316, %get3A_319 : vector<16xf32>
        %swap3A_321 = arith.index_cast %add3A_309 : i32 to index
        %swap3A_322 = tpu.vector_load %arg5[%swap3A_321] {strides = array<i32>} : memref<80016xf32, #tpu.memory_space<vmem>>, vector<16xf32>,
        %swap3A_323 = vector.shape_cast %swap3A_322 : vector<16xf32> to vector<16xf32>
        %swap3A_324 = vector.shape_cast %max3A_320 : vector<16xf32> to vector<16xf32>
        tpu.vector_store %arg5[%swap3A_321], %swap3A_324 {strides = array<i32>} : memref<80016xf32, #tpu.memory_space<vmem>>, vector<16xf32>,
        %slice3A_325 = vector.extract_strided_slice %get3A_65 {offsets = [8], sizes = [1], strides = [1]} : vector<16xi32> to vector<1xi32>
        %squeeze3A_326 = vector.extract %slice3A_325[0] : i32 from vector<1xi32>
        %sub3A_327 = arith.subi %squeeze3A_326, %mul3A_32 : i32
        %ge3A_328 = arith.constant 0 : i32
        %ge3A_329 = arith.cmpi sge, %sub3A_327, %ge3A_328 : i32
        %lt3A_330 = arith.constant 5000 : i32
        %lt3A_331 = arith.cmpi slt, %sub3A_327, %lt3A_330 : i32
        %and3A_332 = arith.andi %ge3A_329, %lt3A_331 : i1
        %select_n3A_333 = arith.constant 5000 : i32
        %select_n3A_334 = arith.select %and3A_332, %sub3A_327, %select_n3A_333 : i32
        %mul3A_335 = arith.constant 16 : i32
        %mul3A_336 = arith.muli %scan3A_61, %mul3A_335 : i32
        %add3A_337 = arith.constant 8 : i32
        %add3A_338 = arith.addi %mul3A_336, %add3A_337 : i32
        %mul3A_339 = arith.constant 16 : i32
        %mul3A_340 = arith.muli %select_n3A_334, %mul3A_339 : i32
        %add3A_341 = arith.constant 0 : i32
        %add3A_342 = arith.addi %mul3A_340, %add3A_341 : i32
        %mul3A_343 = arith.constant 16 : i32
        %mul3A_344 = arith.muli %add3A_338, %mul3A_343 : i32
        %add3A_345 = arith.constant 0 : i32
        %add3A_346 = arith.addi %mul3A_344, %add3A_345 : i32
        %get3A_347 = arith.index_cast %add3A_342 : i32 to index
        %get3A_348 = tpu.vector_load %arg5[%get3A_347] {strides = array<i32>} : memref<80016xf32, #tpu.memory_space<vmem>>, vector<16xf32>,
        %get3A_349 = vector.shape_cast %get3A_348 : vector<16xf32> to vector<16xf32>
        %get3A_350 = arith.index_cast %add3A_346 : i32 to index
        %get3A_351 = tpu.vector_load %arg7[%get3A_350] {strides = array<i32>} : memref<12800xf32, #tpu.memory_space<vmem>>, vector<16xf32>,
        %get3A_352 = vector.shape_cast %get3A_351 : vector<16xf32> to vector<16xf32>
        %max3A_353 = arith.maximumf %get3A_349, %get3A_352 : vector<16xf32>
        %swap3A_354 = arith.index_cast %add3A_342 : i32 to index
        %swap3A_355 = tpu.vector_load %arg5[%swap3A_354] {strides = array<i32>} : memref<80016xf32, #tpu.memory_space<vmem>>, vector<16xf32>,
        %swap3A_356 = vector.shape_cast %swap3A_355 : vector<16xf32> to vector<16xf32>
        %swap3A_357 = vector.shape_cast %max3A_353 : vector<16xf32> to vector<16xf32>
        tpu.vector_store %arg5[%swap3A_354], %swap3A_357 {strides = array<i32>} : memref<80016xf32, #tpu.memory_space<vmem>>, vector<16xf32>,
        %slice3A_358 = vector.extract_strided_slice %get3A_65 {offsets = [9], sizes = [1], strides = [1]} : vector<16xi32> to vector<1xi32>
        %squeeze3A_359 = vector.extract %slice3A_358[0] : i32 from vector<1xi32>
        %sub3A_360 = arith.subi %squeeze3A_359, %mul3A_32 : i32
        %ge3A_361 = arith.constant 0 : i32
        %ge3A_362 = arith.cmpi sge, %sub3A_360, %ge3A_361 : i32
        %lt3A_363 = arith.constant 5000 : i32
        %lt3A_364 = arith.cmpi slt, %sub3A_360, %lt3A_363 : i32
        %and3A_365 = arith.andi %ge3A_362, %lt3A_364 : i1
        %select_n3A_366 = arith.constant 5000 : i32
        %select_n3A_367 = arith.select %and3A_365, %sub3A_360, %select_n3A_366 : i32
        %mul3A_368 = arith.constant 16 : i32
        %mul3A_369 = arith.muli %scan3A_61, %mul3A_368 : i32
        %add3A_370 = arith.constant 9 : i32
        %add3A_371 = arith.addi %mul3A_369, %add3A_370 : i32
        %mul3A_372 = arith.constant 16 : i32
        %mul3A_373 = arith.muli %select_n3A_367, %mul3A_372 : i32
        %add3A_374 = arith.constant 0 : i32
        %add3A_375 = arith.addi %mul3A_373, %add3A_374 : i32
        %mul3A_376 = arith.constant 16 : i32
        %mul3A_377 = arith.muli %add3A_371, %mul3A_376 : i32
        %add3A_378 = arith.constant 0 : i32
        %add3A_379 = arith.addi %mul3A_377, %add3A_378 : i32
        %get3A_380 = arith.index_cast %add3A_375 : i32 to index
        %get3A_381 = tpu.vector_load %arg5[%get3A_380] {strides = array<i32>} : memref<80016xf32, #tpu.memory_space<vmem>>, vector<16xf32>,
        %get3A_382 = vector.shape_cast %get3A_381 : vector<16xf32> to vector<16xf32>
        %get3A_383 = arith.index_cast %add3A_379 : i32 to index
        %get3A_384 = tpu.vector_load %arg7[%get3A_383] {strides = array<i32>} : memref<12800xf32, #tpu.memory_space<vmem>>, vector<16xf32>,
        %get3A_385 = vector.shape_cast %get3A_384 : vector<16xf32> to vector<16xf32>
        %max3A_386 = arith.maximumf %get3A_382, %get3A_385 : vector<16xf32>
        %swap3A_387 = arith.index_cast %add3A_375 : i32 to index
        %swap3A_388 = tpu.vector_load %arg5[%swap3A_387] {strides = array<i32>} : memref<80016xf32, #tpu.memory_space<vmem>>, vector<16xf32>,
        %swap3A_389 = vector.shape_cast %swap3A_388 : vector<16xf32> to vector<16xf32>
        %swap3A_390 = vector.shape_cast %max3A_386 : vector<16xf32> to vector<16xf32>
        tpu.vector_store %arg5[%swap3A_387], %swap3A_390 {strides = array<i32>} : memref<80016xf32, #tpu.memory_space<vmem>>, vector<16xf32>,
        %slice3A_391 = vector.extract_strided_slice %get3A_65 {offsets = [10], sizes = [1], strides = [1]} : vector<16xi32> to vector<1xi32>
        %squeeze3A_392 = vector.extract %slice3A_391[0] : i32 from vector<1xi32>
        %sub3A_393 = arith.subi %squeeze3A_392, %mul3A_32 : i32
        %ge3A_394 = arith.constant 0 : i32
        %ge3A_395 = arith.cmpi sge, %sub3A_393, %ge3A_394 : i32
        %lt3A_396 = arith.constant 5000 : i32
        %lt3A_397 = arith.cmpi slt, %sub3A_393, %lt3A_396 : i32
        %and3A_398 = arith.andi %ge3A_395, %lt3A_397 : i1
        %select_n3A_399 = arith.constant 5000 : i32
        %select_n3A_400 = arith.select %and3A_398, %sub3A_393, %select_n3A_399 : i32
        %mul3A_401 = arith.constant 16 : i32
        %mul3A_402 = arith.muli %scan3A_61, %mul3A_401 : i32
        %add3A_403 = arith.constant 10 : i32
        %add3A_404 = arith.addi %mul3A_402, %add3A_403 : i32
        %mul3A_405 = arith.constant 16 : i32
        %mul3A_406 = arith.muli %select_n3A_400, %mul3A_405 : i32
        %add3A_407 = arith.constant 0 : i32
        %add3A_408 = arith.addi %mul3A_406, %add3A_407 : i32
        %mul3A_409 = arith.constant 16 : i32
        %mul3A_410 = arith.muli %add3A_404, %mul3A_409 : i32
        %add3A_411 = arith.constant 0 : i32
        %add3A_412 = arith.addi %mul3A_410, %add3A_411 : i32
        %get3A_413 = arith.index_cast %add3A_408 : i32 to index
        %get3A_414 = tpu.vector_load %arg5[%get3A_413] {strides = array<i32>} : memref<80016xf32, #tpu.memory_space<vmem>>, vector<16xf32>,
        %get3A_415 = vector.shape_cast %get3A_414 : vector<16xf32> to vector<16xf32>
        %get3A_416 = arith.index_cast %add3A_412 : i32 to index
        %get3A_417 = tpu.vector_load %arg7[%get3A_416] {strides = array<i32>} : memref<12800xf32, #tpu.memory_space<vmem>>, vector<16xf32>,
        %get3A_418 = vector.shape_cast %get3A_417 : vector<16xf32> to vector<16xf32>
        %max3A_419 = arith.maximumf %get3A_415, %get3A_418 : vector<16xf32>
        %swap3A_420 = arith.index_cast %add3A_408 : i32 to index
        %swap3A_421 = tpu.vector_load %arg5[%swap3A_420] {strides = array<i32>} : memref<80016xf32, #tpu.memory_space<vmem>>, vector<16xf32>,
        %swap3A_422 = vector.shape_cast %swap3A_421 : vector<16xf32> to vector<16xf32>
        %swap3A_423 = vector.shape_cast %max3A_419 : vector<16xf32> to vector<16xf32>
        tpu.vector_store %arg5[%swap3A_420], %swap3A_423 {strides = array<i32>} : memref<80016xf32, #tpu.memory_space<vmem>>, vector<16xf32>,
        %slice3A_424 = vector.extract_strided_slice %get3A_65 {offsets = [11], sizes = [1], strides = [1]} : vector<16xi32> to vector<1xi32>
        %squeeze3A_425 = vector.extract %slice3A_424[0] : i32 from vector<1xi32>
        %sub3A_426 = arith.subi %squeeze3A_425, %mul3A_32 : i32
        %ge3A_427 = arith.constant 0 : i32
        %ge3A_428 = arith.cmpi sge, %sub3A_426, %ge3A_427 : i32
        %lt3A_429 = arith.constant 5000 : i32
        %lt3A_430 = arith.cmpi slt, %sub3A_426, %lt3A_429 : i32
        %and3A_431 = arith.andi %ge3A_428, %lt3A_430 : i1
        %select_n3A_432 = arith.constant 5000 : i32
        %select_n3A_433 = arith.select %and3A_431, %sub3A_426, %select_n3A_432 : i32
        %mul3A_434 = arith.constant 16 : i32
        %mul3A_435 = arith.muli %scan3A_61, %mul3A_434 : i32
        %add3A_436 = arith.constant 11 : i32
        %add3A_437 = arith.addi %mul3A_435, %add3A_436 : i32
        %mul3A_438 = arith.constant 16 : i32
        %mul3A_439 = arith.muli %select_n3A_433, %mul3A_438 : i32
        %add3A_440 = arith.constant 0 : i32
        %add3A_441 = arith.addi %mul3A_439, %add3A_440 : i32
        %mul3A_442 = arith.constant 16 : i32
        %mul3A_443 = arith.muli %add3A_437, %mul3A_442 : i32
        %add3A_444 = arith.constant 0 : i32
        %add3A_445 = arith.addi %mul3A_443, %add3A_444 : i32
        %get3A_446 = arith.index_cast %add3A_441 : i32 to index
        %get3A_447 = tpu.vector_load %arg5[%get3A_446] {strides = array<i32>} : memref<80016xf32, #tpu.memory_space<vmem>>, vector<16xf32>,
        %get3A_448 = vector.shape_cast %get3A_447 : vector<16xf32> to vector<16xf32>
        %get3A_449 = arith.index_cast %add3A_445 : i32 to index
        %get3A_450 = tpu.vector_load %arg7[%get3A_449] {strides = array<i32>} : memref<12800xf32, #tpu.memory_space<vmem>>, vector<16xf32>,
        %get3A_451 = vector.shape_cast %get3A_450 : vector<16xf32> to vector<16xf32>
        %max3A_452 = arith.maximumf %get3A_448, %get3A_451 : vector<16xf32>
        %swap3A_453 = arith.index_cast %add3A_441 : i32 to index
        %swap3A_454 = tpu.vector_load %arg5[%swap3A_453] {strides = array<i32>} : memref<80016xf32, #tpu.memory_space<vmem>>, vector<16xf32>,
        %swap3A_455 = vector.shape_cast %swap3A_454 : vector<16xf32> to vector<16xf32>
        %swap3A_456 = vector.shape_cast %max3A_452 : vector<16xf32> to vector<16xf32>
        tpu.vector_store %arg5[%swap3A_453], %swap3A_456 {strides = array<i32>} : memref<80016xf32, #tpu.memory_space<vmem>>, vector<16xf32>,
        %slice3A_457 = vector.extract_strided_slice %get3A_65 {offsets = [12], sizes = [1], strides = [1]} : vector<16xi32> to vector<1xi32>
        %squeeze3A_458 = vector.extract %slice3A_457[0] : i32 from vector<1xi32>
        %sub3A_459 = arith.subi %squeeze3A_458, %mul3A_32 : i32
        %ge3A_460 = arith.constant 0 : i32
        %ge3A_461 = arith.cmpi sge, %sub3A_459, %ge3A_460 : i32
        %lt3A_462 = arith.constant 5000 : i32
        %lt3A_463 = arith.cmpi slt, %sub3A_459, %lt3A_462 : i32
        %and3A_464 = arith.andi %ge3A_461, %lt3A_463 : i1
        %select_n3A_465 = arith.constant 5000 : i32
        %select_n3A_466 = arith.select %and3A_464, %sub3A_459, %select_n3A_465 : i32
        %mul3A_467 = arith.constant 16 : i32
        %mul3A_468 = arith.muli %scan3A_61, %mul3A_467 : i32
        %add3A_469 = arith.constant 12 : i32
        %add3A_470 = arith.addi %mul3A_468, %add3A_469 : i32
        %mul3A_471 = arith.constant 16 : i32
        %mul3A_472 = arith.muli %select_n3A_466, %mul3A_471 : i32
        %add3A_473 = arith.constant 0 : i32
        %add3A_474 = arith.addi %mul3A_472, %add3A_473 : i32
        %mul3A_475 = arith.constant 16 : i32
        %mul3A_476 = arith.muli %add3A_470, %mul3A_475 : i32
        %add3A_477 = arith.constant 0 : i32
        %add3A_478 = arith.addi %mul3A_476, %add3A_477 : i32
        %get3A_479 = arith.index_cast %add3A_474 : i32 to index
        %get3A_480 = tpu.vector_load %arg5[%get3A_479] {strides = array<i32>} : memref<80016xf32, #tpu.memory_space<vmem>>, vector<16xf32>,
        %get3A_481 = vector.shape_cast %get3A_480 : vector<16xf32> to vector<16xf32>
        %get3A_482 = arith.index_cast %add3A_478 : i32 to index
        %get3A_483 = tpu.vector_load %arg7[%get3A_482] {strides = array<i32>} : memref<12800xf32, #tpu.memory_space<vmem>>, vector<16xf32>,
        %get3A_484 = vector.shape_cast %get3A_483 : vector<16xf32> to vector<16xf32>
        %max3A_485 = arith.maximumf %get3A_481, %get3A_484 : vector<16xf32>
        %swap3A_486 = arith.index_cast %add3A_474 : i32 to index
        %swap3A_487 = tpu.vector_load %arg5[%swap3A_486] {strides = array<i32>} : memref<80016xf32, #tpu.memory_space<vmem>>, vector<16xf32>,
        %swap3A_488 = vector.shape_cast %swap3A_487 : vector<16xf32> to vector<16xf32>
        %swap3A_489 = vector.shape_cast %max3A_485 : vector<16xf32> to vector<16xf32>
        tpu.vector_store %arg5[%swap3A_486], %swap3A_489 {strides = array<i32>} : memref<80016xf32, #tpu.memory_space<vmem>>, vector<16xf32>,
        %slice3A_490 = vector.extract_strided_slice %get3A_65 {offsets = [13], sizes = [1], strides = [1]} : vector<16xi32> to vector<1xi32>
        %squeeze3A_491 = vector.extract %slice3A_490[0] : i32 from vector<1xi32>
        %sub3A_492 = arith.subi %squeeze3A_491, %mul3A_32 : i32
        %ge3A_493 = arith.constant 0 : i32
        %ge3A_494 = arith.cmpi sge, %sub3A_492, %ge3A_493 : i32
        %lt3A_495 = arith.constant 5000 : i32
        %lt3A_496 = arith.cmpi slt, %sub3A_492, %lt3A_495 : i32
        %and3A_497 = arith.andi %ge3A_494, %lt3A_496 : i1
        %select_n3A_498 = arith.constant 5000 : i32
        %select_n3A_499 = arith.select %and3A_497, %sub3A_492, %select_n3A_498 : i32
        %mul3A_500 = arith.constant 16 : i32
        %mul3A_501 = arith.muli %scan3A_61, %mul3A_500 : i32
        %add3A_502 = arith.constant 13 : i32
        %add3A_503 = arith.addi %mul3A_501, %add3A_502 : i32
        %mul3A_504 = arith.constant 16 : i32
        %mul3A_505 = arith.muli %select_n3A_499, %mul3A_504 : i32
        %add3A_506 = arith.constant 0 : i32
        %add3A_507 = arith.addi %mul3A_505, %add3A_506 : i32
        %mul3A_508 = arith.constant 16 : i32
        %mul3A_509 = arith.muli %add3A_503, %mul3A_508 : i32
        %add3A_510 = arith.constant 0 : i32
        %add3A_511 = arith.addi %mul3A_509, %add3A_510 : i32
        %get3A_512 = arith.index_cast %add3A_507 : i32 to index
        %get3A_513 = tpu.vector_load %arg5[%get3A_512] {strides = array<i32>} : memref<80016xf32, #tpu.memory_space<vmem>>, vector<16xf32>,
        %get3A_514 = vector.shape_cast %get3A_513 : vector<16xf32> to vector<16xf32>
        %get3A_515 = arith.index_cast %add3A_511 : i32 to index
        %get3A_516 = tpu.vector_load %arg7[%get3A_515] {strides = array<i32>} : memref<12800xf32, #tpu.memory_space<vmem>>, vector<16xf32>,
        %get3A_517 = vector.shape_cast %get3A_516 : vector<16xf32> to vector<16xf32>
        %max3A_518 = arith.maximumf %get3A_514, %get3A_517 : vector<16xf32>
        %swap3A_519 = arith.index_cast %add3A_507 : i32 to index
        %swap3A_520 = tpu.vector_load %arg5[%swap3A_519] {strides = array<i32>} : memref<80016xf32, #tpu.memory_space<vmem>>, vector<16xf32>,
        %swap3A_521 = vector.shape_cast %swap3A_520 : vector<16xf32> to vector<16xf32>
        %swap3A_522 = vector.shape_cast %max3A_518 : vector<16xf32> to vector<16xf32>
        tpu.vector_store %arg5[%swap3A_519], %swap3A_522 {strides = array<i32>} : memref<80016xf32, #tpu.memory_space<vmem>>, vector<16xf32>,
        %slice3A_523 = vector.extract_strided_slice %get3A_65 {offsets = [14], sizes = [1], strides = [1]} : vector<16xi32> to vector<1xi32>
        %squeeze3A_524 = vector.extract %slice3A_523[0] : i32 from vector<1xi32>
        %sub3A_525 = arith.subi %squeeze3A_524, %mul3A_32 : i32
        %ge3A_526 = arith.constant 0 : i32
        %ge3A_527 = arith.cmpi sge, %sub3A_525, %ge3A_526 : i32
        %lt3A_528 = arith.constant 5000 : i32
        %lt3A_529 = arith.cmpi slt, %sub3A_525, %lt3A_528 : i32
        %and3A_530 = arith.andi %ge3A_527, %lt3A_529 : i1
        %select_n3A_531 = arith.constant 5000 : i32
        %select_n3A_532 = arith.select %and3A_530, %sub3A_525, %select_n3A_531 : i32
        %mul3A_533 = arith.constant 16 : i32
        %mul3A_534 = arith.muli %scan3A_61, %mul3A_533 : i32
        %add3A_535 = arith.constant 14 : i32
        %add3A_536 = arith.addi %mul3A_534, %add3A_535 : i32
        %mul3A_537 = arith.constant 16 : i32
        %mul3A_538 = arith.muli %select_n3A_532, %mul3A_537 : i32
        %add3A_539 = arith.constant 0 : i32
        %add3A_540 = arith.addi %mul3A_538, %add3A_539 : i32
        %mul3A_541 = arith.constant 16 : i32
        %mul3A_542 = arith.muli %add3A_536, %mul3A_541 : i32
        %add3A_543 = arith.constant 0 : i32
        %add3A_544 = arith.addi %mul3A_542, %add3A_543 : i32
        %get3A_545 = arith.index_cast %add3A_540 : i32 to index
        %get3A_546 = tpu.vector_load %arg5[%get3A_545] {strides = array<i32>} : memref<80016xf32, #tpu.memory_space<vmem>>, vector<16xf32>,
        %get3A_547 = vector.shape_cast %get3A_546 : vector<16xf32> to vector<16xf32>
        %get3A_548 = arith.index_cast %add3A_544 : i32 to index
        %get3A_549 = tpu.vector_load %arg7[%get3A_548] {strides = array<i32>} : memref<12800xf32, #tpu.memory_space<vmem>>, vector<16xf32>,
        %get3A_550 = vector.shape_cast %get3A_549 : vector<16xf32> to vector<16xf32>
        %max3A_551 = arith.maximumf %get3A_547, %get3A_550 : vector<16xf32>
        %swap3A_552 = arith.index_cast %add3A_540 : i32 to index
        %swap3A_553 = tpu.vector_load %arg5[%swap3A_552] {strides = array<i32>} : memref<80016xf32, #tpu.memory_space<vmem>>, vector<16xf32>,
        %swap3A_554 = vector.shape_cast %swap3A_553 : vector<16xf32> to vector<16xf32>
        %swap3A_555 = vector.shape_cast %max3A_551 : vector<16xf32> to vector<16xf32>
        tpu.vector_store %arg5[%swap3A_552], %swap3A_555 {strides = array<i32>} : memref<80016xf32, #tpu.memory_space<vmem>>, vector<16xf32>,
        %slice3A_556 = vector.extract_strided_slice %get3A_65 {offsets = [15], sizes = [1], strides = [1]} : vector<16xi32> to vector<1xi32>
        %squeeze3A_557 = vector.extract %slice3A_556[0] : i32 from vector<1xi32>
        %sub3A_558 = arith.subi %squeeze3A_557, %mul3A_32 : i32
        %ge3A_559 = arith.constant 0 : i32
        %ge3A_560 = arith.cmpi sge, %sub3A_558, %ge3A_559 : i32
        %lt3A_561 = arith.constant 5000 : i32
        %lt3A_562 = arith.cmpi slt, %sub3A_558, %lt3A_561 : i32
        %and3A_563 = arith.andi %ge3A_560, %lt3A_562 : i1
        %select_n3A_564 = arith.constant 5000 : i32
        %select_n3A_565 = arith.select %and3A_563, %sub3A_558, %select_n3A_564 : i32
        %mul3A_566 = arith.constant 16 : i32
        %mul3A_567 = arith.muli %scan3A_61, %mul3A_566 : i32
        %add3A_568 = arith.constant 15 : i32
        %add3A_569 = arith.addi %mul3A_567, %add3A_568 : i32
        %mul3A_570 = arith.constant 16 : i32
        %mul3A_571 = arith.muli %select_n3A_565, %mul3A_570 : i32
        %add3A_572 = arith.constant 0 : i32
        %add3A_573 = arith.addi %mul3A_571, %add3A_572 : i32
        %mul3A_574 = arith.constant 16 : i32
        %mul3A_575 = arith.muli %add3A_569, %mul3A_574 : i32
        %add3A_576 = arith.constant 0 : i32
        %add3A_577 = arith.addi %mul3A_575, %add3A_576 : i32
        %get3A_578 = arith.index_cast %add3A_573 : i32 to index
        %get3A_579 = tpu.vector_load %arg5[%get3A_578] {strides = array<i32>} : memref<80016xf32, #tpu.memory_space<vmem>>, vector<16xf32>,
        %get3A_580 = vector.shape_cast %get3A_579 : vector<16xf32> to vector<16xf32>
        %get3A_581 = arith.index_cast %add3A_577 : i32 to index
        %get3A_582 = tpu.vector_load %arg7[%get3A_581] {strides = array<i32>} : memref<12800xf32, #tpu.memory_space<vmem>>, vector<16xf32>,
        %get3A_583 = vector.shape_cast %get3A_582 : vector<16xf32> to vector<16xf32>
        %max3A_584 = arith.maximumf %get3A_580, %get3A_583 : vector<16xf32>
        %swap3A_585 = arith.index_cast %add3A_573 : i32 to index
        %swap3A_586 = tpu.vector_load %arg5[%swap3A_585] {strides = array<i32>} : memref<80016xf32, #tpu.memory_space<vmem>>, vector<16xf32>,
        %swap3A_587 = vector.shape_cast %swap3A_586 : vector<16xf32> to vector<16xf32>
        %swap3A_588 = vector.shape_cast %max3A_584 : vector<16xf32> to vector<16xf32>
        tpu.vector_store %arg5[%swap3A_585], %swap3A_588 {strides = array<i32>} : memref<80016xf32, #tpu.memory_space<vmem>>, vector<16xf32>,
      }
      %scan3A_60 = arith.constant 50 : i32
    }
    %scan3A_45 = arith.constant 25 : i32
    %mul3A_46 = arith.constant 16 : i32
    %mul3A_47 = arith.muli %select_n3A_9, %mul3A_46 : i32
    %add3A_48 = arith.addi %mul3A_47, %select_n3A_30 : i32
    "tpu.region"() ({
      %run_scoped3A = tpu.sem_alloc : memref<!tpu.dma_semaphore, #tpu.memory_space<semaphore_mem>>
      %dma_start3A = arith.constant 0 : i32
      %dma_start3A_49 = tpu.memref_slice %arg5[%dma_start3A] : memref<80016xf32, #tpu.memory_space<vmem>> -> memref<80000xf32, #tpu.memory_space<vmem>>
      %dma_start3A_50 = arith.constant 0 : i32
      %dma_start3A_51 = tpu.memref_slice %arg4[%add3A_48, %dma_start3A_50] : memref<32x80000xf32, #tpu.memory_space<hbm>> -> memref<1x80000xf32, #tpu.memory_space<hbm>>
      %dma_start3A_52 = tpu.memref_squeeze %dma_start3A_51 : memref<1x80000xf32, #tpu.memory_space<hbm>> -> memref<80000xf32, #tpu.memory_space<hbm>>
      %dma_start3A_53 = arith.constant 0 : i32
      %dma_start3A_54 = tpu.memref_slice %arg4[%add3A_48, %dma_start3A_53] : memref<32x80000xf32, #tpu.memory_space<hbm>> -> memref<1x80000xf32, #tpu.memory_space<hbm>>
      %dma_start3A_55 = tpu.memref_squeeze %dma_start3A_54 : memref<1x80000xf32, #tpu.memory_space<hbm>> -> memref<80000xf32, #tpu.memory_space<hbm>>
      %dma_start3A_56 = arith.constant 0 : i32
      %dma_start3A_57 = tpu.memref_slice %arg5[%dma_start3A_56] : memref<80016xf32, #tpu.memory_space<vmem>> -> memref<80000xf32, #tpu.memory_space<vmem>>
      tpu.enqueue_dma source(%dma_start3A_57 : memref<80000xf32, #tpu.memory_space<vmem>>) target(%dma_start3A_55 : memref<80000xf32, #tpu.memory_space<hbm>>) target_semaphore(%run_scoped3A : memref<!tpu.dma_semaphore, #tpu.memory_space<semaphore_mem>>)
      %dma_wait3A = arith.constant 0 : i32
      %dma_wait3A_58 = tpu.memref_slice %arg5[%dma_wait3A] : memref<80016xf32, #tpu.memory_space<vmem>> -> memref<80000xf32, #tpu.memory_space<vmem>>
      %dma_wait3A_59 = arith.constant 0 : i32
      %dma_wait3A_60 = tpu.memref_slice %arg4[%add3A_48, %dma_wait3A_59] : memref<32x80000xf32, #tpu.memory_space<hbm>> -> memref<1x80000xf32, #tpu.memory_space<hbm>>
      %dma_wait3A_61 = tpu.memref_squeeze %dma_wait3A_60 : memref<1x80000xf32, #tpu.memory_space<hbm>> -> memref<80000xf32, #tpu.memory_space<hbm>>
      %dma_wait3A_62 = arith.constant 0 : i32
      %dma_wait3A_63 = tpu.memref_slice %arg4[%add3A_48, %dma_wait3A_62] : memref<32x80000xf32, #tpu.memory_space<hbm>> -> memref<1x80000xf32, #tpu.memory_space<hbm>>
      %dma_wait3A_64 = tpu.memref_squeeze %dma_wait3A_63 : memref<1x80000xf32, #tpu.memory_space<hbm>> -> memref<80000xf32, #tpu.memory_space<hbm>>
      %dma_wait3A_65 = arith.constant 0 : i32
      %dma_wait3A_66 = tpu.memref_slice %arg5[%dma_wait3A_65] : memref<80016xf32, #tpu.memory_space<vmem>> -> memref<80000xf32, #tpu.memory_space<vmem>>
      tpu.wait_dma2 semaphore(%run_scoped3A : memref<!tpu.dma_semaphore, #tpu.memory_space<semaphore_mem>>) src(%dma_wait3A_66 : memref<80000xf32, #tpu.memory_space<vmem>>) dst(%dma_wait3A_64 : memref<80000xf32, #tpu.memory_space<hbm>>)
      tpu.yield
    }) : () -> ()
    return
  }
}

#map = affine_map<(d0, d1) -> (0)>
#map1 = affine_map<(d0, d1) -> (0, 0)>
module attributes {stable_mosaic.version = 14 : i64} {
  func.func @k(%arg0: i32, %arg1: i32, %arg2: memref<5120000xf32, #tpu.memory_space<hbm>>, %arg3: memref<320000xi32, #tpu.memory_space<hbm>>, %arg4: memref<32x80000xf32, #tpu.memory_space<hbm>>, %arg5: memref<80016xf32, #tpu.memory_space<vmem>>, %arg6: memref<800xi32, #tpu.memory_space<vmem>>, %arg7: memref<12800xf32, #tpu.memory_space<vmem>>) attributes {dimension_semantics = [#tpu.dimension_semantics<core_parallel>, #tpu.dimension_semantics<subcore_parallel>], iteration_bounds = array<i64: 2, 16>, scalar_prefetch = 0 : i64, scratch_operands = 3 : i64, tpu.core_type = #tpu.core_type<sc_vector_subcore>, window_params = [{transform_indices = #map}, {transform_indices = #map}, {transform_indices = #map1}]} {
    %mul3A = arith.constant 2 : i32
    %mul3A_0 = arith.muli %arg1, %mul3A : i32
    %add3A = arith.addi %mul3A_0, %arg0 : i32
    %jit3A = arith.constant 2 : i32
    %eq3A = arith.constant 0 : i32
    %eq3A_1 = arith.cmpi eq, %jit3A, %eq3A : i32
    %jit3A_2 = arith.constant 1 : i32
    %select_n3A = arith.select %eq3A_1, %jit3A_2, %jit3A : i32
    %rem3A = arith.remsi %add3A, %select_n3A : i32
    %ne3A = arith.constant 0 : i32
    %ne3A_3 = arith.cmpi ne, %rem3A, %ne3A : i32
    %lt3A = arith.constant 0 : i32
    %lt3A_4 = arith.cmpi slt, %rem3A, %lt3A : i32
    %lt3A_5 = arith.constant 0 : i32
    %lt3A_6 = arith.cmpi slt, %select_n3A, %lt3A_5 : i32
    %ne3A_7 = arith.xori %lt3A_4, %lt3A_6 : i1
    %and3A = arith.andi %ne3A_7, %ne3A_3 : i1
    %add3A_8 = arith.addi %rem3A, %select_n3A : i32
    %select_n3A_9 = arith.select %and3A, %add3A_8, %rem3A : i32
    %jit3A_10 = arith.constant 2 : i32
    %div3A = arith.divsi %add3A, %jit3A_10 : i32
    %sign3A = arith.constant 0 : i32
    %sign3A_11 = arith.cmpi sgt, %add3A, %sign3A : i32
    %sign3A_12 = arith.extui %sign3A_11 : i1 to i32
    %sign3A_13 = arith.constant 0 : i32
    %sign3A_14 = arith.cmpi slt, %add3A, %sign3A_13 : i32
    %sign3A_15 = arith.extui %sign3A_14 : i1 to i32
    %sign3A_16 = arith.subi %sign3A_12, %sign3A_15 : i32
    %sign3A_17 = arith.constant 0 : i32
    %sign3A_18 = arith.cmpi sgt, %jit3A_10, %sign3A_17 : i32
    %sign3A_19 = arith.extui %sign3A_18 : i1 to i32
    %sign3A_20 = arith.constant 0 : i32
    %sign3A_21 = arith.cmpi slt, %jit3A_10, %sign3A_20 : i32
    %sign3A_22 = arith.extui %sign3A_21 : i1 to i32
    %sign3A_23 = arith.subi %sign3A_19, %sign3A_22 : i32
    %ne3A_24 = arith.cmpi ne, %sign3A_16, %sign3A_23 : i32
    %rem3A_25 = arith.remsi %add3A, %jit3A_10 : i32
    %ne3A_26 = arith.constant 0 : i32
    %ne3A_27 = arith.cmpi ne, %rem3A_25, %ne3A_26 : i32
    %and3A_28 = arith.andi %ne3A_24, %ne3A_27 : i1
    %sub3A = arith.constant 1 : i32
    %sub3A_29 = arith.subi %div3A, %sub3A : i32
    %select_n3A_30 = arith.select %and3A_28, %sub3A_29, %div3A : i32
    %mul3A_31 = arith.constant 5000 : i32
    %mul3A_32 = arith.muli %select_n3A_9, %mul3A_31 : i32
    %scan3A = arith.constant 0 : i32
    %scan3A_33 = arith.constant 0 : i32
    %scan3A_34 = arith.constant 5001 : i32
    %scan3A_35 = arith.addi %scan3A_33, %scan3A_34 : i32
    %scan3A_36 = arith.constant 1 : i32
    scf.for %scan3A_49 = %scan3A_33 to %scan3A_35 step %scan3A_36  : i32 {
      %broadcast_in_dim3A = arith.constant 0xFF800000 : f32
      %broadcast_in_dim3A_50 = vector.broadcast %broadcast_in_dim3A : f32 to vector<16xf32>
      %mul3A_51 = arith.constant 16 : i32
      %mul3A_52 = arith.muli %scan3A_49, %mul3A_51 : i32
      %swap3A = arith.index_cast %mul3A_52 : i32 to index
      %swap3A_53 = tpu.vector_load %arg5[%swap3A] {strides = array<i32>} : memref<80016xf32, #tpu.memory_space<vmem>>, vector<16xf32>,
      %swap3A_54 = vector.shape_cast %swap3A_53 : vector<16xf32> to vector<16xf32>
      %swap3A_55 = vector.shape_cast %broadcast_in_dim3A_50 : vector<16xf32> to vector<16xf32>
      tpu.vector_store %arg5[%swap3A], %swap3A_55 {strides = array<i32>} : memref<80016xf32, #tpu.memory_space<vmem>>, vector<16xf32>,
    }
    %scan3A_37 = arith.constant 5001 : i32
    %mul3A_38 = arith.constant 20000 : i32
    %mul3A_39 = arith.muli %select_n3A_30, %mul3A_38 : i32
    %scan3A_40 = arith.constant 0 : i32
    %scan3A_41 = arith.constant 0 : i32
    %scan3A_42 = arith.constant 25 : i32
    %scan3A_43 = arith.addi %scan3A_41, %scan3A_42 : i32
    %scan3A_44 = arith.constant 1 : i32
    scf.for %scan3A_49 = %scan3A_41 to %scan3A_43 step %scan3A_44  : i32 {
      %mul3A_50 = arith.constant 800 : i32
      %mul3A_51 = arith.muli %scan3A_49, %mul3A_50 : i32
      %add3A_52 = arith.addi %mul3A_39, %mul3A_51 : i32
      "tpu.region"() ({
        %run_scoped3A = tpu.sem_alloc : memref<!tpu.dma_semaphore, #tpu.memory_space<semaphore_mem>>
        %dma_start3A = tpu.memref_slice %arg3[%add3A_52] : memref<320000xi32, #tpu.memory_space<hbm>> -> memref<800xi32, #tpu.memory_space<hbm>>
        %dma_start3A_61 = tpu.memref_slice %arg3[%add3A_52] : memref<320000xi32, #tpu.memory_space<hbm>> -> memref<800xi32, #tpu.memory_space<hbm>>
        tpu.enqueue_dma source(%dma_start3A_61 : memref<800xi32, #tpu.memory_space<hbm>>) target(%arg6 : memref<800xi32, #tpu.memory_space<vmem>>) target_semaphore(%run_scoped3A : memref<!tpu.dma_semaphore, #tpu.memory_space<semaphore_mem>>)
        %dma_wait3A = tpu.memref_slice %arg3[%add3A_52] : memref<320000xi32, #tpu.memory_space<hbm>> -> memref<800xi32, #tpu.memory_space<hbm>>
        %dma_wait3A_62 = tpu.memref_slice %arg3[%add3A_52] : memref<320000xi32, #tpu.memory_space<hbm>> -> memref<800xi32, #tpu.memory_space<hbm>>
        tpu.wait_dma2 semaphore(%run_scoped3A : memref<!tpu.dma_semaphore, #tpu.memory_space<semaphore_mem>>) src(%dma_wait3A_62 : memref<800xi32, #tpu.memory_space<hbm>>) dst(%arg6 : memref<800xi32, #tpu.memory_space<vmem>>)
        tpu.yield
      }) : () -> ()
      %mul3A_53 = arith.constant 16 : i32
      %mul3A_54 = arith.muli %add3A_52, %mul3A_53 : i32
      "tpu.region"() ({
        %run_scoped3A = tpu.sem_alloc : memref<!tpu.dma_semaphore, #tpu.memory_space<semaphore_mem>>
        %dma_start3A = tpu.memref_slice %arg2[%mul3A_54] : memref<5120000xf32, #tpu.memory_space<hbm>> -> memref<12800xf32, #tpu.memory_space<hbm>>
        %dma_start3A_61 = tpu.memref_slice %arg2[%mul3A_54] : memref<5120000xf32, #tpu.memory_space<hbm>> -> memref<12800xf32, #tpu.memory_space<hbm>>
        tpu.enqueue_dma source(%dma_start3A_61 : memref<12800xf32, #tpu.memory_space<hbm>>) target(%arg7 : memref<12800xf32, #tpu.memory_space<vmem>>) target_semaphore(%run_scoped3A : memref<!tpu.dma_semaphore, #tpu.memory_space<semaphore_mem>>)
        %dma_wait3A = tpu.memref_slice %arg2[%mul3A_54] : memref<5120000xf32, #tpu.memory_space<hbm>> -> memref<12800xf32, #tpu.memory_space<hbm>>
        %dma_wait3A_62 = tpu.memref_slice %arg2[%mul3A_54] : memref<5120000xf32, #tpu.memory_space<hbm>> -> memref<12800xf32, #tpu.memory_space<hbm>>
        tpu.wait_dma2 semaphore(%run_scoped3A : memref<!tpu.dma_semaphore, #tpu.memory_space<semaphore_mem>>) src(%dma_wait3A_62 : memref<12800xf32, #tpu.memory_space<hbm>>) dst(%arg7 : memref<12800xf32, #tpu.memory_space<vmem>>)
        tpu.yield
      }) : () -> ()
      %scan3A_55 = arith.constant 0 : i32
      %scan3A_56 = arith.constant 0 : i32
      %scan3A_57 = arith.constant 50 : i32
      %scan3A_58 = arith.addi %scan3A_56, %scan3A_57 : i32
      %scan3A_59 = arith.constant 1 : i32
      scf.for %scan3A_61 = %scan3A_56 to %scan3A_58 step %scan3A_59  : i32 {
        %mul3A_62 = arith.constant 16 : i32
        %mul3A_63 = arith.muli %scan3A_61, %mul3A_62 : i32
        %get3A = arith.index_cast %mul3A_63 : i32 to index
        %get3A_64 = tpu.vector_load %arg6[%get3A] {strides = array<i32>} : memref<800xi32, #tpu.memory_space<vmem>>, vector<16xi32>,
        %get3A_65 = vector.shape_cast %get3A_64 : vector<16xi32> to vector<16xi32>
        %slice3A = vector.extract_strided_slice %get3A_65 {offsets = [0], sizes = [1], strides = [1]} : vector<16xi32> to vector<1xi32>
        %squeeze3A = vector.extract %slice3A[0] : i32 from vector<1xi32>
        %sub3A_66 = arith.subi %squeeze3A, %mul3A_32 : i32
        %ge3A = arith.constant 0 : i32
        %ge3A_67 = arith.cmpi sge, %sub3A_66, %ge3A : i32
        %lt3A_68 = arith.constant 5000 : i32
        %lt3A_69 = arith.cmpi slt, %sub3A_66, %lt3A_68 : i32
        %and3A_70 = arith.andi %ge3A_67, %lt3A_69 : i1
        %select_n3A_71 = arith.constant 5000 : i32
        %select_n3A_72 = arith.select %and3A_70, %sub3A_66, %select_n3A_71 : i32
        %mul3A_73 = arith.constant 16 : i32
        %mul3A_74 = arith.muli %scan3A_61, %mul3A_73 : i32
        %add3A_75 = arith.constant 0 : i32
        %add3A_76 = arith.addi %mul3A_74, %add3A_75 : i32
        %mul3A_77 = arith.constant 16 : i32
        %mul3A_78 = arith.muli %select_n3A_72, %mul3A_77 : i32
        %add3A_79 = arith.constant 0 : i32
        %add3A_80 = arith.addi %mul3A_78, %add3A_79 : i32
        %mul3A_81 = arith.constant 16 : i32
        %mul3A_82 = arith.muli %add3A_76, %mul3A_81 : i32
        %add3A_83 = arith.constant 0 : i32
        %add3A_84 = arith.addi %mul3A_82, %add3A_83 : i32
        %get3A_85 = arith.index_cast %add3A_80 : i32 to index
        %get3A_86 = tpu.vector_load %arg5[%get3A_85] {strides = array<i32>} : memref<80016xf32, #tpu.memory_space<vmem>>, vector<16xf32>,
        %get3A_87 = vector.shape_cast %get3A_86 : vector<16xf32> to vector<16xf32>
        %get3A_88 = arith.index_cast %add3A_84 : i32 to index
        %get3A_89 = tpu.vector_load %arg7[%get3A_88] {strides = array<i32>} : memref<12800xf32, #tpu.memory_space<vmem>>, vector<16xf32>,
        %get3A_90 = vector.shape_cast %get3A_89 : vector<16xf32> to vector<16xf32>
        %max3A = arith.maximumf %get3A_87, %get3A_90 : vector<16xf32>
        %swap3A = arith.index_cast %add3A_80 : i32 to index
        %swap3A_91 = tpu.vector_load %arg5[%swap3A] {strides = array<i32>} : memref<80016xf32, #tpu.memory_space<vmem>>, vector<16xf32>,
        %swap3A_92 = vector.shape_cast %swap3A_91 : vector<16xf32> to vector<16xf32>
        %swap3A_93 = vector.shape_cast %max3A : vector<16xf32> to vector<16xf32>
        tpu.vector_store %arg5[%swap3A], %swap3A_93 {strides = array<i32>} : memref<80016xf32, #tpu.memory_space<vmem>>, vector<16xf32>,
        %slice3A_94 = vector.extract_strided_slice %get3A_65 {offsets = [1], sizes = [1], strides = [1]} : vector<16xi32> to vector<1xi32>
        %squeeze3A_95 = vector.extract %slice3A_94[0] : i32 from vector<1xi32>
        %sub3A_96 = arith.subi %squeeze3A_95, %mul3A_32 : i32
        %ge3A_97 = arith.constant 0 : i32
        %ge3A_98 = arith.cmpi sge, %sub3A_96, %ge3A_97 : i32
        %lt3A_99 = arith.constant 5000 : i32
        %lt3A_100 = arith.cmpi slt, %sub3A_96, %lt3A_99 : i32
        %and3A_101 = arith.andi %ge3A_98, %lt3A_100 : i1
        %select_n3A_102 = arith.constant 5000 : i32
        %select_n3A_103 = arith.select %and3A_101, %sub3A_96, %select_n3A_102 : i32
        %mul3A_104 = arith.constant 16 : i32
        %mul3A_105 = arith.muli %scan3A_61, %mul3A_104 : i32
        %add3A_106 = arith.constant 1 : i32
        %add3A_107 = arith.addi %mul3A_105, %add3A_106 : i32
        %mul3A_108 = arith.constant 16 : i32
        %mul3A_109 = arith.muli %select_n3A_103, %mul3A_108 : i32
        %add3A_110 = arith.constant 0 : i32
        %add3A_111 = arith.addi %mul3A_109, %add3A_110 : i32
        %mul3A_112 = arith.constant 16 : i32
        %mul3A_113 = arith.muli %add3A_107, %mul3A_112 : i32
        %add3A_114 = arith.constant 0 : i32
        %add3A_115 = arith.addi %mul3A_113, %add3A_114 : i32
        %get3A_116 = arith.index_cast %add3A_111 : i32 to index
        %get3A_117 = tpu.vector_load %arg5[%get3A_116] {strides = array<i32>} : memref<80016xf32, #tpu.memory_space<vmem>>, vector<16xf32>,
        %get3A_118 = vector.shape_cast %get3A_117 : vector<16xf32> to vector<16xf32>
        %get3A_119 = arith.index_cast %add3A_115 : i32 to index
        %get3A_120 = tpu.vector_load %arg7[%get3A_119] {strides = array<i32>} : memref<12800xf32, #tpu.memory_space<vmem>>, vector<16xf32>,
        %get3A_121 = vector.shape_cast %get3A_120 : vector<16xf32> to vector<16xf32>
        %max3A_122 = arith.maximumf %get3A_118, %get3A_121 : vector<16xf32>
        %swap3A_123 = arith.index_cast %add3A_111 : i32 to index
        %swap3A_124 = tpu.vector_load %arg5[%swap3A_123] {strides = array<i32>} : memref<80016xf32, #tpu.memory_space<vmem>>, vector<16xf32>,
        %swap3A_125 = vector.shape_cast %swap3A_124 : vector<16xf32> to vector<16xf32>
        %swap3A_126 = vector.shape_cast %max3A_122 : vector<16xf32> to vector<16xf32>
        tpu.vector_store %arg5[%swap3A_123], %swap3A_126 {strides = array<i32>} : memref<80016xf32, #tpu.memory_space<vmem>>, vector<16xf32>,
        %slice3A_127 = vector.extract_strided_slice %get3A_65 {offsets = [2], sizes = [1], strides = [1]} : vector<16xi32> to vector<1xi32>
        %squeeze3A_128 = vector.extract %slice3A_127[0] : i32 from vector<1xi32>
        %sub3A_129 = arith.subi %squeeze3A_128, %mul3A_32 : i32
        %ge3A_130 = arith.constant 0 : i32
        %ge3A_131 = arith.cmpi sge, %sub3A_129, %ge3A_130 : i32
        %lt3A_132 = arith.constant 5000 : i32
        %lt3A_133 = arith.cmpi slt, %sub3A_129, %lt3A_132 : i32
        %and3A_134 = arith.andi %ge3A_131, %lt3A_133 : i1
        %select_n3A_135 = arith.constant 5000 : i32
        %select_n3A_136 = arith.select %and3A_134, %sub3A_129, %select_n3A_135 : i32
        %mul3A_137 = arith.constant 16 : i32
        %mul3A_138 = arith.muli %scan3A_61, %mul3A_137 : i32
        %add3A_139 = arith.constant 2 : i32
        %add3A_140 = arith.addi %mul3A_138, %add3A_139 : i32
        %mul3A_141 = arith.constant 16 : i32
        %mul3A_142 = arith.muli %select_n3A_136, %mul3A_141 : i32
        %add3A_143 = arith.constant 0 : i32
        %add3A_144 = arith.addi %mul3A_142, %add3A_143 : i32
        %mul3A_145 = arith.constant 16 : i32
        %mul3A_146 = arith.muli %add3A_140, %mul3A_145 : i32
        %add3A_147 = arith.constant 0 : i32
        %add3A_148 = arith.addi %mul3A_146, %add3A_147 : i32
        %get3A_149 = arith.index_cast %add3A_144 : i32 to index
        %get3A_150 = tpu.vector_load %arg5[%get3A_149] {strides = array<i32>} : memref<80016xf32, #tpu.memory_space<vmem>>, vector<16xf32>,
        %get3A_151 = vector.shape_cast %get3A_150 : vector<16xf32> to vector<16xf32>
        %get3A_152 = arith.index_cast %add3A_148 : i32 to index
        %get3A_153 = tpu.vector_load %arg7[%get3A_152] {strides = array<i32>} : memref<12800xf32, #tpu.memory_space<vmem>>, vector<16xf32>,
        %get3A_154 = vector.shape_cast %get3A_153 : vector<16xf32> to vector<16xf32>
        %max3A_155 = arith.maximumf %get3A_151, %get3A_154 : vector<16xf32>
        %swap3A_156 = arith.index_cast %add3A_144 : i32 to index
        %swap3A_157 = tpu.vector_load %arg5[%swap3A_156] {strides = array<i32>} : memref<80016xf32, #tpu.memory_space<vmem>>, vector<16xf32>,
        %swap3A_158 = vector.shape_cast %swap3A_157 : vector<16xf32> to vector<16xf32>
        %swap3A_159 = vector.shape_cast %max3A_155 : vector<16xf32> to vector<16xf32>
        tpu.vector_store %arg5[%swap3A_156], %swap3A_159 {strides = array<i32>} : memref<80016xf32, #tpu.memory_space<vmem>>, vector<16xf32>,
        %slice3A_160 = vector.extract_strided_slice %get3A_65 {offsets = [3], sizes = [1], strides = [1]} : vector<16xi32> to vector<1xi32>
        %squeeze3A_161 = vector.extract %slice3A_160[0] : i32 from vector<1xi32>
        %sub3A_162 = arith.subi %squeeze3A_161, %mul3A_32 : i32
        %ge3A_163 = arith.constant 0 : i32
        %ge3A_164 = arith.cmpi sge, %sub3A_162, %ge3A_163 : i32
        %lt3A_165 = arith.constant 5000 : i32
        %lt3A_166 = arith.cmpi slt, %sub3A_162, %lt3A_165 : i32
        %and3A_167 = arith.andi %ge3A_164, %lt3A_166 : i1
        %select_n3A_168 = arith.constant 5000 : i32
        %select_n3A_169 = arith.select %and3A_167, %sub3A_162, %select_n3A_168 : i32
        %mul3A_170 = arith.constant 16 : i32
        %mul3A_171 = arith.muli %scan3A_61, %mul3A_170 : i32
        %add3A_172 = arith.constant 3 : i32
        %add3A_173 = arith.addi %mul3A_171, %add3A_172 : i32
        %mul3A_174 = arith.constant 16 : i32
        %mul3A_175 = arith.muli %select_n3A_169, %mul3A_174 : i32
        %add3A_176 = arith.constant 0 : i32
        %add3A_177 = arith.addi %mul3A_175, %add3A_176 : i32
        %mul3A_178 = arith.constant 16 : i32
        %mul3A_179 = arith.muli %add3A_173, %mul3A_178 : i32
        %add3A_180 = arith.constant 0 : i32
        %add3A_181 = arith.addi %mul3A_179, %add3A_180 : i32
        %get3A_182 = arith.index_cast %add3A_177 : i32 to index
        %get3A_183 = tpu.vector_load %arg5[%get3A_182] {strides = array<i32>} : memref<80016xf32, #tpu.memory_space<vmem>>, vector<16xf32>,
        %get3A_184 = vector.shape_cast %get3A_183 : vector<16xf32> to vector<16xf32>
        %get3A_185 = arith.index_cast %add3A_181 : i32 to index
        %get3A_186 = tpu.vector_load %arg7[%get3A_185] {strides = array<i32>} : memref<12800xf32, #tpu.memory_space<vmem>>, vector<16xf32>,
        %get3A_187 = vector.shape_cast %get3A_186 : vector<16xf32> to vector<16xf32>
        %max3A_188 = arith.maximumf %get3A_184, %get3A_187 : vector<16xf32>
        %swap3A_189 = arith.index_cast %add3A_177 : i32 to index
        %swap3A_190 = tpu.vector_load %arg5[%swap3A_189] {strides = array<i32>} : memref<80016xf32, #tpu.memory_space<vmem>>, vector<16xf32>,
        %swap3A_191 = vector.shape_cast %swap3A_190 : vector<16xf32> to vector<16xf32>
        %swap3A_192 = vector.shape_cast %max3A_188 : vector<16xf32> to vector<16xf32>
        tpu.vector_store %arg5[%swap3A_189], %swap3A_192 {strides = array<i32>} : memref<80016xf32, #tpu.memory_space<vmem>>, vector<16xf32>,
        %slice3A_193 = vector.extract_strided_slice %get3A_65 {offsets = [4], sizes = [1], strides = [1]} : vector<16xi32> to vector<1xi32>
        %squeeze3A_194 = vector.extract %slice3A_193[0] : i32 from vector<1xi32>
        %sub3A_195 = arith.subi %squeeze3A_194, %mul3A_32 : i32
        %ge3A_196 = arith.constant 0 : i32
        %ge3A_197 = arith.cmpi sge, %sub3A_195, %ge3A_196 : i32
        %lt3A_198 = arith.constant 5000 : i32
        %lt3A_199 = arith.cmpi slt, %sub3A_195, %lt3A_198 : i32
        %and3A_200 = arith.andi %ge3A_197, %lt3A_199 : i1
        %select_n3A_201 = arith.constant 5000 : i32
        %select_n3A_202 = arith.select %and3A_200, %sub3A_195, %select_n3A_201 : i32
        %mul3A_203 = arith.constant 16 : i32
        %mul3A_204 = arith.muli %scan3A_61, %mul3A_203 : i32
        %add3A_205 = arith.constant 4 : i32
        %add3A_206 = arith.addi %mul3A_204, %add3A_205 : i32
        %mul3A_207 = arith.constant 16 : i32
        %mul3A_208 = arith.muli %select_n3A_202, %mul3A_207 : i32
        %add3A_209 = arith.constant 0 : i32
        %add3A_210 = arith.addi %mul3A_208, %add3A_209 : i32
        %mul3A_211 = arith.constant 16 : i32
        %mul3A_212 = arith.muli %add3A_206, %mul3A_211 : i32
        %add3A_213 = arith.constant 0 : i32
        %add3A_214 = arith.addi %mul3A_212, %add3A_213 : i32
        %get3A_215 = arith.index_cast %add3A_210 : i32 to index
        %get3A_216 = tpu.vector_load %arg5[%get3A_215] {strides = array<i32>} : memref<80016xf32, #tpu.memory_space<vmem>>, vector<16xf32>,
        %get3A_217 = vector.shape_cast %get3A_216 : vector<16xf32> to vector<16xf32>
        %get3A_218 = arith.index_cast %add3A_214 : i32 to index
        %get3A_219 = tpu.vector_load %arg7[%get3A_218] {strides = array<i32>} : memref<12800xf32, #tpu.memory_space<vmem>>, vector<16xf32>,
        %get3A_220 = vector.shape_cast %get3A_219 : vector<16xf32> to vector<16xf32>
        %max3A_221 = arith.maximumf %get3A_217, %get3A_220 : vector<16xf32>
        %swap3A_222 = arith.index_cast %add3A_210 : i32 to index
        %swap3A_223 = tpu.vector_load %arg5[%swap3A_222] {strides = array<i32>} : memref<80016xf32, #tpu.memory_space<vmem>>, vector<16xf32>,
        %swap3A_224 = vector.shape_cast %swap3A_223 : vector<16xf32> to vector<16xf32>
        %swap3A_225 = vector.shape_cast %max3A_221 : vector<16xf32> to vector<16xf32>
        tpu.vector_store %arg5[%swap3A_222], %swap3A_225 {strides = array<i32>} : memref<80016xf32, #tpu.memory_space<vmem>>, vector<16xf32>,
        %slice3A_226 = vector.extract_strided_slice %get3A_65 {offsets = [5], sizes = [1], strides = [1]} : vector<16xi32> to vector<1xi32>
        %squeeze3A_227 = vector.extract %slice3A_226[0] : i32 from vector<1xi32>
        %sub3A_228 = arith.subi %squeeze3A_227, %mul3A_32 : i32
        %ge3A_229 = arith.constant 0 : i32
        %ge3A_230 = arith.cmpi sge, %sub3A_228, %ge3A_229 : i32
        %lt3A_231 = arith.constant 5000 : i32
        %lt3A_232 = arith.cmpi slt, %sub3A_228, %lt3A_231 : i32
        %and3A_233 = arith.andi %ge3A_230, %lt3A_232 : i1
        %select_n3A_234 = arith.constant 5000 : i32
        %select_n3A_235 = arith.select %and3A_233, %sub3A_228, %select_n3A_234 : i32
        %mul3A_236 = arith.constant 16 : i32
        %mul3A_237 = arith.muli %scan3A_61, %mul3A_236 : i32
        %add3A_238 = arith.constant 5 : i32
        %add3A_239 = arith.addi %mul3A_237, %add3A_238 : i32
        %mul3A_240 = arith.constant 16 : i32
        %mul3A_241 = arith.muli %select_n3A_235, %mul3A_240 : i32
        %add3A_242 = arith.constant 0 : i32
        %add3A_243 = arith.addi %mul3A_241, %add3A_242 : i32
        %mul3A_244 = arith.constant 16 : i32
        %mul3A_245 = arith.muli %add3A_239, %mul3A_244 : i32
        %add3A_246 = arith.constant 0 : i32
        %add3A_247 = arith.addi %mul3A_245, %add3A_246 : i32
        %get3A_248 = arith.index_cast %add3A_243 : i32 to index
        %get3A_249 = tpu.vector_load %arg5[%get3A_248] {strides = array<i32>} : memref<80016xf32, #tpu.memory_space<vmem>>, vector<16xf32>,
        %get3A_250 = vector.shape_cast %get3A_249 : vector<16xf32> to vector<16xf32>
        %get3A_251 = arith.index_cast %add3A_247 : i32 to index
        %get3A_252 = tpu.vector_load %arg7[%get3A_251] {strides = array<i32>} : memref<12800xf32, #tpu.memory_space<vmem>>, vector<16xf32>,
        %get3A_253 = vector.shape_cast %get3A_252 : vector<16xf32> to vector<16xf32>
        %max3A_254 = arith.maximumf %get3A_250, %get3A_253 : vector<16xf32>
        %swap3A_255 = arith.index_cast %add3A_243 : i32 to index
        %swap3A_256 = tpu.vector_load %arg5[%swap3A_255] {strides = array<i32>} : memref<80016xf32, #tpu.memory_space<vmem>>, vector<16xf32>,
        %swap3A_257 = vector.shape_cast %swap3A_256 : vector<16xf32> to vector<16xf32>
        %swap3A_258 = vector.shape_cast %max3A_254 : vector<16xf32> to vector<16xf32>
        tpu.vector_store %arg5[%swap3A_255], %swap3A_258 {strides = array<i32>} : memref<80016xf32, #tpu.memory_space<vmem>>, vector<16xf32>,
        %slice3A_259 = vector.extract_strided_slice %get3A_65 {offsets = [6], sizes = [1], strides = [1]} : vector<16xi32> to vector<1xi32>
        %squeeze3A_260 = vector.extract %slice3A_259[0] : i32 from vector<1xi32>
        %sub3A_261 = arith.subi %squeeze3A_260, %mul3A_32 : i32
        %ge3A_262 = arith.constant 0 : i32
        %ge3A_263 = arith.cmpi sge, %sub3A_261, %ge3A_262 : i32
        %lt3A_264 = arith.constant 5000 : i32
        %lt3A_265 = arith.cmpi slt, %sub3A_261, %lt3A_264 : i32
        %and3A_266 = arith.andi %ge3A_263, %lt3A_265 : i1
        %select_n3A_267 = arith.constant 5000 : i32
        %select_n3A_268 = arith.select %and3A_266, %sub3A_261, %select_n3A_267 : i32
        %mul3A_269 = arith.constant 16 : i32
        %mul3A_270 = arith.muli %scan3A_61, %mul3A_269 : i32
        %add3A_271 = arith.constant 6 : i32
        %add3A_272 = arith.addi %mul3A_270, %add3A_271 : i32
        %mul3A_273 = arith.constant 16 : i32
        %mul3A_274 = arith.muli %select_n3A_268, %mul3A_273 : i32
        %add3A_275 = arith.constant 0 : i32
        %add3A_276 = arith.addi %mul3A_274, %add3A_275 : i32
        %mul3A_277 = arith.constant 16 : i32
        %mul3A_278 = arith.muli %add3A_272, %mul3A_277 : i32
        %add3A_279 = arith.constant 0 : i32
        %add3A_280 = arith.addi %mul3A_278, %add3A_279 : i32
        %get3A_281 = arith.index_cast %add3A_276 : i32 to index
        %get3A_282 = tpu.vector_load %arg5[%get3A_281] {strides = array<i32>} : memref<80016xf32, #tpu.memory_space<vmem>>, vector<16xf32>,
        %get3A_283 = vector.shape_cast %get3A_282 : vector<16xf32> to vector<16xf32>
        %get3A_284 = arith.index_cast %add3A_280 : i32 to index
        %get3A_285 = tpu.vector_load %arg7[%get3A_284] {strides = array<i32>} : memref<12800xf32, #tpu.memory_space<vmem>>, vector<16xf32>,
        %get3A_286 = vector.shape_cast %get3A_285 : vector<16xf32> to vector<16xf32>
        %max3A_287 = arith.maximumf %get3A_283, %get3A_286 : vector<16xf32>
        %swap3A_288 = arith.index_cast %add3A_276 : i32 to index
        %swap3A_289 = tpu.vector_load %arg5[%swap3A_288] {strides = array<i32>} : memref<80016xf32, #tpu.memory_space<vmem>>, vector<16xf32>,
        %swap3A_290 = vector.shape_cast %swap3A_289 : vector<16xf32> to vector<16xf32>
        %swap3A_291 = vector.shape_cast %max3A_287 : vector<16xf32> to vector<16xf32>
        tpu.vector_store %arg5[%swap3A_288], %swap3A_291 {strides = array<i32>} : memref<80016xf32, #tpu.memory_space<vmem>>, vector<16xf32>,
        %slice3A_292 = vector.extract_strided_slice %get3A_65 {offsets = [7], sizes = [1], strides = [1]} : vector<16xi32> to vector<1xi32>
        %squeeze3A_293 = vector.extract %slice3A_292[0] : i32 from vector<1xi32>
        %sub3A_294 = arith.subi %squeeze3A_293, %mul3A_32 : i32
        %ge3A_295 = arith.constant 0 : i32
        %ge3A_296 = arith.cmpi sge, %sub3A_294, %ge3A_295 : i32
        %lt3A_297 = arith.constant 5000 : i32
        %lt3A_298 = arith.cmpi slt, %sub3A_294, %lt3A_297 : i32
        %and3A_299 = arith.andi %ge3A_296, %lt3A_298 : i1
        %select_n3A_300 = arith.constant 5000 : i32
        %select_n3A_301 = arith.select %and3A_299, %sub3A_294, %select_n3A_300 : i32
        %mul3A_302 = arith.constant 16 : i32
        %mul3A_303 = arith.muli %scan3A_61, %mul3A_302 : i32
        %add3A_304 = arith.constant 7 : i32
        %add3A_305 = arith.addi %mul3A_303, %add3A_304 : i32
        %mul3A_306 = arith.constant 16 : i32
        %mul3A_307 = arith.muli %select_n3A_301, %mul3A_306 : i32
        %add3A_308 = arith.constant 0 : i32
        %add3A_309 = arith.addi %mul3A_307, %add3A_308 : i32
        %mul3A_310 = arith.constant 16 : i32
        %mul3A_311 = arith.muli %add3A_305, %mul3A_310 : i32
        %add3A_312 = arith.constant 0 : i32
        %add3A_313 = arith.addi %mul3A_311, %add3A_312 : i32
        %get3A_314 = arith.index_cast %add3A_309 : i32 to index
        %get3A_315 = tpu.vector_load %arg5[%get3A_314] {strides = array<i32>} : memref<80016xf32, #tpu.memory_space<vmem>>, vector<16xf32>,
        %get3A_316 = vector.shape_cast %get3A_315 : vector<16xf32> to vector<16xf32>
        %get3A_317 = arith.index_cast %add3A_313 : i32 to index
        %get3A_318 = tpu.vector_load %arg7[%get3A_317] {strides = array<i32>} : memref<12800xf32, #tpu.memory_space<vmem>>, vector<16xf32>,
        %get3A_319 = vector.shape_cast %get3A_318 : vector<16xf32> to vector<16xf32>
        %max3A_320 = arith.maximumf %get3A_316, %get3A_319 : vector<16xf32>
        %swap3A_321 = arith.index_cast %add3A_309 : i32 to index
        %swap3A_322 = tpu.vector_load %arg5[%swap3A_321] {strides = array<i32>} : memref<80016xf32, #tpu.memory_space<vmem>>, vector<16xf32>,
        %swap3A_323 = vector.shape_cast %swap3A_322 : vector<16xf32> to vector<16xf32>
        %swap3A_324 = vector.shape_cast %max3A_320 : vector<16xf32> to vector<16xf32>
        tpu.vector_store %arg5[%swap3A_321], %swap3A_324 {strides = array<i32>} : memref<80016xf32, #tpu.memory_space<vmem>>, vector<16xf32>,
        %slice3A_325 = vector.extract_strided_slice %get3A_65 {offsets = [8], sizes = [1], strides = [1]} : vector<16xi32> to vector<1xi32>
        %squeeze3A_326 = vector.extract %slice3A_325[0] : i32 from vector<1xi32>
        %sub3A_327 = arith.subi %squeeze3A_326, %mul3A_32 : i32
        %ge3A_328 = arith.constant 0 : i32
        %ge3A_329 = arith.cmpi sge, %sub3A_327, %ge3A_328 : i32
        %lt3A_330 = arith.constant 5000 : i32
        %lt3A_331 = arith.cmpi slt, %sub3A_327, %lt3A_330 : i32
        %and3A_332 = arith.andi %ge3A_329, %lt3A_331 : i1
        %select_n3A_333 = arith.constant 5000 : i32
        %select_n3A_334 = arith.select %and3A_332, %sub3A_327, %select_n3A_333 : i32
        %mul3A_335 = arith.constant 16 : i32
        %mul3A_336 = arith.muli %scan3A_61, %mul3A_335 : i32
        %add3A_337 = arith.constant 8 : i32
        %add3A_338 = arith.addi %mul3A_336, %add3A_337 : i32
        %mul3A_339 = arith.constant 16 : i32
        %mul3A_340 = arith.muli %select_n3A_334, %mul3A_339 : i32
        %add3A_341 = arith.constant 0 : i32
        %add3A_342 = arith.addi %mul3A_340, %add3A_341 : i32
        %mul3A_343 = arith.constant 16 : i32
        %mul3A_344 = arith.muli %add3A_338, %mul3A_343 : i32
        %add3A_345 = arith.constant 0 : i32
        %add3A_346 = arith.addi %mul3A_344, %add3A_345 : i32
        %get3A_347 = arith.index_cast %add3A_342 : i32 to index
        %get3A_348 = tpu.vector_load %arg5[%get3A_347] {strides = array<i32>} : memref<80016xf32, #tpu.memory_space<vmem>>, vector<16xf32>,
        %get3A_349 = vector.shape_cast %get3A_348 : vector<16xf32> to vector<16xf32>
        %get3A_350 = arith.index_cast %add3A_346 : i32 to index
        %get3A_351 = tpu.vector_load %arg7[%get3A_350] {strides = array<i32>} : memref<12800xf32, #tpu.memory_space<vmem>>, vector<16xf32>,
        %get3A_352 = vector.shape_cast %get3A_351 : vector<16xf32> to vector<16xf32>
        %max3A_353 = arith.maximumf %get3A_349, %get3A_352 : vector<16xf32>
        %swap3A_354 = arith.index_cast %add3A_342 : i32 to index
        %swap3A_355 = tpu.vector_load %arg5[%swap3A_354] {strides = array<i32>} : memref<80016xf32, #tpu.memory_space<vmem>>, vector<16xf32>,
        %swap3A_356 = vector.shape_cast %swap3A_355 : vector<16xf32> to vector<16xf32>
        %swap3A_357 = vector.shape_cast %max3A_353 : vector<16xf32> to vector<16xf32>
        tpu.vector_store %arg5[%swap3A_354], %swap3A_357 {strides = array<i32>} : memref<80016xf32, #tpu.memory_space<vmem>>, vector<16xf32>,
        %slice3A_358 = vector.extract_strided_slice %get3A_65 {offsets = [9], sizes = [1], strides = [1]} : vector<16xi32> to vector<1xi32>
        %squeeze3A_359 = vector.extract %slice3A_358[0] : i32 from vector<1xi32>
        %sub3A_360 = arith.subi %squeeze3A_359, %mul3A_32 : i32
        %ge3A_361 = arith.constant 0 : i32
        %ge3A_362 = arith.cmpi sge, %sub3A_360, %ge3A_361 : i32
        %lt3A_363 = arith.constant 5000 : i32
        %lt3A_364 = arith.cmpi slt, %sub3A_360, %lt3A_363 : i32
        %and3A_365 = arith.andi %ge3A_362, %lt3A_364 : i1
        %select_n3A_366 = arith.constant 5000 : i32
        %select_n3A_367 = arith.select %and3A_365, %sub3A_360, %select_n3A_366 : i32
        %mul3A_368 = arith.constant 16 : i32
        %mul3A_369 = arith.muli %scan3A_61, %mul3A_368 : i32
        %add3A_370 = arith.constant 9 : i32
        %add3A_371 = arith.addi %mul3A_369, %add3A_370 : i32
        %mul3A_372 = arith.constant 16 : i32
        %mul3A_373 = arith.muli %select_n3A_367, %mul3A_372 : i32
        %add3A_374 = arith.constant 0 : i32
        %add3A_375 = arith.addi %mul3A_373, %add3A_374 : i32
        %mul3A_376 = arith.constant 16 : i32
        %mul3A_377 = arith.muli %add3A_371, %mul3A_376 : i32
        %add3A_378 = arith.constant 0 : i32
        %add3A_379 = arith.addi %mul3A_377, %add3A_378 : i32
        %get3A_380 = arith.index_cast %add3A_375 : i32 to index
        %get3A_381 = tpu.vector_load %arg5[%get3A_380] {strides = array<i32>} : memref<80016xf32, #tpu.memory_space<vmem>>, vector<16xf32>,
        %get3A_382 = vector.shape_cast %get3A_381 : vector<16xf32> to vector<16xf32>
        %get3A_383 = arith.index_cast %add3A_379 : i32 to index
        %get3A_384 = tpu.vector_load %arg7[%get3A_383] {strides = array<i32>} : memref<12800xf32, #tpu.memory_space<vmem>>, vector<16xf32>,
        %get3A_385 = vector.shape_cast %get3A_384 : vector<16xf32> to vector<16xf32>
        %max3A_386 = arith.maximumf %get3A_382, %get3A_385 : vector<16xf32>
        %swap3A_387 = arith.index_cast %add3A_375 : i32 to index
        %swap3A_388 = tpu.vector_load %arg5[%swap3A_387] {strides = array<i32>} : memref<80016xf32, #tpu.memory_space<vmem>>, vector<16xf32>,
        %swap3A_389 = vector.shape_cast %swap3A_388 : vector<16xf32> to vector<16xf32>
        %swap3A_390 = vector.shape_cast %max3A_386 : vector<16xf32> to vector<16xf32>
        tpu.vector_store %arg5[%swap3A_387], %swap3A_390 {strides = array<i32>} : memref<80016xf32, #tpu.memory_space<vmem>>, vector<16xf32>,
        %slice3A_391 = vector.extract_strided_slice %get3A_65 {offsets = [10], sizes = [1], strides = [1]} : vector<16xi32> to vector<1xi32>
        %squeeze3A_392 = vector.extract %slice3A_391[0] : i32 from vector<1xi32>
        %sub3A_393 = arith.subi %squeeze3A_392, %mul3A_32 : i32
        %ge3A_394 = arith.constant 0 : i32
        %ge3A_395 = arith.cmpi sge, %sub3A_393, %ge3A_394 : i32
        %lt3A_396 = arith.constant 5000 : i32
        %lt3A_397 = arith.cmpi slt, %sub3A_393, %lt3A_396 : i32
        %and3A_398 = arith.andi %ge3A_395, %lt3A_397 : i1
        %select_n3A_399 = arith.constant 5000 : i32
        %select_n3A_400 = arith.select %and3A_398, %sub3A_393, %select_n3A_399 : i32
        %mul3A_401 = arith.constant 16 : i32
        %mul3A_402 = arith.muli %scan3A_61, %mul3A_401 : i32
        %add3A_403 = arith.constant 10 : i32
        %add3A_404 = arith.addi %mul3A_402, %add3A_403 : i32
        %mul3A_405 = arith.constant 16 : i32
        %mul3A_406 = arith.muli %select_n3A_400, %mul3A_405 : i32
        %add3A_407 = arith.constant 0 : i32
        %add3A_408 = arith.addi %mul3A_406, %add3A_407 : i32
        %mul3A_409 = arith.constant 16 : i32
        %mul3A_410 = arith.muli %add3A_404, %mul3A_409 : i32
        %add3A_411 = arith.constant 0 : i32
        %add3A_412 = arith.addi %mul3A_410, %add3A_411 : i32
        %get3A_413 = arith.index_cast %add3A_408 : i32 to index
        %get3A_414 = tpu.vector_load %arg5[%get3A_413] {strides = array<i32>} : memref<80016xf32, #tpu.memory_space<vmem>>, vector<16xf32>,
        %get3A_415 = vector.shape_cast %get3A_414 : vector<16xf32> to vector<16xf32>
        %get3A_416 = arith.index_cast %add3A_412 : i32 to index
        %get3A_417 = tpu.vector_load %arg7[%get3A_416] {strides = array<i32>} : memref<12800xf32, #tpu.memory_space<vmem>>, vector<16xf32>,
        %get3A_418 = vector.shape_cast %get3A_417 : vector<16xf32> to vector<16xf32>
        %max3A_419 = arith.maximumf %get3A_415, %get3A_418 : vector<16xf32>
        %swap3A_420 = arith.index_cast %add3A_408 : i32 to index
        %swap3A_421 = tpu.vector_load %arg5[%swap3A_420] {strides = array<i32>} : memref<80016xf32, #tpu.memory_space<vmem>>, vector<16xf32>,
        %swap3A_422 = vector.shape_cast %swap3A_421 : vector<16xf32> to vector<16xf32>
        %swap3A_423 = vector.shape_cast %max3A_419 : vector<16xf32> to vector<16xf32>
        tpu.vector_store %arg5[%swap3A_420], %swap3A_423 {strides = array<i32>} : memref<80016xf32, #tpu.memory_space<vmem>>, vector<16xf32>,
        %slice3A_424 = vector.extract_strided_slice %get3A_65 {offsets = [11], sizes = [1], strides = [1]} : vector<16xi32> to vector<1xi32>
        %squeeze3A_425 = vector.extract %slice3A_424[0] : i32 from vector<1xi32>
        %sub3A_426 = arith.subi %squeeze3A_425, %mul3A_32 : i32
        %ge3A_427 = arith.constant 0 : i32
        %ge3A_428 = arith.cmpi sge, %sub3A_426, %ge3A_427 : i32
        %lt3A_429 = arith.constant 5000 : i32
        %lt3A_430 = arith.cmpi slt, %sub3A_426, %lt3A_429 : i32
        %and3A_431 = arith.andi %ge3A_428, %lt3A_430 : i1
        %select_n3A_432 = arith.constant 5000 : i32
        %select_n3A_433 = arith.select %and3A_431, %sub3A_426, %select_n3A_432 : i32
        %mul3A_434 = arith.constant 16 : i32
        %mul3A_435 = arith.muli %scan3A_61, %mul3A_434 : i32
        %add3A_436 = arith.constant 11 : i32
        %add3A_437 = arith.addi %mul3A_435, %add3A_436 : i32
        %mul3A_438 = arith.constant 16 : i32
        %mul3A_439 = arith.muli %select_n3A_433, %mul3A_438 : i32
        %add3A_440 = arith.constant 0 : i32
        %add3A_441 = arith.addi %mul3A_439, %add3A_440 : i32
        %mul3A_442 = arith.constant 16 : i32
        %mul3A_443 = arith.muli %add3A_437, %mul3A_442 : i32
        %add3A_444 = arith.constant 0 : i32
        %add3A_445 = arith.addi %mul3A_443, %add3A_444 : i32
        %get3A_446 = arith.index_cast %add3A_441 : i32 to index
        %get3A_447 = tpu.vector_load %arg5[%get3A_446] {strides = array<i32>} : memref<80016xf32, #tpu.memory_space<vmem>>, vector<16xf32>,
        %get3A_448 = vector.shape_cast %get3A_447 : vector<16xf32> to vector<16xf32>
        %get3A_449 = arith.index_cast %add3A_445 : i32 to index
        %get3A_450 = tpu.vector_load %arg7[%get3A_449] {strides = array<i32>} : memref<12800xf32, #tpu.memory_space<vmem>>, vector<16xf32>,
        %get3A_451 = vector.shape_cast %get3A_450 : vector<16xf32> to vector<16xf32>
        %max3A_452 = arith.maximumf %get3A_448, %get3A_451 : vector<16xf32>
        %swap3A_453 = arith.index_cast %add3A_441 : i32 to index
        %swap3A_454 = tpu.vector_load %arg5[%swap3A_453] {strides = array<i32>} : memref<80016xf32, #tpu.memory_space<vmem>>, vector<16xf32>,
        %swap3A_455 = vector.shape_cast %swap3A_454 : vector<16xf32> to vector<16xf32>
        %swap3A_456 = vector.shape_cast %max3A_452 : vector<16xf32> to vector<16xf32>
        tpu.vector_store %arg5[%swap3A_453], %swap3A_456 {strides = array<i32>} : memref<80016xf32, #tpu.memory_space<vmem>>, vector<16xf32>,
        %slice3A_457 = vector.extract_strided_slice %get3A_65 {offsets = [12], sizes = [1], strides = [1]} : vector<16xi32> to vector<1xi32>
        %squeeze3A_458 = vector.extract %slice3A_457[0] : i32 from vector<1xi32>
        %sub3A_459 = arith.subi %squeeze3A_458, %mul3A_32 : i32
        %ge3A_460 = arith.constant 0 : i32
        %ge3A_461 = arith.cmpi sge, %sub3A_459, %ge3A_460 : i32
        %lt3A_462 = arith.constant 5000 : i32
        %lt3A_463 = arith.cmpi slt, %sub3A_459, %lt3A_462 : i32
        %and3A_464 = arith.andi %ge3A_461, %lt3A_463 : i1
        %select_n3A_465 = arith.constant 5000 : i32
        %select_n3A_466 = arith.select %and3A_464, %sub3A_459, %select_n3A_465 : i32
        %mul3A_467 = arith.constant 16 : i32
        %mul3A_468 = arith.muli %scan3A_61, %mul3A_467 : i32
        %add3A_469 = arith.constant 12 : i32
        %add3A_470 = arith.addi %mul3A_468, %add3A_469 : i32
        %mul3A_471 = arith.constant 16 : i32
        %mul3A_472 = arith.muli %select_n3A_466, %mul3A_471 : i32
        %add3A_473 = arith.constant 0 : i32
        %add3A_474 = arith.addi %mul3A_472, %add3A_473 : i32
        %mul3A_475 = arith.constant 16 : i32
        %mul3A_476 = arith.muli %add3A_470, %mul3A_475 : i32
        %add3A_477 = arith.constant 0 : i32
        %add3A_478 = arith.addi %mul3A_476, %add3A_477 : i32
        %get3A_479 = arith.index_cast %add3A_474 : i32 to index
        %get3A_480 = tpu.vector_load %arg5[%get3A_479] {strides = array<i32>} : memref<80016xf32, #tpu.memory_space<vmem>>, vector<16xf32>,
        %get3A_481 = vector.shape_cast %get3A_480 : vector<16xf32> to vector<16xf32>
        %get3A_482 = arith.index_cast %add3A_478 : i32 to index
        %get3A_483 = tpu.vector_load %arg7[%get3A_482] {strides = array<i32>} : memref<12800xf32, #tpu.memory_space<vmem>>, vector<16xf32>,
        %get3A_484 = vector.shape_cast %get3A_483 : vector<16xf32> to vector<16xf32>
        %max3A_485 = arith.maximumf %get3A_481, %get3A_484 : vector<16xf32>
        %swap3A_486 = arith.index_cast %add3A_474 : i32 to index
        %swap3A_487 = tpu.vector_load %arg5[%swap3A_486] {strides = array<i32>} : memref<80016xf32, #tpu.memory_space<vmem>>, vector<16xf32>,
        %swap3A_488 = vector.shape_cast %swap3A_487 : vector<16xf32> to vector<16xf32>
        %swap3A_489 = vector.shape_cast %max3A_485 : vector<16xf32> to vector<16xf32>
        tpu.vector_store %arg5[%swap3A_486], %swap3A_489 {strides = array<i32>} : memref<80016xf32, #tpu.memory_space<vmem>>, vector<16xf32>,
        %slice3A_490 = vector.extract_strided_slice %get3A_65 {offsets = [13], sizes = [1], strides = [1]} : vector<16xi32> to vector<1xi32>
        %squeeze3A_491 = vector.extract %slice3A_490[0] : i32 from vector<1xi32>
        %sub3A_492 = arith.subi %squeeze3A_491, %mul3A_32 : i32
        %ge3A_493 = arith.constant 0 : i32
        %ge3A_494 = arith.cmpi sge, %sub3A_492, %ge3A_493 : i32
        %lt3A_495 = arith.constant 5000 : i32
        %lt3A_496 = arith.cmpi slt, %sub3A_492, %lt3A_495 : i32
        %and3A_497 = arith.andi %ge3A_494, %lt3A_496 : i1
        %select_n3A_498 = arith.constant 5000 : i32
        %select_n3A_499 = arith.select %and3A_497, %sub3A_492, %select_n3A_498 : i32
        %mul3A_500 = arith.constant 16 : i32
        %mul3A_501 = arith.muli %scan3A_61, %mul3A_500 : i32
        %add3A_502 = arith.constant 13 : i32
        %add3A_503 = arith.addi %mul3A_501, %add3A_502 : i32
        %mul3A_504 = arith.constant 16 : i32
        %mul3A_505 = arith.muli %select_n3A_499, %mul3A_504 : i32
        %add3A_506 = arith.constant 0 : i32
        %add3A_507 = arith.addi %mul3A_505, %add3A_506 : i32
        %mul3A_508 = arith.constant 16 : i32
        %mul3A_509 = arith.muli %add3A_503, %mul3A_508 : i32
        %add3A_510 = arith.constant 0 : i32
        %add3A_511 = arith.addi %mul3A_509, %add3A_510 : i32
        %get3A_512 = arith.index_cast %add3A_507 : i32 to index
        %get3A_513 = tpu.vector_load %arg5[%get3A_512] {strides = array<i32>} : memref<80016xf32, #tpu.memory_space<vmem>>, vector<16xf32>,
        %get3A_514 = vector.shape_cast %get3A_513 : vector<16xf32> to vector<16xf32>
        %get3A_515 = arith.index_cast %add3A_511 : i32 to index
        %get3A_516 = tpu.vector_load %arg7[%get3A_515] {strides = array<i32>} : memref<12800xf32, #tpu.memory_space<vmem>>, vector<16xf32>,
        %get3A_517 = vector.shape_cast %get3A_516 : vector<16xf32> to vector<16xf32>
        %max3A_518 = arith.maximumf %get3A_514, %get3A_517 : vector<16xf32>
        %swap3A_519 = arith.index_cast %add3A_507 : i32 to index
        %swap3A_520 = tpu.vector_load %arg5[%swap3A_519] {strides = array<i32>} : memref<80016xf32, #tpu.memory_space<vmem>>, vector<16xf32>,
        %swap3A_521 = vector.shape_cast %swap3A_520 : vector<16xf32> to vector<16xf32>
        %swap3A_522 = vector.shape_cast %max3A_518 : vector<16xf32> to vector<16xf32>
        tpu.vector_store %arg5[%swap3A_519], %swap3A_522 {strides = array<i32>} : memref<80016xf32, #tpu.memory_space<vmem>>, vector<16xf32>,
        %slice3A_523 = vector.extract_strided_slice %get3A_65 {offsets = [14], sizes = [1], strides = [1]} : vector<16xi32> to vector<1xi32>
        %squeeze3A_524 = vector.extract %slice3A_523[0] : i32 from vector<1xi32>
        %sub3A_525 = arith.subi %squeeze3A_524, %mul3A_32 : i32
        %ge3A_526 = arith.constant 0 : i32
        %ge3A_527 = arith.cmpi sge, %sub3A_525, %ge3A_526 : i32
        %lt3A_528 = arith.constant 5000 : i32
        %lt3A_529 = arith.cmpi slt, %sub3A_525, %lt3A_528 : i32
        %and3A_530 = arith.andi %ge3A_527, %lt3A_529 : i1
        %select_n3A_531 = arith.constant 5000 : i32
        %select_n3A_532 = arith.select %and3A_530, %sub3A_525, %select_n3A_531 : i32
        %mul3A_533 = arith.constant 16 : i32
        %mul3A_534 = arith.muli %scan3A_61, %mul3A_533 : i32
        %add3A_535 = arith.constant 14 : i32
        %add3A_536 = arith.addi %mul3A_534, %add3A_535 : i32
        %mul3A_537 = arith.constant 16 : i32
        %mul3A_538 = arith.muli %select_n3A_532, %mul3A_537 : i32
        %add3A_539 = arith.constant 0 : i32
        %add3A_540 = arith.addi %mul3A_538, %add3A_539 : i32
        %mul3A_541 = arith.constant 16 : i32
        %mul3A_542 = arith.muli %add3A_536, %mul3A_541 : i32
        %add3A_543 = arith.constant 0 : i32
        %add3A_544 = arith.addi %mul3A_542, %add3A_543 : i32
        %get3A_545 = arith.index_cast %add3A_540 : i32 to index
        %get3A_546 = tpu.vector_load %arg5[%get3A_545] {strides = array<i32>} : memref<80016xf32, #tpu.memory_space<vmem>>, vector<16xf32>,
        %get3A_547 = vector.shape_cast %get3A_546 : vector<16xf32> to vector<16xf32>
        %get3A_548 = arith.index_cast %add3A_544 : i32 to index
        %get3A_549 = tpu.vector_load %arg7[%get3A_548] {strides = array<i32>} : memref<12800xf32, #tpu.memory_space<vmem>>, vector<16xf32>,
        %get3A_550 = vector.shape_cast %get3A_549 : vector<16xf32> to vector<16xf32>
        %max3A_551 = arith.maximumf %get3A_547, %get3A_550 : vector<16xf32>
        %swap3A_552 = arith.index_cast %add3A_540 : i32 to index
        %swap3A_553 = tpu.vector_load %arg5[%swap3A_552] {strides = array<i32>} : memref<80016xf32, #tpu.memory_space<vmem>>, vector<16xf32>,
        %swap3A_554 = vector.shape_cast %swap3A_553 : vector<16xf32> to vector<16xf32>
        %swap3A_555 = vector.shape_cast %max3A_551 : vector<16xf32> to vector<16xf32>
        tpu.vector_store %arg5[%swap3A_552], %swap3A_555 {strides = array<i32>} : memref<80016xf32, #tpu.memory_space<vmem>>, vector<16xf32>,
        %slice3A_556 = vector.extract_strided_slice %get3A_65 {offsets = [15], sizes = [1], strides = [1]} : vector<16xi32> to vector<1xi32>
        %squeeze3A_557 = vector.extract %slice3A_556[0] : i32 from vector<1xi32>
        %sub3A_558 = arith.subi %squeeze3A_557, %mul3A_32 : i32
        %ge3A_559 = arith.constant 0 : i32
        %ge3A_560 = arith.cmpi sge, %sub3A_558, %ge3A_559 : i32
        %lt3A_561 = arith.constant 5000 : i32
        %lt3A_562 = arith.cmpi slt, %sub3A_558, %lt3A_561 : i32
        %and3A_563 = arith.andi %ge3A_560, %lt3A_562 : i1
        %select_n3A_564 = arith.constant 5000 : i32
        %select_n3A_565 = arith.select %and3A_563, %sub3A_558, %select_n3A_564 : i32
        %mul3A_566 = arith.constant 16 : i32
        %mul3A_567 = arith.muli %scan3A_61, %mul3A_566 : i32
        %add3A_568 = arith.constant 15 : i32
        %add3A_569 = arith.addi %mul3A_567, %add3A_568 : i32
        %mul3A_570 = arith.constant 16 : i32
        %mul3A_571 = arith.muli %select_n3A_565, %mul3A_570 : i32
        %add3A_572 = arith.constant 0 : i32
        %add3A_573 = arith.addi %mul3A_571, %add3A_572 : i32
        %mul3A_574 = arith.constant 16 : i32
        %mul3A_575 = arith.muli %add3A_569, %mul3A_574 : i32
        %add3A_576 = arith.constant 0 : i32
        %add3A_577 = arith.addi %mul3A_575, %add3A_576 : i32
        %get3A_578 = arith.index_cast %add3A_573 : i32 to index
        %get3A_579 = tpu.vector_load %arg5[%get3A_578] {strides = array<i32>} : memref<80016xf32, #tpu.memory_space<vmem>>, vector<16xf32>,
        %get3A_580 = vector.shape_cast %get3A_579 : vector<16xf32> to vector<16xf32>
        %get3A_581 = arith.index_cast %add3A_577 : i32 to index
        %get3A_582 = tpu.vector_load %arg7[%get3A_581] {strides = array<i32>} : memref<12800xf32, #tpu.memory_space<vmem>>, vector<16xf32>,
        %get3A_583 = vector.shape_cast %get3A_582 : vector<16xf32> to vector<16xf32>
        %max3A_584 = arith.maximumf %get3A_580, %get3A_583 : vector<16xf32>
        %swap3A_585 = arith.index_cast %add3A_573 : i32 to index
        %swap3A_586 = tpu.vector_load %arg5[%swap3A_585] {strides = array<i32>} : memref<80016xf32, #tpu.memory_space<vmem>>, vector<16xf32>,
        %swap3A_587 = vector.shape_cast %swap3A_586 : vector<16xf32> to vector<16xf32>
        %swap3A_588 = vector.shape_cast %max3A_584 : vector<16xf32> to vector<16xf32>
        tpu.vector_store %arg5[%swap3A_585], %swap3A_588 {strides = array<i32>} : memref<80016xf32, #tpu.memory_space<vmem>>, vector<16xf32>,
      }
      %scan3A_60 = arith.constant 50 : i32
    }
    %scan3A_45 = arith.constant 25 : i32
    %mul3A_46 = arith.constant 16 : i32
    %mul3A_47 = arith.muli %select_n3A_9, %mul3A_46 : i32
    %add3A_48 = arith.addi %mul3A_47, %select_n3A_30 : i32
    "tpu.region"() ({
      %run_scoped3A = tpu.sem_alloc : memref<!tpu.dma_semaphore, #tpu.memory_space<semaphore_mem>>
      %dma_start3A = arith.constant 0 : i32
      %dma_start3A_49 = tpu.memref_slice %arg5[%dma_start3A] : memref<80016xf32, #tpu.memory_space<vmem>> -> memref<80000xf32, #tpu.memory_space<vmem>>
      %dma_start3A_50 = arith.constant 0 : i32
      %dma_start3A_51 = tpu.memref_slice %arg4[%add3A_48, %dma_start3A_50] : memref<32x80000xf32, #tpu.memory_space<hbm>> -> memref<1x80000xf32, #tpu.memory_space<hbm>>
      %dma_start3A_52 = tpu.memref_squeeze %dma_start3A_51 : memref<1x80000xf32, #tpu.memory_space<hbm>> -> memref<80000xf32, #tpu.memory_space<hbm>>
      %dma_start3A_53 = arith.constant 0 : i32
      %dma_start3A_54 = tpu.memref_slice %arg4[%add3A_48, %dma_start3A_53] : memref<32x80000xf32, #tpu.memory_space<hbm>> -> memref<1x80000xf32, #tpu.memory_space<hbm>>
      %dma_start3A_55 = tpu.memref_squeeze %dma_start3A_54 : memref<1x80000xf32, #tpu.memory_space<hbm>> -> memref<80000xf32, #tpu.memory_space<hbm>>
      %dma_start3A_56 = arith.constant 0 : i32
      %dma_start3A_57 = tpu.memref_slice %arg5[%dma_start3A_56] : memref<80016xf32, #tpu.memory_space<vmem>> -> memref<80000xf32, #tpu.memory_space<vmem>>
      tpu.enqueue_dma source(%dma_start3A_57 : memref<80000xf32, #tpu.memory_space<vmem>>) target(%dma_start3A_55 : memref<80000xf32, #tpu.memory_space<hbm>>) target_semaphore(%run_scoped3A : memref<!tpu.dma_semaphore, #tpu.memory_space<semaphore_mem>>)
      %dma_wait3A = arith.constant 0 : i32
      %dma_wait3A_58 = tpu.memref_slice %arg5[%dma_wait3A] : memref<80016xf32, #tpu.memory_space<vmem>> -> memref<80000xf32, #tpu.memory_space<vmem>>
      %dma_wait3A_59 = arith.constant 0 : i32
      %dma_wait3A_60 = tpu.memref_slice %arg4[%add3A_48, %dma_wait3A_59] : memref<32x80000xf32, #tpu.memory_space<hbm>> -> memref<1x80000xf32, #tpu.memory_space<hbm>>
      %dma_wait3A_61 = tpu.memref_squeeze %dma_wait3A_60 : memref<1x80000xf32, #tpu.memory_space<hbm>> -> memref<80000xf32, #tpu.memory_space<hbm>>
      %dma_wait3A_62 = arith.constant 0 : i32
      %dma_wait3A_63 = tpu.memref_slice %arg4[%add3A_48, %dma_wait3A_62] : memref<32x80000xf32, #tpu.memory_space<hbm>> -> memref<1x80000xf32, #tpu.memory_space<hbm>>
      %dma_wait3A_64 = tpu.memref_squeeze %dma_wait3A_63 : memref<1x80000xf32, #tpu.memory_space<hbm>> -> memref<80000xf32, #tpu.memory_space<hbm>>
      %dma_wait3A_65 = arith.constant 0 : i32
      %dma_wait3A_66 = tpu.memref_slice %arg5[%dma_wait3A_65] : memref<80016xf32, #tpu.memory_space<vmem>> -> memref<80000xf32, #tpu.memory_space<vmem>>
      tpu.wait_dma2 semaphore(%run_scoped3A : memref<!tpu.dma_semaphore, #tpu.memory_space<semaphore_mem>>) src(%dma_wait3A_66 : memref<80000xf32, #tpu.memory_space<vmem>>) dst(%dma_wait3A_64 : memref<80000xf32, #tpu.memory_space<hbm>>)
      tpu.yield
    }) : () -> ()
    return
  }
}

#map = affine_map<(d0, d1) -> (0)>
#map1 = affine_map<(d0, d1) -> (0, 0)>
module attributes {stable_mosaic.version = 14 : i64} {
  func.func @k(%arg0: i32, %arg1: i32, %arg2: memref<5120000xf32, #tpu.memory_space<hbm>>, %arg3: memref<320000xi32, #tpu.memory_space<hbm>>, %arg4: memref<32x80000xf32, #tpu.memory_space<hbm>>, %arg5: memref<80016xf32, #tpu.memory_space<vmem>>, %arg6: memref<800xi32, #tpu.memory_space<vmem>>, %arg7: memref<12800xf32, #tpu.memory_space<vmem>>) attributes {dimension_semantics = [#tpu.dimension_semantics<core_parallel>, #tpu.dimension_semantics<subcore_parallel>], iteration_bounds = array<i64: 2, 16>, scalar_prefetch = 0 : i64, scratch_operands = 3 : i64, tpu.core_type = #tpu.core_type<sc_vector_subcore>, window_params = [{transform_indices = #map}, {transform_indices = #map}, {transform_indices = #map1}]} {
    %mul3A = arith.constant 2 : i32
    %mul3A_0 = arith.muli %arg1, %mul3A : i32
    %add3A = arith.addi %mul3A_0, %arg0 : i32
    %jit3A = arith.constant 2 : i32
    %eq3A = arith.constant 0 : i32
    %eq3A_1 = arith.cmpi eq, %jit3A, %eq3A : i32
    %jit3A_2 = arith.constant 1 : i32
    %select_n3A = arith.select %eq3A_1, %jit3A_2, %jit3A : i32
    %rem3A = arith.remsi %add3A, %select_n3A : i32
    %ne3A = arith.constant 0 : i32
    %ne3A_3 = arith.cmpi ne, %rem3A, %ne3A : i32
    %lt3A = arith.constant 0 : i32
    %lt3A_4 = arith.cmpi slt, %rem3A, %lt3A : i32
    %lt3A_5 = arith.constant 0 : i32
    %lt3A_6 = arith.cmpi slt, %select_n3A, %lt3A_5 : i32
    %ne3A_7 = arith.xori %lt3A_4, %lt3A_6 : i1
    %and3A = arith.andi %ne3A_7, %ne3A_3 : i1
    %add3A_8 = arith.addi %rem3A, %select_n3A : i32
    %select_n3A_9 = arith.select %and3A, %add3A_8, %rem3A : i32
    %jit3A_10 = arith.constant 2 : i32
    %div3A = arith.divsi %add3A, %jit3A_10 : i32
    %sign3A = arith.constant 0 : i32
    %sign3A_11 = arith.cmpi sgt, %add3A, %sign3A : i32
    %sign3A_12 = arith.extui %sign3A_11 : i1 to i32
    %sign3A_13 = arith.constant 0 : i32
    %sign3A_14 = arith.cmpi slt, %add3A, %sign3A_13 : i32
    %sign3A_15 = arith.extui %sign3A_14 : i1 to i32
    %sign3A_16 = arith.subi %sign3A_12, %sign3A_15 : i32
    %sign3A_17 = arith.constant 0 : i32
    %sign3A_18 = arith.cmpi sgt, %jit3A_10, %sign3A_17 : i32
    %sign3A_19 = arith.extui %sign3A_18 : i1 to i32
    %sign3A_20 = arith.constant 0 : i32
    %sign3A_21 = arith.cmpi slt, %jit3A_10, %sign3A_20 : i32
    %sign3A_22 = arith.extui %sign3A_21 : i1 to i32
    %sign3A_23 = arith.subi %sign3A_19, %sign3A_22 : i32
    %ne3A_24 = arith.cmpi ne, %sign3A_16, %sign3A_23 : i32
    %rem3A_25 = arith.remsi %add3A, %jit3A_10 : i32
    %ne3A_26 = arith.constant 0 : i32
    %ne3A_27 = arith.cmpi ne, %rem3A_25, %ne3A_26 : i32
    %and3A_28 = arith.andi %ne3A_24, %ne3A_27 : i1
    %sub3A = arith.constant 1 : i32
    %sub3A_29 = arith.subi %div3A, %sub3A : i32
    %select_n3A_30 = arith.select %and3A_28, %sub3A_29, %div3A : i32
    %mul3A_31 = arith.constant 5000 : i32
    %mul3A_32 = arith.muli %select_n3A_9, %mul3A_31 : i32
    %scan3A = arith.constant 0 : i32
    %scan3A_33 = arith.constant 0 : i32
    %scan3A_34 = arith.constant 5001 : i32
    %scan3A_35 = arith.addi %scan3A_33, %scan3A_34 : i32
    %scan3A_36 = arith.constant 1 : i32
    scf.for %scan3A_49 = %scan3A_33 to %scan3A_35 step %scan3A_36  : i32 {
      %broadcast_in_dim3A = arith.constant 0xFF800000 : f32
      %broadcast_in_dim3A_50 = vector.broadcast %broadcast_in_dim3A : f32 to vector<16xf32>
      %mul3A_51 = arith.constant 16 : i32
      %mul3A_52 = arith.muli %scan3A_49, %mul3A_51 : i32
      %swap3A = arith.index_cast %mul3A_52 : i32 to index
      %swap3A_53 = tpu.vector_load %arg5[%swap3A] {strides = array<i32>} : memref<80016xf32, #tpu.memory_space<vmem>>, vector<16xf32>,
      %swap3A_54 = vector.shape_cast %swap3A_53 : vector<16xf32> to vector<16xf32>
      %swap3A_55 = vector.shape_cast %broadcast_in_dim3A_50 : vector<16xf32> to vector<16xf32>
      tpu.vector_store %arg5[%swap3A], %swap3A_55 {strides = array<i32>} : memref<80016xf32, #tpu.memory_space<vmem>>, vector<16xf32>,
    }
    %scan3A_37 = arith.constant 5001 : i32
    %mul3A_38 = arith.constant 20000 : i32
    %mul3A_39 = arith.muli %select_n3A_30, %mul3A_38 : i32
    %scan3A_40 = arith.constant 0 : i32
    %scan3A_41 = arith.constant 0 : i32
    %scan3A_42 = arith.constant 25 : i32
    %scan3A_43 = arith.addi %scan3A_41, %scan3A_42 : i32
    %scan3A_44 = arith.constant 1 : i32
    scf.for %scan3A_49 = %scan3A_41 to %scan3A_43 step %scan3A_44  : i32 {
      %mul3A_50 = arith.constant 800 : i32
      %mul3A_51 = arith.muli %scan3A_49, %mul3A_50 : i32
      %add3A_52 = arith.addi %mul3A_39, %mul3A_51 : i32
      "tpu.region"() ({
        %run_scoped3A = tpu.sem_alloc : memref<!tpu.dma_semaphore, #tpu.memory_space<semaphore_mem>>
        %dma_start3A = tpu.memref_slice %arg3[%add3A_52] : memref<320000xi32, #tpu.memory_space<hbm>> -> memref<800xi32, #tpu.memory_space<hbm>>
        %dma_start3A_61 = tpu.memref_slice %arg3[%add3A_52] : memref<320000xi32, #tpu.memory_space<hbm>> -> memref<800xi32, #tpu.memory_space<hbm>>
        tpu.enqueue_dma source(%dma_start3A_61 : memref<800xi32, #tpu.memory_space<hbm>>) target(%arg6 : memref<800xi32, #tpu.memory_space<vmem>>) target_semaphore(%run_scoped3A : memref<!tpu.dma_semaphore, #tpu.memory_space<semaphore_mem>>)
        %dma_wait3A = tpu.memref_slice %arg3[%add3A_52] : memref<320000xi32, #tpu.memory_space<hbm>> -> memref<800xi32, #tpu.memory_space<hbm>>
        %dma_wait3A_62 = tpu.memref_slice %arg3[%add3A_52] : memref<320000xi32, #tpu.memory_space<hbm>> -> memref<800xi32, #tpu.memory_space<hbm>>
        tpu.wait_dma2 semaphore(%run_scoped3A : memref<!tpu.dma_semaphore, #tpu.memory_space<semaphore_mem>>) src(%dma_wait3A_62 : memref<800xi32, #tpu.memory_space<hbm>>) dst(%arg6 : memref<800xi32, #tpu.memory_space<vmem>>)
        tpu.yield
      }) : () -> ()
      %mul3A_53 = arith.constant 16 : i32
      %mul3A_54 = arith.muli %add3A_52, %mul3A_53 : i32
      "tpu.region"() ({
        %run_scoped3A = tpu.sem_alloc : memref<!tpu.dma_semaphore, #tpu.memory_space<semaphore_mem>>
        %dma_start3A = tpu.memref_slice %arg2[%mul3A_54] : memref<5120000xf32, #tpu.memory_space<hbm>> -> memref<12800xf32, #tpu.memory_space<hbm>>
        %dma_start3A_61 = tpu.memref_slice %arg2[%mul3A_54] : memref<5120000xf32, #tpu.memory_space<hbm>> -> memref<12800xf32, #tpu.memory_space<hbm>>
        tpu.enqueue_dma source(%dma_start3A_61 : memref<12800xf32, #tpu.memory_space<hbm>>) target(%arg7 : memref<12800xf32, #tpu.memory_space<vmem>>) target_semaphore(%run_scoped3A : memref<!tpu.dma_semaphore, #tpu.memory_space<semaphore_mem>>)
        %dma_wait3A = tpu.memref_slice %arg2[%mul3A_54] : memref<5120000xf32, #tpu.memory_space<hbm>> -> memref<12800xf32, #tpu.memory_space<hbm>>
        %dma_wait3A_62 = tpu.memref_slice %arg2[%mul3A_54] : memref<5120000xf32, #tpu.memory_space<hbm>> -> memref<12800xf32, #tpu.memory_space<hbm>>
        tpu.wait_dma2 semaphore(%run_scoped3A : memref<!tpu.dma_semaphore, #tpu.memory_space<semaphore_mem>>) src(%dma_wait3A_62 : memref<12800xf32, #tpu.memory_space<hbm>>) dst(%arg7 : memref<12800xf32, #tpu.memory_space<vmem>>)
        tpu.yield
      }) : () -> ()
      %scan3A_55 = arith.constant 0 : i32
      %scan3A_56 = arith.constant 0 : i32
      %scan3A_57 = arith.constant 50 : i32
      %scan3A_58 = arith.addi %scan3A_56, %scan3A_57 : i32
      %scan3A_59 = arith.constant 1 : i32
      scf.for %scan3A_61 = %scan3A_56 to %scan3A_58 step %scan3A_59  : i32 {
        %mul3A_62 = arith.constant 16 : i32
        %mul3A_63 = arith.muli %scan3A_61, %mul3A_62 : i32
        %get3A = arith.index_cast %mul3A_63 : i32 to index
        %get3A_64 = tpu.vector_load %arg6[%get3A] {strides = array<i32>} : memref<800xi32, #tpu.memory_space<vmem>>, vector<16xi32>,
        %get3A_65 = vector.shape_cast %get3A_64 : vector<16xi32> to vector<16xi32>
        %slice3A = vector.extract_strided_slice %get3A_65 {offsets = [0], sizes = [1], strides = [1]} : vector<16xi32> to vector<1xi32>
        %squeeze3A = vector.extract %slice3A[0] : i32 from vector<1xi32>
        %sub3A_66 = arith.subi %squeeze3A, %mul3A_32 : i32
        %ge3A = arith.constant 0 : i32
        %ge3A_67 = arith.cmpi sge, %sub3A_66, %ge3A : i32
        %lt3A_68 = arith.constant 5000 : i32
        %lt3A_69 = arith.cmpi slt, %sub3A_66, %lt3A_68 : i32
        %and3A_70 = arith.andi %ge3A_67, %lt3A_69 : i1
        %select_n3A_71 = arith.constant 5000 : i32
        %select_n3A_72 = arith.select %and3A_70, %sub3A_66, %select_n3A_71 : i32
        %mul3A_73 = arith.constant 16 : i32
        %mul3A_74 = arith.muli %scan3A_61, %mul3A_73 : i32
        %add3A_75 = arith.constant 0 : i32
        %add3A_76 = arith.addi %mul3A_74, %add3A_75 : i32
        %mul3A_77 = arith.constant 16 : i32
        %mul3A_78 = arith.muli %select_n3A_72, %mul3A_77 : i32
        %add3A_79 = arith.constant 0 : i32
        %add3A_80 = arith.addi %mul3A_78, %add3A_79 : i32
        %mul3A_81 = arith.constant 16 : i32
        %mul3A_82 = arith.muli %add3A_76, %mul3A_81 : i32
        %add3A_83 = arith.constant 0 : i32
        %add3A_84 = arith.addi %mul3A_82, %add3A_83 : i32
        %get3A_85 = arith.index_cast %add3A_80 : i32 to index
        %get3A_86 = tpu.vector_load %arg5[%get3A_85] {strides = array<i32>} : memref<80016xf32, #tpu.memory_space<vmem>>, vector<16xf32>,
        %get3A_87 = vector.shape_cast %get3A_86 : vector<16xf32> to vector<16xf32>
        %get3A_88 = arith.index_cast %add3A_84 : i32 to index
        %get3A_89 = tpu.vector_load %arg7[%get3A_88] {strides = array<i32>} : memref<12800xf32, #tpu.memory_space<vmem>>, vector<16xf32>,
        %get3A_90 = vector.shape_cast %get3A_89 : vector<16xf32> to vector<16xf32>
        %max3A = arith.maximumf %get3A_87, %get3A_90 : vector<16xf32>
        %swap3A = arith.index_cast %add3A_80 : i32 to index
        %swap3A_91 = tpu.vector_load %arg5[%swap3A] {strides = array<i32>} : memref<80016xf32, #tpu.memory_space<vmem>>, vector<16xf32>,
        %swap3A_92 = vector.shape_cast %swap3A_91 : vector<16xf32> to vector<16xf32>
        %swap3A_93 = vector.shape_cast %max3A : vector<16xf32> to vector<16xf32>
        tpu.vector_store %arg5[%swap3A], %swap3A_93 {strides = array<i32>} : memref<80016xf32, #tpu.memory_space<vmem>>, vector<16xf32>,
        %slice3A_94 = vector.extract_strided_slice %get3A_65 {offsets = [1], sizes = [1], strides = [1]} : vector<16xi32> to vector<1xi32>
        %squeeze3A_95 = vector.extract %slice3A_94[0] : i32 from vector<1xi32>
        %sub3A_96 = arith.subi %squeeze3A_95, %mul3A_32 : i32
        %ge3A_97 = arith.constant 0 : i32
        %ge3A_98 = arith.cmpi sge, %sub3A_96, %ge3A_97 : i32
        %lt3A_99 = arith.constant 5000 : i32
        %lt3A_100 = arith.cmpi slt, %sub3A_96, %lt3A_99 : i32
        %and3A_101 = arith.andi %ge3A_98, %lt3A_100 : i1
        %select_n3A_102 = arith.constant 5000 : i32
        %select_n3A_103 = arith.select %and3A_101, %sub3A_96, %select_n3A_102 : i32
        %mul3A_104 = arith.constant 16 : i32
        %mul3A_105 = arith.muli %scan3A_61, %mul3A_104 : i32
        %add3A_106 = arith.constant 1 : i32
        %add3A_107 = arith.addi %mul3A_105, %add3A_106 : i32
        %mul3A_108 = arith.constant 16 : i32
        %mul3A_109 = arith.muli %select_n3A_103, %mul3A_108 : i32
        %add3A_110 = arith.constant 0 : i32
        %add3A_111 = arith.addi %mul3A_109, %add3A_110 : i32
        %mul3A_112 = arith.constant 16 : i32
        %mul3A_113 = arith.muli %add3A_107, %mul3A_112 : i32
        %add3A_114 = arith.constant 0 : i32
        %add3A_115 = arith.addi %mul3A_113, %add3A_114 : i32
        %get3A_116 = arith.index_cast %add3A_111 : i32 to index
        %get3A_117 = tpu.vector_load %arg5[%get3A_116] {strides = array<i32>} : memref<80016xf32, #tpu.memory_space<vmem>>, vector<16xf32>,
        %get3A_118 = vector.shape_cast %get3A_117 : vector<16xf32> to vector<16xf32>
        %get3A_119 = arith.index_cast %add3A_115 : i32 to index
        %get3A_120 = tpu.vector_load %arg7[%get3A_119] {strides = array<i32>} : memref<12800xf32, #tpu.memory_space<vmem>>, vector<16xf32>,
        %get3A_121 = vector.shape_cast %get3A_120 : vector<16xf32> to vector<16xf32>
        %max3A_122 = arith.maximumf %get3A_118, %get3A_121 : vector<16xf32>
        %swap3A_123 = arith.index_cast %add3A_111 : i32 to index
        %swap3A_124 = tpu.vector_load %arg5[%swap3A_123] {strides = array<i32>} : memref<80016xf32, #tpu.memory_space<vmem>>, vector<16xf32>,
        %swap3A_125 = vector.shape_cast %swap3A_124 : vector<16xf32> to vector<16xf32>
        %swap3A_126 = vector.shape_cast %max3A_122 : vector<16xf32> to vector<16xf32>
        tpu.vector_store %arg5[%swap3A_123], %swap3A_126 {strides = array<i32>} : memref<80016xf32, #tpu.memory_space<vmem>>, vector<16xf32>,
        %slice3A_127 = vector.extract_strided_slice %get3A_65 {offsets = [2], sizes = [1], strides = [1]} : vector<16xi32> to vector<1xi32>
        %squeeze3A_128 = vector.extract %slice3A_127[0] : i32 from vector<1xi32>
        %sub3A_129 = arith.subi %squeeze3A_128, %mul3A_32 : i32
        %ge3A_130 = arith.constant 0 : i32
        %ge3A_131 = arith.cmpi sge, %sub3A_129, %ge3A_130 : i32
        %lt3A_132 = arith.constant 5000 : i32
        %lt3A_133 = arith.cmpi slt, %sub3A_129, %lt3A_132 : i32
        %and3A_134 = arith.andi %ge3A_131, %lt3A_133 : i1
        %select_n3A_135 = arith.constant 5000 : i32
        %select_n3A_136 = arith.select %and3A_134, %sub3A_129, %select_n3A_135 : i32
        %mul3A_137 = arith.constant 16 : i32
        %mul3A_138 = arith.muli %scan3A_61, %mul3A_137 : i32
        %add3A_139 = arith.constant 2 : i32
        %add3A_140 = arith.addi %mul3A_138, %add3A_139 : i32
        %mul3A_141 = arith.constant 16 : i32
        %mul3A_142 = arith.muli %select_n3A_136, %mul3A_141 : i32
        %add3A_143 = arith.constant 0 : i32
        %add3A_144 = arith.addi %mul3A_142, %add3A_143 : i32
        %mul3A_145 = arith.constant 16 : i32
        %mul3A_146 = arith.muli %add3A_140, %mul3A_145 : i32
        %add3A_147 = arith.constant 0 : i32
        %add3A_148 = arith.addi %mul3A_146, %add3A_147 : i32
        %get3A_149 = arith.index_cast %add3A_144 : i32 to index
        %get3A_150 = tpu.vector_load %arg5[%get3A_149] {strides = array<i32>} : memref<80016xf32, #tpu.memory_space<vmem>>, vector<16xf32>,
        %get3A_151 = vector.shape_cast %get3A_150 : vector<16xf32> to vector<16xf32>
        %get3A_152 = arith.index_cast %add3A_148 : i32 to index
        %get3A_153 = tpu.vector_load %arg7[%get3A_152] {strides = array<i32>} : memref<12800xf32, #tpu.memory_space<vmem>>, vector<16xf32>,
        %get3A_154 = vector.shape_cast %get3A_153 : vector<16xf32> to vector<16xf32>
        %max3A_155 = arith.maximumf %get3A_151, %get3A_154 : vector<16xf32>
        %swap3A_156 = arith.index_cast %add3A_144 : i32 to index
        %swap3A_157 = tpu.vector_load %arg5[%swap3A_156] {strides = array<i32>} : memref<80016xf32, #tpu.memory_space<vmem>>, vector<16xf32>,
        %swap3A_158 = vector.shape_cast %swap3A_157 : vector<16xf32> to vector<16xf32>
        %swap3A_159 = vector.shape_cast %max3A_155 : vector<16xf32> to vector<16xf32>
        tpu.vector_store %arg5[%swap3A_156], %swap3A_159 {strides = array<i32>} : memref<80016xf32, #tpu.memory_space<vmem>>, vector<16xf32>,
        %slice3A_160 = vector.extract_strided_slice %get3A_65 {offsets = [3], sizes = [1], strides = [1]} : vector<16xi32> to vector<1xi32>
        %squeeze3A_161 = vector.extract %slice3A_160[0] : i32 from vector<1xi32>
        %sub3A_162 = arith.subi %squeeze3A_161, %mul3A_32 : i32
        %ge3A_163 = arith.constant 0 : i32
        %ge3A_164 = arith.cmpi sge, %sub3A_162, %ge3A_163 : i32
        %lt3A_165 = arith.constant 5000 : i32
        %lt3A_166 = arith.cmpi slt, %sub3A_162, %lt3A_165 : i32
        %and3A_167 = arith.andi %ge3A_164, %lt3A_166 : i1
        %select_n3A_168 = arith.constant 5000 : i32
        %select_n3A_169 = arith.select %and3A_167, %sub3A_162, %select_n3A_168 : i32
        %mul3A_170 = arith.constant 16 : i32
        %mul3A_171 = arith.muli %scan3A_61, %mul3A_170 : i32
        %add3A_172 = arith.constant 3 : i32
        %add3A_173 = arith.addi %mul3A_171, %add3A_172 : i32
        %mul3A_174 = arith.constant 16 : i32
        %mul3A_175 = arith.muli %select_n3A_169, %mul3A_174 : i32
        %add3A_176 = arith.constant 0 : i32
        %add3A_177 = arith.addi %mul3A_175, %add3A_176 : i32
        %mul3A_178 = arith.constant 16 : i32
        %mul3A_179 = arith.muli %add3A_173, %mul3A_178 : i32
        %add3A_180 = arith.constant 0 : i32
        %add3A_181 = arith.addi %mul3A_179, %add3A_180 : i32
        %get3A_182 = arith.index_cast %add3A_177 : i32 to index
        %get3A_183 = tpu.vector_load %arg5[%get3A_182] {strides = array<i32>} : memref<80016xf32, #tpu.memory_space<vmem>>, vector<16xf32>,
        %get3A_184 = vector.shape_cast %get3A_183 : vector<16xf32> to vector<16xf32>
        %get3A_185 = arith.index_cast %add3A_181 : i32 to index
        %get3A_186 = tpu.vector_load %arg7[%get3A_185] {strides = array<i32>} : memref<12800xf32, #tpu.memory_space<vmem>>, vector<16xf32>,
        %get3A_187 = vector.shape_cast %get3A_186 : vector<16xf32> to vector<16xf32>
        %max3A_188 = arith.maximumf %get3A_184, %get3A_187 : vector<16xf32>
        %swap3A_189 = arith.index_cast %add3A_177 : i32 to index
        %swap3A_190 = tpu.vector_load %arg5[%swap3A_189] {strides = array<i32>} : memref<80016xf32, #tpu.memory_space<vmem>>, vector<16xf32>,
        %swap3A_191 = vector.shape_cast %swap3A_190 : vector<16xf32> to vector<16xf32>
        %swap3A_192 = vector.shape_cast %max3A_188 : vector<16xf32> to vector<16xf32>
        tpu.vector_store %arg5[%swap3A_189], %swap3A_192 {strides = array<i32>} : memref<80016xf32, #tpu.memory_space<vmem>>, vector<16xf32>,
        %slice3A_193 = vector.extract_strided_slice %get3A_65 {offsets = [4], sizes = [1], strides = [1]} : vector<16xi32> to vector<1xi32>
        %squeeze3A_194 = vector.extract %slice3A_193[0] : i32 from vector<1xi32>
        %sub3A_195 = arith.subi %squeeze3A_194, %mul3A_32 : i32
        %ge3A_196 = arith.constant 0 : i32
        %ge3A_197 = arith.cmpi sge, %sub3A_195, %ge3A_196 : i32
        %lt3A_198 = arith.constant 5000 : i32
        %lt3A_199 = arith.cmpi slt, %sub3A_195, %lt3A_198 : i32
        %and3A_200 = arith.andi %ge3A_197, %lt3A_199 : i1
        %select_n3A_201 = arith.constant 5000 : i32
        %select_n3A_202 = arith.select %and3A_200, %sub3A_195, %select_n3A_201 : i32
        %mul3A_203 = arith.constant 16 : i32
        %mul3A_204 = arith.muli %scan3A_61, %mul3A_203 : i32
        %add3A_205 = arith.constant 4 : i32
        %add3A_206 = arith.addi %mul3A_204, %add3A_205 : i32
        %mul3A_207 = arith.constant 16 : i32
        %mul3A_208 = arith.muli %select_n3A_202, %mul3A_207 : i32
        %add3A_209 = arith.constant 0 : i32
        %add3A_210 = arith.addi %mul3A_208, %add3A_209 : i32
        %mul3A_211 = arith.constant 16 : i32
        %mul3A_212 = arith.muli %add3A_206, %mul3A_211 : i32
        %add3A_213 = arith.constant 0 : i32
        %add3A_214 = arith.addi %mul3A_212, %add3A_213 : i32
        %get3A_215 = arith.index_cast %add3A_210 : i32 to index
        %get3A_216 = tpu.vector_load %arg5[%get3A_215] {strides = array<i32>} : memref<80016xf32, #tpu.memory_space<vmem>>, vector<16xf32>,
        %get3A_217 = vector.shape_cast %get3A_216 : vector<16xf32> to vector<16xf32>
        %get3A_218 = arith.index_cast %add3A_214 : i32 to index
        %get3A_219 = tpu.vector_load %arg7[%get3A_218] {strides = array<i32>} : memref<12800xf32, #tpu.memory_space<vmem>>, vector<16xf32>,
        %get3A_220 = vector.shape_cast %get3A_219 : vector<16xf32> to vector<16xf32>
        %max3A_221 = arith.maximumf %get3A_217, %get3A_220 : vector<16xf32>
        %swap3A_222 = arith.index_cast %add3A_210 : i32 to index
        %swap3A_223 = tpu.vector_load %arg5[%swap3A_222] {strides = array<i32>} : memref<80016xf32, #tpu.memory_space<vmem>>, vector<16xf32>,
        %swap3A_224 = vector.shape_cast %swap3A_223 : vector<16xf32> to vector<16xf32>
        %swap3A_225 = vector.shape_cast %max3A_221 : vector<16xf32> to vector<16xf32>
        tpu.vector_store %arg5[%swap3A_222], %swap3A_225 {strides = array<i32>} : memref<80016xf32, #tpu.memory_space<vmem>>, vector<16xf32>,
        %slice3A_226 = vector.extract_strided_slice %get3A_65 {offsets = [5], sizes = [1], strides = [1]} : vector<16xi32> to vector<1xi32>
        %squeeze3A_227 = vector.extract %slice3A_226[0] : i32 from vector<1xi32>
        %sub3A_228 = arith.subi %squeeze3A_227, %mul3A_32 : i32
        %ge3A_229 = arith.constant 0 : i32
        %ge3A_230 = arith.cmpi sge, %sub3A_228, %ge3A_229 : i32
        %lt3A_231 = arith.constant 5000 : i32
        %lt3A_232 = arith.cmpi slt, %sub3A_228, %lt3A_231 : i32
        %and3A_233 = arith.andi %ge3A_230, %lt3A_232 : i1
        %select_n3A_234 = arith.constant 5000 : i32
        %select_n3A_235 = arith.select %and3A_233, %sub3A_228, %select_n3A_234 : i32
        %mul3A_236 = arith.constant 16 : i32
        %mul3A_237 = arith.muli %scan3A_61, %mul3A_236 : i32
        %add3A_238 = arith.constant 5 : i32
        %add3A_239 = arith.addi %mul3A_237, %add3A_238 : i32
        %mul3A_240 = arith.constant 16 : i32
        %mul3A_241 = arith.muli %select_n3A_235, %mul3A_240 : i32
        %add3A_242 = arith.constant 0 : i32
        %add3A_243 = arith.addi %mul3A_241, %add3A_242 : i32
        %mul3A_244 = arith.constant 16 : i32
        %mul3A_245 = arith.muli %add3A_239, %mul3A_244 : i32
        %add3A_246 = arith.constant 0 : i32
        %add3A_247 = arith.addi %mul3A_245, %add3A_246 : i32
        %get3A_248 = arith.index_cast %add3A_243 : i32 to index
        %get3A_249 = tpu.vector_load %arg5[%get3A_248] {strides = array<i32>} : memref<80016xf32, #tpu.memory_space<vmem>>, vector<16xf32>,
        %get3A_250 = vector.shape_cast %get3A_249 : vector<16xf32> to vector<16xf32>
        %get3A_251 = arith.index_cast %add3A_247 : i32 to index
        %get3A_252 = tpu.vector_load %arg7[%get3A_251] {strides = array<i32>} : memref<12800xf32, #tpu.memory_space<vmem>>, vector<16xf32>,
        %get3A_253 = vector.shape_cast %get3A_252 : vector<16xf32> to vector<16xf32>
        %max3A_254 = arith.maximumf %get3A_250, %get3A_253 : vector<16xf32>
        %swap3A_255 = arith.index_cast %add3A_243 : i32 to index
        %swap3A_256 = tpu.vector_load %arg5[%swap3A_255] {strides = array<i32>} : memref<80016xf32, #tpu.memory_space<vmem>>, vector<16xf32>,
        %swap3A_257 = vector.shape_cast %swap3A_256 : vector<16xf32> to vector<16xf32>
        %swap3A_258 = vector.shape_cast %max3A_254 : vector<16xf32> to vector<16xf32>
        tpu.vector_store %arg5[%swap3A_255], %swap3A_258 {strides = array<i32>} : memref<80016xf32, #tpu.memory_space<vmem>>, vector<16xf32>,
        %slice3A_259 = vector.extract_strided_slice %get3A_65 {offsets = [6], sizes = [1], strides = [1]} : vector<16xi32> to vector<1xi32>
        %squeeze3A_260 = vector.extract %slice3A_259[0] : i32 from vector<1xi32>
        %sub3A_261 = arith.subi %squeeze3A_260, %mul3A_32 : i32
        %ge3A_262 = arith.constant 0 : i32
        %ge3A_263 = arith.cmpi sge, %sub3A_261, %ge3A_262 : i32
        %lt3A_264 = arith.constant 5000 : i32
        %lt3A_265 = arith.cmpi slt, %sub3A_261, %lt3A_264 : i32
        %and3A_266 = arith.andi %ge3A_263, %lt3A_265 : i1
        %select_n3A_267 = arith.constant 5000 : i32
        %select_n3A_268 = arith.select %and3A_266, %sub3A_261, %select_n3A_267 : i32
        %mul3A_269 = arith.constant 16 : i32
        %mul3A_270 = arith.muli %scan3A_61, %mul3A_269 : i32
        %add3A_271 = arith.constant 6 : i32
        %add3A_272 = arith.addi %mul3A_270, %add3A_271 : i32
        %mul3A_273 = arith.constant 16 : i32
        %mul3A_274 = arith.muli %select_n3A_268, %mul3A_273 : i32
        %add3A_275 = arith.constant 0 : i32
        %add3A_276 = arith.addi %mul3A_274, %add3A_275 : i32
        %mul3A_277 = arith.constant 16 : i32
        %mul3A_278 = arith.muli %add3A_272, %mul3A_277 : i32
        %add3A_279 = arith.constant 0 : i32
        %add3A_280 = arith.addi %mul3A_278, %add3A_279 : i32
        %get3A_281 = arith.index_cast %add3A_276 : i32 to index
        %get3A_282 = tpu.vector_load %arg5[%get3A_281] {strides = array<i32>} : memref<80016xf32, #tpu.memory_space<vmem>>, vector<16xf32>,
        %get3A_283 = vector.shape_cast %get3A_282 : vector<16xf32> to vector<16xf32>
        %get3A_284 = arith.index_cast %add3A_280 : i32 to index
        %get3A_285 = tpu.vector_load %arg7[%get3A_284] {strides = array<i32>} : memref<12800xf32, #tpu.memory_space<vmem>>, vector<16xf32>,
        %get3A_286 = vector.shape_cast %get3A_285 : vector<16xf32> to vector<16xf32>
        %max3A_287 = arith.maximumf %get3A_283, %get3A_286 : vector<16xf32>
        %swap3A_288 = arith.index_cast %add3A_276 : i32 to index
        %swap3A_289 = tpu.vector_load %arg5[%swap3A_288] {strides = array<i32>} : memref<80016xf32, #tpu.memory_space<vmem>>, vector<16xf32>,
        %swap3A_290 = vector.shape_cast %swap3A_289 : vector<16xf32> to vector<16xf32>
        %swap3A_291 = vector.shape_cast %max3A_287 : vector<16xf32> to vector<16xf32>
        tpu.vector_store %arg5[%swap3A_288], %swap3A_291 {strides = array<i32>} : memref<80016xf32, #tpu.memory_space<vmem>>, vector<16xf32>,
        %slice3A_292 = vector.extract_strided_slice %get3A_65 {offsets = [7], sizes = [1], strides = [1]} : vector<16xi32> to vector<1xi32>
        %squeeze3A_293 = vector.extract %slice3A_292[0] : i32 from vector<1xi32>
        %sub3A_294 = arith.subi %squeeze3A_293, %mul3A_32 : i32
        %ge3A_295 = arith.constant 0 : i32
        %ge3A_296 = arith.cmpi sge, %sub3A_294, %ge3A_295 : i32
        %lt3A_297 = arith.constant 5000 : i32
        %lt3A_298 = arith.cmpi slt, %sub3A_294, %lt3A_297 : i32
        %and3A_299 = arith.andi %ge3A_296, %lt3A_298 : i1
        %select_n3A_300 = arith.constant 5000 : i32
        %select_n3A_301 = arith.select %and3A_299, %sub3A_294, %select_n3A_300 : i32
        %mul3A_302 = arith.constant 16 : i32
        %mul3A_303 = arith.muli %scan3A_61, %mul3A_302 : i32
        %add3A_304 = arith.constant 7 : i32
        %add3A_305 = arith.addi %mul3A_303, %add3A_304 : i32
        %mul3A_306 = arith.constant 16 : i32
        %mul3A_307 = arith.muli %select_n3A_301, %mul3A_306 : i32
        %add3A_308 = arith.constant 0 : i32
        %add3A_309 = arith.addi %mul3A_307, %add3A_308 : i32
        %mul3A_310 = arith.constant 16 : i32
        %mul3A_311 = arith.muli %add3A_305, %mul3A_310 : i32
        %add3A_312 = arith.constant 0 : i32
        %add3A_313 = arith.addi %mul3A_311, %add3A_312 : i32
        %get3A_314 = arith.index_cast %add3A_309 : i32 to index
        %get3A_315 = tpu.vector_load %arg5[%get3A_314] {strides = array<i32>} : memref<80016xf32, #tpu.memory_space<vmem>>, vector<16xf32>,
        %get3A_316 = vector.shape_cast %get3A_315 : vector<16xf32> to vector<16xf32>
        %get3A_317 = arith.index_cast %add3A_313 : i32 to index
        %get3A_318 = tpu.vector_load %arg7[%get3A_317] {strides = array<i32>} : memref<12800xf32, #tpu.memory_space<vmem>>, vector<16xf32>,
        %get3A_319 = vector.shape_cast %get3A_318 : vector<16xf32> to vector<16xf32>
        %max3A_320 = arith.maximumf %get3A_316, %get3A_319 : vector<16xf32>
        %swap3A_321 = arith.index_cast %add3A_309 : i32 to index
        %swap3A_322 = tpu.vector_load %arg5[%swap3A_321] {strides = array<i32>} : memref<80016xf32, #tpu.memory_space<vmem>>, vector<16xf32>,
        %swap3A_323 = vector.shape_cast %swap3A_322 : vector<16xf32> to vector<16xf32>
        %swap3A_324 = vector.shape_cast %max3A_320 : vector<16xf32> to vector<16xf32>
        tpu.vector_store %arg5[%swap3A_321], %swap3A_324 {strides = array<i32>} : memref<80016xf32, #tpu.memory_space<vmem>>, vector<16xf32>,
        %slice3A_325 = vector.extract_strided_slice %get3A_65 {offsets = [8], sizes = [1], strides = [1]} : vector<16xi32> to vector<1xi32>
        %squeeze3A_326 = vector.extract %slice3A_325[0] : i32 from vector<1xi32>
        %sub3A_327 = arith.subi %squeeze3A_326, %mul3A_32 : i32
        %ge3A_328 = arith.constant 0 : i32
        %ge3A_329 = arith.cmpi sge, %sub3A_327, %ge3A_328 : i32
        %lt3A_330 = arith.constant 5000 : i32
        %lt3A_331 = arith.cmpi slt, %sub3A_327, %lt3A_330 : i32
        %and3A_332 = arith.andi %ge3A_329, %lt3A_331 : i1
        %select_n3A_333 = arith.constant 5000 : i32
        %select_n3A_334 = arith.select %and3A_332, %sub3A_327, %select_n3A_333 : i32
        %mul3A_335 = arith.constant 16 : i32
        %mul3A_336 = arith.muli %scan3A_61, %mul3A_335 : i32
        %add3A_337 = arith.constant 8 : i32
        %add3A_338 = arith.addi %mul3A_336, %add3A_337 : i32
        %mul3A_339 = arith.constant 16 : i32
        %mul3A_340 = arith.muli %select_n3A_334, %mul3A_339 : i32
        %add3A_341 = arith.constant 0 : i32
        %add3A_342 = arith.addi %mul3A_340, %add3A_341 : i32
        %mul3A_343 = arith.constant 16 : i32
        %mul3A_344 = arith.muli %add3A_338, %mul3A_343 : i32
        %add3A_345 = arith.constant 0 : i32
        %add3A_346 = arith.addi %mul3A_344, %add3A_345 : i32
        %get3A_347 = arith.index_cast %add3A_342 : i32 to index
        %get3A_348 = tpu.vector_load %arg5[%get3A_347] {strides = array<i32>} : memref<80016xf32, #tpu.memory_space<vmem>>, vector<16xf32>,
        %get3A_349 = vector.shape_cast %get3A_348 : vector<16xf32> to vector<16xf32>
        %get3A_350 = arith.index_cast %add3A_346 : i32 to index
        %get3A_351 = tpu.vector_load %arg7[%get3A_350] {strides = array<i32>} : memref<12800xf32, #tpu.memory_space<vmem>>, vector<16xf32>,
        %get3A_352 = vector.shape_cast %get3A_351 : vector<16xf32> to vector<16xf32>
        %max3A_353 = arith.maximumf %get3A_349, %get3A_352 : vector<16xf32>
        %swap3A_354 = arith.index_cast %add3A_342 : i32 to index
        %swap3A_355 = tpu.vector_load %arg5[%swap3A_354] {strides = array<i32>} : memref<80016xf32, #tpu.memory_space<vmem>>, vector<16xf32>,
        %swap3A_356 = vector.shape_cast %swap3A_355 : vector<16xf32> to vector<16xf32>
        %swap3A_357 = vector.shape_cast %max3A_353 : vector<16xf32> to vector<16xf32>
        tpu.vector_store %arg5[%swap3A_354], %swap3A_357 {strides = array<i32>} : memref<80016xf32, #tpu.memory_space<vmem>>, vector<16xf32>,
        %slice3A_358 = vector.extract_strided_slice %get3A_65 {offsets = [9], sizes = [1], strides = [1]} : vector<16xi32> to vector<1xi32>
        %squeeze3A_359 = vector.extract %slice3A_358[0] : i32 from vector<1xi32>
        %sub3A_360 = arith.subi %squeeze3A_359, %mul3A_32 : i32
        %ge3A_361 = arith.constant 0 : i32
        %ge3A_362 = arith.cmpi sge, %sub3A_360, %ge3A_361 : i32
        %lt3A_363 = arith.constant 5000 : i32
        %lt3A_364 = arith.cmpi slt, %sub3A_360, %lt3A_363 : i32
        %and3A_365 = arith.andi %ge3A_362, %lt3A_364 : i1
        %select_n3A_366 = arith.constant 5000 : i32
        %select_n3A_367 = arith.select %and3A_365, %sub3A_360, %select_n3A_366 : i32
        %mul3A_368 = arith.constant 16 : i32
        %mul3A_369 = arith.muli %scan3A_61, %mul3A_368 : i32
        %add3A_370 = arith.constant 9 : i32
        %add3A_371 = arith.addi %mul3A_369, %add3A_370 : i32
        %mul3A_372 = arith.constant 16 : i32
        %mul3A_373 = arith.muli %select_n3A_367, %mul3A_372 : i32
        %add3A_374 = arith.constant 0 : i32
        %add3A_375 = arith.addi %mul3A_373, %add3A_374 : i32
        %mul3A_376 = arith.constant 16 : i32
        %mul3A_377 = arith.muli %add3A_371, %mul3A_376 : i32
        %add3A_378 = arith.constant 0 : i32
        %add3A_379 = arith.addi %mul3A_377, %add3A_378 : i32
        %get3A_380 = arith.index_cast %add3A_375 : i32 to index
        %get3A_381 = tpu.vector_load %arg5[%get3A_380] {strides = array<i32>} : memref<80016xf32, #tpu.memory_space<vmem>>, vector<16xf32>,
        %get3A_382 = vector.shape_cast %get3A_381 : vector<16xf32> to vector<16xf32>
        %get3A_383 = arith.index_cast %add3A_379 : i32 to index
        %get3A_384 = tpu.vector_load %arg7[%get3A_383] {strides = array<i32>} : memref<12800xf32, #tpu.memory_space<vmem>>, vector<16xf32>,
        %get3A_385 = vector.shape_cast %get3A_384 : vector<16xf32> to vector<16xf32>
        %max3A_386 = arith.maximumf %get3A_382, %get3A_385 : vector<16xf32>
        %swap3A_387 = arith.index_cast %add3A_375 : i32 to index
        %swap3A_388 = tpu.vector_load %arg5[%swap3A_387] {strides = array<i32>} : memref<80016xf32, #tpu.memory_space<vmem>>, vector<16xf32>,
        %swap3A_389 = vector.shape_cast %swap3A_388 : vector<16xf32> to vector<16xf32>
        %swap3A_390 = vector.shape_cast %max3A_386 : vector<16xf32> to vector<16xf32>
        tpu.vector_store %arg5[%swap3A_387], %swap3A_390 {strides = array<i32>} : memref<80016xf32, #tpu.memory_space<vmem>>, vector<16xf32>,
        %slice3A_391 = vector.extract_strided_slice %get3A_65 {offsets = [10], sizes = [1], strides = [1]} : vector<16xi32> to vector<1xi32>
        %squeeze3A_392 = vector.extract %slice3A_391[0] : i32 from vector<1xi32>
        %sub3A_393 = arith.subi %squeeze3A_392, %mul3A_32 : i32
        %ge3A_394 = arith.constant 0 : i32
        %ge3A_395 = arith.cmpi sge, %sub3A_393, %ge3A_394 : i32
        %lt3A_396 = arith.constant 5000 : i32
        %lt3A_397 = arith.cmpi slt, %sub3A_393, %lt3A_396 : i32
        %and3A_398 = arith.andi %ge3A_395, %lt3A_397 : i1
        %select_n3A_399 = arith.constant 5000 : i32
        %select_n3A_400 = arith.select %and3A_398, %sub3A_393, %select_n3A_399 : i32
        %mul3A_401 = arith.constant 16 : i32
        %mul3A_402 = arith.muli %scan3A_61, %mul3A_401 : i32
        %add3A_403 = arith.constant 10 : i32
        %add3A_404 = arith.addi %mul3A_402, %add3A_403 : i32
        %mul3A_405 = arith.constant 16 : i32
        %mul3A_406 = arith.muli %select_n3A_400, %mul3A_405 : i32
        %add3A_407 = arith.constant 0 : i32
        %add3A_408 = arith.addi %mul3A_406, %add3A_407 : i32
        %mul3A_409 = arith.constant 16 : i32
        %mul3A_410 = arith.muli %add3A_404, %mul3A_409 : i32
        %add3A_411 = arith.constant 0 : i32
        %add3A_412 = arith.addi %mul3A_410, %add3A_411 : i32
        %get3A_413 = arith.index_cast %add3A_408 : i32 to index
        %get3A_414 = tpu.vector_load %arg5[%get3A_413] {strides = array<i32>} : memref<80016xf32, #tpu.memory_space<vmem>>, vector<16xf32>,
        %get3A_415 = vector.shape_cast %get3A_414 : vector<16xf32> to vector<16xf32>
        %get3A_416 = arith.index_cast %add3A_412 : i32 to index
        %get3A_417 = tpu.vector_load %arg7[%get3A_416] {strides = array<i32>} : memref<12800xf32, #tpu.memory_space<vmem>>, vector<16xf32>,
        %get3A_418 = vector.shape_cast %get3A_417 : vector<16xf32> to vector<16xf32>
        %max3A_419 = arith.maximumf %get3A_415, %get3A_418 : vector<16xf32>
        %swap3A_420 = arith.index_cast %add3A_408 : i32 to index
        %swap3A_421 = tpu.vector_load %arg5[%swap3A_420] {strides = array<i32>} : memref<80016xf32, #tpu.memory_space<vmem>>, vector<16xf32>,
        %swap3A_422 = vector.shape_cast %swap3A_421 : vector<16xf32> to vector<16xf32>
        %swap3A_423 = vector.shape_cast %max3A_419 : vector<16xf32> to vector<16xf32>
        tpu.vector_store %arg5[%swap3A_420], %swap3A_423 {strides = array<i32>} : memref<80016xf32, #tpu.memory_space<vmem>>, vector<16xf32>,
        %slice3A_424 = vector.extract_strided_slice %get3A_65 {offsets = [11], sizes = [1], strides = [1]} : vector<16xi32> to vector<1xi32>
        %squeeze3A_425 = vector.extract %slice3A_424[0] : i32 from vector<1xi32>
        %sub3A_426 = arith.subi %squeeze3A_425, %mul3A_32 : i32
        %ge3A_427 = arith.constant 0 : i32
        %ge3A_428 = arith.cmpi sge, %sub3A_426, %ge3A_427 : i32
        %lt3A_429 = arith.constant 5000 : i32
        %lt3A_430 = arith.cmpi slt, %sub3A_426, %lt3A_429 : i32
        %and3A_431 = arith.andi %ge3A_428, %lt3A_430 : i1
        %select_n3A_432 = arith.constant 5000 : i32
        %select_n3A_433 = arith.select %and3A_431, %sub3A_426, %select_n3A_432 : i32
        %mul3A_434 = arith.constant 16 : i32
        %mul3A_435 = arith.muli %scan3A_61, %mul3A_434 : i32
        %add3A_436 = arith.constant 11 : i32
        %add3A_437 = arith.addi %mul3A_435, %add3A_436 : i32
        %mul3A_438 = arith.constant 16 : i32
        %mul3A_439 = arith.muli %select_n3A_433, %mul3A_438 : i32
        %add3A_440 = arith.constant 0 : i32
        %add3A_441 = arith.addi %mul3A_439, %add3A_440 : i32
        %mul3A_442 = arith.constant 16 : i32
        %mul3A_443 = arith.muli %add3A_437, %mul3A_442 : i32
        %add3A_444 = arith.constant 0 : i32
        %add3A_445 = arith.addi %mul3A_443, %add3A_444 : i32
        %get3A_446 = arith.index_cast %add3A_441 : i32 to index
        %get3A_447 = tpu.vector_load %arg5[%get3A_446] {strides = array<i32>} : memref<80016xf32, #tpu.memory_space<vmem>>, vector<16xf32>,
        %get3A_448 = vector.shape_cast %get3A_447 : vector<16xf32> to vector<16xf32>
        %get3A_449 = arith.index_cast %add3A_445 : i32 to index
        %get3A_450 = tpu.vector_load %arg7[%get3A_449] {strides = array<i32>} : memref<12800xf32, #tpu.memory_space<vmem>>, vector<16xf32>,
        %get3A_451 = vector.shape_cast %get3A_450 : vector<16xf32> to vector<16xf32>
        %max3A_452 = arith.maximumf %get3A_448, %get3A_451 : vector<16xf32>
        %swap3A_453 = arith.index_cast %add3A_441 : i32 to index
        %swap3A_454 = tpu.vector_load %arg5[%swap3A_453] {strides = array<i32>} : memref<80016xf32, #tpu.memory_space<vmem>>, vector<16xf32>,
        %swap3A_455 = vector.shape_cast %swap3A_454 : vector<16xf32> to vector<16xf32>
        %swap3A_456 = vector.shape_cast %max3A_452 : vector<16xf32> to vector<16xf32>
        tpu.vector_store %arg5[%swap3A_453], %swap3A_456 {strides = array<i32>} : memref<80016xf32, #tpu.memory_space<vmem>>, vector<16xf32>,
        %slice3A_457 = vector.extract_strided_slice %get3A_65 {offsets = [12], sizes = [1], strides = [1]} : vector<16xi32> to vector<1xi32>
        %squeeze3A_458 = vector.extract %slice3A_457[0] : i32 from vector<1xi32>
        %sub3A_459 = arith.subi %squeeze3A_458, %mul3A_32 : i32
        %ge3A_460 = arith.constant 0 : i32
        %ge3A_461 = arith.cmpi sge, %sub3A_459, %ge3A_460 : i32
        %lt3A_462 = arith.constant 5000 : i32
        %lt3A_463 = arith.cmpi slt, %sub3A_459, %lt3A_462 : i32
        %and3A_464 = arith.andi %ge3A_461, %lt3A_463 : i1
        %select_n3A_465 = arith.constant 5000 : i32
        %select_n3A_466 = arith.select %and3A_464, %sub3A_459, %select_n3A_465 : i32
        %mul3A_467 = arith.constant 16 : i32
        %mul3A_468 = arith.muli %scan3A_61, %mul3A_467 : i32
        %add3A_469 = arith.constant 12 : i32
        %add3A_470 = arith.addi %mul3A_468, %add3A_469 : i32
        %mul3A_471 = arith.constant 16 : i32
        %mul3A_472 = arith.muli %select_n3A_466, %mul3A_471 : i32
        %add3A_473 = arith.constant 0 : i32
        %add3A_474 = arith.addi %mul3A_472, %add3A_473 : i32
        %mul3A_475 = arith.constant 16 : i32
        %mul3A_476 = arith.muli %add3A_470, %mul3A_475 : i32
        %add3A_477 = arith.constant 0 : i32
        %add3A_478 = arith.addi %mul3A_476, %add3A_477 : i32
        %get3A_479 = arith.index_cast %add3A_474 : i32 to index
        %get3A_480 = tpu.vector_load %arg5[%get3A_479] {strides = array<i32>} : memref<80016xf32, #tpu.memory_space<vmem>>, vector<16xf32>,
        %get3A_481 = vector.shape_cast %get3A_480 : vector<16xf32> to vector<16xf32>
        %get3A_482 = arith.index_cast %add3A_478 : i32 to index
        %get3A_483 = tpu.vector_load %arg7[%get3A_482] {strides = array<i32>} : memref<12800xf32, #tpu.memory_space<vmem>>, vector<16xf32>,
        %get3A_484 = vector.shape_cast %get3A_483 : vector<16xf32> to vector<16xf32>
        %max3A_485 = arith.maximumf %get3A_481, %get3A_484 : vector<16xf32>
        %swap3A_486 = arith.index_cast %add3A_474 : i32 to index
        %swap3A_487 = tpu.vector_load %arg5[%swap3A_486] {strides = array<i32>} : memref<80016xf32, #tpu.memory_space<vmem>>, vector<16xf32>,
        %swap3A_488 = vector.shape_cast %swap3A_487 : vector<16xf32> to vector<16xf32>
        %swap3A_489 = vector.shape_cast %max3A_485 : vector<16xf32> to vector<16xf32>
        tpu.vector_store %arg5[%swap3A_486], %swap3A_489 {strides = array<i32>} : memref<80016xf32, #tpu.memory_space<vmem>>, vector<16xf32>,
        %slice3A_490 = vector.extract_strided_slice %get3A_65 {offsets = [13], sizes = [1], strides = [1]} : vector<16xi32> to vector<1xi32>
        %squeeze3A_491 = vector.extract %slice3A_490[0] : i32 from vector<1xi32>
        %sub3A_492 = arith.subi %squeeze3A_491, %mul3A_32 : i32
        %ge3A_493 = arith.constant 0 : i32
        %ge3A_494 = arith.cmpi sge, %sub3A_492, %ge3A_493 : i32
        %lt3A_495 = arith.constant 5000 : i32
        %lt3A_496 = arith.cmpi slt, %sub3A_492, %lt3A_495 : i32
        %and3A_497 = arith.andi %ge3A_494, %lt3A_496 : i1
        %select_n3A_498 = arith.constant 5000 : i32
        %select_n3A_499 = arith.select %and3A_497, %sub3A_492, %select_n3A_498 : i32
        %mul3A_500 = arith.constant 16 : i32
        %mul3A_501 = arith.muli %scan3A_61, %mul3A_500 : i32
        %add3A_502 = arith.constant 13 : i32
        %add3A_503 = arith.addi %mul3A_501, %add3A_502 : i32
        %mul3A_504 = arith.constant 16 : i32
        %mul3A_505 = arith.muli %select_n3A_499, %mul3A_504 : i32
        %add3A_506 = arith.constant 0 : i32
        %add3A_507 = arith.addi %mul3A_505, %add3A_506 : i32
        %mul3A_508 = arith.constant 16 : i32
        %mul3A_509 = arith.muli %add3A_503, %mul3A_508 : i32
        %add3A_510 = arith.constant 0 : i32
        %add3A_511 = arith.addi %mul3A_509, %add3A_510 : i32
        %get3A_512 = arith.index_cast %add3A_507 : i32 to index
        %get3A_513 = tpu.vector_load %arg5[%get3A_512] {strides = array<i32>} : memref<80016xf32, #tpu.memory_space<vmem>>, vector<16xf32>,
        %get3A_514 = vector.shape_cast %get3A_513 : vector<16xf32> to vector<16xf32>
        %get3A_515 = arith.index_cast %add3A_511 : i32 to index
        %get3A_516 = tpu.vector_load %arg7[%get3A_515] {strides = array<i32>} : memref<12800xf32, #tpu.memory_space<vmem>>, vector<16xf32>,
        %get3A_517 = vector.shape_cast %get3A_516 : vector<16xf32> to vector<16xf32>
        %max3A_518 = arith.maximumf %get3A_514, %get3A_517 : vector<16xf32>
        %swap3A_519 = arith.index_cast %add3A_507 : i32 to index
        %swap3A_520 = tpu.vector_load %arg5[%swap3A_519] {strides = array<i32>} : memref<80016xf32, #tpu.memory_space<vmem>>, vector<16xf32>,
        %swap3A_521 = vector.shape_cast %swap3A_520 : vector<16xf32> to vector<16xf32>
        %swap3A_522 = vector.shape_cast %max3A_518 : vector<16xf32> to vector<16xf32>
        tpu.vector_store %arg5[%swap3A_519], %swap3A_522 {strides = array<i32>} : memref<80016xf32, #tpu.memory_space<vmem>>, vector<16xf32>,
        %slice3A_523 = vector.extract_strided_slice %get3A_65 {offsets = [14], sizes = [1], strides = [1]} : vector<16xi32> to vector<1xi32>
        %squeeze3A_524 = vector.extract %slice3A_523[0] : i32 from vector<1xi32>
        %sub3A_525 = arith.subi %squeeze3A_524, %mul3A_32 : i32
        %ge3A_526 = arith.constant 0 : i32
        %ge3A_527 = arith.cmpi sge, %sub3A_525, %ge3A_526 : i32
        %lt3A_528 = arith.constant 5000 : i32
        %lt3A_529 = arith.cmpi slt, %sub3A_525, %lt3A_528 : i32
        %and3A_530 = arith.andi %ge3A_527, %lt3A_529 : i1
        %select_n3A_531 = arith.constant 5000 : i32
        %select_n3A_532 = arith.select %and3A_530, %sub3A_525, %select_n3A_531 : i32
        %mul3A_533 = arith.constant 16 : i32
        %mul3A_534 = arith.muli %scan3A_61, %mul3A_533 : i32
        %add3A_535 = arith.constant 14 : i32
        %add3A_536 = arith.addi %mul3A_534, %add3A_535 : i32
        %mul3A_537 = arith.constant 16 : i32
        %mul3A_538 = arith.muli %select_n3A_532, %mul3A_537 : i32
        %add3A_539 = arith.constant 0 : i32
        %add3A_540 = arith.addi %mul3A_538, %add3A_539 : i32
        %mul3A_541 = arith.constant 16 : i32
        %mul3A_542 = arith.muli %add3A_536, %mul3A_541 : i32
        %add3A_543 = arith.constant 0 : i32
        %add3A_544 = arith.addi %mul3A_542, %add3A_543 : i32
        %get3A_545 = arith.index_cast %add3A_540 : i32 to index
        %get3A_546 = tpu.vector_load %arg5[%get3A_545] {strides = array<i32>} : memref<80016xf32, #tpu.memory_space<vmem>>, vector<16xf32>,
        %get3A_547 = vector.shape_cast %get3A_546 : vector<16xf32> to vector<16xf32>
        %get3A_548 = arith.index_cast %add3A_544 : i32 to index
        %get3A_549 = tpu.vector_load %arg7[%get3A_548] {strides = array<i32>} : memref<12800xf32, #tpu.memory_space<vmem>>, vector<16xf32>,
        %get3A_550 = vector.shape_cast %get3A_549 : vector<16xf32> to vector<16xf32>
        %max3A_551 = arith.maximumf %get3A_547, %get3A_550 : vector<16xf32>
        %swap3A_552 = arith.index_cast %add3A_540 : i32 to index
        %swap3A_553 = tpu.vector_load %arg5[%swap3A_552] {strides = array<i32>} : memref<80016xf32, #tpu.memory_space<vmem>>, vector<16xf32>,
        %swap3A_554 = vector.shape_cast %swap3A_553 : vector<16xf32> to vector<16xf32>
        %swap3A_555 = vector.shape_cast %max3A_551 : vector<16xf32> to vector<16xf32>
        tpu.vector_store %arg5[%swap3A_552], %swap3A_555 {strides = array<i32>} : memref<80016xf32, #tpu.memory_space<vmem>>, vector<16xf32>,
        %slice3A_556 = vector.extract_strided_slice %get3A_65 {offsets = [15], sizes = [1], strides = [1]} : vector<16xi32> to vector<1xi32>
        %squeeze3A_557 = vector.extract %slice3A_556[0] : i32 from vector<1xi32>
        %sub3A_558 = arith.subi %squeeze3A_557, %mul3A_32 : i32
        %ge3A_559 = arith.constant 0 : i32
        %ge3A_560 = arith.cmpi sge, %sub3A_558, %ge3A_559 : i32
        %lt3A_561 = arith.constant 5000 : i32
        %lt3A_562 = arith.cmpi slt, %sub3A_558, %lt3A_561 : i32
        %and3A_563 = arith.andi %ge3A_560, %lt3A_562 : i1
        %select_n3A_564 = arith.constant 5000 : i32
        %select_n3A_565 = arith.select %and3A_563, %sub3A_558, %select_n3A_564 : i32
        %mul3A_566 = arith.constant 16 : i32
        %mul3A_567 = arith.muli %scan3A_61, %mul3A_566 : i32
        %add3A_568 = arith.constant 15 : i32
        %add3A_569 = arith.addi %mul3A_567, %add3A_568 : i32
        %mul3A_570 = arith.constant 16 : i32
        %mul3A_571 = arith.muli %select_n3A_565, %mul3A_570 : i32
        %add3A_572 = arith.constant 0 : i32
        %add3A_573 = arith.addi %mul3A_571, %add3A_572 : i32
        %mul3A_574 = arith.constant 16 : i32
        %mul3A_575 = arith.muli %add3A_569, %mul3A_574 : i32
        %add3A_576 = arith.constant 0 : i32
        %add3A_577 = arith.addi %mul3A_575, %add3A_576 : i32
        %get3A_578 = arith.index_cast %add3A_573 : i32 to index
        %get3A_579 = tpu.vector_load %arg5[%get3A_578] {strides = array<i32>} : memref<80016xf32, #tpu.memory_space<vmem>>, vector<16xf32>,
        %get3A_580 = vector.shape_cast %get3A_579 : vector<16xf32> to vector<16xf32>
        %get3A_581 = arith.index_cast %add3A_577 : i32 to index
        %get3A_582 = tpu.vector_load %arg7[%get3A_581] {strides = array<i32>} : memref<12800xf32, #tpu.memory_space<vmem>>, vector<16xf32>,
        %get3A_583 = vector.shape_cast %get3A_582 : vector<16xf32> to vector<16xf32>
        %max3A_584 = arith.maximumf %get3A_580, %get3A_583 : vector<16xf32>
        %swap3A_585 = arith.index_cast %add3A_573 : i32 to index
        %swap3A_586 = tpu.vector_load %arg5[%swap3A_585] {strides = array<i32>} : memref<80016xf32, #tpu.memory_space<vmem>>, vector<16xf32>,
        %swap3A_587 = vector.shape_cast %swap3A_586 : vector<16xf32> to vector<16xf32>
        %swap3A_588 = vector.shape_cast %max3A_584 : vector<16xf32> to vector<16xf32>
        tpu.vector_store %arg5[%swap3A_585], %swap3A_588 {strides = array<i32>} : memref<80016xf32, #tpu.memory_space<vmem>>, vector<16xf32>,
      }
      %scan3A_60 = arith.constant 50 : i32
    }
    %scan3A_45 = arith.constant 25 : i32
    %mul3A_46 = arith.constant 16 : i32
    %mul3A_47 = arith.muli %select_n3A_9, %mul3A_46 : i32
    %add3A_48 = arith.addi %mul3A_47, %select_n3A_30 : i32
    "tpu.region"() ({
      %run_scoped3A = tpu.sem_alloc : memref<!tpu.dma_semaphore, #tpu.memory_space<semaphore_mem>>
      %dma_start3A = arith.constant 0 : i32
      %dma_start3A_49 = tpu.memref_slice %arg5[%dma_start3A] : memref<80016xf32, #tpu.memory_space<vmem>> -> memref<80000xf32, #tpu.memory_space<vmem>>
      %dma_start3A_50 = arith.constant 0 : i32
      %dma_start3A_51 = tpu.memref_slice %arg4[%add3A_48, %dma_start3A_50] : memref<32x80000xf32, #tpu.memory_space<hbm>> -> memref<1x80000xf32, #tpu.memory_space<hbm>>
      %dma_start3A_52 = tpu.memref_squeeze %dma_start3A_51 : memref<1x80000xf32, #tpu.memory_space<hbm>> -> memref<80000xf32, #tpu.memory_space<hbm>>
      %dma_start3A_53 = arith.constant 0 : i32
      %dma_start3A_54 = tpu.memref_slice %arg4[%add3A_48, %dma_start3A_53] : memref<32x80000xf32, #tpu.memory_space<hbm>> -> memref<1x80000xf32, #tpu.memory_space<hbm>>
      %dma_start3A_55 = tpu.memref_squeeze %dma_start3A_54 : memref<1x80000xf32, #tpu.memory_space<hbm>> -> memref<80000xf32, #tpu.memory_space<hbm>>
      %dma_start3A_56 = arith.constant 0 : i32
      %dma_start3A_57 = tpu.memref_slice %arg5[%dma_start3A_56] : memref<80016xf32, #tpu.memory_space<vmem>> -> memref<80000xf32, #tpu.memory_space<vmem>>
      tpu.enqueue_dma source(%dma_start3A_57 : memref<80000xf32, #tpu.memory_space<vmem>>) target(%dma_start3A_55 : memref<80000xf32, #tpu.memory_space<hbm>>) target_semaphore(%run_scoped3A : memref<!tpu.dma_semaphore, #tpu.memory_space<semaphore_mem>>)
      %dma_wait3A = arith.constant 0 : i32
      %dma_wait3A_58 = tpu.memref_slice %arg5[%dma_wait3A] : memref<80016xf32, #tpu.memory_space<vmem>> -> memref<80000xf32, #tpu.memory_space<vmem>>
      %dma_wait3A_59 = arith.constant 0 : i32
      %dma_wait3A_60 = tpu.memref_slice %arg4[%add3A_48, %dma_wait3A_59] : memref<32x80000xf32, #tpu.memory_space<hbm>> -> memref<1x80000xf32, #tpu.memory_space<hbm>>
      %dma_wait3A_61 = tpu.memref_squeeze %dma_wait3A_60 : memref<1x80000xf32, #tpu.memory_space<hbm>> -> memref<80000xf32, #tpu.memory_space<hbm>>
      %dma_wait3A_62 = arith.constant 0 : i32
      %dma_wait3A_63 = tpu.memref_slice %arg4[%add3A_48, %dma_wait3A_62] : memref<32x80000xf32, #tpu.memory_space<hbm>> -> memref<1x80000xf32, #tpu.memory_space<hbm>>
      %dma_wait3A_64 = tpu.memref_squeeze %dma_wait3A_63 : memref<1x80000xf32, #tpu.memory_space<hbm>> -> memref<80000xf32, #tpu.memory_space<hbm>>
      %dma_wait3A_65 = arith.constant 0 : i32
      %dma_wait3A_66 = tpu.memref_slice %arg5[%dma_wait3A_65] : memref<80016xf32, #tpu.memory_space<vmem>> -> memref<80000xf32, #tpu.memory_space<vmem>>
      tpu.wait_dma2 semaphore(%run_scoped3A : memref<!tpu.dma_semaphore, #tpu.memory_space<semaphore_mem>>) src(%dma_wait3A_66 : memref<80000xf32, #tpu.memory_space<vmem>>) dst(%dma_wait3A_64 : memref<80000xf32, #tpu.memory_space<hbm>>)
      tpu.yield
    }) : () -> ()
    return
  }
}

module attributes {stable_mosaic.version = 14 : i64} {
  func.func @body(%arg0: i32, %arg1: memref<6400x128xf32, #tpu.memory_space<vmem>>, %arg2: memref<6400x128xf32, #tpu.memory_space<vmem>>, %arg3: memref<128x16xbf16, #tpu.memory_space<vmem>>, %arg4: memref<128x16xbf16, #tpu.memory_space<vmem>>, %arg5: memref<1x16xf32, #tpu.memory_space<vmem>>, %arg6: memref<16x16xbf16, #tpu.memory_space<vmem>>, %arg7: memref<1x16xf32, #tpu.memory_space<vmem>>, %arg8: memref<6400x16xf32, #tpu.memory_space<vmem>>) attributes {dimension_semantics = [#tpu.dimension_semantics<arbitrary>], iteration_bounds = array<i64: 50>, scalar_prefetch = 0 : i64, scratch_operands = 0 : i64, tpu.core_type = #tpu.core_type<tc>, window_params = [{transform_indices = @transform_0, window_bounds = array<i64: 6400, 128>}, {transform_indices = @transform_1, window_bounds = array<i64: 6400, 128>}, {pipeline_mode = #tpu.pipeline_mode<synchronous>, transform_indices = @transform_2, window_bounds = array<i64: 128, 16>}, {pipeline_mode = #tpu.pipeline_mode<synchronous>, transform_indices = @transform_3, window_bounds = array<i64: 128, 16>}, {pipeline_mode = #tpu.pipeline_mode<synchronous>, transform_indices = @transform_4, window_bounds = array<i64: 1, 16>}, {pipeline_mode = #tpu.pipeline_mode<synchronous>, transform_indices = @transform_5, window_bounds = array<i64: 16, 16>}, {pipeline_mode = #tpu.pipeline_mode<synchronous>, transform_indices = @transform_6, window_bounds = array<i64: 1, 16>}, {transform_indices = @transform_7, window_bounds = array<i64: 6400, 16>}]} {
    %get3A = arith.constant 0 : index
    %get3A_0 = arith.constant 0 : index
    %get3A_1 = vector.load %arg1[%get3A, %get3A_0] : memref<6400x128xf32, #tpu.memory_space<vmem>>, vector<6400x128xf32>
    %get3A_2 = arith.constant 0 : index
    %get3A_3 = arith.constant 0 : index
    %get3A_4 = vector.load %arg2[%get3A_2, %get3A_3] : memref<6400x128xf32, #tpu.memory_space<vmem>>, vector<6400x128xf32>
    %get3A_5 = arith.constant 0 : index
    %get3A_6 = arith.constant 0 : index
    %get3A_7 = vector.load %arg3[%get3A_5, %get3A_6] : memref<128x16xbf16, #tpu.memory_space<vmem>>, vector<128x16xbf16>
    %convert_element_type3A = arith.truncf %get3A_1 : vector<6400x128xf32> to vector<6400x128xbf16>
    %dot_general3A = arith.constant dense<0.000000e+00> : vector<6400x16xf32>
    %dot_general3A_8 = tpu.matmul %convert_element_type3A, %get3A_7, %dot_general3A {dimension_numbers = #tpu.dot_dimension_numbers<[1], [0], [0], [1], [0, 0, 1, 1], [], []>, transpose_lhs_hint = false} : vector<6400x128xbf16>, vector<128x16xbf16>, vector<6400x16xf32> -> vector<6400x16xf32>
    %sub3A = arith.subf %get3A_4, %get3A_1 : vector<6400x128xf32>
    %get3A_9 = arith.constant 0 : index
    %get3A_10 = arith.constant 0 : index
    %get3A_11 = vector.load %arg4[%get3A_9, %get3A_10] : memref<128x16xbf16, #tpu.memory_space<vmem>>, vector<128x16xbf16>
    %convert_element_type3A_12 = arith.truncf %sub3A : vector<6400x128xf32> to vector<6400x128xbf16>
    %dot_general3A_13 = arith.constant dense<0.000000e+00> : vector<6400x16xf32>
    %dot_general3A_14 = tpu.matmul %convert_element_type3A_12, %get3A_11, %dot_general3A_13 {dimension_numbers = #tpu.dot_dimension_numbers<[1], [0], [0], [1], [0, 0, 1, 1], [], []>, transpose_lhs_hint = false} : vector<6400x128xbf16>, vector<128x16xbf16>, vector<6400x16xf32> -> vector<6400x16xf32>
    %add3A = arith.addf %dot_general3A_8, %dot_general3A_14 : vector<6400x16xf32>
    %get3A_15 = arith.constant 0 : index
    %get3A_16 = arith.constant 0 : index
    %get3A_17 = vector.load %arg5[%get3A_15, %get3A_16] : memref<1x16xf32, #tpu.memory_space<vmem>>, vector<1x16xf32>
    %add3A_18 = vector.broadcast %get3A_17 : vector<1x16xf32> to vector<6400x16xf32>
    %add3A_19 = arith.addf %add3A, %add3A_18 : vector<6400x16xf32>
    %max3A = arith.constant 0.000000e+00 : f32
    %max3A_20 = vector.broadcast %max3A : f32 to vector<6400x16xf32>
    %max3A_21 = arith.maximumf %add3A_19, %max3A_20 : vector<6400x16xf32>
    %get3A_22 = arith.constant 0 : index
    %get3A_23 = arith.constant 0 : index
    %get3A_24 = vector.load %arg6[%get3A_22, %get3A_23] : memref<16x16xbf16, #tpu.memory_space<vmem>>, vector<16x16xbf16>
    %convert_element_type3A_25 = arith.truncf %max3A_21 : vector<6400x16xf32> to vector<6400x16xbf16>
    %dot_general3A_26 = arith.constant dense<0.000000e+00> : vector<6400x16xf32>
    %dot_general3A_27 = tpu.matmul %convert_element_type3A_25, %get3A_24, %dot_general3A_26 {dimension_numbers = #tpu.dot_dimension_numbers<[1], [0], [0], [1], [0, 0, 1, 1], [], []>, transpose_lhs_hint = false} : vector<6400x16xbf16>, vector<16x16xbf16>, vector<6400x16xf32> -> vector<6400x16xf32>
    %get3A_28 = arith.constant 0 : index
    %get3A_29 = arith.constant 0 : index
    %get3A_30 = vector.load %arg7[%get3A_28, %get3A_29] : memref<1x16xf32, #tpu.memory_space<vmem>>, vector<1x16xf32>
    %add3A_31 = vector.broadcast %get3A_30 : vector<1x16xf32> to vector<6400x16xf32>
    %add3A_32 = arith.addf %dot_general3A_27, %add3A_31 : vector<6400x16xf32>
    %swap3A = arith.constant 0 : index
    %swap3A_33 = arith.constant 0 : index
    %swap3A_34 = vector.load %arg8[%swap3A, %swap3A_33] : memref<6400x16xf32, #tpu.memory_space<vmem>>, vector<6400x16xf32>
    tpu.vector_store %arg8[%swap3A, %swap3A_33], %add3A_32 {strides = array<i32>} : memref<6400x16xf32, #tpu.memory_space<vmem>>, vector<6400x16xf32>,
    return
  }
  func.func @transform_0(%arg0: i32) -> (i32, i32) {
    %c0_i32 = arith.constant 0 : i32
    %c0_i32_0 = arith.constant 0 : i32
    return %arg0, %c0_i32 : i32, i32
  }
  func.func @transform_1(%arg0: i32) -> (i32, i32) {
    %c0_i32 = arith.constant 0 : i32
    %c0_i32_0 = arith.constant 0 : i32
    return %arg0, %c0_i32 : i32, i32
  }
  func.func @transform_2(%arg0: i32) -> (i32, i32) {
    %c0_i32 = arith.constant 0 : i32
    %c0_i32_0 = arith.constant 0 : i32
    %c0_i32_1 = arith.constant 0 : i32
    return %c0_i32, %c0_i32_0 : i32, i32
  }
  func.func @transform_3(%arg0: i32) -> (i32, i32) {
    %c0_i32 = arith.constant 0 : i32
    %c0_i32_0 = arith.constant 0 : i32
    %c0_i32_1 = arith.constant 0 : i32
    return %c0_i32, %c0_i32_0 : i32, i32
  }
  func.func @transform_4(%arg0: i32) -> (i32, i32) {
    %c0_i32 = arith.constant 0 : i32
    %c0_i32_0 = arith.constant 0 : i32
    %c0_i32_1 = arith.constant 0 : i32
    return %c0_i32, %c0_i32_0 : i32, i32
  }
  func.func @transform_5(%arg0: i32) -> (i32, i32) {
    %c0_i32 = arith.constant 0 : i32
    %c0_i32_0 = arith.constant 0 : i32
    %c0_i32_1 = arith.constant 0 : i32
    return %c0_i32, %c0_i32_0 : i32, i32
  }
  func.func @transform_6(%arg0: i32) -> (i32, i32) {
    %c0_i32 = arith.constant 0 : i32
    %c0_i32_0 = arith.constant 0 : i32
    %c0_i32_1 = arith.constant 0 : i32
    return %c0_i32, %c0_i32_0 : i32, i32
  }
  func.func @transform_7(%arg0: i32) -> (i32, i32) {
    %c0_i32 = arith.constant 0 : i32
    %c0_i32_0 = arith.constant 0 : i32
    return %arg0, %c0_i32 : i32, i32
  }
}

module attributes {stable_mosaic.version = 14 : i64} {
  func.func @body(%arg0: memref<2x16x80000xf32, #tpu.memory_space<vmem>>, %arg1: memref<2x80000xf32, #tpu.memory_space<vmem>>) attributes {dimension_semantics = [], scalar_prefetch = 0 : i64, scratch_operands = 0 : i64, tpu.core_type = #tpu.core_type<tc>} {
    %get3A = arith.constant 0 : index
    %get3A_0 = arith.constant 0 : index
    %get3A_1 = arith.constant 0 : index
    %get3A_2 = vector.load %arg0[%get3A, %get3A_0, %get3A_1] : memref<2x16x80000xf32, #tpu.memory_space<vmem>>, vector<1x1x80000xf32>
    %get3A_3 = vector.shape_cast %get3A_2 : vector<1x1x80000xf32> to vector<80000xf32>
    %get3A_4 = arith.constant 0 : index
    %get3A_5 = arith.constant 1 : index
    %get3A_6 = arith.constant 0 : index
    %get3A_7 = vector.load %arg0[%get3A_4, %get3A_5, %get3A_6] : memref<2x16x80000xf32, #tpu.memory_space<vmem>>, vector<1x1x80000xf32>
    %get3A_8 = vector.shape_cast %get3A_7 : vector<1x1x80000xf32> to vector<80000xf32>
    %max3A = arith.maximumf %get3A_3, %get3A_8 : vector<80000xf32>
    %get3A_9 = arith.constant 0 : index
    %get3A_10 = arith.constant 2 : index
    %get3A_11 = arith.constant 0 : index
    %get3A_12 = vector.load %arg0[%get3A_9, %get3A_10, %get3A_11] : memref<2x16x80000xf32, #tpu.memory_space<vmem>>, vector<1x1x80000xf32>
    %get3A_13 = vector.shape_cast %get3A_12 : vector<1x1x80000xf32> to vector<80000xf32>
    %max3A_14 = arith.maximumf %max3A, %get3A_13 : vector<80000xf32>
    %get3A_15 = arith.constant 0 : index
    %get3A_16 = arith.constant 3 : index
    %get3A_17 = arith.constant 0 : index
    %get3A_18 = vector.load %arg0[%get3A_15, %get3A_16, %get3A_17] : memref<2x16x80000xf32, #tpu.memory_space<vmem>>, vector<1x1x80000xf32>
    %get3A_19 = vector.shape_cast %get3A_18 : vector<1x1x80000xf32> to vector<80000xf32>
    %max3A_20 = arith.maximumf %max3A_14, %get3A_19 : vector<80000xf32>
    %get3A_21 = arith.constant 0 : index
    %get3A_22 = arith.constant 4 : index
    %get3A_23 = arith.constant 0 : index
    %get3A_24 = vector.load %arg0[%get3A_21, %get3A_22, %get3A_23] : memref<2x16x80000xf32, #tpu.memory_space<vmem>>, vector<1x1x80000xf32>
    %get3A_25 = vector.shape_cast %get3A_24 : vector<1x1x80000xf32> to vector<80000xf32>
    %max3A_26 = arith.maximumf %max3A_20, %get3A_25 : vector<80000xf32>
    %get3A_27 = arith.constant 0 : index
    %get3A_28 = arith.constant 5 : index
    %get3A_29 = arith.constant 0 : index
    %get3A_30 = vector.load %arg0[%get3A_27, %get3A_28, %get3A_29] : memref<2x16x80000xf32, #tpu.memory_space<vmem>>, vector<1x1x80000xf32>
    %get3A_31 = vector.shape_cast %get3A_30 : vector<1x1x80000xf32> to vector<80000xf32>
    %max3A_32 = arith.maximumf %max3A_26, %get3A_31 : vector<80000xf32>
    %get3A_33 = arith.constant 0 : index
    %get3A_34 = arith.constant 6 : index
    %get3A_35 = arith.constant 0 : index
    %get3A_36 = vector.load %arg0[%get3A_33, %get3A_34, %get3A_35] : memref<2x16x80000xf32, #tpu.memory_space<vmem>>, vector<1x1x80000xf32>
    %get3A_37 = vector.shape_cast %get3A_36 : vector<1x1x80000xf32> to vector<80000xf32>
    %max3A_38 = arith.maximumf %max3A_32, %get3A_37 : vector<80000xf32>
    %get3A_39 = arith.constant 0 : index
    %get3A_40 = arith.constant 7 : index
    %get3A_41 = arith.constant 0 : index
    %get3A_42 = vector.load %arg0[%get3A_39, %get3A_40, %get3A_41] : memref<2x16x80000xf32, #tpu.memory_space<vmem>>, vector<1x1x80000xf32>
    %get3A_43 = vector.shape_cast %get3A_42 : vector<1x1x80000xf32> to vector<80000xf32>
    %max3A_44 = arith.maximumf %max3A_38, %get3A_43 : vector<80000xf32>
    %get3A_45 = arith.constant 0 : index
    %get3A_46 = arith.constant 8 : index
    %get3A_47 = arith.constant 0 : index
    %get3A_48 = vector.load %arg0[%get3A_45, %get3A_46, %get3A_47] : memref<2x16x80000xf32, #tpu.memory_space<vmem>>, vector<1x1x80000xf32>
    %get3A_49 = vector.shape_cast %get3A_48 : vector<1x1x80000xf32> to vector<80000xf32>
    %max3A_50 = arith.maximumf %max3A_44, %get3A_49 : vector<80000xf32>
    %get3A_51 = arith.constant 0 : index
    %get3A_52 = arith.constant 9 : index
    %get3A_53 = arith.constant 0 : index
    %get3A_54 = vector.load %arg0[%get3A_51, %get3A_52, %get3A_53] : memref<2x16x80000xf32, #tpu.memory_space<vmem>>, vector<1x1x80000xf32>
    %get3A_55 = vector.shape_cast %get3A_54 : vector<1x1x80000xf32> to vector<80000xf32>
    %max3A_56 = arith.maximumf %max3A_50, %get3A_55 : vector<80000xf32>
    %get3A_57 = arith.constant 0 : index
    %get3A_58 = arith.constant 10 : index
    %get3A_59 = arith.constant 0 : index
    %get3A_60 = vector.load %arg0[%get3A_57, %get3A_58, %get3A_59] : memref<2x16x80000xf32, #tpu.memory_space<vmem>>, vector<1x1x80000xf32>
    %get3A_61 = vector.shape_cast %get3A_60 : vector<1x1x80000xf32> to vector<80000xf32>
    %max3A_62 = arith.maximumf %max3A_56, %get3A_61 : vector<80000xf32>
    %get3A_63 = arith.constant 0 : index
    %get3A_64 = arith.constant 11 : index
    %get3A_65 = arith.constant 0 : index
    %get3A_66 = vector.load %arg0[%get3A_63, %get3A_64, %get3A_65] : memref<2x16x80000xf32, #tpu.memory_space<vmem>>, vector<1x1x80000xf32>
    %get3A_67 = vector.shape_cast %get3A_66 : vector<1x1x80000xf32> to vector<80000xf32>
    %max3A_68 = arith.maximumf %max3A_62, %get3A_67 : vector<80000xf32>
    %get3A_69 = arith.constant 0 : index
    %get3A_70 = arith.constant 12 : index
    %get3A_71 = arith.constant 0 : index
    %get3A_72 = vector.load %arg0[%get3A_69, %get3A_70, %get3A_71] : memref<2x16x80000xf32, #tpu.memory_space<vmem>>, vector<1x1x80000xf32>
    %get3A_73 = vector.shape_cast %get3A_72 : vector<1x1x80000xf32> to vector<80000xf32>
    %max3A_74 = arith.maximumf %max3A_68, %get3A_73 : vector<80000xf32>
    %get3A_75 = arith.constant 0 : index
    %get3A_76 = arith.constant 13 : index
    %get3A_77 = arith.constant 0 : index
    %get3A_78 = vector.load %arg0[%get3A_75, %get3A_76, %get3A_77] : memref<2x16x80000xf32, #tpu.memory_space<vmem>>, vector<1x1x80000xf32>
    %get3A_79 = vector.shape_cast %get3A_78 : vector<1x1x80000xf32> to vector<80000xf32>
    %max3A_80 = arith.maximumf %max3A_74, %get3A_79 : vector<80000xf32>
    %get3A_81 = arith.constant 0 : index
    %get3A_82 = arith.constant 14 : index
    %get3A_83 = arith.constant 0 : index
    %get3A_84 = vector.load %arg0[%get3A_81, %get3A_82, %get3A_83] : memref<2x16x80000xf32, #tpu.memory_space<vmem>>, vector<1x1x80000xf32>
    %get3A_85 = vector.shape_cast %get3A_84 : vector<1x1x80000xf32> to vector<80000xf32>
    %max3A_86 = arith.maximumf %max3A_80, %get3A_85 : vector<80000xf32>
    %get3A_87 = arith.constant 0 : index
    %get3A_88 = arith.constant 15 : index
    %get3A_89 = arith.constant 0 : index
    %get3A_90 = vector.load %arg0[%get3A_87, %get3A_88, %get3A_89] : memref<2x16x80000xf32, #tpu.memory_space<vmem>>, vector<1x1x80000xf32>
    %get3A_91 = vector.shape_cast %get3A_90 : vector<1x1x80000xf32> to vector<80000xf32>
    %max3A_92 = arith.maximumf %max3A_86, %get3A_91 : vector<80000xf32>
    %max3A_93 = arith.constant 0.000000e+00 : f32
    %max3A_94 = vector.broadcast %max3A_93 : f32 to vector<80000xf32>
    %max3A_95 = arith.maximumf %max3A_92, %max3A_94 : vector<80000xf32>
    %swap3A = arith.constant 0 : index
    %swap3A_96 = arith.constant 0 : index
    %swap3A_97 = vector.load %arg1[%swap3A, %swap3A_96] : memref<2x80000xf32, #tpu.memory_space<vmem>>, vector<1x80000xf32>
    %swap3A_98 = vector.shape_cast %swap3A_97 : vector<1x80000xf32> to vector<80000xf32>
    %swap3A_99 = vector.shape_cast %max3A_95 : vector<80000xf32> to vector<1x80000xf32>
    tpu.vector_store %arg1[%swap3A, %swap3A_96], %swap3A_99 {strides = array<i32>} : memref<2x80000xf32, #tpu.memory_space<vmem>>, vector<1x80000xf32>,
    %get3A_100 = arith.constant 1 : index
    %get3A_101 = arith.constant 0 : index
    %get3A_102 = arith.constant 0 : index
    %get3A_103 = vector.load %arg0[%get3A_100, %get3A_101, %get3A_102] : memref<2x16x80000xf32, #tpu.memory_space<vmem>>, vector<1x1x80000xf32>
    %get3A_104 = vector.shape_cast %get3A_103 : vector<1x1x80000xf32> to vector<80000xf32>
    %get3A_105 = arith.constant 1 : index
    %get3A_106 = arith.constant 1 : index
    %get3A_107 = arith.constant 0 : index
    %get3A_108 = vector.load %arg0[%get3A_105, %get3A_106, %get3A_107] : memref<2x16x80000xf32, #tpu.memory_space<vmem>>, vector<1x1x80000xf32>
    %get3A_109 = vector.shape_cast %get3A_108 : vector<1x1x80000xf32> to vector<80000xf32>
    %max3A_110 = arith.maximumf %get3A_104, %get3A_109 : vector<80000xf32>
    %get3A_111 = arith.constant 1 : index
    %get3A_112 = arith.constant 2 : index
    %get3A_113 = arith.constant 0 : index
    %get3A_114 = vector.load %arg0[%get3A_111, %get3A_112, %get3A_113] : memref<2x16x80000xf32, #tpu.memory_space<vmem>>, vector<1x1x80000xf32>
    %get3A_115 = vector.shape_cast %get3A_114 : vector<1x1x80000xf32> to vector<80000xf32>
    %max3A_116 = arith.maximumf %max3A_110, %get3A_115 : vector<80000xf32>
    %get3A_117 = arith.constant 1 : index
    %get3A_118 = arith.constant 3 : index
    %get3A_119 = arith.constant 0 : index
    %get3A_120 = vector.load %arg0[%get3A_117, %get3A_118, %get3A_119] : memref<2x16x80000xf32, #tpu.memory_space<vmem>>, vector<1x1x80000xf32>
    %get3A_121 = vector.shape_cast %get3A_120 : vector<1x1x80000xf32> to vector<80000xf32>
    %max3A_122 = arith.maximumf %max3A_116, %get3A_121 : vector<80000xf32>
    %get3A_123 = arith.constant 1 : index
    %get3A_124 = arith.constant 4 : index
    %get3A_125 = arith.constant 0 : index
    %get3A_126 = vector.load %arg0[%get3A_123, %get3A_124, %get3A_125] : memref<2x16x80000xf32, #tpu.memory_space<vmem>>, vector<1x1x80000xf32>
    %get3A_127 = vector.shape_cast %get3A_126 : vector<1x1x80000xf32> to vector<80000xf32>
    %max3A_128 = arith.maximumf %max3A_122, %get3A_127 : vector<80000xf32>
    %get3A_129 = arith.constant 1 : index
    %get3A_130 = arith.constant 5 : index
    %get3A_131 = arith.constant 0 : index
    %get3A_132 = vector.load %arg0[%get3A_129, %get3A_130, %get3A_131] : memref<2x16x80000xf32, #tpu.memory_space<vmem>>, vector<1x1x80000xf32>
    %get3A_133 = vector.shape_cast %get3A_132 : vector<1x1x80000xf32> to vector<80000xf32>
    %max3A_134 = arith.maximumf %max3A_128, %get3A_133 : vector<80000xf32>
    %get3A_135 = arith.constant 1 : index
    %get3A_136 = arith.constant 6 : index
    %get3A_137 = arith.constant 0 : index
    %get3A_138 = vector.load %arg0[%get3A_135, %get3A_136, %get3A_137] : memref<2x16x80000xf32, #tpu.memory_space<vmem>>, vector<1x1x80000xf32>
    %get3A_139 = vector.shape_cast %get3A_138 : vector<1x1x80000xf32> to vector<80000xf32>
    %max3A_140 = arith.maximumf %max3A_134, %get3A_139 : vector<80000xf32>
    %get3A_141 = arith.constant 1 : index
    %get3A_142 = arith.constant 7 : index
    %get3A_143 = arith.constant 0 : index
    %get3A_144 = vector.load %arg0[%get3A_141, %get3A_142, %get3A_143] : memref<2x16x80000xf32, #tpu.memory_space<vmem>>, vector<1x1x80000xf32>
    %get3A_145 = vector.shape_cast %get3A_144 : vector<1x1x80000xf32> to vector<80000xf32>
    %max3A_146 = arith.maximumf %max3A_140, %get3A_145 : vector<80000xf32>
    %get3A_147 = arith.constant 1 : index
    %get3A_148 = arith.constant 8 : index
    %get3A_149 = arith.constant 0 : index
    %get3A_150 = vector.load %arg0[%get3A_147, %get3A_148, %get3A_149] : memref<2x16x80000xf32, #tpu.memory_space<vmem>>, vector<1x1x80000xf32>
    %get3A_151 = vector.shape_cast %get3A_150 : vector<1x1x80000xf32> to vector<80000xf32>
    %max3A_152 = arith.maximumf %max3A_146, %get3A_151 : vector<80000xf32>
    %get3A_153 = arith.constant 1 : index
    %get3A_154 = arith.constant 9 : index
    %get3A_155 = arith.constant 0 : index
    %get3A_156 = vector.load %arg0[%get3A_153, %get3A_154, %get3A_155] : memref<2x16x80000xf32, #tpu.memory_space<vmem>>, vector<1x1x80000xf32>
    %get3A_157 = vector.shape_cast %get3A_156 : vector<1x1x80000xf32> to vector<80000xf32>
    %max3A_158 = arith.maximumf %max3A_152, %get3A_157 : vector<80000xf32>
    %get3A_159 = arith.constant 1 : index
    %get3A_160 = arith.constant 10 : index
    %get3A_161 = arith.constant 0 : index
    %get3A_162 = vector.load %arg0[%get3A_159, %get3A_160, %get3A_161] : memref<2x16x80000xf32, #tpu.memory_space<vmem>>, vector<1x1x80000xf32>
    %get3A_163 = vector.shape_cast %get3A_162 : vector<1x1x80000xf32> to vector<80000xf32>
    %max3A_164 = arith.maximumf %max3A_158, %get3A_163 : vector<80000xf32>
    %get3A_165 = arith.constant 1 : index
    %get3A_166 = arith.constant 11 : index
    %get3A_167 = arith.constant 0 : index
    %get3A_168 = vector.load %arg0[%get3A_165, %get3A_166, %get3A_167] : memref<2x16x80000xf32, #tpu.memory_space<vmem>>, vector<1x1x80000xf32>
    %get3A_169 = vector.shape_cast %get3A_168 : vector<1x1x80000xf32> to vector<80000xf32>
    %max3A_170 = arith.maximumf %max3A_164, %get3A_169 : vector<80000xf32>
    %get3A_171 = arith.constant 1 : index
    %get3A_172 = arith.constant 12 : index
    %get3A_173 = arith.constant 0 : index
    %get3A_174 = vector.load %arg0[%get3A_171, %get3A_172, %get3A_173] : memref<2x16x80000xf32, #tpu.memory_space<vmem>>, vector<1x1x80000xf32>
    %get3A_175 = vector.shape_cast %get3A_174 : vector<1x1x80000xf32> to vector<80000xf32>
    %max3A_176 = arith.maximumf %max3A_170, %get3A_175 : vector<80000xf32>
    %get3A_177 = arith.constant 1 : index
    %get3A_178 = arith.constant 13 : index
    %get3A_179 = arith.constant 0 : index
    %get3A_180 = vector.load %arg0[%get3A_177, %get3A_178, %get3A_179] : memref<2x16x80000xf32, #tpu.memory_space<vmem>>, vector<1x1x80000xf32>
    %get3A_181 = vector.shape_cast %get3A_180 : vector<1x1x80000xf32> to vector<80000xf32>
    %max3A_182 = arith.maximumf %max3A_176, %get3A_181 : vector<80000xf32>
    %get3A_183 = arith.constant 1 : index
    %get3A_184 = arith.constant 14 : index
    %get3A_185 = arith.constant 0 : index
    %get3A_186 = vector.load %arg0[%get3A_183, %get3A_184, %get3A_185] : memref<2x16x80000xf32, #tpu.memory_space<vmem>>, vector<1x1x80000xf32>
    %get3A_187 = vector.shape_cast %get3A_186 : vector<1x1x80000xf32> to vector<80000xf32>
    %max3A_188 = arith.maximumf %max3A_182, %get3A_187 : vector<80000xf32>
    %get3A_189 = arith.constant 1 : index
    %get3A_190 = arith.constant 15 : index
    %get3A_191 = arith.constant 0 : index
    %get3A_192 = vector.load %arg0[%get3A_189, %get3A_190, %get3A_191] : memref<2x16x80000xf32, #tpu.memory_space<vmem>>, vector<1x1x80000xf32>
    %get3A_193 = vector.shape_cast %get3A_192 : vector<1x1x80000xf32> to vector<80000xf32>
    %max3A_194 = arith.maximumf %max3A_188, %get3A_193 : vector<80000xf32>
    %max3A_195 = arith.constant 0.000000e+00 : f32
    %max3A_196 = vector.broadcast %max3A_195 : f32 to vector<80000xf32>
    %max3A_197 = arith.maximumf %max3A_194, %max3A_196 : vector<80000xf32>
    %swap3A_198 = arith.constant 1 : index
    %swap3A_199 = arith.constant 0 : index
    %swap3A_200 = vector.load %arg1[%swap3A_198, %swap3A_199] : memref<2x80000xf32, #tpu.memory_space<vmem>>, vector<1x80000xf32>
    %swap3A_201 = vector.shape_cast %swap3A_200 : vector<1x80000xf32> to vector<80000xf32>
    %swap3A_202 = vector.shape_cast %max3A_197 : vector<80000xf32> to vector<1x80000xf32>
    tpu.vector_store %arg1[%swap3A_198, %swap3A_199], %swap3A_202 {strides = array<i32>} : memref<2x80000xf32, #tpu.memory_space<vmem>>, vector<1x80000xf32>,
    return
  }
}

module attributes {stable_mosaic.version = 14 : i64} {
  func.func @body(%arg0: i32, %arg1: memref<4000x128xf32, #tpu.memory_space<vmem>>, %arg2: memref<4000x128xf32, #tpu.memory_space<vmem>>, %arg3: memref<128x256xbf16, #tpu.memory_space<vmem>>, %arg4: memref<128x256xbf16, #tpu.memory_space<vmem>>, %arg5: memref<1x256xf32, #tpu.memory_space<vmem>>, %arg6: memref<256x256xbf16, #tpu.memory_space<vmem>>, %arg7: memref<1x256xf32, #tpu.memory_space<vmem>>, %arg8: memref<4000x128xf32, #tpu.memory_space<vmem>>, %arg9: memref<4000x128xf32, #tpu.memory_space<vmem>>) attributes {dimension_semantics = [#tpu.dimension_semantics<arbitrary>], iteration_bounds = array<i64: 10>, scalar_prefetch = 0 : i64, scratch_operands = 0 : i64, tpu.core_type = #tpu.core_type<tc>, window_params = [{transform_indices = @transform_0, window_bounds = array<i64: 4000, 128>}, {transform_indices = @transform_1, window_bounds = array<i64: 4000, 128>}, {pipeline_mode = #tpu.pipeline_mode<synchronous>, transform_indices = @transform_2, window_bounds = array<i64: 128, 256>}, {pipeline_mode = #tpu.pipeline_mode<synchronous>, transform_indices = @transform_3, window_bounds = array<i64: 128, 256>}, {pipeline_mode = #tpu.pipeline_mode<synchronous>, transform_indices = @transform_4, window_bounds = array<i64: 1, 256>}, {pipeline_mode = #tpu.pipeline_mode<synchronous>, transform_indices = @transform_5, window_bounds = array<i64: 256, 256>}, {pipeline_mode = #tpu.pipeline_mode<synchronous>, transform_indices = @transform_6, window_bounds = array<i64: 1, 256>}, {transform_indices = @transform_7, window_bounds = array<i64: 4000, 128>}, {transform_indices = @transform_8, window_bounds = array<i64: 4000, 128>}]} {
    %get3A = arith.constant 0 : index
    %get3A_0 = arith.constant 0 : index
    %get3A_1 = vector.load %arg1[%get3A, %get3A_0] : memref<4000x128xf32, #tpu.memory_space<vmem>>, vector<4000x128xf32>
    %get3A_2 = arith.constant 0 : index
    %get3A_3 = arith.constant 0 : index
    %get3A_4 = vector.load %arg2[%get3A_2, %get3A_3] : memref<4000x128xf32, #tpu.memory_space<vmem>>, vector<4000x128xf32>
    %get3A_5 = arith.constant 0 : index
    %get3A_6 = arith.constant 0 : index
    %get3A_7 = vector.load %arg3[%get3A_5, %get3A_6] : memref<128x256xbf16, #tpu.memory_space<vmem>>, vector<128x256xbf16>
    %convert_element_type3A = arith.truncf %get3A_1 : vector<4000x128xf32> to vector<4000x128xbf16>
    %dot_general3A = arith.constant dense<0.000000e+00> : vector<4000x256xf32>
    %dot_general3A_8 = tpu.matmul %convert_element_type3A, %get3A_7, %dot_general3A {dimension_numbers = #tpu.dot_dimension_numbers<[1], [0], [0], [1], [0, 0, 1, 1], [], []>, transpose_lhs_hint = false} : vector<4000x128xbf16>, vector<128x256xbf16>, vector<4000x256xf32> -> vector<4000x256xf32>
    %sub3A = arith.subf %get3A_4, %get3A_1 : vector<4000x128xf32>
    %get3A_9 = arith.constant 0 : index
    %get3A_10 = arith.constant 0 : index
    %get3A_11 = vector.load %arg4[%get3A_9, %get3A_10] : memref<128x256xbf16, #tpu.memory_space<vmem>>, vector<128x256xbf16>
    %convert_element_type3A_12 = arith.truncf %sub3A : vector<4000x128xf32> to vector<4000x128xbf16>
    %dot_general3A_13 = arith.constant dense<0.000000e+00> : vector<4000x256xf32>
    %dot_general3A_14 = tpu.matmul %convert_element_type3A_12, %get3A_11, %dot_general3A_13 {dimension_numbers = #tpu.dot_dimension_numbers<[1], [0], [0], [1], [0, 0, 1, 1], [], []>, transpose_lhs_hint = false} : vector<4000x128xbf16>, vector<128x256xbf16>, vector<4000x256xf32> -> vector<4000x256xf32>
    %add3A = arith.addf %dot_general3A_8, %dot_general3A_14 : vector<4000x256xf32>
    %get3A_15 = arith.constant 0 : index
    %get3A_16 = arith.constant 0 : index
    %get3A_17 = vector.load %arg5[%get3A_15, %get3A_16] : memref<1x256xf32, #tpu.memory_space<vmem>>, vector<1x256xf32>
    %add3A_18 = vector.broadcast %get3A_17 : vector<1x256xf32> to vector<4000x256xf32>
    %add3A_19 = arith.addf %add3A, %add3A_18 : vector<4000x256xf32>
    %max3A = arith.constant 0.000000e+00 : f32
    %max3A_20 = vector.broadcast %max3A : f32 to vector<4000x256xf32>
    %max3A_21 = arith.maximumf %add3A_19, %max3A_20 : vector<4000x256xf32>
    %get3A_22 = arith.constant 0 : index
    %get3A_23 = arith.constant 0 : index
    %get3A_24 = vector.load %arg6[%get3A_22, %get3A_23] : memref<256x256xbf16, #tpu.memory_space<vmem>>, vector<256x256xbf16>
    %convert_element_type3A_25 = arith.truncf %max3A_21 : vector<4000x256xf32> to vector<4000x256xbf16>
    %dot_general3A_26 = arith.constant dense<0.000000e+00> : vector<4000x256xf32>
    %dot_general3A_27 = tpu.matmul %convert_element_type3A_25, %get3A_24, %dot_general3A_26 {dimension_numbers = #tpu.dot_dimension_numbers<[1], [0], [0], [1], [0, 0, 1, 1], [], []>, transpose_lhs_hint = false} : vector<4000x256xbf16>, vector<256x256xbf16>, vector<4000x256xf32> -> vector<4000x256xf32>
    %get3A_28 = arith.constant 0 : index
    %get3A_29 = arith.constant 0 : index
    %get3A_30 = vector.load %arg7[%get3A_28, %get3A_29] : memref<1x256xf32, #tpu.memory_space<vmem>>, vector<1x256xf32>
    %add3A_31 = vector.broadcast %get3A_30 : vector<1x256xf32> to vector<4000x256xf32>
    %add3A_32 = arith.addf %dot_general3A_27, %add3A_31 : vector<4000x256xf32>
    %slice3A = vector.extract_strided_slice %add3A_32 {offsets = [0, 0], sizes = [4000, 16], strides = [1, 1]} : vector<4000x256xf32> to vector<4000x16xf32>
    %slice3A_33 = vector.extract_strided_slice %add3A_32 {offsets = [0, 32], sizes = [4000, 16], strides = [1, 1]} : vector<4000x256xf32> to vector<4000x16xf32>
    %slice3A_34 = vector.extract_strided_slice %add3A_32 {offsets = [0, 64], sizes = [4000, 16], strides = [1, 1]} : vector<4000x256xf32> to vector<4000x16xf32>
    %slice3A_35 = vector.extract_strided_slice %add3A_32 {offsets = [0, 96], sizes = [4000, 16], strides = [1, 1]} : vector<4000x256xf32> to vector<4000x16xf32>
    %slice3A_36 = vector.extract_strided_slice %add3A_32 {offsets = [0, 128], sizes = [4000, 16], strides = [1, 1]} : vector<4000x256xf32> to vector<4000x16xf32>
    %slice3A_37 = vector.extract_strided_slice %add3A_32 {offsets = [0, 160], sizes = [4000, 16], strides = [1, 1]} : vector<4000x256xf32> to vector<4000x16xf32>
    %slice3A_38 = vector.extract_strided_slice %add3A_32 {offsets = [0, 192], sizes = [4000, 16], strides = [1, 1]} : vector<4000x256xf32> to vector<4000x16xf32>
    %slice3A_39 = vector.extract_strided_slice %add3A_32 {offsets = [0, 224], sizes = [4000, 16], strides = [1, 1]} : vector<4000x256xf32> to vector<4000x16xf32>
    %concatenate3A = tpu.concatenate %slice3A, %slice3A_33, %slice3A_34, %slice3A_35, %slice3A_36, %slice3A_37, %slice3A_38, %slice3A_39 in 1 : vector<4000x16xf32>, vector<4000x16xf32>, vector<4000x16xf32>, vector<4000x16xf32>, vector<4000x16xf32>, vector<4000x16xf32>, vector<4000x16xf32>, vector<4000x16xf32> -> vector<4000x128xf32>
    %swap3A = arith.constant 0 : index
    %swap3A_40 = arith.constant 0 : index
    %swap3A_41 = vector.load %arg8[%swap3A, %swap3A_40] : memref<4000x128xf32, #tpu.memory_space<vmem>>, vector<4000x128xf32>
    tpu.vector_store %arg8[%swap3A, %swap3A_40], %concatenate3A {strides = array<i32>} : memref<4000x128xf32, #tpu.memory_space<vmem>>, vector<4000x128xf32>,
    %slice3A_42 = vector.extract_strided_slice %add3A_32 {offsets = [0, 16], sizes = [4000, 16], strides = [1, 1]} : vector<4000x256xf32> to vector<4000x16xf32>
    %slice3A_43 = vector.extract_strided_slice %add3A_32 {offsets = [0, 48], sizes = [4000, 16], strides = [1, 1]} : vector<4000x256xf32> to vector<4000x16xf32>
    %slice3A_44 = vector.extract_strided_slice %add3A_32 {offsets = [0, 80], sizes = [4000, 16], strides = [1, 1]} : vector<4000x256xf32> to vector<4000x16xf32>
    %slice3A_45 = vector.extract_strided_slice %add3A_32 {offsets = [0, 112], sizes = [4000, 16], strides = [1, 1]} : vector<4000x256xf32> to vector<4000x16xf32>
    %slice3A_46 = vector.extract_strided_slice %add3A_32 {offsets = [0, 144], sizes = [4000, 16], strides = [1, 1]} : vector<4000x256xf32> to vector<4000x16xf32>
    %slice3A_47 = vector.extract_strided_slice %add3A_32 {offsets = [0, 176], sizes = [4000, 16], strides = [1, 1]} : vector<4000x256xf32> to vector<4000x16xf32>
    %slice3A_48 = vector.extract_strided_slice %add3A_32 {offsets = [0, 208], sizes = [4000, 16], strides = [1, 1]} : vector<4000x256xf32> to vector<4000x16xf32>
    %slice3A_49 = vector.extract_strided_slice %add3A_32 {offsets = [0, 240], sizes = [4000, 16], strides = [1, 1]} : vector<4000x256xf32> to vector<4000x16xf32>
    %concatenate3A_50 = tpu.concatenate %slice3A_42, %slice3A_43, %slice3A_44, %slice3A_45, %slice3A_46, %slice3A_47, %slice3A_48, %slice3A_49 in 1 : vector<4000x16xf32>, vector<4000x16xf32>, vector<4000x16xf32>, vector<4000x16xf32>, vector<4000x16xf32>, vector<4000x16xf32>, vector<4000x16xf32>, vector<4000x16xf32> -> vector<4000x128xf32>
    %swap3A_51 = arith.constant 0 : index
    %swap3A_52 = arith.constant 0 : index
    %swap3A_53 = vector.load %arg9[%swap3A_51, %swap3A_52] : memref<4000x128xf32, #tpu.memory_space<vmem>>, vector<4000x128xf32>
    tpu.vector_store %arg9[%swap3A_51, %swap3A_52], %concatenate3A_50 {strides = array<i32>} : memref<4000x128xf32, #tpu.memory_space<vmem>>, vector<4000x128xf32>,
    return
  }
  func.func @transform_0(%arg0: i32) -> (i32, i32) {
    %c0_i32 = arith.constant 0 : i32
    %c0_i32_0 = arith.constant 0 : i32
    return %arg0, %c0_i32 : i32, i32
  }
  func.func @transform_1(%arg0: i32) -> (i32, i32) {
    %c0_i32 = arith.constant 0 : i32
    %c0_i32_0 = arith.constant 0 : i32
    return %arg0, %c0_i32 : i32, i32
  }
  func.func @transform_2(%arg0: i32) -> (i32, i32) {
    %c0_i32 = arith.constant 0 : i32
    %c0_i32_0 = arith.constant 0 : i32
    %c0_i32_1 = arith.constant 0 : i32
    return %c0_i32, %c0_i32_0 : i32, i32
  }
  func.func @transform_3(%arg0: i32) -> (i32, i32) {
    %c0_i32 = arith.constant 0 : i32
    %c0_i32_0 = arith.constant 0 : i32
    %c0_i32_1 = arith.constant 0 : i32
    return %c0_i32, %c0_i32_0 : i32, i32
  }
  func.func @transform_4(%arg0: i32) -> (i32, i32) {
    %c0_i32 = arith.constant 0 : i32
    %c0_i32_0 = arith.constant 0 : i32
    %c0_i32_1 = arith.constant 0 : i32
    return %c0_i32, %c0_i32_0 : i32, i32
  }
  func.func @transform_5(%arg0: i32) -> (i32, i32) {
    %c0_i32 = arith.constant 0 : i32
    %c0_i32_0 = arith.constant 0 : i32
    %c0_i32_1 = arith.constant 0 : i32
    return %c0_i32, %c0_i32_0 : i32, i32
  }
  func.func @transform_6(%arg0: i32) -> (i32, i32) {
    %c0_i32 = arith.constant 0 : i32
    %c0_i32_0 = arith.constant 0 : i32
    %c0_i32_1 = arith.constant 0 : i32
    return %c0_i32, %c0_i32_0 : i32, i32
  }
  func.func @transform_7(%arg0: i32) -> (i32, i32) {
    %c0_i32 = arith.constant 0 : i32
    %c0_i32_0 = arith.constant 0 : i32
    return %arg0, %c0_i32 : i32, i32
  }
  func.func @transform_8(%arg0: i32) -> (i32, i32) {
    %c0_i32 = arith.constant 0 : i32
    %c0_i32_0 = arith.constant 0 : i32
    return %arg0, %c0_i32 : i32, i32
  }
}

module attributes {stable_mosaic.version = 14 : i64} {
  func.func @body(%arg0: memref<10000x32xf32, #tpu.memory_space<vmem>>, %arg1: memref<10000x1xi32, #tpu.memory_space<vmem>>, %arg2: memref<1x10000xi32, #tpu.memory_space<vmem>>, %arg3: memref<32x16xbf16, #tpu.memory_space<vmem>>, %arg4: memref<1x16xf32, #tpu.memory_space<vmem>>, %arg5: memref<16x1xbf16, #tpu.memory_space<vmem>>, %arg6: memref<1x1xf32, #tpu.memory_space<vmem>>, %arg7: memref<32x16xbf16, #tpu.memory_space<vmem>>, %arg8: memref<1x16xf32, #tpu.memory_space<vmem>>, %arg9: memref<16x1xbf16, #tpu.memory_space<vmem>>, %arg10: memref<1x1xf32, #tpu.memory_space<vmem>>, %arg11: memref<64x1xf32, #tpu.memory_space<vmem>>) attributes {dimension_semantics = [], scalar_prefetch = 0 : i64, scratch_operands = 0 : i64, tpu.core_type = #tpu.core_type<tc>} {
    %get3A = arith.constant 0 : index
    %get3A_0 = arith.constant 0 : index
    %get3A_1 = vector.load %arg0[%get3A, %get3A_0] : memref<10000x32xf32, #tpu.memory_space<vmem>>, vector<10000x32xf32>
    %get3A_2 = arith.constant 0 : index
    %get3A_3 = arith.constant 0 : index
    %get3A_4 = vector.load %arg3[%get3A_2, %get3A_3] : memref<32x16xbf16, #tpu.memory_space<vmem>>, vector<32x16xbf16>
    %convert_element_type3A = arith.truncf %get3A_1 : vector<10000x32xf32> to vector<10000x32xbf16>
    %dot_general3A = arith.constant dense<0.000000e+00> : vector<10000x16xf32>
    %dot_general3A_5 = tpu.matmul %convert_element_type3A, %get3A_4, %dot_general3A {dimension_numbers = #tpu.dot_dimension_numbers<[1], [0], [0], [1], [0, 0, 1, 1], [], []>, transpose_lhs_hint = false} : vector<10000x32xbf16>, vector<32x16xbf16>, vector<10000x16xf32> -> vector<10000x16xf32>
    %get3A_6 = arith.constant 0 : index
    %get3A_7 = arith.constant 0 : index
    %get3A_8 = vector.load %arg4[%get3A_6, %get3A_7] : memref<1x16xf32, #tpu.memory_space<vmem>>, vector<1x16xf32>
    %add3A = vector.broadcast %get3A_8 : vector<1x16xf32> to vector<10000x16xf32>
    %add3A_9 = arith.addf %dot_general3A_5, %add3A : vector<10000x16xf32>
    %max3A = arith.constant 0.000000e+00 : f32
    %max3A_10 = vector.broadcast %max3A : f32 to vector<10000x16xf32>
    %max3A_11 = arith.maximumf %add3A_9, %max3A_10 : vector<10000x16xf32>
    %get3A_12 = arith.constant 0 : index
    %get3A_13 = arith.constant 0 : index
    %get3A_14 = vector.load %arg5[%get3A_12, %get3A_13] : memref<16x1xbf16, #tpu.memory_space<vmem>>, vector<16x1xbf16>
    %convert_element_type3A_15 = arith.truncf %max3A_11 : vector<10000x16xf32> to vector<10000x16xbf16>
    %dot_general3A_16 = arith.constant dense<0.000000e+00> : vector<10000x1xf32>
    %dot_general3A_17 = tpu.matmul %convert_element_type3A_15, %get3A_14, %dot_general3A_16 {dimension_numbers = #tpu.dot_dimension_numbers<[1], [0], [0], [1], [0, 0, 1, 1], [], []>, transpose_lhs_hint = false} : vector<10000x16xbf16>, vector<16x1xbf16>, vector<10000x1xf32> -> vector<10000x1xf32>
    %get3A_18 = arith.constant 0 : index
    %get3A_19 = arith.constant 0 : index
    %get3A_20 = vector.load %arg6[%get3A_18, %get3A_19] : memref<1x1xf32, #tpu.memory_space<vmem>>, vector<1x1xf32>
    %add3A_21 = vector.broadcast %get3A_20 : vector<1x1xf32> to vector<10000x1xf32>
    %add3A_22 = arith.addf %dot_general3A_17, %add3A_21 : vector<10000x1xf32>
    %iota3A = tpu.iota {dimensions = array<i32: 1>} : vector<10000x64xi32>
    %get3A_23 = arith.constant 0 : index
    %get3A_24 = arith.constant 0 : index
    %get3A_25 = vector.load %arg1[%get3A_23, %get3A_24] : memref<10000x1xi32, #tpu.memory_space<vmem>>, vector<10000x1xi32>
    %eq3A = vector.broadcast %get3A_25 : vector<10000x1xi32> to vector<10000x64xi32>
    %eq3A_26 = arith.cmpi eq, %eq3A, %iota3A : vector<10000x64xi32>
    %iota3A_27 = tpu.iota {dimensions = array<i32: 0>} : vector<64x10000xi32>
    %get3A_28 = arith.constant 0 : index
    %get3A_29 = arith.constant 0 : index
    %get3A_30 = vector.load %arg2[%get3A_28, %get3A_29] : memref<1x10000xi32, #tpu.memory_space<vmem>>, vector<1x10000xi32>
    %eq3A_31 = vector.broadcast %get3A_30 : vector<1x10000xi32> to vector<64x10000xi32>
    %eq3A_32 = arith.cmpi eq, %eq3A_31, %iota3A_27 : vector<64x10000xi32>
    %jit3A = arith.constant 0xFF800000 : f32
    %broadcast_in_dim3A = vector.shape_cast %add3A_22 : vector<10000x1xf32> to vector<10000x1xf32>
    %broadcast_in_dim3A_33 = vector.broadcast %broadcast_in_dim3A : vector<10000x1xf32> to vector<10000x64xf32>
    %broadcast_in_dim3A_34 = vector.broadcast %jit3A : f32 to vector<10000x64xf32>
    %select_n3A = arith.select %eq3A_26, %broadcast_in_dim3A_33, %broadcast_in_dim3A_34 : vector<10000x64xi1>, vector<10000x64xf32>
    %reduce_max3A = arith.constant dense<0xFF800000> : vector<64xf32>
    %reduce_max3A_35 = vector.multi_reduction <maximumf>, %select_n3A, %reduce_max3A [0] : vector<10000x64xf32> to vector<64xf32>
    %broadcast_in_dim3A_36 = vector.shape_cast %reduce_max3A_35 : vector<64xf32> to vector<1x64xf32>
    %is_finite3A = tpu.weird %broadcast_in_dim3A_36 : vector<1x64xf32> -> vector<1x64xi1>
    %is_finite3A_37 = arith.constant dense<true> : vector<1x64xi1>
    %is_finite3A_38 = arith.xori %is_finite3A, %is_finite3A_37 : vector<1x64xi1>
    %jit3A_39 = arith.constant 0.000000e+00 : f32
    %broadcast_in_dim3A_40 = vector.broadcast %jit3A_39 : f32 to vector<1x64xf32>
    %select_n3A_41 = arith.select %is_finite3A_38, %broadcast_in_dim3A_36, %broadcast_in_dim3A_40 : vector<1x64xi1>, vector<1x64xf32>
    %jit3A_42 = arith.constant 0xFF800000 : f32
    %broadcast_in_dim3A_43 = vector.shape_cast %select_n3A_41 : vector<1x64xf32> to vector<1x64xf32>
    %broadcast_in_dim3A_44 = vector.broadcast %broadcast_in_dim3A_43 : vector<1x64xf32> to vector<10000x64xf32>
    %broadcast_in_dim3A_45 = vector.broadcast %jit3A_42 : f32 to vector<10000x64xf32>
    %select_n3A_46 = arith.select %eq3A_26, %broadcast_in_dim3A_44, %broadcast_in_dim3A_45 : vector<10000x64xi1>, vector<10000x64xf32>
    %reduce_max3A_47 = arith.constant dense<0xFF800000> : vector<10000xf32>
    %reduce_max3A_48 = vector.multi_reduction <maximumf>, %select_n3A_46, %reduce_max3A_47 [1] : vector<10000x64xf32> to vector<10000xf32>
    %broadcast_in_dim3A_49 = vector.shape_cast %reduce_max3A_48 : vector<10000xf32> to vector<10000x1xf32>
    %sub3A = arith.subf %add3A_22, %broadcast_in_dim3A_49 : vector<10000x1xf32>
    %exp3A = math.exp %sub3A : vector<10000x1xf32>
    %jit3A_50 = arith.constant 0.000000e+00 : f32
    %broadcast_in_dim3A_51 = vector.shape_cast %exp3A : vector<10000x1xf32> to vector<10000x1xf32>
    %broadcast_in_dim3A_52 = vector.broadcast %broadcast_in_dim3A_51 : vector<10000x1xf32> to vector<10000x64xf32>
    %broadcast_in_dim3A_53 = vector.broadcast %jit3A_50 : f32 to vector<10000x64xf32>
    %select_n3A_54 = arith.select %eq3A_26, %broadcast_in_dim3A_52, %broadcast_in_dim3A_53 : vector<10000x64xi1>, vector<10000x64xf32>
    %reduce_sum3A = arith.constant dense<0.000000e+00> : vector<64xf32>
    %reduce_sum3A_55 = vector.multi_reduction <add>, %select_n3A_54, %reduce_sum3A [0] : vector<10000x64xf32> to vector<64xf32>
    %broadcast_in_dim3A_56 = vector.shape_cast %reduce_sum3A_55 : vector<64xf32> to vector<1x64xf32>
    %jit3A_57 = arith.constant 0.000000e+00 : f32
    %broadcast_in_dim3A_58 = vector.shape_cast %broadcast_in_dim3A_56 : vector<1x64xf32> to vector<1x64xf32>
    %broadcast_in_dim3A_59 = vector.broadcast %broadcast_in_dim3A_58 : vector<1x64xf32> to vector<10000x64xf32>
    %broadcast_in_dim3A_60 = vector.broadcast %jit3A_57 : f32 to vector<10000x64xf32>
    %select_n3A_61 = arith.select %eq3A_26, %broadcast_in_dim3A_59, %broadcast_in_dim3A_60 : vector<10000x64xi1>, vector<10000x64xf32>
    %reduce_sum3A_62 = arith.constant dense<0.000000e+00> : vector<10000xf32>
    %reduce_sum3A_63 = vector.multi_reduction <add>, %select_n3A_61, %reduce_sum3A_62 [1] : vector<10000x64xf32> to vector<10000xf32>
    %broadcast_in_dim3A_64 = vector.shape_cast %reduce_sum3A_63 : vector<10000xf32> to vector<10000x1xf32>
    %add3A_65 = arith.constant 1.000000e-16 : f32
    %add3A_66 = vector.broadcast %add3A_65 : f32 to vector<10000x1xf32>
    %add3A_67 = arith.addf %broadcast_in_dim3A_64, %add3A_66 : vector<10000x1xf32>
    %div3A = arith.divf %exp3A, %add3A_67 : vector<10000x1xf32>
    %convert_element_type3A_68 = arith.extui %eq3A_32 : vector<64x10000xi1> to vector<64x10000xi32>
    %convert_element_type3A_69 = arith.sitofp %convert_element_type3A_68 : vector<64x10000xi32> to vector<64x10000xf32>
    %mul3A = vector.broadcast %div3A : vector<10000x1xf32> to vector<10000x32xf32>
    %mul3A_70 = arith.mulf %mul3A, %get3A_1 : vector<10000x32xf32>
    %dot_general3A_71 = arith.constant dense<0.000000e+00> : vector<64x32xf32>
    %dot_general3A_72 = tpu.matmul %convert_element_type3A_69, %mul3A_70, %dot_general3A_71 {dimension_numbers = #tpu.dot_dimension_numbers<[1], [0], [0], [1], [0, 0, 1, 1], [], []>, precision = #tpu.contract_precision<fp32>, transpose_lhs_hint = false} : vector<64x10000xf32>, vector<10000x32xf32>, vector<64x32xf32> -> vector<64x32xf32>
    %get3A_73 = arith.constant 0 : index
    %get3A_74 = arith.constant 0 : index
    %get3A_75 = vector.load %arg7[%get3A_73, %get3A_74] : memref<32x16xbf16, #tpu.memory_space<vmem>>, vector<32x16xbf16>
    %convert_element_type3A_76 = arith.truncf %dot_general3A_72 : vector<64x32xf32> to vector<64x32xbf16>
    %dot_general3A_77 = arith.constant dense<0.000000e+00> : vector<64x16xf32>
    %dot_general3A_78 = tpu.matmul %convert_element_type3A_76, %get3A_75, %dot_general3A_77 {dimension_numbers = #tpu.dot_dimension_numbers<[1], [0], [0], [1], [0, 0, 1, 1], [], []>, transpose_lhs_hint = false} : vector<64x32xbf16>, vector<32x16xbf16>, vector<64x16xf32> -> vector<64x16xf32>
    %get3A_79 = arith.constant 0 : index
    %get3A_80 = arith.constant 0 : index
    %get3A_81 = vector.load %arg8[%get3A_79, %get3A_80] : memref<1x16xf32, #tpu.memory_space<vmem>>, vector<1x16xf32>
    %add3A_82 = vector.broadcast %get3A_81 : vector<1x16xf32> to vector<64x16xf32>
    %add3A_83 = arith.addf %dot_general3A_78, %add3A_82 : vector<64x16xf32>
    %max3A_84 = arith.constant 0.000000e+00 : f32
    %max3A_85 = vector.broadcast %max3A_84 : f32 to vector<64x16xf32>
    %max3A_86 = arith.maximumf %add3A_83, %max3A_85 : vector<64x16xf32>
    %get3A_87 = arith.constant 0 : index
    %get3A_88 = arith.constant 0 : index
    %get3A_89 = vector.load %arg9[%get3A_87, %get3A_88] : memref<16x1xbf16, #tpu.memory_space<vmem>>, vector<16x1xbf16>
    %convert_element_type3A_90 = arith.truncf %max3A_86 : vector<64x16xf32> to vector<64x16xbf16>
    %dot_general3A_91 = arith.constant dense<0.000000e+00> : vector<64x1xf32>
    %dot_general3A_92 = tpu.matmul %convert_element_type3A_90, %get3A_89, %dot_general3A_91 {dimension_numbers = #tpu.dot_dimension_numbers<[1], [0], [0], [1], [0, 0, 1, 1], [], []>, transpose_lhs_hint = false} : vector<64x16xbf16>, vector<16x1xbf16>, vector<64x1xf32> -> vector<64x1xf32>
    %get3A_93 = arith.constant 0 : index
    %get3A_94 = arith.constant 0 : index
    %get3A_95 = vector.load %arg10[%get3A_93, %get3A_94] : memref<1x1xf32, #tpu.memory_space<vmem>>, vector<1x1xf32>
    %add3A_96 = vector.broadcast %get3A_95 : vector<1x1xf32> to vector<64x1xf32>
    %add3A_97 = arith.addf %dot_general3A_92, %add3A_96 : vector<64x1xf32>
    %swap3A = arith.constant 0 : index
    %swap3A_98 = arith.constant 0 : index
    %swap3A_99 = vector.load %arg11[%swap3A, %swap3A_98] : memref<64x1xf32, #tpu.memory_space<vmem>>, vector<64x1xf32>
    tpu.vector_store %arg11[%swap3A, %swap3A_98], %add3A_97 {strides = array<i32>} : memref<64x1xf32, #tpu.memory_space<vmem>>, vector<64x1xf32>,
    return
  }
}

</mosaic_0001>

<sc_bundles>
// kernel: kernel.13.cloned.1.call-start
scs
__scs_entry_jumppad:
0x0: {  	(pc) =	sbr.rel $0x88, $3  }
0x1: {  	(tag) =	ssettag $0x0;
	lr =	simm.s32 $0x1  }
0x2: {  	[smem:$0x3F8E] =	sst lr;
	_ =	strace $0xD0000000  }
0x3: {  	_ = 	snop  }
0x4: {  	_ = 	snop  }
0x5: {  	_ = 	snop  }
0x6: {  	_ = 	snop  }
0x7: {  	_ = 	snop  }
__scs_overlays_trampoline_lowered:
0x8: {  	[smem:$0x3F9D] =	sst s0  }
0x9: {  	[smem:$0x3F9E] =	sst s1  }
0xa: {  	[smem:$0x3F9F] =	sst s2  }
0xb: {  	[smem:$0x3FA0] =	sst s3  }
0xc: {  	[smem:$0x3FA1] =	sst s4  }
0xd: {  	[smem:$0x3FA2] =	sst s5  }
0xe: {  	[smem:$0x3FA3] =	sst s6  }
0xf: {  	[smem:$0x3FA4] =	sst s7  }
0x10: {  	[smem:$0x3FA5] =	sst s8  }
0x11: {  	[smem:$0x3FA6] =	sst s9;
	s0 =	simm.s32 @!p0 $0x0  }
0x12: {  	s1 =	sld [smem:$0x3F8C];
	s0 =	simm.s32 @p0 $0x1  }
0x13: {  	[smem:$0x3FA7] =	sst s0;
	s0 =	simm.s32 @!p1 $0x0  }
0x14: {  	s2 =	sld [smem:$0x3F8B];
	s0 =	simm.s32 @p1 $0x1  }
0x15: {  	[smem:$0x3FA8] =	sst s0;
	s0 =	simm.s32 @!p2 $0x0  }
0x16: {  	s3 =	sld [smem:$0x3FDB];
	s0 =	simm.s32 @p2 $0x1  }
0x17: {  	s4 =	simm.s32 $0x1BF5;
	[smem:$0x3FAA] =	sst s0  }
0x18: {  	s0 =	sld [smem:$0x3F8D];
	_ =	swait.ge [sflag:s4], $0x0  }
0x19: {  	s7 =	sld [smem:$0x3F8E]  }
0x1a: {  	s8 =	sadd.s32 $0xFFFFE003, lr  }
0x1b: {  	s9 =	sadd.s32 $0xFFFFFEF7, lr;
	s5 =	simm.s32 $0xFFFFFFFF;
	p2 =	slt.u32 s8, $0xFFFFF086  }
0x1c: {  	p1 =	slt.u32 s9, $0xF7A;
	s5 =	simm.s32 @!p2 $0x0  }
0x1d: {  	s5 =	simm.s32 @p1 $0x1;
	p0 =	seq.s32 s7, s2  }
0x1e: {  	s7 =	smul.u32 @!p0 $0xF7A, s2;
	p2 =	seq.s32 @!p0 s5, $0x0  }
0x1f: {  	s9 =	smul.u32 $0xF7A, s1;
	s8 =	simm.s32 @!p0 $0x1BF5;
	p2 =	por !p2, p0  }
0x20: {  	[sflag:s8] =	ssyncset.s32 @!p0 $0xFFFFF086;
	s6 =	sadd.s32 @!p0 s3, s7;
	s7 =	simm.s32 @!p0 $0x108  }
0x21: {  	s3 =	sadd.s32 s3, s9;
	s6 =	sadd.s32 @!p0 $0x88, s6;
	s7 =	simm.s32 @p2 $0x1082  }
0x22: {  	[simem:s7], [sflag:s8] =	dma.local @!p0 [hbm:s6], $0xF7A  }
0x23: {  	s9 =	sor.u32 $0xD0000000, s2;
	s6 =	simm.s32 $0x108;
	_ =	swait.ge @!p0 [sflag:s8], $0x0  }
0x24: {  	s3 =	sadd.s32 $0x88, s3;
	s6 =	simm.s32 @!p1 $0x1082;
	[sflag:s4] =	ssyncset.s32 $0xFFFFF086  }
0x25: {  	[simem:s6], [sflag:s4] =	dma.local [hbm:s3], $0xF7A  }
0x26: {  	[smem:$0x3F8E] =	sst s1;
	(tag) =	ssettag s2;
	_ =	strace s9  }
0x27: {  	s1 =	sld [smem:$0x3F9E]  }
0x28: {  	s2 =	sld [smem:$0x3F9F]  }
0x29: {  	s4 =	sld [smem:$0x3FA1]  }
0x2a: {  	p0 =	seq.s32 s5, $0x0;
	s5 =	sld [smem:$0x3FA2]  }
0x2b: {  	s6 =	sld [smem:$0x3FA3]  }
0x2c: {  	s7 =	sld [smem:$0x3FA4]  }
0x2d: {  	s3 =	simm.s32 $0x108;
	s8 =	sld [smem:$0x3FA5]  }
0x2e: {  	s3 =	simm.s32 @!p0 $0x1082;
	s9 =	sld [smem:$0x3FA6]  }
0x2f: {  	lr =	sadd.s32 s0, s3;
	s0 =	sld [smem:$0x3F9D]  }
0x30: {  	s3 =	sld [smem:$0x3FA0]  }
0x31: {  	[smem:$0x3FA9] =	sst s10  }
0x32: {  	s10 =	sld [smem:$0x3FA7];
	_ =	sdelay $0x3  }
0x33: {  	p0 =	seq.s32 s10, $0x1;
	s10 =	sld [smem:$0x3FA9];
	_ =	sdelay $0x3  }
0x34: {  	[smem:$0x3FA9] =	sst s10  }
0x35: {  	s10 =	sld [smem:$0x3FA8];
	_ =	sdelay $0x3  }
0x36: {  	p1 =	seq.s32 s10, $0x1;
	s10 =	sld [smem:$0x3FA9];
	_ =	sdelay $0x3  }
0x37: {  	[smem:$0x3FA9] =	sst s10  }
0x38: {  	s10 =	sld [smem:$0x3FAA]  }
0x39: {  	_ = 	snop;
	(pc) =	sbr.ind lr, $3  }
0x3a: {  	_ = 	snop  }
0x3b: {  	_ = 	snop  }
0x3c: {  	p2 =	seq.s32 s10, $0x1;
	s10 =	sld [smem:$0x3FA9]  }
0x3d: {  	_ =	shalt  }
0x3e: {  	_ =	shalt  }
0x3f: {  	_ =	shalt  }
0x40: {  	_ =	shalt  }
0x41: {  	_ =	shalt  }
0x42: {  	_ =	shalt  }
0x43: {  	_ =	shalt  }
0x44: {  	_ =	shalt  }
0x45: {  	_ =	shalt  }
0x46: {  	_ =	shalt  }
0x47: {  	_ =	shalt  }
0x48: {  	_ =	shalt  }
0x49: {  	_ =	shalt  }
0x4a: {  	_ =	shalt  }
0x4b: {  	_ =	shalt  }
0x4c: {  	_ =	shalt  }
0x4d: {  	_ =	shalt  }
0x4e: {  	_ =	shalt  }
0x4f: {  	_ =	shalt  }
0x50: {  	_ =	shalt  }
0x51: {  	_ =	shalt  }
0x52: {  	_ =	shalt  }
0x53: {  	_ =	shalt  }
0x54: {  	_ =	shalt  }
0x55: {  	_ =	shalt  }
0x56: {  	_ =	shalt  }
0x57: {  	_ =	shalt  }
0x58: {  	_ =	shalt  }
0x59: {  	_ =	shalt  }
0x5a: {  	_ =	shalt  }
0x5b: {  	_ =	shalt  }
0x5c: {  	_ =	shalt  }
0x5d: {  	_ =	shalt  }
0x5e: {  	_ =	shalt  }
0x5f: {  	_ =	shalt  }
0x60: {  	_ =	shalt  }
0x61: {  	_ =	shalt  }
0x62: {  	_ =	shalt  }
0x63: {  	_ =	shalt  }
0x64: {  	_ =	shalt  }
0x65: {  	_ =	shalt  }
0x66: {  	_ =	shalt  }
0x67: {  	_ =	shalt  }
0x68: {  	_ =	shalt  }
0x69: {  	_ =	shalt  }
0x6a: {  	_ =	shalt  }
0x6b: {  	_ =	shalt  }
0x6c: {  	_ =	shalt  }
0x6d: {  	_ =	shalt  }
0x6e: {  	_ =	shalt  }
0x6f: {  	_ =	shalt  }
0x70: {  	_ =	shalt  }
0x71: {  	_ =	shalt  }
0x72: {  	_ =	shalt  }
0x73: {  	_ =	shalt  }
0x74: {  	_ =	shalt  }
0x75: {  	_ =	shalt  }
0x76: {  	_ =	shalt  }
0x77: {  	_ =	shalt  }
0x78: {  	_ =	shalt  }
0x79: {  	_ =	shalt  }
0x7a: {  	_ =	shalt  }
0x7b: {  	_ =	shalt  }
0x7c: {  	_ =	shalt  }
0x7d: {  	_ =	shalt  }
0x7e: {  	_ =	shalt  }
0x7f: {  	_ =	shalt  }
0x80: {  	_ =	shalt  }
0x81: {  	_ =	shalt  }
0x82: {  	_ =	shalt  }
0x83: {  	_ =	shalt  }
0x84: {  	_ =	shalt  }
0x85: {  	_ =	shalt  }
0x86: {  	_ =	shalt  }
0x87: {  	_ =	shalt  }
.Lfunc_end0:
.L_simem_size_0:
called_computation_lowered:
.L_overlay_start_0:
0x88: {  	s2 =	sld [smem:$0x3FD9]  }
0x89: {  	s3 =	sld [smem:$0x3FFE];
	_ =	sdelay $0x1  }
0x8a: {  	s1 =	srdreg.scid  }
0x8b: {  	s0 =	sand.u32 $0x1, s1  }
0x8c: {  	s17 =	sshll.u32 s0, $0xA;
	s2 =	sadd.s32 s3, s2  }
0x8d: {  	s2 =	sadd.s32 s2, s17  }
0x8e: {  	[smem:$0x3FB5] =	sst s2  }
0x8f: {  	_ = 	snop  }
0x90: {  	s2 =	sld [smem:$0x3FC9];
	(tm) =	ssettm $0x1  }
0x91: {  	s18 =	sld [smem:$0x3FFB];
	_ =	sdelay $0x3  }
0x92: {  	_ =	strace s18  }
0x93: {  	s3 =	sld [smem:$0x3FFC];
	_ =	sdelay $0x3  }
0x94: {  	_ =	strace s3  }
0x95: {  	s3 =	sld [smem:$0x3FFD];
	_ =	sdelay $0x3  }
0x96: {  	_ =	strace s3  }
0x97: {  	_ =	strace $0x8FFFFFFF  }
0x98: {  	s19 =	sld [smem:$0x3FDB];
	_ =	sdelay $0x1  }
0x99: {  	s4 =	simm.s32 $_scs_section_size  }
0x9a: {  	s5 =	simm.s32 $_size__tile_overlayer_lowered;
	s6 =	simm.s32 $_tile_overlayer_lowered  }
0x9b: {  	s22 =	simm.s32 $0x1BFF;
	s21 =	sshll.u32 s6, $0x1;
	s3 =	sadd.s32 s4, s19  }
0x9c: {  	s7 =	simm.s32 $0x0;
	s20 =	sshll.u32 s5, $0x1;
	s5 =	sadd.s32 s21, s3  }
0x9d: {  	[timem:s7], [sflag:s22] =	dma.local [hbm:s5], s20  }
0x9e: {  	_ =	swait.ge [sflag:s22], s20  }
0x9f: {  	s4 =	ssub.s32 $0x0, s20;
	[sflag:s22] =	ssyncset.done $0x0  }
0xa0: {  	[sflag:s22] =	ssyncadd.s32 s4;
	_ =	sdelay $0x1  }
0xa1: {  	s23 =	simm.s32 $0x1B8B  }
0xa2: {  	_ =	swait.ge [sflag:s23], $0x1  }
0xa3: {  	[sflag:s23] =	ssyncset.done $0x0  }
0xa4: {  	s25 =	simm.s32 $0x1B8E;
	s24 =	sld [smem:$0x3FFE];
	[sflag:s23] =	ssyncadd.s32 $0xFFFFFFFF  }
0xa5: {  	s26 =	simm.s32 $execute0_lowered;
	[smem:$0x3FD2] =	sst s25  }
0xa6: {  	s5 =	sshll.u32 s26, $0x1;
	_ =	strace $0x80000046;
	[dreg:$0x1] =	wrdreg $0xFFFFFFFF  }
0xa7: {  	s28 =	simm.s32 $_size_execute0_lowered;
	s3 =	sadd.s32 s3, s5;
	[dreg:$0x0] =	wrdreg $0x0  }
0xa8: {  	s5 =	sshll.u32 s28, $0x1;
	[dreg:$0x2] =	wrdreg s3  }
0xa9: {  	[dreg:$0x3] =	wrdreg s5  }
0xaa: {  	[dreg:$0x4] =	wrdreg $0xC0  }
0xab: {  	_ =	task [dreg:s7], $0x5FFFF  }
0xac: {  	[dreg:$0x1] =	wrdreg $0xFFFFFFFF  }
0xad: {  	[dreg:$0x0] =	wrdreg $0x60  }
0xae: {  	[dreg:$0x2] =	wrdreg s2  }
0xaf: {  	[dreg:$0x3] =	wrdreg s24  }
0xb0: {  	[dreg:$0x4] =	wrdreg $0x9  }
0xb1: {  	_ =	task.clear_ibuf [dreg:s7], $0x5FFFF;
	_ =	strace $0x90000046  }
0xb2: {  	s29 =	simm.s32 $0x9;
	_ =	strace $0x80000048  }
0xb3: {  	_ =	swait.ge [sflag:s29], $0x1  }
0xb4: {  	[sflag:s29] =	ssyncadd.s32 $0xFFFFFFFF  }
0xb5: {  	_ =	strace $0x90000048  }
0xb6: {  	_ =	sfence  }
0xb7: {  	s30 =	sld [smem:$0x0];
	_ =	sdelay $0x2  }
0xb8: {  	s31 =	sshll.u32 s1, $0xD;
	s1 =	sshrl.u32 s1, $0x2  }
0xb9: {  	s3 =	sand.u32 $0x4000, s31;
	s1 =	sadd.s32 s1, s30  }
0xba: {  	s0 =	sor.u32 s3, s0;
	s1 =	sshll.u32 s1, $0x11  }
0xbb: {  	s0 =	sor.u32 s1, s0  }
0xbc: {  	s0 =	sadd.s32 $0x8F2B, s0  }
0xbd: {  	[sflag:s0] =	ssyncadd.remote.s32 $0x1  }
0xbe: {  	_ =	sfence.sel $0xFFFF  }
0xbf: {  	[dreg:$0x0] =	wrdreg $0xFFFFFFFF;
	(pc) =	sbr.abs _section_cstart, $3  }
0xc0: {  	[dreg:$0x1] =	wrdreg $0xFFFFFFFF  }
0xc1: {  	_ =	task.clear_ibuf [dreg:s7], $0x2FFFF;
	_ =	strace $0x9FFFFFFF  }
0xc2: {  	(tm) =	ssettm $0x7FFFFFFF  }
0xc3: {  	_ =	shalt  }
tec
execute0_lowered:
.L_overlay_start_1:
0x0: {  	(tag) =	ssettag $0x1  }
0x1: {  	s2 =	rddreg [dreg:$0x0]  }
0x2: {  	s4 =	rddreg [dreg:$0x1]  }
0x3: {  	s0 =	rddreg [dreg:$0x2];
	s5 =	srdreg.scid  }
0x4: {  	s1 =	stileid.u32;
	s3 =	simm.s32 $0x0;
	s10 =	simm.s32 $0x200  }
0x5: {  	s11 =	simm.s32 $0x190;
	s12 =	simm.s32 $0x400;
	s13 =	simm.s32 $0xCC00  }
0x6: {  	s14 =	simm.s32 $0x1;
	s15 =	simm.s32 $0x2;
	s6 =	smul.u32 $0x4E20, s1  }
0x7: {  	s16 =	simm.s32 $0x0;
	s5 =	sand.u32 $0x1, s5;
	s8 =	smul.u32 $0x4E200, s1  }
0x8: {  	[smem:$0x7FF] =	sst s3;
	s7 =	smul.u32 $0x2710, s5;
	s9 =	ssub.s32 $0x2, s5  }
0x9: {  	_ =	strace $0x80000047;
	s5 =	smul.u32 $0x27100, s5;
	s29 =	sshrl.u32 s9, $0x1  }
0xa: {  	s8 =	sadd.s32 s8, s4;
	s6 =	sadd.s32 s7, s6;
	s7 =	ssub.s32 s9, s29  }
0xb: {  	s31 =	sadd.s32 s5, s8;
	s9 =	simm.s32 $0x3;
	s6 =	sshrl.u32 s6, $0x3  }
0xc: {  	s5 =	sadd.s32 $0x17800, s31;
	s30 =	sadd.s32 s6, s4;
	s4 =	smax.u32 s7, $0x1  }
0xd: {  	s6 =	sadd.s32 $0x4F9800, s31;
	s7 =	sadd.s32 $0x3C00, s30;
	s8 =	sadd.s32 $0xDA00, s30  }
.LBB2_1:
0xe: {  	s17 =	sadd.s32 $0x0, s8  }
0xf: {  	[tilespmem:s3], [sflag:$0x3] =	stream.linear.gather [hbm4b:s17+s3], $0x190, $0x38;
	[tilespmem:$0x19400] =	vst v63  }
0x10: {  	_ =	swait.ge [sflag:s9], $0x190  }
0x11: {  	[sflag:s9] =	ssyncset.done $0x0  }
0x12: {  	s31 =	sadd.s32 $0x0, s7;
	[sflag:s9] =	ssyncadd.s32 $0xFFFFFE70  }
0x13: {  	[tilespmem:s10], [sflag:$0x3] =	stream.linear.gather [hbm4b:s31+s3], $0x190, $0x38;
	[tilespmem:$0x19400] =	vst v63  }
0x14: {  	_ =	swait.ge [sflag:s9], $0x190  }
0x15: {  	[sflag:s9] =	ssyncset.done $0x0  }
0x16: {  	[sflag:s9] =	ssyncadd.s32 $0xFFFFFE70  }
0x17: {  	[tilespmem:s12], [sflag:$0x1] =	stream.indirect.gather [hbm4b:s2+s11], $0x80, s3, s11, $0xb8;
	[tilespmem:$0x19400] =	vst v63  }
0x18: {  	_ = 	snop  }
0x19: {  	[tilespmem:s13], [sflag:$0x2] =	stream.indirect.gather [hbm4b:s2+s11], $0x80, s10, s11, $0xb8;
	[tilespmem:$0x19400] =	vst v63  }
0x1a: {  	_ =	swait.ge [sflag:s14], $0xC800  }
0x1b: {  	[sflag:s14] =	ssyncset.done $0x0  }
0x1c: {  	[sflag:s14] =	ssyncadd.s32 $0xFFFF3800  }
0x1d: {  	_ =	swait.ge [sflag:s15], $0xC800  }
0x1e: {  	[sflag:s15] =	ssyncset.done $0x0  }
0x1f: {  	[sflag:s15] =	ssyncadd.s32 $0xFFFF3800  }
0x20: {  	[hbm4b:s5+s3] =	stream.linear.scatter [tilespmem:s12], [sflag:$0x3], $0xC800, $0x38;
	[tilespmem:$0x19400] =	vst v63  }
0x21: {  	_ =	swait.ge [sflag:s9], $0xC800  }
0x22: {  	[sflag:s9] =	ssyncset.done $0x0  }
0x23: {  	[sflag:s9] =	ssyncadd.s32 $0xFFFF3800  }
0x24: {  	[hbm4b:s6+s3] =	stream.linear.scatter [tilespmem:s13], [sflag:$0x3], $0xC800, $0x38;
	[tilespmem:$0x19400] =	vst v63  }
0x25: {  	s19 =	simm.s32 $0x32;
	s20 =	simm.s32 $0x64;
	_ =	swait.ge [sflag:s9], $0xC800  }
0x26: {  	s18 =	sadd.s32 $0x1900, s5;
	s17 =	sadd.s32 $0x1900, s6;
	[sflag:s9] =	ssyncset.done $0x0  }
.LBB2_2:
0x27: {  	s21 =	sadd.s32 s19, s8  }
0x28: {  	[sflag:s9] =	ssyncadd.s32 $0xFFFF3800;
	s22 =	smov.u32 s20;
	s23 =	sadd.s32 $0x32, s20  }
0x29: {  	[tilespmem:s3], [sflag:$0x3] =	stream.linear.gather [hbm4b:s21+s3], $0x190, $0x38;
	[tilespmem:$0x19400] =	vst v63  }
0x2a: {  	p0 =	sne.s32 s20, $0x4B0;
	_ =	swait.ge [sflag:s9], $0x190  }
0x2b: {  	[sflag:s9] =	ssyncset.done $0x0  }
0x2c: {  	s20 =	sadd.s32 s19, s7;
	s19 =	smov.u32 s22;
	[sflag:s9] =	ssyncadd.s32 $0xFFFFFE70  }
0x2d: {  	[tilespmem:s10], [sflag:$0x3] =	stream.linear.gather [hbm4b:s20+s3], $0x190, $0x38;
	[tilespmem:$0x19400] =	vst v63  }
0x2e: {  	_ =	swait.ge [sflag:s9], $0x190  }
0x2f: {  	[sflag:s9] =	ssyncset.done $0x0  }
0x30: {  	[sflag:s9] =	ssyncadd.s32 $0xFFFFFE70  }
0x31: {  	[tilespmem:s12], [sflag:$0x1] =	stream.indirect.gather [hbm4b:s2+s11], $0x80, s3, s11, $0xb8;
	[tilespmem:$0x19400] =	vst v63  }
0x32: {  	_ = 	snop  }
0x33: {  	[tilespmem:s13], [sflag:$0x2] =	stream.indirect.gather [hbm4b:s2+s11], $0x80, s10, s11, $0xb8;
	[tilespmem:$0x19400] =	vst v63  }
0x34: {  	_ =	swait.ge [sflag:s14], $0xC800  }
0x35: {  	[sflag:s14] =	ssyncset.done $0x0  }
0x36: {  	[sflag:s14] =	ssyncadd.s32 $0xFFFF3800  }
0x37: {  	_ =	swait.ge [sflag:s15], $0xC800  }
0x38: {  	[sflag:s15] =	ssyncset.done $0x0  }
0x39: {  	[sflag:s15] =	ssyncadd.s32 $0xFFFF3800  }
0x3a: {  	[hbm4b:s18+s3] =	stream.linear.scatter [tilespmem:s12], [sflag:$0x3], $0xC800, $0x38;
	[tilespmem:$0x19400] =	vst v63  }
0x3b: {  	_ =	swait.ge [sflag:s9], $0xC800  }
.Ltmp0:
0x3c: {  	[sflag:s9] =	ssyncset.done $0x0;
	(pc) =	sbr.rel @p0 .LBB2_2-.Ltmp0, $4  }
0x3d: {  	[sflag:s9] =	ssyncadd.s32 $0xFFFF3800  }
0x3e: {  	[hbm4b:s17+s3] =	stream.linear.scatter [tilespmem:s13], [sflag:$0x3], $0xC800, $0x38;
	[tilespmem:$0x19400] =	vst v63  }
0x3f: {  	s20 =	smov.u32 s23;
	_ =	swait.ge [sflag:s9], $0xC800  }
0x40: {  	s18 =	sadd.s32 $0x1900, s18;
	s17 =	sadd.s32 $0x1900, s17;
	[sflag:s9] =	ssyncset.done $0x0  }
0x41: {  	s20 =	sadd.s32 s19, s8;
	[sflag:s9] =	ssyncadd.s32 $0xFFFF3800  }
0x42: {  	[tilespmem:s3], [sflag:$0x3] =	stream.linear.gather [hbm4b:s20+s3], $0x190, $0x38;
	[tilespmem:$0x19400] =	vst v63  }
0x43: {  	_ =	swait.ge [sflag:s9], $0x190  }
0x44: {  	[sflag:s9] =	ssyncset.done $0x0  }
0x45: {  	s31 =	sadd.s32 s19, s7;
	[sflag:s9] =	ssyncadd.s32 $0xFFFFFE70  }
0x46: {  	[tilespmem:s10], [sflag:$0x3] =	stream.linear.gather [hbm4b:s31+s3], $0x190, $0x38;
	[tilespmem:$0x19400] =	vst v63  }
0x47: {  	_ =	swait.ge [sflag:s9], $0x190  }
0x48: {  	[sflag:s9] =	ssyncset.done $0x0  }
0x49: {  	[sflag:s9] =	ssyncadd.s32 $0xFFFFFE70  }
0x4a: {  	[tilespmem:s12], [sflag:$0x1] =	stream.indirect.gather [hbm4b:s2+s11], $0x80, s3, s11, $0xb8;
	[tilespmem:$0x19400] =	vst v63  }
0x4b: {  	_ = 	snop  }
0x4c: {  	[tilespmem:s13], [sflag:$0x2] =	stream.indirect.gather [hbm4b:s2+s11], $0x80, s10, s11, $0xb8;
	[tilespmem:$0x19400] =	vst v63  }
0x4d: {  	_ =	swait.ge [sflag:s14], $0xC800  }
0x4e: {  	[sflag:s14] =	ssyncset.done $0x0  }
0x4f: {  	[sflag:s14] =	ssyncadd.s32 $0xFFFF3800  }
0x50: {  	_ =	swait.ge [sflag:s15], $0xC800  }
0x51: {  	[sflag:s15] =	ssyncset.done $0x0  }
0x52: {  	[sflag:s15] =	ssyncadd.s32 $0xFFFF3800  }
0x53: {  	[hbm4b:s18+s3] =	stream.linear.scatter [tilespmem:s12], [sflag:$0x3], $0xC800, $0x38;
	[tilespmem:$0x19400] =	vst v63  }
0x54: {  	s16 =	sadd.s32 $0x1, s16;
	_ =	swait.ge [sflag:s9], $0xC800  }
0x55: {  	p0 =	sne.s32 s16, s4;
	[sflag:s9] =	ssyncset.done $0x0  }
.Ltmp1:
0x56: {  	[sflag:s9] =	ssyncadd.s32 $0xFFFF3800;
	(pc) =	sbr.rel @p0 .LBB2_1-.Ltmp1, $4  }
0x57: {  	[hbm4b:s17+s3] =	stream.linear.scatter [tilespmem:s13], [sflag:$0x3], $0xC800, $0x38;
	[tilespmem:$0x19400] =	vst v63  }
0x58: {  	_ =	swait.ge [sflag:s9], $0xC800  }
0x59: {  	[sflag:s9] =	ssyncset.done $0x0  }
0x5a: {  	[sflag:s9] =	ssyncadd.s32 $0xFFFF3800  }
0x5b: {  	_ =	sfence.sel $0x180000  }
0x5c: {  	[bflag:$0x0] =	sbarrier.arrive $0xFFFF  }
0x5d: {  	p0 =	sne.s32 s1, $0x0;
	_ =	strace $0x90000047  }
0x5e: {  	s0 =	sadd.s32 @!p0 $0x100000, s0;
	[bflag:$0x2] =	sbarrier.arrive $0xFFFF  }
0x5f: {  	[sflag:s0] =	ssyncadd.tile.s32 @!p0 $0x1;
	_ =	shalt  }
.Lfunc_end2:
_tile_overlayer_lowered:
.L_overlay_start_2:
0x60: {  	(tag) =	ssettag $0x2  }
0x61: {  	s0 =	rddreg [dreg:$0x0];
	s2 =	stileid.u32  }
0x62: {  	s1 =	rddreg [dreg:$0x1];
	p0 =	sne.s32 s2, $0x0  }
0x63: {  	s3 =	rddreg [dreg:$0x2];
	[bflag:$0x3] =	sbarrier.arrive $0xFFFF;
	s2 =	simm.s32 @!p0 $0x1C03  }
0x64: {  	[timem:s3], [sflag:s2] =	dma.local @!p0 [hbm:s0], s1  }
0x65: {  	s0 =	simm.s32 @!p0 $0x3  }
0x66: {  	_ =	swait.ge @!p0 [sflag:s0], s1  }
0x67: {  	s1 =	ssub.s32 @!p0 $0x0, s1;
	[sflag:s0] =	ssyncset.done @!p0 $0x0  }
0x68: {  	[sflag:s0] =	ssyncadd.s32 @!p0 s1  }
0x69: {  	[bflag:$0x3] =	sbarrier.arrive $0xFFFF  }
0x6a: {  	_ =	shalt  }

// kernel: kernel.16.cloned.1.call-start
scs
__scs_entry_jumppad:
0x0: {  	(pc) =	sbr.rel $0x88, $3  }
0x1: {  	(tag) =	ssettag $0x0;
	lr =	simm.s32 $0x1  }
0x2: {  	[smem:$0x3F8E] =	sst lr;
	_ =	strace $0xD0000000  }
0x3: {  	_ = 	snop  }
0x4: {  	_ = 	snop  }
0x5: {  	_ = 	snop  }
0x6: {  	_ = 	snop  }
0x7: {  	_ = 	snop  }
__scs_overlays_trampoline_lowered:
0x8: {  	[smem:$0x3F9D] =	sst s0  }
0x9: {  	[smem:$0x3F9E] =	sst s1  }
0xa: {  	[smem:$0x3F9F] =	sst s2  }
0xb: {  	[smem:$0x3FA0] =	sst s3  }
0xc: {  	[smem:$0x3FA1] =	sst s4  }
0xd: {  	[smem:$0x3FA2] =	sst s5  }
0xe: {  	[smem:$0x3FA3] =	sst s6  }
0xf: {  	[smem:$0x3FA4] =	sst s7  }
0x10: {  	[smem:$0x3FA5] =	sst s8  }
0x11: {  	[smem:$0x3FA6] =	sst s9;
	s0 =	simm.s32 @!p0 $0x0  }
0x12: {  	s1 =	sld [smem:$0x3F8C];
	s0 =	simm.s32 @p0 $0x1  }
0x13: {  	[smem:$0x3FA7] =	sst s0;
	s0 =	simm.s32 @!p1 $0x0  }
0x14: {  	s2 =	sld [smem:$0x3F8B];
	s0 =	simm.s32 @p1 $0x1  }
0x15: {  	[smem:$0x3FA8] =	sst s0;
	s0 =	simm.s32 @!p2 $0x0  }
0x16: {  	s3 =	sld [smem:$0x3FDB];
	s0 =	simm.s32 @p2 $0x1  }
0x17: {  	s4 =	simm.s32 $0x1BF5;
	[smem:$0x3FAA] =	sst s0  }
0x18: {  	s0 =	sld [smem:$0x3F8D];
	_ =	swait.ge [sflag:s4], $0x0  }
0x19: {  	s7 =	sld [smem:$0x3F8E]  }
0x1a: {  	s8 =	sadd.s32 $0xFFFFE003, lr  }
0x1b: {  	s9 =	sadd.s32 $0xFFFFFEF7, lr;
	s5 =	simm.s32 $0xFFFFFFFF;
	p2 =	slt.u32 s8, $0xFFFFF086  }
0x1c: {  	p1 =	slt.u32 s9, $0xF7A;
	s5 =	simm.s32 @!p2 $0x0  }
0x1d: {  	s5 =	simm.s32 @p1 $0x1;
	p0 =	seq.s32 s7, s2  }
0x1e: {  	s7 =	smul.u32 @!p0 $0xF7A, s2;
	p2 =	seq.s32 @!p0 s5, $0x0  }
0x1f: {  	s9 =	smul.u32 $0xF7A, s1;
	s8 =	simm.s32 @!p0 $0x1BF5;
	p2 =	por !p2, p0  }
0x20: {  	[sflag:s8] =	ssyncset.s32 @!p0 $0xFFFFF086;
	s6 =	sadd.s32 @!p0 s3, s7;
	s7 =	simm.s32 @!p0 $0x108  }
0x21: {  	s3 =	sadd.s32 s3, s9;
	s6 =	sadd.s32 @!p0 $0x88, s6;
	s7 =	simm.s32 @p2 $0x1082  }
0x22: {  	[simem:s7], [sflag:s8] =	dma.local @!p0 [hbm:s6], $0xF7A  }
0x23: {  	s9 =	sor.u32 $0xD0000000, s2;
	s6 =	simm.s32 $0x108;
	_ =	swait.ge @!p0 [sflag:s8], $0x0  }
0x24: {  	s3 =	sadd.s32 $0x88, s3;
	s6 =	simm.s32 @!p1 $0x1082;
	[sflag:s4] =	ssyncset.s32 $0xFFFFF086  }
0x25: {  	[simem:s6], [sflag:s4] =	dma.local [hbm:s3], $0xF7A  }
0x26: {  	[smem:$0x3F8E] =	sst s1;
	(tag) =	ssettag s2;
	_ =	strace s9  }
0x27: {  	s1 =	sld [smem:$0x3F9E]  }
0x28: {  	s2 =	sld [smem:$0x3F9F]  }
0x29: {  	s4 =	sld [smem:$0x3FA1]  }
0x2a: {  	p0 =	seq.s32 s5, $0x0;
	s5 =	sld [smem:$0x3FA2]  }
0x2b: {  	s6 =	sld [smem:$0x3FA3]  }
0x2c: {  	s7 =	sld [smem:$0x3FA4]  }
0x2d: {  	s3 =	simm.s32 $0x108;
	s8 =	sld [smem:$0x3FA5]  }
0x2e: {  	s3 =	simm.s32 @!p0 $0x1082;
	s9 =	sld [smem:$0x3FA6]  }
0x2f: {  	lr =	sadd.s32 s0, s3;
	s0 =	sld [smem:$0x3F9D]  }
0x30: {  	s3 =	sld [smem:$0x3FA0]  }
0x31: {  	[smem:$0x3FA9] =	sst s10  }
0x32: {  	s10 =	sld [smem:$0x3FA7];
	_ =	sdelay $0x3  }
0x33: {  	p0 =	seq.s32 s10, $0x1;
	s10 =	sld [smem:$0x3FA9];
	_ =	sdelay $0x3  }
0x34: {  	[smem:$0x3FA9] =	sst s10  }
0x35: {  	s10 =	sld [smem:$0x3FA8];
	_ =	sdelay $0x3  }
0x36: {  	p1 =	seq.s32 s10, $0x1;
	s10 =	sld [smem:$0x3FA9];
	_ =	sdelay $0x3  }
0x37: {  	[smem:$0x3FA9] =	sst s10  }
0x38: {  	s10 =	sld [smem:$0x3FAA]  }
0x39: {  	_ = 	snop;
	(pc) =	sbr.ind lr, $3  }
0x3a: {  	_ = 	snop  }
0x3b: {  	_ = 	snop  }
0x3c: {  	p2 =	seq.s32 s10, $0x1;
	s10 =	sld [smem:$0x3FA9]  }
0x3d: {  	_ =	shalt  }
0x3e: {  	_ =	shalt  }
0x3f: {  	_ =	shalt  }
0x40: {  	_ =	shalt  }
0x41: {  	_ =	shalt  }
0x42: {  	_ =	shalt  }
0x43: {  	_ =	shalt  }
0x44: {  	_ =	shalt  }
0x45: {  	_ =	shalt  }
0x46: {  	_ =	shalt  }
0x47: {  	_ =	shalt  }
0x48: {  	_ =	shalt  }
0x49: {  	_ =	shalt  }
0x4a: {  	_ =	shalt  }
0x4b: {  	_ =	shalt  }
0x4c: {  	_ =	shalt  }
0x4d: {  	_ =	shalt  }
0x4e: {  	_ =	shalt  }
0x4f: {  	_ =	shalt  }
0x50: {  	_ =	shalt  }
0x51: {  	_ =	shalt  }
0x52: {  	_ =	shalt  }
0x53: {  	_ =	shalt  }
0x54: {  	_ =	shalt  }
0x55: {  	_ =	shalt  }
0x56: {  	_ =	shalt  }
0x57: {  	_ =	shalt  }
0x58: {  	_ =	shalt  }
0x59: {  	_ =	shalt  }
0x5a: {  	_ =	shalt  }
0x5b: {  	_ =	shalt  }
0x5c: {  	_ =	shalt  }
0x5d: {  	_ =	shalt  }
0x5e: {  	_ =	shalt  }
0x5f: {  	_ =	shalt  }
0x60: {  	_ =	shalt  }
0x61: {  	_ =	shalt  }
0x62: {  	_ =	shalt  }
0x63: {  	_ =	shalt  }
0x64: {  	_ =	shalt  }
0x65: {  	_ =	shalt  }
0x66: {  	_ =	shalt  }
0x67: {  	_ =	shalt  }
0x68: {  	_ =	shalt  }
0x69: {  	_ =	shalt  }
0x6a: {  	_ =	shalt  }
0x6b: {  	_ =	shalt  }
0x6c: {  	_ =	shalt  }
0x6d: {  	_ =	shalt  }
0x6e: {  	_ =	shalt  }
0x6f: {  	_ =	shalt  }
0x70: {  	_ =	shalt  }
0x71: {  	_ =	shalt  }
0x72: {  	_ =	shalt  }
0x73: {  	_ =	shalt  }
0x74: {  	_ =	shalt  }
0x75: {  	_ =	shalt  }
0x76: {  	_ =	shalt  }
0x77: {  	_ =	shalt  }
0x78: {  	_ =	shalt  }
0x79: {  	_ =	shalt  }
0x7a: {  	_ =	shalt  }
0x7b: {  	_ =	shalt  }
0x7c: {  	_ =	shalt  }
0x7d: {  	_ =	shalt  }
0x7e: {  	_ =	shalt  }
0x7f: {  	_ =	shalt  }
0x80: {  	_ =	shalt  }
0x81: {  	_ =	shalt  }
0x82: {  	_ =	shalt  }
0x83: {  	_ =	shalt  }
0x84: {  	_ =	shalt  }
0x85: {  	_ =	shalt  }
0x86: {  	_ =	shalt  }
0x87: {  	_ =	shalt  }
.Lfunc_end0:
.L_simem_size_0:
called_computation.1_lowered:
.L_overlay_start_0:
0x88: {  	s2 =	sld [smem:$0x3FD9]  }
0x89: {  	s3 =	sld [smem:$0x3FFE];
	_ =	sdelay $0x1  }
0x8a: {  	s1 =	srdreg.scid  }
0x8b: {  	s0 =	sand.u32 $0x1, s1  }
0x8c: {  	s16 =	sshll.u32 s0, $0xA;
	s2 =	sadd.s32 s3, s2  }
0x8d: {  	s2 =	sadd.s32 s2, s16  }
0x8e: {  	[smem:$0x3FB5] =	sst s2  }
0x8f: {  	_ = 	snop  }
0x90: {  	(tm) =	ssettm $0x1  }
0x91: {  	s17 =	sld [smem:$0x3FFB];
	_ =	sdelay $0x3  }
0x92: {  	_ =	strace s17  }
0x93: {  	s2 =	sld [smem:$0x3FFC];
	_ =	sdelay $0x3  }
0x94: {  	_ =	strace s2  }
0x95: {  	s2 =	sld [smem:$0x3FFD];
	_ =	sdelay $0x3  }
0x96: {  	_ =	strace s2  }
0x97: {  	_ =	strace $0x8FFFFFFF  }
0x98: {  	s18 =	sld [smem:$0x3FDB];
	_ =	sdelay $0x1  }
0x99: {  	s19 =	simm.s32 $_scs_section_size  }
0x9a: {  	s4 =	simm.s32 $_size__tile_overlayer_lowered;
	s5 =	simm.s32 $_tile_overlayer_lowered  }
0x9b: {  	s22 =	simm.s32 $0x1BFF;
	s21 =	sshll.u32 s5, $0x1;
	s2 =	sadd.s32 s19, s18  }
0x9c: {  	s6 =	simm.s32 $0x0;
	s20 =	sshll.u32 s4, $0x1;
	s4 =	sadd.s32 s21, s2  }
0x9d: {  	[timem:s6], [sflag:s22] =	dma.local [hbm:s4], s20  }
0x9e: {  	_ =	swait.ge [sflag:s22], s20  }
0x9f: {  	s3 =	ssub.s32 $0x0, s20;
	[sflag:s22] =	ssyncset.done $0x0  }
0xa0: {  	[sflag:s22] =	ssyncadd.s32 s3;
	_ =	sdelay $0x1  }
0xa1: {  	s23 =	simm.s32 $0x1B8B  }
0xa2: {  	_ =	swait.ge [sflag:s23], $0x1  }
0xa3: {  	[sflag:s23] =	ssyncset.done $0x0  }
0xa4: {  	s25 =	simm.s32 $0x1B8E;
	s24 =	sld [smem:$0x3FFE];
	[sflag:s23] =	ssyncadd.s32 $0xFFFFFFFF  }
0xa5: {  	s26 =	simm.s32 $execute0_lowered;
	[smem:$0x3FD2] =	sst s25  }
0xa6: {  	s4 =	sshll.u32 s26, $0x1;
	_ =	strace $0x80000049;
	[dreg:$0x1] =	wrdreg $0xFFFFFFFF  }
0xa7: {  	s28 =	simm.s32 $_size_execute0_lowered;
	s2 =	sadd.s32 s2, s4;
	[dreg:$0x0] =	wrdreg $0x0  }
0xa8: {  	s4 =	sshll.u32 s28, $0x1;
	[dreg:$0x2] =	wrdreg s2  }
0xa9: {  	[dreg:$0x3] =	wrdreg s4  }
0xaa: {  	[dreg:$0x4] =	wrdreg $0xC0  }
0xab: {  	_ =	task [dreg:s6], $0x5FFFF  }
0xac: {  	[dreg:$0x1] =	wrdreg $0xFFFFFFFF  }
0xad: {  	[dreg:$0x0] =	wrdreg $0x60  }
0xae: {  	[dreg:$0x2] =	wrdreg s24  }
0xaf: {  	[dreg:$0x3] =	wrdreg $0x9  }
0xb0: {  	_ =	task.clear_ibuf [dreg:s6], $0x4FFFF;
	_ =	strace $0x90000049  }
0xb1: {  	s29 =	simm.s32 $0x9;
	_ =	strace $0x8000004B  }
0xb2: {  	_ =	swait.ge [sflag:s29], $0x1  }
0xb3: {  	[sflag:s29] =	ssyncadd.s32 $0xFFFFFFFF  }
0xb4: {  	_ =	strace $0x9000004B  }
0xb5: {  	_ =	sfence  }
0xb6: {  	s30 =	sld [smem:$0x0];
	_ =	sdelay $0x2  }
0xb7: {  	s31 =	sshll.u32 s1, $0xD;
	s1 =	sshrl.u32 s1, $0x2  }
0xb8: {  	s3 =	sand.u32 $0x4000, s31;
	s1 =	sadd.s32 s1, s30  }
0xb9: {  	s0 =	sor.u32 s3, s0;
	s1 =	sshll.u32 s1, $0x11  }
0xba: {  	s0 =	sor.u32 s1, s0  }
0xbb: {  	s0 =	sadd.s32 $0x8F2B, s0  }
0xbc: {  	[sflag:s0] =	ssyncadd.remote.s32 $0x1  }
0xbd: {  	_ =	sfence.sel $0xFFFF  }
0xbe: {  	[dreg:$0x0] =	wrdreg $0xFFFFFFFF;
	(pc) =	sbr.abs _section_cstart, $3  }
0xbf: {  	[dreg:$0x1] =	wrdreg $0xFFFFFFFF  }
0xc0: {  	_ =	task.clear_ibuf [dreg:s6], $0x2FFFF;
	_ =	strace $0x9FFFFFFF  }
0xc1: {  	(tm) =	ssettm $0x7FFFFFFF  }
tec
execute0_lowered:
.L_overlay_start_1:
0x0: {  	(tag) =	ssettag $0x1  }
0x1: {  	s1 =	srdreg.scid  }
0x2: {  	s0 =	stileid.u32;
	s6 =	sand.u32 $0x1, s1  }
0x3: {  	s1 =	sor.u32 s6, s0  }
0x4: {  	p0 =	seq.s32 s6, $0x1;
	p1 =	seq.s32 s1, $0x0  }
0x5: {  	p0 =	por !p1, !p0  }
0x6: {  	s1 =	simm.s32 $0x1;
	p0 =	por !p0, !p0  }
0x7: {  	s8 =	rddreg [dreg:$0x0];
	s29 =	simm.s32 $0x0;
	s1 =	simm.s32 @!p0 $0x0  }
0x8: {  	s12 =	simm.s32 $0x400;
	s28 =	sshll.u32 s6, $0x4;
	s7 =	ssub.s32 s0, s1  }
0x9: {  	s13 =	simm.s32 $0x0;
	[smem:$0x7FF] =	sst s29;
	s3 =	sadd.s32 s28, s7  }
0xa: {  	s4 =	sadd.s32 $0xDA00, s8;
	s11 =	smul.u32 $0x1388, s6;
	s3 =	sshrl.u32 s3, $0x3  }
0xb: {  	s10 =	ssub.s32 $0x2, s6;
	s30 =	sshll.u32 s7, $0x7;
	s5 =	smul.u32 $0x9C400, s3  }
0xc: {  	_ =	strace $0x8000004A;
	s31 =	sshrl.u32 s10, $0x1;
	s9 =	sand.u32 $0x380, s30  }
0xd: {  	v1 =	vmov s11;
	s11 =	simm.s32 $0x80;
	s6 =	smul.u32 $0x4E20, s7;
	s9 =	sor.u32 s9, s5  }
0xe: {  	s3 =	sadd.s32 $0x17800, s8;
	s5 =	simm.s32 $0x1;
	s9 =	sshrl.u32 s9, $0x3  }
0xf: {  	s8 =	sadd.s32 s9, s8;
	s9 =	ssub.s32 s10, s31;
	s10 =	simm.s32 $0x13C80  }
0x10: {  	v0 =	vimm.f32 $-Inf;
	s7 =	sadd.s32 $0xB3C00, s8;
	s8 =	smax.u32 s9, $0x1;
	s9 =	simm.s32 $0x13900  }
.LBB2_1:
0x11: {  	s14 =	simm.s32 $0x40;
	s15 =	simm.s32 $0x0  }
.LBB2_2:
0x12: {  	p0 =	sne.s32 s14, $0x4E200;
	[tilespmem:s15+$0x0] =	vst v0;
	s15 =	smov.u32 s14;
	s14 =	sadd.s32 $0x40, s14  }
.Ltmp0:
0x13: {  	(pc) =	sbr.rel @p0 .LBB2_2-.Ltmp0, $2  }
0x14: {  	_ =	sdelay $0x2  }
0x15: {  	s15 =	sshra.s32 s15, $0x2  }
0x16: {  	[tilespmem:s15+$0x0] =	vst v0;
	s14 =	simm.s32 $0x0;
	s15 =	simm.s32 $0x0  }
.LBB2_4:
0x17: {  	s16 =	smul.u32 $0x320, s15;
	_ =	sdelay $0x1  }
0x18: {  	s16 =	sadd.s32 s6, s16  }
0x19: {  	s17 =	sshrl.u32 s16, $0x3  }
0x1a: {  	s17 =	sadd.s32 s4, s17  }
0x1b: {  	[tilespmem:s9], [sflag:$0x1] =	stream.linear.gather [hbm4b:s17+s14], $0x320, $0x38;
	[tilespmem:$0x16E80] =	vst v63  }
0x1c: {  	s16 =	sshll.u32 s16, $0x1;
	_ =	swait.ge [sflag:s5], $0x320  }
0x1d: {  	s16 =	sand.u32 $0x1FFFFFC0, s16;
	[sflag:s5] =	ssyncset.done $0x0  }
0x1e: {  	s16 =	sadd.s32 s3, s16;
	[sflag:s5] =	ssyncadd.s32 $0xFFFFFCE0  }
0x1f: {  	[tilespmem:s10], [sflag:$0x1] =	stream.linear.gather [hbm4b:s16+s14], $0x3200, $0x38;
	[tilespmem:$0x16E80] =	vst v63  }
0x20: {  	_ =	swait.ge [sflag:s5], $0x3200  }
0x21: {  	[sflag:s5] =	ssyncset.done $0x0  }
0x22: {  	s19 =	simm.s32 $0x0;
	[sflag:s5] =	ssyncadd.s32 $0xFFFFCE00  }
0x23: {  	v2 =	vld [tilespmem:s19+$0x13900];
	_ =	sdelay $0x4  }
0x24: {  	v2 =	vsub.s32 v2, v1  }
0x25: {  	(v2sf) =	vpush v2, $0x0;
	_ =	sdelay $0x6  }
0x26: {  	(v2sf) =	vpush v2, $0x1;
	_ =	sdelay $0x7  }
0x27: {  	(v2sf) =	vpush v2, $0x2;
	s20 =	spop (v2sf)  }
0x28: {  	s16 =	simm.s32 $0x13D00;
	s17 =	smin.u32 s20, $0x1388  }
0x29: {  	v3 =	vld [tilespmem:s16+$0xFFFFFF80];
	s17 =	sshll.u32 s17, $0x4  }
0x2a: {  	v4 =	vld [tilespmem:s17+$0x0];
	_ =	sdelay $0x3  }
0x2b: {  	s18 =	spop (v2sf)  }
0x2c: {  	(v2sf) =	vpush v2, $0x3;
	s18 =	smin.u32 s18, $0x1388;
	v3 =	vmax.f32 v4, v3  }
0x2d: {  	s21 =	sshll.u32 s18, $0x4;
	[tilespmem:s17+$0x0] =	vst v3  }
0x2e: {  	v3 =	vld [tilespmem:s21+$0x0]  }
0x2f: {  	v53 =	vld [tilespmem:s16+$0xFFFFFF90];
	_ =	sdelay $0x3  }
0x30: {  	s22 =	spop (v2sf)  }
0x31: {  	(v2sf) =	vpush v2, $0x4;
	s18 =	smin.u32 s22, $0x1388;
	v3 =	vmax.f32 v3, v53  }
0x32: {  	s23 =	sshll.u32 s18, $0x4;
	[tilespmem:s21+$0x0] =	vst v3  }
0x33: {  	v3 =	vld [tilespmem:s23+$0x0]  }
0x34: {  	v54 =	vld [tilespmem:s16+$0xFFFFFFA0];
	_ =	sdelay $0x3  }
0x35: {  	s24 =	spop (v2sf)  }
0x36: {  	(v2sf) =	vpush v2, $0x5;
	s18 =	smin.u32 s24, $0x1388;
	v3 =	vmax.f32 v3, v54  }
0x37: {  	s25 =	sshll.u32 s18, $0x4;
	[tilespmem:s23+$0x0] =	vst v3  }
0x38: {  	v3 =	vld [tilespmem:s25+$0x0]  }
0x39: {  	v55 =	vld [tilespmem:s16+$0xFFFFFFB0];
	_ =	sdelay $0x3  }
0x3a: {  	s26 =	spop (v2sf)  }
0x3b: {  	(v2sf) =	vpush v2, $0x6;
	s18 =	smin.u32 s26, $0x1388;
	v3 =	vmax.f32 v3, v55  }
0x3c: {  	s28 =	sshll.u32 s18, $0x4;
	[tilespmem:s25+$0x0] =	vst v3  }
0x3d: {  	v3 =	vld [tilespmem:s28+$0x0]  }
0x3e: {  	v56 =	vld [tilespmem:s16+$0xFFFFFFC0];
	_ =	sdelay $0x3  }
0x3f: {  	s29 =	spop (v2sf)  }
0x40: {  	(v2sf) =	vpush v2, $0x7;
	s18 =	smin.u32 s29, $0x1388;
	v3 =	vmax.f32 v3, v56  }
0x41: {  	s30 =	sshll.u32 s18, $0x4;
	[tilespmem:s28+$0x0] =	vst v3  }
0x42: {  	v3 =	vld [tilespmem:s30+$0x0]  }
0x43: {  	v57 =	vld [tilespmem:s16+$0xFFFFFFD0];
	_ =	sdelay $0x3  }
0x44: {  	s31 =	spop (v2sf)  }
0x45: {  	(v2sf) =	vpush v2, $0x8;
	s18 =	smin.u32 s31, $0x1388;
	v3 =	vmax.f32 v3, v57  }
0x46: {  	s0 =	sshll.u32 s18, $0x4;
	[tilespmem:s30+$0x0] =	vst v3  }
0x47: {  	v3 =	vld [tilespmem:s0+$0x0]  }
0x48: {  	v58 =	vld [tilespmem:s16+$0xFFFFFFE0];
	_ =	sdelay $0x3  }
0x49: {  	s1 =	spop (v2sf)  }
0x4a: {  	(v2sf) =	vpush v2, $0x9;
	s18 =	smin.u32 s1, $0x1388;
	v3 =	vmax.f32 v3, v58  }
0x4b: {  	s2 =	sshll.u32 s18, $0x4;
	[tilespmem:s0+$0x0] =	vst v3  }
0x4c: {  	v3 =	vld [tilespmem:s2+$0x0]  }
0x4d: {  	v59 =	vld [tilespmem:s16+$0xFFFFFFF0];
	_ =	sdelay $0x3  }
0x4e: {  	s19 =	spop (v2sf)  }
0x4f: {  	(v2sf) =	vpush v2, $0xA;
	s18 =	smin.u32 s19, $0x1388;
	v3 =	vmax.f32 v3, v59  }
0x50: {  	s20 =	sshll.u32 s18, $0x4;
	[tilespmem:s2+$0x0] =	vst v3  }
0x51: {  	v3 =	vld [tilespmem:s20+$0x0]  }
0x52: {  	v60 =	vld [tilespmem:s16+$0x0];
	_ =	sdelay $0x3  }
0x53: {  	s21 =	spop (v2sf)  }
0x54: {  	(v2sf) =	vpush v2, $0xB;
	s18 =	smin.u32 s21, $0x1388;
	v3 =	vmax.f32 v3, v60  }
0x55: {  	s22 =	sshll.u32 s18, $0x4;
	[tilespmem:s20+$0x0] =	vst v3  }
0x56: {  	v3 =	vld [tilespmem:s22+$0x0]  }
0x57: {  	v61 =	vld [tilespmem:s16+$0x10];
	_ =	sdelay $0x3  }
0x58: {  	s23 =	spop (v2sf)  }
0x59: {  	(v2sf) =	vpush v2, $0xC;
	s18 =	smin.u32 s23, $0x1388;
	v3 =	vmax.f32 v3, v61  }
0x5a: {  	s24 =	sshll.u32 s18, $0x4;
	[tilespmem:s22+$0x0] =	vst v3  }
0x5b: {  	v3 =	vld [tilespmem:s24+$0x0]  }
0x5c: {  	v62 =	vld [tilespmem:s16+$0x20];
	_ =	sdelay $0x3  }
0x5d: {  	s25 =	spop (v2sf)  }
0x5e: {  	(v2sf) =	vpush v2, $0xD;
	s18 =	smin.u32 s25, $0x1388;
	v3 =	vmax.f32 v3, v62  }
0x5f: {  	s26 =	sshll.u32 s18, $0x4;
	[tilespmem:s24+$0x0] =	vst v3  }
0x60: {  	v3 =	vld [tilespmem:s26+$0x0]  }
0x61: {  	v63 =	vld [tilespmem:s16+$0x30];
	_ =	sdelay $0x3  }
0x62: {  	s28 =	spop (v2sf)  }
0x63: {  	(v2sf) =	vpush v2, $0xE;
	s18 =	smin.u32 s28, $0x1388;
	v3 =	vmax.f32 v3, v63  }
0x64: {  	(v2sf) =	vpush v2, $0xF;
	s29 =	sshll.u32 s18, $0x4;
	[tilespmem:s26+$0x0] =	vst v3  }
0x65: {  	v2 =	vld [tilespmem:s29+$0x0]  }
0x66: {  	v3 =	vld [tilespmem:s16+$0x40];
	_ =	sdelay $0x3  }
0x67: {  	s30 =	spop (v2sf)  }
0x68: {  	s18 =	smin.u32 s30, $0x1388;
	v2 =	vmax.f32 v2, v3  }
0x69: {  	s18 =	sshll.u32 s18, $0x4;
	[tilespmem:s29+$0x0] =	vst v2  }
0x6a: {  	v2 =	vld [tilespmem:s18+$0x0]  }
0x6b: {  	v3 =	vld [tilespmem:s16+$0x50];
	_ =	sdelay $0x3  }
0x6c: {  	s19 =	spop (v2sf)  }
0x6d: {  	s17 =	simm.s32 $0x40;
	s20 =	smin.u32 s19, $0x1388;
	s31 =	spop (v2sf);
	v2 =	vmax.f32 v2, v3  }
0x6e: {  	s20 =	sshll.u32 s20, $0x4;
	s19 =	smin.u32 s31, $0x1388;
	[tilespmem:s18+$0x0] =	vst v2;
	s18 =	simm.s32 $0x13D00  }
.LBB2_5:
0x6f: {  	p0 =	sne.s32 s17, $0xC40  }
0x70: {  	v2 =	vld [tilespmem:s20+$0x0];
	s16 =	sadd.s32 $0x100, s16;
	s21 =	smov.u32 s17;
	s17 =	sadd.s32 $0x40, s17  }
0x71: {  	v3 =	vld [tilespmem:s18+$0x60];
	_ =	sdelay $0x4  }
0x72: {  	v2 =	vmax.f32 v2, v3  }
0x73: {  	s19 =	sshll.u32 s19, $0x4;
	[tilespmem:s20+$0x0] =	vst v2  }
0x74: {  	v2 =	vld [tilespmem:s19+$0x0]  }
0x75: {  	v3 =	vld [tilespmem:s18+$0x70];
	s18 =	smov.u32 s16;
	_ =	sdelay $0x4  }
0x76: {  	v2 =	vmax.f32 v2, v3  }
0x77: {  	s20 =	sshra.s32 s21, $0x2;
	[tilespmem:s19+$0x0] =	vst v2  }
0x78: {  	v2 =	vld [tilespmem:s20+$0x13900];
	_ =	sdelay $0x4  }
0x79: {  	v2 =	vsub.s32 v2, v1  }
0x7a: {  	(v2sf) =	vpush v2, $0x0  }
0x7b: {  	(v2sf) =	vpush v2, $0x1  }
0x7c: {  	(v2sf) =	vpush v2, $0x2  }
0x7d: {  	(v2sf) =	vpush v2, $0x3  }
0x7e: {  	(v2sf) =	vpush v2, $0x4  }
0x7f: {  	(v2sf) =	vpush v2, $0x5  }
0x80: {  	(v2sf) =	vpush v2, $0x6  }
0x81: {  	(v2sf) =	vpush v2, $0x7  }
0x82: {  	(v2sf) =	vpush v2, $0x8  }
0x83: {  	(v2sf) =	vpush v2, $0x9  }
0x84: {  	(v2sf) =	vpush v2, $0xA  }
0x85: {  	(v2sf) =	vpush v2, $0xB  }
0x86: {  	(v2sf) =	vpush v2, $0xC  }
0x87: {  	(v2sf) =	vpush v2, $0xD  }
0x88: {  	(v2sf) =	vpush v2, $0xE  }
0x89: {  	s19 =	spop (v2sf);
	(v2sf) =	vpush v2, $0xF  }
0x8a: {  	s19 =	smin.u32 s19, $0x1388;
	s20 =	spop (v2sf)  }
0x8b: {  	s19 =	sshll.u32 s19, $0x4;
	v2 =	vld [tilespmem:s16+$0xFFFFFF80];
	s20 =	smin.u32 s20, $0x1388;
	s21 =	spop (v2sf)  }
0x8c: {  	v3 =	vld [tilespmem:s19+$0x0];
	s1 =	smin.u32 s21, $0x1388;
	s21 =	spop (v2sf)  }
0x8d: {  	s0 =	smin.u32 s21, $0x1388;
	s21 =	spop (v2sf)  }
0x8e: {  	s31 =	smin.u32 s21, $0x1388;
	s21 =	spop (v2sf)  }
0x8f: {  	s30 =	smin.u32 s21, $0x1388;
	s21 =	spop (v2sf)  }
0x90: {  	s29 =	smin.u32 s21, $0x1388;
	s21 =	spop (v2sf)  }
0x91: {  	v2 =	vmax.f32 v3, v2;
	s28 =	smin.u32 s21, $0x1388;
	s21 =	spop (v2sf)  }
0x92: {  	s2 =	sshll.u32 s20, $0x4;
	[tilespmem:s19+$0x0] =	vst v2;
	s26 =	smin.u32 s21, $0x1388;
	s19 =	spop (v2sf)  }
0x93: {  	v2 =	vld [tilespmem:s2+$0x0];
	s25 =	smin.u32 s19, $0x1388;
	s19 =	spop (v2sf)  }
0x94: {  	v3 =	vld [tilespmem:s16+$0xFFFFFF90];
	s24 =	smin.u32 s19, $0x1388;
	s19 =	spop (v2sf)  }
0x95: {  	s23 =	smin.u32 s19, $0x1388;
	s19 =	spop (v2sf)  }
0x96: {  	s22 =	smin.u32 s19, $0x1388;
	s19 =	spop (v2sf)  }
0x97: {  	s21 =	smin.u32 s19, $0x1388;
	s19 =	spop (v2sf)  }
0x98: {  	s20 =	smin.u32 s19, $0x1388;
	s19 =	spop (v2sf)  }
0x99: {  	v2 =	vmax.f32 v2, v3;
	s19 =	smin.u32 s19, $0x1388  }
0x9a: {  	s1 =	sshll.u32 s1, $0x4;
	[tilespmem:s2+$0x0] =	vst v2  }
0x9b: {  	v2 =	vld [tilespmem:s1+$0x0]  }
0x9c: {  	v3 =	vld [tilespmem:s16+$0xFFFFFFA0];
	_ =	sdelay $0x4  }
0x9d: {  	v2 =	vmax.f32 v2, v3  }
0x9e: {  	s0 =	sshll.u32 s0, $0x4;
	[tilespmem:s1+$0x0] =	vst v2  }
0x9f: {  	v2 =	vld [tilespmem:s0+$0x0]  }
0xa0: {  	v3 =	vld [tilespmem:s16+$0xFFFFFFB0];
	_ =	sdelay $0x4  }
0xa1: {  	v2 =	vmax.f32 v2, v3  }
0xa2: {  	[tilespmem:s0+$0x0] =	vst v2;
	s0 =	sshll.u32 s31, $0x4  }
0xa3: {  	v2 =	vld [tilespmem:s0+$0x0]  }
0xa4: {  	v3 =	vld [tilespmem:s16+$0xFFFFFFC0];
	_ =	sdelay $0x4  }
0xa5: {  	v2 =	vmax.f32 v2, v3  }
0xa6: {  	[tilespmem:s0+$0x0] =	vst v2;
	s0 =	sshll.u32 s30, $0x4  }
0xa7: {  	v2 =	vld [tilespmem:s0+$0x0]  }
0xa8: {  	v3 =	vld [tilespmem:s16+$0xFFFFFFD0];
	_ =	sdelay $0x4  }
0xa9: {  	v2 =	vmax.f32 v2, v3  }
0xaa: {  	[tilespmem:s0+$0x0] =	vst v2;
	s0 =	sshll.u32 s29, $0x4  }
0xab: {  	v2 =	vld [tilespmem:s0+$0x0]  }
0xac: {  	v3 =	vld [tilespmem:s16+$0xFFFFFFE0];
	_ =	sdelay $0x4  }
0xad: {  	v2 =	vmax.f32 v2, v3  }
0xae: {  	[tilespmem:s0+$0x0] =	vst v2;
	s0 =	sshll.u32 s28, $0x4  }
0xaf: {  	v2 =	vld [tilespmem:s0+$0x0]  }
0xb0: {  	v3 =	vld [tilespmem:s16+$0xFFFFFFF0];
	_ =	sdelay $0x4  }
0xb1: {  	v2 =	vmax.f32 v2, v3  }
0xb2: {  	[tilespmem:s0+$0x0] =	vst v2;
	s0 =	sshll.u32 s26, $0x4  }
0xb3: {  	v2 =	vld [tilespmem:s0+$0x0]  }
0xb4: {  	v3 =	vld [tilespmem:s16+$0x0];
	_ =	sdelay $0x4  }
0xb5: {  	v2 =	vmax.f32 v2, v3  }
0xb6: {  	[tilespmem:s0+$0x0] =	vst v2;
	s0 =	sshll.u32 s25, $0x4  }
0xb7: {  	v2 =	vld [tilespmem:s0+$0x0]  }
0xb8: {  	v3 =	vld [tilespmem:s16+$0x10];
	_ =	sdelay $0x4  }
0xb9: {  	v2 =	vmax.f32 v2, v3  }
0xba: {  	[tilespmem:s0+$0x0] =	vst v2;
	s0 =	sshll.u32 s24, $0x4  }
0xbb: {  	v2 =	vld [tilespmem:s0+$0x0]  }
0xbc: {  	v3 =	vld [tilespmem:s16+$0x20];
	_ =	sdelay $0x4  }
0xbd: {  	v2 =	vmax.f32 v2, v3  }
0xbe: {  	[tilespmem:s0+$0x0] =	vst v2;
	s0 =	sshll.u32 s23, $0x4  }
0xbf: {  	v2 =	vld [tilespmem:s0+$0x0]  }
0xc0: {  	v3 =	vld [tilespmem:s16+$0x30];
	_ =	sdelay $0x4  }
0xc1: {  	v2 =	vmax.f32 v2, v3  }
0xc2: {  	[tilespmem:s0+$0x0] =	vst v2;
	s0 =	sshll.u32 s22, $0x4  }
0xc3: {  	v2 =	vld [tilespmem:s0+$0x0]  }
0xc4: {  	v3 =	vld [tilespmem:s16+$0x40];
	_ =	sdelay $0x4  }
0xc5: {  	v2 =	vmax.f32 v2, v3  }
0xc6: {  	[tilespmem:s0+$0x0] =	vst v2;
	s0 =	sshll.u32 s21, $0x4  }
0xc7: {  	v2 =	vld [tilespmem:s0+$0x0]  }
0xc8: {  	v3 =	vld [tilespmem:s16+$0x50];
	_ =	sdelay $0x1  }
.Ltmp1:
0xc9: {  	(pc) =	sbr.rel @p0 .LBB2_5-.Ltmp1, $3  }
0xca: {  	_ =	sdelay $0x1  }
0xcb: {  	v2 =	vmax.f32 v2, v3  }
0xcc: {  	s20 =	sshll.u32 s20, $0x4;
	[tilespmem:s0+$0x0] =	vst v2  }
0xcd: {  	v2 =	vld [tilespmem:s20+$0x0]  }
0xce: {  	v3 =	vld [tilespmem:s18+$0x60];
	_ =	sdelay $0x4  }
0xcf: {  	v2 =	vmax.f32 v2, v3  }
0xd0: {  	s0 =	sshll.u32 s19, $0x4;
	[tilespmem:s20+$0x0] =	vst v2  }
0xd1: {  	v2 =	vld [tilespmem:s0+$0x0]  }
0xd2: {  	s15 =	sadd.s32 $0x1, s15;
	v3 =	vld [tilespmem:s18+$0x70]  }
0xd3: {  	p0 =	sne.s32 s15, $0x19  }
.Ltmp2:
0xd4: {  	_ = 	snop;
	(pc) =	sbr.rel @p0 .LBB2_4-.Ltmp2, $3  }
0xd5: {  	_ =	sdelay $0x1  }
0xd6: {  	v2 =	vmax.f32 v2, v3  }
0xd7: {  	[tilespmem:s0+$0x0] =	vst v2  }
0xd8: {  	s13 =	sadd.s32 $0x1, s13  }
0xd9: {  	p0 =	sne.s32 s13, s8  }
.Ltmp3:
0xda: {  	s0 =	simm.s32 $0x0;
	(pc) =	sbr.rel @p0 .LBB2_1-.Ltmp3, $4  }
0xdb: {  	[hbm4b:s7+s11] =	stream.strided.scatter [tilespmem:s0], [sflag:$0x1], $0x13880, s12, s11, $0x38;
	[tilespmem:$0x16E80] =	vst v63  }
0xdc: {  	_ =	swait.ge [sflag:s5], $0x13880  }
0xdd: {  	[sflag:s5] =	ssyncset.done $0x0  }
0xde: {  	[sflag:s5] =	ssyncadd.s32 $0xFFFEC780  }
0xdf: {  	_ =	sfence.sel $0x180000  }
0xe0: {  	[bflag:$0x0] =	sbarrier.arrive $0xFFFF  }
0xe1: {  	_ =	strace $0x9000004A  }
0xe2: {  	s0 =	stileid.u32;
	[bflag:$0x2] =	sbarrier.arrive $0xFFFF  }
0xe3: {  	p0 =	sne.s32 s0, $0x0;
	s0 =	rddreg [dreg:$0x1]  }
0xe4: {  	s0 =	sadd.s32 @!p0 $0x100000, s0  }
0xe5: {  	[sflag:s0] =	ssyncadd.tile.s32 @!p0 $0x1;
	_ =	shalt  }
.Lfunc_end2:
_tile_overlayer_lowered:
.L_overlay_start_2:
0xe6: {  	(tag) =	ssettag $0x2  }
0xe7: {  	s0 =	rddreg [dreg:$0x0];
	s2 =	stileid.u32  }
0xe8: {  	s1 =	rddreg [dreg:$0x1];
	p0 =	sne.s32 s2, $0x0  }
0xe9: {  	s3 =	rddreg [dreg:$0x2];
	[bflag:$0x3] =	sbarrier.arrive $0xFFFF;
	s2 =	simm.s32 @!p0 $0x1C01  }
0xea: {  	[timem:s3], [sflag:s2] =	dma.local @!p0 [hbm:s0], s1  }
0xeb: {  	s0 =	simm.s32 @!p0 $0x1  }
0xec: {  	_ =	swait.ge @!p0 [sflag:s0], s1  }
0xed: {  	s1 =	ssub.s32 @!p0 $0x0, s1;
	[sflag:s0] =	ssyncset.done @!p0 $0x0  }
0xee: {  	[sflag:s0] =	ssyncadd.s32 @!p0 s1  }
0xef: {  	[bflag:$0x3] =	sbarrier.arrive $0xFFFF  }
0xf0: {  	_ =	shalt  }

// kernel: kernel.19.cloned.1.call-start
scs
__scs_entry_jumppad:
0x0: {  	(pc) =	sbr.rel $0x88, $3  }
0x1: {  	(tag) =	ssettag $0x0;
	lr =	simm.s32 $0x1  }
0x2: {  	[smem:$0x3F8E] =	sst lr;
	_ =	strace $0xD0000000  }
0x3: {  	_ = 	snop  }
0x4: {  	_ = 	snop  }
0x5: {  	_ = 	snop  }
0x6: {  	_ = 	snop  }
0x7: {  	_ = 	snop  }
__scs_overlays_trampoline_lowered:
0x8: {  	[smem:$0x3F9D] =	sst s0  }
0x9: {  	[smem:$0x3F9E] =	sst s1  }
0xa: {  	[smem:$0x3F9F] =	sst s2  }
0xb: {  	[smem:$0x3FA0] =	sst s3  }
0xc: {  	[smem:$0x3FA1] =	sst s4  }
0xd: {  	[smem:$0x3FA2] =	sst s5  }
0xe: {  	[smem:$0x3FA3] =	sst s6  }
0xf: {  	[smem:$0x3FA4] =	sst s7  }
0x10: {  	[smem:$0x3FA5] =	sst s8  }
0x11: {  	[smem:$0x3FA6] =	sst s9;
	s0 =	simm.s32 @!p0 $0x0  }
0x12: {  	s1 =	sld [smem:$0x3F8C];
	s0 =	simm.s32 @p0 $0x1  }
0x13: {  	[smem:$0x3FA7] =	sst s0;
	s0 =	simm.s32 @!p1 $0x0  }
0x14: {  	s2 =	sld [smem:$0x3F8B];
	s0 =	simm.s32 @p1 $0x1  }
0x15: {  	[smem:$0x3FA8] =	sst s0;
	s0 =	simm.s32 @!p2 $0x0  }
0x16: {  	s3 =	sld [smem:$0x3FDB];
	s0 =	simm.s32 @p2 $0x1  }
0x17: {  	s4 =	simm.s32 $0x1BF5;
	[smem:$0x3FAA] =	sst s0  }
0x18: {  	s0 =	sld [smem:$0x3F8D];
	_ =	swait.ge [sflag:s4], $0x0  }
0x19: {  	s7 =	sld [smem:$0x3F8E]  }
0x1a: {  	s8 =	sadd.s32 $0xFFFFE003, lr  }
0x1b: {  	s9 =	sadd.s32 $0xFFFFFEF7, lr;
	s5 =	simm.s32 $0xFFFFFFFF;
	p2 =	slt.u32 s8, $0xFFFFF086  }
0x1c: {  	p1 =	slt.u32 s9, $0xF7A;
	s5 =	simm.s32 @!p2 $0x0  }
0x1d: {  	s5 =	simm.s32 @p1 $0x1;
	p0 =	seq.s32 s7, s2  }
0x1e: {  	s7 =	smul.u32 @!p0 $0xF7A, s2;
	p2 =	seq.s32 @!p0 s5, $0x0  }
0x1f: {  	s9 =	smul.u32 $0xF7A, s1;
	s8 =	simm.s32 @!p0 $0x1BF5;
	p2 =	por !p2, p0  }
0x20: {  	[sflag:s8] =	ssyncset.s32 @!p0 $0xFFFFF086;
	s6 =	sadd.s32 @!p0 s3, s7;
	s7 =	simm.s32 @!p0 $0x108  }
0x21: {  	s3 =	sadd.s32 s3, s9;
	s6 =	sadd.s32 @!p0 $0x88, s6;
	s7 =	simm.s32 @p2 $0x1082  }
0x22: {  	[simem:s7], [sflag:s8] =	dma.local @!p0 [hbm:s6], $0xF7A  }
0x23: {  	s9 =	sor.u32 $0xD0000000, s2;
	s6 =	simm.s32 $0x108;
	_ =	swait.ge @!p0 [sflag:s8], $0x0  }
0x24: {  	s3 =	sadd.s32 $0x88, s3;
	s6 =	simm.s32 @!p1 $0x1082;
	[sflag:s4] =	ssyncset.s32 $0xFFFFF086  }
0x25: {  	[simem:s6], [sflag:s4] =	dma.local [hbm:s3], $0xF7A  }
0x26: {  	[smem:$0x3F8E] =	sst s1;
	(tag) =	ssettag s2;
	_ =	strace s9  }
0x27: {  	s1 =	sld [smem:$0x3F9E]  }
0x28: {  	s2 =	sld [smem:$0x3F9F]  }
0x29: {  	s4 =	sld [smem:$0x3FA1]  }
0x2a: {  	p0 =	seq.s32 s5, $0x0;
	s5 =	sld [smem:$0x3FA2]  }
0x2b: {  	s6 =	sld [smem:$0x3FA3]  }
0x2c: {  	s7 =	sld [smem:$0x3FA4]  }
0x2d: {  	s3 =	simm.s32 $0x108;
	s8 =	sld [smem:$0x3FA5]  }
0x2e: {  	s3 =	simm.s32 @!p0 $0x1082;
	s9 =	sld [smem:$0x3FA6]  }
0x2f: {  	lr =	sadd.s32 s0, s3;
	s0 =	sld [smem:$0x3F9D]  }
0x30: {  	s3 =	sld [smem:$0x3FA0]  }
0x31: {  	[smem:$0x3FA9] =	sst s10  }
0x32: {  	s10 =	sld [smem:$0x3FA7];
	_ =	sdelay $0x3  }
0x33: {  	p0 =	seq.s32 s10, $0x1;
	s10 =	sld [smem:$0x3FA9];
	_ =	sdelay $0x3  }
0x34: {  	[smem:$0x3FA9] =	sst s10  }
0x35: {  	s10 =	sld [smem:$0x3FA8];
	_ =	sdelay $0x3  }
0x36: {  	p1 =	seq.s32 s10, $0x1;
	s10 =	sld [smem:$0x3FA9];
	_ =	sdelay $0x3  }
0x37: {  	[smem:$0x3FA9] =	sst s10  }
0x38: {  	s10 =	sld [smem:$0x3FAA]  }
0x39: {  	_ = 	snop;
	(pc) =	sbr.ind lr, $3  }
0x3a: {  	_ = 	snop  }
0x3b: {  	_ = 	snop  }
0x3c: {  	p2 =	seq.s32 s10, $0x1;
	s10 =	sld [smem:$0x3FA9]  }
0x3d: {  	_ =	shalt  }
0x3e: {  	_ =	shalt  }
0x3f: {  	_ =	shalt  }
0x40: {  	_ =	shalt  }
0x41: {  	_ =	shalt  }
0x42: {  	_ =	shalt  }
0x43: {  	_ =	shalt  }
0x44: {  	_ =	shalt  }
0x45: {  	_ =	shalt  }
0x46: {  	_ =	shalt  }
0x47: {  	_ =	shalt  }
0x48: {  	_ =	shalt  }
0x49: {  	_ =	shalt  }
0x4a: {  	_ =	shalt  }
0x4b: {  	_ =	shalt  }
0x4c: {  	_ =	shalt  }
0x4d: {  	_ =	shalt  }
0x4e: {  	_ =	shalt  }
0x4f: {  	_ =	shalt  }
0x50: {  	_ =	shalt  }
0x51: {  	_ =	shalt  }
0x52: {  	_ =	shalt  }
0x53: {  	_ =	shalt  }
0x54: {  	_ =	shalt  }
0x55: {  	_ =	shalt  }
0x56: {  	_ =	shalt  }
0x57: {  	_ =	shalt  }
0x58: {  	_ =	shalt  }
0x59: {  	_ =	shalt  }
0x5a: {  	_ =	shalt  }
0x5b: {  	_ =	shalt  }
0x5c: {  	_ =	shalt  }
0x5d: {  	_ =	shalt  }
0x5e: {  	_ =	shalt  }
0x5f: {  	_ =	shalt  }
0x60: {  	_ =	shalt  }
0x61: {  	_ =	shalt  }
0x62: {  	_ =	shalt  }
0x63: {  	_ =	shalt  }
0x64: {  	_ =	shalt  }
0x65: {  	_ =	shalt  }
0x66: {  	_ =	shalt  }
0x67: {  	_ =	shalt  }
0x68: {  	_ =	shalt  }
0x69: {  	_ =	shalt  }
0x6a: {  	_ =	shalt  }
0x6b: {  	_ =	shalt  }
0x6c: {  	_ =	shalt  }
0x6d: {  	_ =	shalt  }
0x6e: {  	_ =	shalt  }
0x6f: {  	_ =	shalt  }
0x70: {  	_ =	shalt  }
0x71: {  	_ =	shalt  }
0x72: {  	_ =	shalt  }
0x73: {  	_ =	shalt  }
0x74: {  	_ =	shalt  }
0x75: {  	_ =	shalt  }
0x76: {  	_ =	shalt  }
0x77: {  	_ =	shalt  }
0x78: {  	_ =	shalt  }
0x79: {  	_ =	shalt  }
0x7a: {  	_ =	shalt  }
0x7b: {  	_ =	shalt  }
0x7c: {  	_ =	shalt  }
0x7d: {  	_ =	shalt  }
0x7e: {  	_ =	shalt  }
0x7f: {  	_ =	shalt  }
0x80: {  	_ =	shalt  }
0x81: {  	_ =	shalt  }
0x82: {  	_ =	shalt  }
0x83: {  	_ =	shalt  }
0x84: {  	_ =	shalt  }
0x85: {  	_ =	shalt  }
0x86: {  	_ =	shalt  }
0x87: {  	_ =	shalt  }
.Lfunc_end0:
.L_simem_size_0:
called_computation.2_lowered:
.L_overlay_start_0:
0x88: {  	s2 =	sld [smem:$0x3FD9]  }
0x89: {  	s3 =	sld [smem:$0x3FFE];
	_ =	sdelay $0x1  }
0x8a: {  	s1 =	srdreg.scid  }
0x8b: {  	s0 =	sand.u32 $0x1, s1  }
0x8c: {  	s16 =	sshll.u32 s0, $0xA;
	s2 =	sadd.s32 s3, s2  }
0x8d: {  	s2 =	sadd.s32 s2, s16  }
0x8e: {  	[smem:$0x3FB5] =	sst s2  }
0x8f: {  	_ = 	snop  }
0x90: {  	(tm) =	ssettm $0x1  }
0x91: {  	s17 =	sld [smem:$0x3FFB];
	_ =	sdelay $0x3  }
0x92: {  	_ =	strace s17  }
0x93: {  	s2 =	sld [smem:$0x3FFC];
	_ =	sdelay $0x3  }
0x94: {  	_ =	strace s2  }
0x95: {  	s2 =	sld [smem:$0x3FFD];
	_ =	sdelay $0x3  }
0x96: {  	_ =	strace s2  }
0x97: {  	_ =	strace $0x8FFFFFFF  }
0x98: {  	s18 =	sld [smem:$0x3FDB];
	_ =	sdelay $0x1  }
0x99: {  	s19 =	simm.s32 $_scs_section_size  }
0x9a: {  	s4 =	simm.s32 $_size__tile_overlayer_lowered;
	s5 =	simm.s32 $_tile_overlayer_lowered  }
0x9b: {  	s22 =	simm.s32 $0x1BFF;
	s21 =	sshll.u32 s5, $0x1;
	s2 =	sadd.s32 s19, s18  }
0x9c: {  	s6 =	simm.s32 $0x0;
	s20 =	sshll.u32 s4, $0x1;
	s4 =	sadd.s32 s21, s2  }
0x9d: {  	[timem:s6], [sflag:s22] =	dma.local [hbm:s4], s20  }
0x9e: {  	_ =	swait.ge [sflag:s22], s20  }
0x9f: {  	s3 =	ssub.s32 $0x0, s20;
	[sflag:s22] =	ssyncset.done $0x0  }
0xa0: {  	[sflag:s22] =	ssyncadd.s32 s3;
	_ =	sdelay $0x1  }
0xa1: {  	s23 =	simm.s32 $0x1B8B  }
0xa2: {  	_ =	swait.ge [sflag:s23], $0x1  }
0xa3: {  	[sflag:s23] =	ssyncset.done $0x0  }
0xa4: {  	s25 =	simm.s32 $0x1B8E;
	s24 =	sld [smem:$0x3FFE];
	[sflag:s23] =	ssyncadd.s32 $0xFFFFFFFF  }
0xa5: {  	s26 =	simm.s32 $execute0_lowered;
	[smem:$0x3FD2] =	sst s25  }
0xa6: {  	s4 =	sshll.u32 s26, $0x1;
	_ =	strace $0x8000004C;
	[dreg:$0x1] =	wrdreg $0xFFFFFFFF  }
0xa7: {  	s28 =	simm.s32 $_size_execute0_lowered;
	s2 =	sadd.s32 s2, s4;
	[dreg:$0x0] =	wrdreg $0x0  }
0xa8: {  	s4 =	sshll.u32 s28, $0x1;
	[dreg:$0x2] =	wrdreg s2  }
0xa9: {  	[dreg:$0x3] =	wrdreg s4  }
0xaa: {  	[dreg:$0x4] =	wrdreg $0xC0  }
0xab: {  	_ =	task [dreg:s6], $0x5FFFF  }
0xac: {  	[dreg:$0x1] =	wrdreg $0xFFFFFFFF  }
0xad: {  	[dreg:$0x0] =	wrdreg $0x60  }
0xae: {  	[dreg:$0x2] =	wrdreg s24  }
0xaf: {  	[dreg:$0x3] =	wrdreg $0x9  }
0xb0: {  	_ =	task.clear_ibuf [dreg:s6], $0x4FFFF;
	_ =	strace $0x9000004C  }
0xb1: {  	s29 =	simm.s32 $0x9;
	_ =	strace $0x8000004E  }
0xb2: {  	_ =	swait.ge [sflag:s29], $0x1  }
0xb3: {  	[sflag:s29] =	ssyncadd.s32 $0xFFFFFFFF  }
0xb4: {  	_ =	strace $0x9000004E  }
0xb5: {  	_ =	sfence  }
0xb6: {  	s30 =	sld [smem:$0x0];
	_ =	sdelay $0x2  }
0xb7: {  	s31 =	sshll.u32 s1, $0xD;
	s1 =	sshrl.u32 s1, $0x2  }
0xb8: {  	s3 =	sand.u32 $0x4000, s31;
	s1 =	sadd.s32 s1, s30  }
0xb9: {  	s0 =	sor.u32 s3, s0;
	s1 =	sshll.u32 s1, $0x11  }
0xba: {  	s0 =	sor.u32 s1, s0  }
0xbb: {  	s0 =	sadd.s32 $0x8F2B, s0  }
0xbc: {  	[sflag:s0] =	ssyncadd.remote.s32 $0x1  }
0xbd: {  	_ =	sfence.sel $0xFFFF  }
0xbe: {  	[dreg:$0x0] =	wrdreg $0xFFFFFFFF;
	(pc) =	sbr.abs _section_cstart, $3  }
0xbf: {  	[dreg:$0x1] =	wrdreg $0xFFFFFFFF  }
0xc0: {  	_ =	task.clear_ibuf [dreg:s6], $0x2FFFF;
	_ =	strace $0x9FFFFFFF  }
0xc1: {  	(tm) =	ssettm $0x7FFFFFFF  }
tec
execute0_lowered:
.L_overlay_start_1:
0x0: {  	(tag) =	ssettag $0x1  }
0x1: {  	s7 =	rddreg [dreg:$0x0]  }
0x2: {  	s0 =	rddreg [dreg:$0x1];
	s1 =	simm.s32 $0x0;
	s5 =	srdreg.scid  }
0x3: {  	s2 =	stileid.u32;
	s12 =	simm.s32 $0x190;
	s13 =	simm.s32 $0x1  }
0x4: {  	s14 =	simm.s32 $0x2;
	s15 =	simm.s32 $0x19400;
	s16 =	simm.s32 $0x1AD00  }
0x5: {  	s17 =	simm.s32 $0x0;
	[smem:$0x7FF] =	sst s1;
	s3 =	sadd.s32 $0x17800, s7  }
0x6: {  	s4 =	sadd.s32 $0xDA00, s7;
	s8 =	sand.u32 $0x1, s5;
	s5 =	sadd.s32 $0x3C00, s7  }
0x7: {  	s10 =	sshll.u32 s2, $0x1;
	s6 =	sadd.s32 $0x3EA00, s7;
	s9 =	ssub.s32 $0x2, s8  }
0x8: {  	s7 =	sadd.s32 $0xDAE00, s7;
	_ =	strace $0x8000004D;
	s11 =	sshrl.u32 s9, $0x1  }
0x9: {  	s8 =	sor.u32 s8, s10;
	s10 =	simm.s32 $0x3;
	s9 =	ssub.s32 s9, s11  }
0xa: {  	s8 =	smul.u32 $0x2710, s8;
	s11 =	simm.s32 $0x200;
	s9 =	smax.u32 s9, $0x1  }
.LBB2_1:
0xb: {  	s18 =	simm.s32 $0x0  }
.LBB2_2:
0xc: {  	s19 =	smul.u32 $0x190, s18;
	_ =	sdelay $0x1  }
0xd: {  	s19 =	sadd.s32 s8, s19  }
0xe: {  	s20 =	sshrl.u32 s19, $0x3  }
0xf: {  	s22 =	simm.s32 $0x0;
	s21 =	sadd.s32 s4, s20  }
0x10: {  	[tilespmem:s22], [sflag:$0x3] =	stream.linear.gather [hbm4b:s21+s22], $0x190, $0x38;
	[tilespmem:$0x1C600] =	vst v63  }
0x11: {  	_ =	swait.ge [sflag:s10], $0x190  }
0x12: {  	[sflag:s10] =	ssyncset.done $0x0  }
0x13: {  	s20 =	sadd.s32 s5, s20;
	[sflag:s10] =	ssyncadd.s32 $0xFFFFFE70  }
0x14: {  	[tilespmem:s11], [sflag:$0x3] =	stream.linear.gather [hbm4b:s20+s22], $0x190, $0x38;
	[tilespmem:$0x1C600] =	vst v63  }
0x15: {  	_ =	swait.ge [sflag:s10], $0x190  }
0x16: {  	[sflag:s10] =	ssyncset.done $0x0  }
0x17: {  	s30 =	simm.s32 $0x400;
	[sflag:s10] =	ssyncadd.s32 $0xFFFFFE70  }
0x18: {  	[tilespmem:s30], [sflag:$0x1] =	stream.indirect.gather [hbm4b:s3+s12], $0x80, s22, s12, $0xb8;
	[tilespmem:$0x1C600] =	vst v63  }
0x19: {  	s20 =	simm.s32 $0xCC00  }
0x1a: {  	[tilespmem:s20], [sflag:$0x2] =	stream.indirect.gather [hbm4b:s3+s12], $0x80, s11, s12, $0xb8;
	[tilespmem:$0x1C600] =	vst v63  }
0x1b: {  	_ =	swait.ge [sflag:s13], $0xC800  }
0x1c: {  	[sflag:s13] =	ssyncset.done $0x0  }
0x1d: {  	[sflag:s13] =	ssyncadd.s32 $0xFFFF3800  }
0x1e: {  	_ =	swait.ge [sflag:s14], $0xC800  }
0x1f: {  	[sflag:s14] =	ssyncset.done $0x0  }
0x20: {  	[sflag:s14] =	ssyncadd.s32 $0xFFFF3800  }
0x21: {  	v0 =	vld [tilespmem:s30+$0x0];
	_ =	sdelay $0x3  }
0x22: {  	s31 =	simm.s32 $0x0  }
0x23: {  	[tilespmem:s31+$0x19400] =	vst v0  }
0x24: {  	v0 =	vld [tilespmem:s20+$0x0];
	_ =	sdelay $0x4  }
0x25: {  	s21 =	simm.s32 $0x480;
	[tilespmem:s31+$0x1AD00] =	vst v0  }
0x26: {  	s23 =	simm.s32 $0x80;
	s22 =	simm.s32 $0x40;
	v0 =	vld [tilespmem:s21+$0x0]  }
.LBB2_3:
0x27: {  	p0 =	sne.s32 s23, $0x63C0;
	_ =	sdelay $0x2  }
0x28: {  	s24 =	sshra.s32 s22, $0x2;
	s22 =	smov.u32 s23  }
0x29: {  	s20 =	sadd.s32 $0x80, s20;
	[tilespmem:s24+$0x19400] =	vst v0  }
0x2a: {  	v0 =	vld [tilespmem:s20+$0x0];
	_ =	sdelay $0x1  }
.Ltmp0:
0x2b: {  	(pc) =	sbr.rel @p0 .LBB2_3-.Ltmp0, $3  }
0x2c: {  	_ =	sdelay $0x1  }
0x2d: {  	s21 =	sadd.s32 $0x80, s21;
	[tilespmem:s24+$0x1AD00] =	vst v0  }
0x2e: {  	s23 =	sadd.s32 $0x40, s23;
	v0 =	vld [tilespmem:s21+$0x0]  }
0x2f: {  	_ =	sdelay $0x2  }
0x30: {  	s21 =	sshra.s32 s22, $0x2  }
0x31: {  	s20 =	sadd.s32 $0x80, s20;
	[tilespmem:s21+$0x19400] =	vst v0  }
0x32: {  	v0 =	vld [tilespmem:s20+$0x0];
	_ =	sdelay $0x3  }
0x33: {  	s19 =	sshll.u32 s19, $0x1  }
0x34: {  	s31 =	sadd.s32 s6, s19;
	[tilespmem:s21+$0x1AD00] =	vst v0  }
0x35: {  	[hbm4b:s31+s1] =	stream.linear.scatter [tilespmem:s15], [sflag:$0x3], $0x1900, $0x38;
	[tilespmem:$0x1C600] =	vst v63  }
0x36: {  	s18 =	sadd.s32 $0x1, s18;
	_ =	swait.ge [sflag:s10], $0x1900  }
0x37: {  	p0 =	sne.s32 s18, $0x19;
	[sflag:s10] =	ssyncset.done $0x0  }
.Ltmp1:
0x38: {  	s19 =	sadd.s32 s7, s19;
	[sflag:s10] =	ssyncadd.s32 $0xFFFFE700;
	(pc) =	sbr.rel @p0 .LBB2_2-.Ltmp1, $4  }
0x39: {  	[hbm4b:s19+s1] =	stream.linear.scatter [tilespmem:s16], [sflag:$0x3], $0x1900, $0x38;
	[tilespmem:$0x1C600] =	vst v63  }
0x3a: {  	_ =	swait.ge [sflag:s10], $0x1900  }
0x3b: {  	[sflag:s10] =	ssyncset.done $0x0  }
0x3c: {  	[sflag:s10] =	ssyncadd.s32 $0xFFFFE700  }
0x3d: {  	s17 =	sadd.s32 $0x1, s17  }
0x3e: {  	p0 =	sne.s32 s17, s9  }
.Ltmp2:
0x3f: {  	_ = 	snop;
	(pc) =	sbr.rel @p0 .LBB2_1-.Ltmp2, $1  }
0x40: {  	_ =	sdelay $0x3  }
0x41: {  	_ =	sfence.sel $0x180000  }
0x42: {  	[bflag:$0x0] =	sbarrier.arrive $0xFFFF  }
0x43: {  	p0 =	sne.s32 s2, $0x0;
	_ =	strace $0x9000004D  }
0x44: {  	s0 =	sadd.s32 @!p0 $0x100000, s0;
	[bflag:$0x2] =	sbarrier.arrive $0xFFFF  }
0x45: {  	[sflag:s0] =	ssyncadd.tile.s32 @!p0 $0x1;
	_ =	shalt  }
.Lfunc_end2:
_tile_overlayer_lowered:
.L_overlay_start_2:
0x46: {  	(tag) =	ssettag $0x2  }
0x47: {  	s0 =	rddreg [dreg:$0x0];
	s2 =	stileid.u32  }
0x48: {  	s1 =	rddreg [dreg:$0x1];
	p0 =	sne.s32 s2, $0x0  }
0x49: {  	s3 =	rddreg [dreg:$0x2];
	[bflag:$0x3] =	sbarrier.arrive $0xFFFF;
	s2 =	simm.s32 @!p0 $0x1C03  }
0x4a: {  	[timem:s3], [sflag:s2] =	dma.local @!p0 [hbm:s0], s1  }
0x4b: {  	s0 =	simm.s32 @!p0 $0x3  }
0x4c: {  	_ =	swait.ge @!p0 [sflag:s0], s1  }
0x4d: {  	s1 =	ssub.s32 @!p0 $0x0, s1;
	[sflag:s0] =	ssyncset.done @!p0 $0x0  }
0x4e: {  	[sflag:s0] =	ssyncadd.s32 @!p0 s1  }
0x4f: {  	[bflag:$0x3] =	sbarrier.arrive $0xFFFF  }
0x50: {  	_ =	shalt  }

// kernel: kernel.22.cloned.1.call-start
scs
__scs_entry_jumppad:
0x0: {  	(pc) =	sbr.rel $0x88, $3  }
0x1: {  	(tag) =	ssettag $0x0;
	lr =	simm.s32 $0x1  }
0x2: {  	[smem:$0x3F8E] =	sst lr;
	_ =	strace $0xD0000000  }
0x3: {  	_ = 	snop  }
0x4: {  	_ = 	snop  }
0x5: {  	_ = 	snop  }
0x6: {  	_ = 	snop  }
0x7: {  	_ = 	snop  }
__scs_overlays_trampoline_lowered:
0x8: {  	[smem:$0x3F9D] =	sst s0  }
0x9: {  	[smem:$0x3F9E] =	sst s1  }
0xa: {  	[smem:$0x3F9F] =	sst s2  }
0xb: {  	[smem:$0x3FA0] =	sst s3  }
0xc: {  	[smem:$0x3FA1] =	sst s4  }
0xd: {  	[smem:$0x3FA2] =	sst s5  }
0xe: {  	[smem:$0x3FA3] =	sst s6  }
0xf: {  	[smem:$0x3FA4] =	sst s7  }
0x10: {  	[smem:$0x3FA5] =	sst s8  }
0x11: {  	[smem:$0x3FA6] =	sst s9;
	s0 =	simm.s32 @!p0 $0x0  }
0x12: {  	s1 =	sld [smem:$0x3F8C];
	s0 =	simm.s32 @p0 $0x1  }
0x13: {  	[smem:$0x3FA7] =	sst s0;
	s0 =	simm.s32 @!p1 $0x0  }
0x14: {  	s2 =	sld [smem:$0x3F8B];
	s0 =	simm.s32 @p1 $0x1  }
0x15: {  	[smem:$0x3FA8] =	sst s0;
	s0 =	simm.s32 @!p2 $0x0  }
0x16: {  	s3 =	sld [smem:$0x3FDB];
	s0 =	simm.s32 @p2 $0x1  }
0x17: {  	s4 =	simm.s32 $0x1BF5;
	[smem:$0x3FAA] =	sst s0  }
0x18: {  	s0 =	sld [smem:$0x3F8D];
	_ =	swait.ge [sflag:s4], $0x0  }
0x19: {  	s7 =	sld [smem:$0x3F8E]  }
0x1a: {  	s8 =	sadd.s32 $0xFFFFE003, lr  }
0x1b: {  	s9 =	sadd.s32 $0xFFFFFEF7, lr;
	s5 =	simm.s32 $0xFFFFFFFF;
	p2 =	slt.u32 s8, $0xFFFFF086  }
0x1c: {  	p1 =	slt.u32 s9, $0xF7A;
	s5 =	simm.s32 @!p2 $0x0  }
0x1d: {  	s5 =	simm.s32 @p1 $0x1;
	p0 =	seq.s32 s7, s2  }
0x1e: {  	s7 =	smul.u32 @!p0 $0xF7A, s2;
	p2 =	seq.s32 @!p0 s5, $0x0  }
0x1f: {  	s9 =	smul.u32 $0xF7A, s1;
	s8 =	simm.s32 @!p0 $0x1BF5;
	p2 =	por !p2, p0  }
0x20: {  	[sflag:s8] =	ssyncset.s32 @!p0 $0xFFFFF086;
	s6 =	sadd.s32 @!p0 s3, s7;
	s7 =	simm.s32 @!p0 $0x108  }
0x21: {  	s3 =	sadd.s32 s3, s9;
	s6 =	sadd.s32 @!p0 $0x88, s6;
	s7 =	simm.s32 @p2 $0x1082  }
0x22: {  	[simem:s7], [sflag:s8] =	dma.local @!p0 [hbm:s6], $0xF7A  }
0x23: {  	s9 =	sor.u32 $0xD0000000, s2;
	s6 =	simm.s32 $0x108;
	_ =	swait.ge @!p0 [sflag:s8], $0x0  }
0x24: {  	s3 =	sadd.s32 $0x88, s3;
	s6 =	simm.s32 @!p1 $0x1082;
	[sflag:s4] =	ssyncset.s32 $0xFFFFF086  }
0x25: {  	[simem:s6], [sflag:s4] =	dma.local [hbm:s3], $0xF7A  }
0x26: {  	[smem:$0x3F8E] =	sst s1;
	(tag) =	ssettag s2;
	_ =	strace s9  }
0x27: {  	s1 =	sld [smem:$0x3F9E]  }
0x28: {  	s2 =	sld [smem:$0x3F9F]  }
0x29: {  	s4 =	sld [smem:$0x3FA1]  }
0x2a: {  	p0 =	seq.s32 s5, $0x0;
	s5 =	sld [smem:$0x3FA2]  }
0x2b: {  	s6 =	sld [smem:$0x3FA3]  }
0x2c: {  	s7 =	sld [smem:$0x3FA4]  }
0x2d: {  	s3 =	simm.s32 $0x108;
	s8 =	sld [smem:$0x3FA5]  }
0x2e: {  	s3 =	simm.s32 @!p0 $0x1082;
	s9 =	sld [smem:$0x3FA6]  }
0x2f: {  	lr =	sadd.s32 s0, s3;
	s0 =	sld [smem:$0x3F9D]  }
0x30: {  	s3 =	sld [smem:$0x3FA0]  }
0x31: {  	[smem:$0x3FA9] =	sst s10  }
0x32: {  	s10 =	sld [smem:$0x3FA7];
	_ =	sdelay $0x3  }
0x33: {  	p0 =	seq.s32 s10, $0x1;
	s10 =	sld [smem:$0x3FA9];
	_ =	sdelay $0x3  }
0x34: {  	[smem:$0x3FA9] =	sst s10  }
0x35: {  	s10 =	sld [smem:$0x3FA8];
	_ =	sdelay $0x3  }
0x36: {  	p1 =	seq.s32 s10, $0x1;
	s10 =	sld [smem:$0x3FA9];
	_ =	sdelay $0x3  }
0x37: {  	[smem:$0x3FA9] =	sst s10  }
0x38: {  	s10 =	sld [smem:$0x3FAA]  }
0x39: {  	_ = 	snop;
	(pc) =	sbr.ind lr, $3  }
0x3a: {  	_ = 	snop  }
0x3b: {  	_ = 	snop  }
0x3c: {  	p2 =	seq.s32 s10, $0x1;
	s10 =	sld [smem:$0x3FA9]  }
0x3d: {  	_ =	shalt  }
0x3e: {  	_ =	shalt  }
0x3f: {  	_ =	shalt  }
0x40: {  	_ =	shalt  }
0x41: {  	_ =	shalt  }
0x42: {  	_ =	shalt  }
0x43: {  	_ =	shalt  }
0x44: {  	_ =	shalt  }
0x45: {  	_ =	shalt  }
0x46: {  	_ =	shalt  }
0x47: {  	_ =	shalt  }
0x48: {  	_ =	shalt  }
0x49: {  	_ =	shalt  }
0x4a: {  	_ =	shalt  }
0x4b: {  	_ =	shalt  }
0x4c: {  	_ =	shalt  }
0x4d: {  	_ =	shalt  }
0x4e: {  	_ =	shalt  }
0x4f: {  	_ =	shalt  }
0x50: {  	_ =	shalt  }
0x51: {  	_ =	shalt  }
0x52: {  	_ =	shalt  }
0x53: {  	_ =	shalt  }
0x54: {  	_ =	shalt  }
0x55: {  	_ =	shalt  }
0x56: {  	_ =	shalt  }
0x57: {  	_ =	shalt  }
0x58: {  	_ =	shalt  }
0x59: {  	_ =	shalt  }
0x5a: {  	_ =	shalt  }
0x5b: {  	_ =	shalt  }
0x5c: {  	_ =	shalt  }
0x5d: {  	_ =	shalt  }
0x5e: {  	_ =	shalt  }
0x5f: {  	_ =	shalt  }
0x60: {  	_ =	shalt  }
0x61: {  	_ =	shalt  }
0x62: {  	_ =	shalt  }
0x63: {  	_ =	shalt  }
0x64: {  	_ =	shalt  }
0x65: {  	_ =	shalt  }
0x66: {  	_ =	shalt  }
0x67: {  	_ =	shalt  }
0x68: {  	_ =	shalt  }
0x69: {  	_ =	shalt  }
0x6a: {  	_ =	shalt  }
0x6b: {  	_ =	shalt  }
0x6c: {  	_ =	shalt  }
0x6d: {  	_ =	shalt  }
0x6e: {  	_ =	shalt  }
0x6f: {  	_ =	shalt  }
0x70: {  	_ =	shalt  }
0x71: {  	_ =	shalt  }
0x72: {  	_ =	shalt  }
0x73: {  	_ =	shalt  }
0x74: {  	_ =	shalt  }
0x75: {  	_ =	shalt  }
0x76: {  	_ =	shalt  }
0x77: {  	_ =	shalt  }
0x78: {  	_ =	shalt  }
0x79: {  	_ =	shalt  }
0x7a: {  	_ =	shalt  }
0x7b: {  	_ =	shalt  }
0x7c: {  	_ =	shalt  }
0x7d: {  	_ =	shalt  }
0x7e: {  	_ =	shalt  }
0x7f: {  	_ =	shalt  }
0x80: {  	_ =	shalt  }
0x81: {  	_ =	shalt  }
0x82: {  	_ =	shalt  }
0x83: {  	_ =	shalt  }
0x84: {  	_ =	shalt  }
0x85: {  	_ =	shalt  }
0x86: {  	_ =	shalt  }
0x87: {  	_ =	shalt  }
.Lfunc_end0:
.L_simem_size_0:
called_computation.3_lowered:
.L_overlay_start_0:
0x88: {  	s2 =	sld [smem:$0x3FD9]  }
0x89: {  	s3 =	sld [smem:$0x3FFE];
	_ =	sdelay $0x1  }
0x8a: {  	s1 =	srdreg.scid  }
0x8b: {  	s0 =	sand.u32 $0x1, s1  }
0x8c: {  	s16 =	sshll.u32 s0, $0xA;
	s2 =	sadd.s32 s3, s2  }
0x8d: {  	s2 =	sadd.s32 s2, s16  }
0x8e: {  	[smem:$0x3FB5] =	sst s2  }
0x8f: {  	_ = 	snop  }
0x90: {  	(tm) =	ssettm $0x1  }
0x91: {  	s17 =	sld [smem:$0x3FFB];
	_ =	sdelay $0x3  }
0x92: {  	_ =	strace s17  }
0x93: {  	s2 =	sld [smem:$0x3FFC];
	_ =	sdelay $0x3  }
0x94: {  	_ =	strace s2  }
0x95: {  	s2 =	sld [smem:$0x3FFD];
	_ =	sdelay $0x3  }
0x96: {  	_ =	strace s2  }
0x97: {  	_ =	strace $0x8FFFFFFF  }
0x98: {  	s18 =	sld [smem:$0x3FDB];
	_ =	sdelay $0x1  }
0x99: {  	s19 =	simm.s32 $_scs_section_size  }
0x9a: {  	s4 =	simm.s32 $_size__tile_overlayer_lowered;
	s5 =	simm.s32 $_tile_overlayer_lowered  }
0x9b: {  	s22 =	simm.s32 $0x1BFF;
	s21 =	sshll.u32 s5, $0x1;
	s2 =	sadd.s32 s19, s18  }
0x9c: {  	s6 =	simm.s32 $0x0;
	s20 =	sshll.u32 s4, $0x1;
	s4 =	sadd.s32 s21, s2  }
0x9d: {  	[timem:s6], [sflag:s22] =	dma.local [hbm:s4], s20  }
0x9e: {  	_ =	swait.ge [sflag:s22], s20  }
0x9f: {  	s3 =	ssub.s32 $0x0, s20;
	[sflag:s22] =	ssyncset.done $0x0  }
0xa0: {  	[sflag:s22] =	ssyncadd.s32 s3;
	_ =	sdelay $0x1  }
0xa1: {  	s23 =	simm.s32 $0x1B8B  }
0xa2: {  	_ =	swait.ge [sflag:s23], $0x1  }
0xa3: {  	[sflag:s23] =	ssyncset.done $0x0  }
0xa4: {  	s25 =	simm.s32 $0x1B8E;
	s24 =	sld [smem:$0x3FFE];
	[sflag:s23] =	ssyncadd.s32 $0xFFFFFFFF  }
0xa5: {  	s26 =	simm.s32 $execute0_lowered;
	[smem:$0x3FD2] =	sst s25  }
0xa6: {  	s4 =	sshll.u32 s26, $0x1;
	_ =	strace $0x8000004F;
	[dreg:$0x1] =	wrdreg $0xFFFFFFFF  }
0xa7: {  	s28 =	simm.s32 $_size_execute0_lowered;
	s2 =	sadd.s32 s2, s4;
	[dreg:$0x0] =	wrdreg $0x0  }
0xa8: {  	s4 =	sshll.u32 s28, $0x1;
	[dreg:$0x2] =	wrdreg s2  }
0xa9: {  	[dreg:$0x3] =	wrdreg s4  }
0xaa: {  	[dreg:$0x4] =	wrdreg $0xC0  }
0xab: {  	_ =	task [dreg:s6], $0x5FFFF  }
0xac: {  	[dreg:$0x1] =	wrdreg $0xFFFFFFFF  }
0xad: {  	[dreg:$0x0] =	wrdreg $0x60  }
0xae: {  	[dreg:$0x2] =	wrdreg s24  }
0xaf: {  	[dreg:$0x3] =	wrdreg $0x9  }
0xb0: {  	_ =	task.clear_ibuf [dreg:s6], $0x4FFFF;
	_ =	strace $0x9000004F  }
0xb1: {  	s29 =	simm.s32 $0x9;
	_ =	strace $0x80000051  }
0xb2: {  	_ =	swait.ge [sflag:s29], $0x1  }
0xb3: {  	[sflag:s29] =	ssyncadd.s32 $0xFFFFFFFF  }
0xb4: {  	_ =	strace $0x90000051  }
0xb5: {  	_ =	sfence  }
0xb6: {  	s30 =	sld [smem:$0x0];
	_ =	sdelay $0x2  }
0xb7: {  	s31 =	sshll.u32 s1, $0xD;
	s1 =	sshrl.u32 s1, $0x2  }
0xb8: {  	s3 =	sand.u32 $0x4000, s31;
	s1 =	sadd.s32 s1, s30  }
0xb9: {  	s0 =	sor.u32 s3, s0;
	s1 =	sshll.u32 s1, $0x11  }
0xba: {  	s0 =	sor.u32 s1, s0  }
0xbb: {  	s0 =	sadd.s32 $0x8F2B, s0  }
0xbc: {  	[sflag:s0] =	ssyncadd.remote.s32 $0x1  }
0xbd: {  	_ =	sfence.sel $0xFFFF  }
0xbe: {  	[dreg:$0x0] =	wrdreg $0xFFFFFFFF;
	(pc) =	sbr.abs _section_cstart, $3  }
0xbf: {  	[dreg:$0x1] =	wrdreg $0xFFFFFFFF  }
0xc0: {  	_ =	task.clear_ibuf [dreg:s6], $0x2FFFF;
	_ =	strace $0x9FFFFFFF  }
0xc1: {  	(tm) =	ssettm $0x7FFFFFFF  }
tec
execute0_lowered:
.L_overlay_start_1:
0x0: {  	(tag) =	ssettag $0x1  }
0x1: {  	s1 =	srdreg.scid  }
0x2: {  	s0 =	stileid.u32;
	s6 =	sand.u32 $0x1, s1  }
0x3: {  	s1 =	sor.u32 s6, s0  }
0x4: {  	p0 =	seq.s32 s6, $0x1;
	p1 =	seq.s32 s1, $0x0  }
0x5: {  	p0 =	por !p1, !p0  }
0x6: {  	s1 =	simm.s32 $0x1;
	p0 =	por !p0, !p0  }
0x7: {  	s8 =	rddreg [dreg:$0x0];
	s29 =	simm.s32 $0x0;
	s1 =	simm.s32 @!p0 $0x0  }
0x8: {  	s12 =	simm.s32 $0x400;
	s28 =	sshll.u32 s6, $0x4;
	s7 =	ssub.s32 s0, s1  }
0x9: {  	s13 =	simm.s32 $0x0;
	[smem:$0x7FF] =	sst s29;
	s3 =	sadd.s32 s28, s7  }
0xa: {  	s4 =	sadd.s32 $0xDA00, s8;
	s11 =	smul.u32 $0x1388, s6;
	s3 =	sshrl.u32 s3, $0x3  }
0xb: {  	s10 =	ssub.s32 $0x2, s6;
	s30 =	sshll.u32 s7, $0x7;
	s5 =	smul.u32 $0x9C400, s3  }
0xc: {  	_ =	strace $0x80000050;
	s31 =	sshrl.u32 s10, $0x1;
	s9 =	sand.u32 $0x380, s30  }
0xd: {  	v1 =	vmov s11;
	s11 =	simm.s32 $0x80;
	s6 =	smul.u32 $0x4E20, s7;
	s9 =	sor.u32 s9, s5  }
0xe: {  	s3 =	sadd.s32 $0x17800, s8;
	s5 =	simm.s32 $0x1;
	s9 =	sshrl.u32 s9, $0x3  }
0xf: {  	s8 =	sadd.s32 s9, s8;
	s9 =	ssub.s32 s10, s31;
	s10 =	simm.s32 $0x13C80  }
0x10: {  	v0 =	vimm.f32 $-Inf;
	s7 =	sadd.s32 $0xB3C00, s8;
	s8 =	smax.u32 s9, $0x1;
	s9 =	simm.s32 $0x13900  }
.LBB2_1:
0x11: {  	s14 =	simm.s32 $0x40;
	s15 =	simm.s32 $0x0  }
.LBB2_2:
0x12: {  	p0 =	sne.s32 s14, $0x4E200;
	[tilespmem:s15+$0x0] =	vst v0;
	s15 =	smov.u32 s14;
	s14 =	sadd.s32 $0x40, s14  }
.Ltmp0:
0x13: {  	(pc) =	sbr.rel @p0 .LBB2_2-.Ltmp0, $2  }
0x14: {  	_ =	sdelay $0x2  }
0x15: {  	s15 =	sshra.s32 s15, $0x2  }
0x16: {  	[tilespmem:s15+$0x0] =	vst v0;
	s14 =	simm.s32 $0x0;
	s15 =	simm.s32 $0x0  }
.LBB2_4:
0x17: {  	s16 =	smul.u32 $0x320, s15;
	_ =	sdelay $0x1  }
0x18: {  	s16 =	sadd.s32 s6, s16  }
0x19: {  	s17 =	sshrl.u32 s16, $0x3  }
0x1a: {  	s17 =	sadd.s32 s4, s17  }
0x1b: {  	[tilespmem:s9], [sflag:$0x1] =	stream.linear.gather [hbm4b:s17+s14], $0x320, $0x38;
	[tilespmem:$0x16E80] =	vst v63  }
0x1c: {  	s16 =	sshll.u32 s16, $0x1;
	_ =	swait.ge [sflag:s5], $0x320  }
0x1d: {  	s16 =	sand.u32 $0x1FFFFFC0, s16;
	[sflag:s5] =	ssyncset.done $0x0  }
0x1e: {  	s16 =	sadd.s32 s3, s16;
	[sflag:s5] =	ssyncadd.s32 $0xFFFFFCE0  }
0x1f: {  	[tilespmem:s10], [sflag:$0x1] =	stream.linear.gather [hbm4b:s16+s14], $0x3200, $0x38;
	[tilespmem:$0x16E80] =	vst v63  }
0x20: {  	_ =	swait.ge [sflag:s5], $0x3200  }
0x21: {  	[sflag:s5] =	ssyncset.done $0x0  }
0x22: {  	s19 =	simm.s32 $0x0;
	[sflag:s5] =	ssyncadd.s32 $0xFFFFCE00  }
0x23: {  	v2 =	vld [tilespmem:s19+$0x13900];
	_ =	sdelay $0x4  }
0x24: {  	v2 =	vsub.s32 v2, v1  }
0x25: {  	(v2sf) =	vpush v2, $0x0;
	_ =	sdelay $0x6  }
0x26: {  	(v2sf) =	vpush v2, $0x1;
	_ =	sdelay $0x7  }
0x27: {  	(v2sf) =	vpush v2, $0x2;
	s20 =	spop (v2sf)  }
0x28: {  	s16 =	simm.s32 $0x13D00;
	s17 =	smin.u32 s20, $0x1388  }
0x29: {  	v3 =	vld [tilespmem:s16+$0xFFFFFF80];
	s17 =	sshll.u32 s17, $0x4  }
0x2a: {  	v4 =	vld [tilespmem:s17+$0x0];
	_ =	sdelay $0x3  }
0x2b: {  	s18 =	spop (v2sf)  }
0x2c: {  	(v2sf) =	vpush v2, $0x3;
	s18 =	smin.u32 s18, $0x1388;
	v3 =	vmax.f32 v4, v3  }
0x2d: {  	s21 =	sshll.u32 s18, $0x4;
	[tilespmem:s17+$0x0] =	vst v3  }
0x2e: {  	v3 =	vld [tilespmem:s21+$0x0]  }
0x2f: {  	v53 =	vld [tilespmem:s16+$0xFFFFFF90];
	_ =	sdelay $0x3  }
0x30: {  	s22 =	spop (v2sf)  }
0x31: {  	(v2sf) =	vpush v2, $0x4;
	s18 =	smin.u32 s22, $0x1388;
	v3 =	vmax.f32 v3, v53  }
0x32: {  	s23 =	sshll.u32 s18, $0x4;
	[tilespmem:s21+$0x0] =	vst v3  }
0x33: {  	v3 =	vld [tilespmem:s23+$0x0]  }
0x34: {  	v54 =	vld [tilespmem:s16+$0xFFFFFFA0];
	_ =	sdelay $0x3  }
0x35: {  	s24 =	spop (v2sf)  }
0x36: {  	(v2sf) =	vpush v2, $0x5;
	s18 =	smin.u32 s24, $0x1388;
	v3 =	vmax.f32 v3, v54  }
0x37: {  	s25 =	sshll.u32 s18, $0x4;
	[tilespmem:s23+$0x0] =	vst v3  }
0x38: {  	v3 =	vld [tilespmem:s25+$0x0]  }
0x39: {  	v55 =	vld [tilespmem:s16+$0xFFFFFFB0];
	_ =	sdelay $0x3  }
0x3a: {  	s26 =	spop (v2sf)  }
0x3b: {  	(v2sf) =	vpush v2, $0x6;
	s18 =	smin.u32 s26, $0x1388;
	v3 =	vmax.f32 v3, v55  }
0x3c: {  	s28 =	sshll.u32 s18, $0x4;
	[tilespmem:s25+$0x0] =	vst v3  }
0x3d: {  	v3 =	vld [tilespmem:s28+$0x0]  }
0x3e: {  	v56 =	vld [tilespmem:s16+$0xFFFFFFC0];
	_ =	sdelay $0x3  }
0x3f: {  	s29 =	spop (v2sf)  }
0x40: {  	(v2sf) =	vpush v2, $0x7;
	s18 =	smin.u32 s29, $0x1388;
	v3 =	vmax.f32 v3, v56  }
0x41: {  	s30 =	sshll.u32 s18, $0x4;
	[tilespmem:s28+$0x0] =	vst v3  }
0x42: {  	v3 =	vld [tilespmem:s30+$0x0]  }
0x43: {  	v57 =	vld [tilespmem:s16+$0xFFFFFFD0];
	_ =	sdelay $0x3  }
0x44: {  	s31 =	spop (v2sf)  }
0x45: {  	(v2sf) =	vpush v2, $0x8;
	s18 =	smin.u32 s31, $0x1388;
	v3 =	vmax.f32 v3, v57  }
0x46: {  	s0 =	sshll.u32 s18, $0x4;
	[tilespmem:s30+$0x0] =	vst v3  }
0x47: {  	v3 =	vld [tilespmem:s0+$0x0]  }
0x48: {  	v58 =	vld [tilespmem:s16+$0xFFFFFFE0];
	_ =	sdelay $0x3  }
0x49: {  	s1 =	spop (v2sf)  }
0x4a: {  	(v2sf) =	vpush v2, $0x9;
	s18 =	smin.u32 s1, $0x1388;
	v3 =	vmax.f32 v3, v58  }
0x4b: {  	s2 =	sshll.u32 s18, $0x4;
	[tilespmem:s0+$0x0] =	vst v3  }
0x4c: {  	v3 =	vld [tilespmem:s2+$0x0]  }
0x4d: {  	v59 =	vld [tilespmem:s16+$0xFFFFFFF0];
	_ =	sdelay $0x3  }
0x4e: {  	s19 =	spop (v2sf)  }
0x4f: {  	(v2sf) =	vpush v2, $0xA;
	s18 =	smin.u32 s19, $0x1388;
	v3 =	vmax.f32 v3, v59  }
0x50: {  	s20 =	sshll.u32 s18, $0x4;
	[tilespmem:s2+$0x0] =	vst v3  }
0x51: {  	v3 =	vld [tilespmem:s20+$0x0]  }
0x52: {  	v60 =	vld [tilespmem:s16+$0x0];
	_ =	sdelay $0x3  }
0x53: {  	s21 =	spop (v2sf)  }
0x54: {  	(v2sf) =	vpush v2, $0xB;
	s18 =	smin.u32 s21, $0x1388;
	v3 =	vmax.f32 v3, v60  }
0x55: {  	s22 =	sshll.u32 s18, $0x4;
	[tilespmem:s20+$0x0] =	vst v3  }
0x56: {  	v3 =	vld [tilespmem:s22+$0x0]  }
0x57: {  	v61 =	vld [tilespmem:s16+$0x10];
	_ =	sdelay $0x3  }
0x58: {  	s23 =	spop (v2sf)  }
0x59: {  	(v2sf) =	vpush v2, $0xC;
	s18 =	smin.u32 s23, $0x1388;
	v3 =	vmax.f32 v3, v61  }
0x5a: {  	s24 =	sshll.u32 s18, $0x4;
	[tilespmem:s22+$0x0] =	vst v3  }
0x5b: {  	v3 =	vld [tilespmem:s24+$0x0]  }
0x5c: {  	v62 =	vld [tilespmem:s16+$0x20];
	_ =	sdelay $0x3  }
0x5d: {  	s25 =	spop (v2sf)  }
0x5e: {  	(v2sf) =	vpush v2, $0xD;
	s18 =	smin.u32 s25, $0x1388;
	v3 =	vmax.f32 v3, v62  }
0x5f: {  	s26 =	sshll.u32 s18, $0x4;
	[tilespmem:s24+$0x0] =	vst v3  }
0x60: {  	v3 =	vld [tilespmem:s26+$0x0]  }
0x61: {  	v63 =	vld [tilespmem:s16+$0x30];
	_ =	sdelay $0x3  }
0x62: {  	s28 =	spop (v2sf)  }
0x63: {  	(v2sf) =	vpush v2, $0xE;
	s18 =	smin.u32 s28, $0x1388;
	v3 =	vmax.f32 v3, v63  }
0x64: {  	(v2sf) =	vpush v2, $0xF;
	s29 =	sshll.u32 s18, $0x4;
	[tilespmem:s26+$0x0] =	vst v3  }
0x65: {  	v2 =	vld [tilespmem:s29+$0x0]  }
0x66: {  	v3 =	vld [tilespmem:s16+$0x40];
	_ =	sdelay $0x3  }
0x67: {  	s30 =	spop (v2sf)  }
0x68: {  	s18 =	smin.u32 s30, $0x1388;
	v2 =	vmax.f32 v2, v3  }
0x69: {  	s18 =	sshll.u32 s18, $0x4;
	[tilespmem:s29+$0x0] =	vst v2  }
0x6a: {  	v2 =	vld [tilespmem:s18+$0x0]  }
0x6b: {  	v3 =	vld [tilespmem:s16+$0x50];
	_ =	sdelay $0x3  }
0x6c: {  	s19 =	spop (v2sf)  }
0x6d: {  	s17 =	simm.s32 $0x40;
	s20 =	smin.u32 s19, $0x1388;
	s31 =	spop (v2sf);
	v2 =	vmax.f32 v2, v3  }
0x6e: {  	s20 =	sshll.u32 s20, $0x4;
	s19 =	smin.u32 s31, $0x1388;
	[tilespmem:s18+$0x0] =	vst v2;
	s18 =	simm.s32 $0x13D00  }
.LBB2_5:
0x6f: {  	p0 =	sne.s32 s17, $0xC40  }
0x70: {  	v2 =	vld [tilespmem:s20+$0x0];
	s16 =	sadd.s32 $0x100, s16;
	s21 =	smov.u32 s17;
	s17 =	sadd.s32 $0x40, s17  }
0x71: {  	v3 =	vld [tilespmem:s18+$0x60];
	_ =	sdelay $0x4  }
0x72: {  	v2 =	vmax.f32 v2, v3  }
0x73: {  	s19 =	sshll.u32 s19, $0x4;
	[tilespmem:s20+$0x0] =	vst v2  }
0x74: {  	v2 =	vld [tilespmem:s19+$0x0]  }
0x75: {  	v3 =	vld [tilespmem:s18+$0x70];
	s18 =	smov.u32 s16;
	_ =	sdelay $0x4  }
0x76: {  	v2 =	vmax.f32 v2, v3  }
0x77: {  	s20 =	sshra.s32 s21, $0x2;
	[tilespmem:s19+$0x0] =	vst v2  }
0x78: {  	v2 =	vld [tilespmem:s20+$0x13900];
	_ =	sdelay $0x4  }
0x79: {  	v2 =	vsub.s32 v2, v1  }
0x7a: {  	(v2sf) =	vpush v2, $0x0  }
0x7b: {  	(v2sf) =	vpush v2, $0x1  }
0x7c: {  	(v2sf) =	vpush v2, $0x2  }
0x7d: {  	(v2sf) =	vpush v2, $0x3  }
0x7e: {  	(v2sf) =	vpush v2, $0x4  }
0x7f: {  	(v2sf) =	vpush v2, $0x5  }
0x80: {  	(v2sf) =	vpush v2, $0x6  }
0x81: {  	(v2sf) =	vpush v2, $0x7  }
0x82: {  	(v2sf) =	vpush v2, $0x8  }
0x83: {  	(v2sf) =	vpush v2, $0x9  }
0x84: {  	(v2sf) =	vpush v2, $0xA  }
0x85: {  	(v2sf) =	vpush v2, $0xB  }
0x86: {  	(v2sf) =	vpush v2, $0xC  }
0x87: {  	(v2sf) =	vpush v2, $0xD  }
0x88: {  	(v2sf) =	vpush v2, $0xE  }
0x89: {  	s19 =	spop (v2sf);
	(v2sf) =	vpush v2, $0xF  }
0x8a: {  	s19 =	smin.u32 s19, $0x1388;
	s20 =	spop (v2sf)  }
0x8b: {  	s19 =	sshll.u32 s19, $0x4;
	v2 =	vld [tilespmem:s16+$0xFFFFFF80];
	s20 =	smin.u32 s20, $0x1388;
	s21 =	spop (v2sf)  }
0x8c: {  	v3 =	vld [tilespmem:s19+$0x0];
	s1 =	smin.u32 s21, $0x1388;
	s21 =	spop (v2sf)  }
0x8d: {  	s0 =	smin.u32 s21, $0x1388;
	s21 =	spop (v2sf)  }
0x8e: {  	s31 =	smin.u32 s21, $0x1388;
	s21 =	spop (v2sf)  }
0x8f: {  	s30 =	smin.u32 s21, $0x1388;
	s21 =	spop (v2sf)  }
0x90: {  	s29 =	smin.u32 s21, $0x1388;
	s21 =	spop (v2sf)  }
0x91: {  	v2 =	vmax.f32 v3, v2;
	s28 =	smin.u32 s21, $0x1388;
	s21 =	spop (v2sf)  }
0x92: {  	s2 =	sshll.u32 s20, $0x4;
	[tilespmem:s19+$0x0] =	vst v2;
	s26 =	smin.u32 s21, $0x1388;
	s19 =	spop (v2sf)  }
0x93: {  	v2 =	vld [tilespmem:s2+$0x0];
	s25 =	smin.u32 s19, $0x1388;
	s19 =	spop (v2sf)  }
0x94: {  	v3 =	vld [tilespmem:s16+$0xFFFFFF90];
	s24 =	smin.u32 s19, $0x1388;
	s19 =	spop (v2sf)  }
0x95: {  	s23 =	smin.u32 s19, $0x1388;
	s19 =	spop (v2sf)  }
0x96: {  	s22 =	smin.u32 s19, $0x1388;
	s19 =	spop (v2sf)  }
0x97: {  	s21 =	smin.u32 s19, $0x1388;
	s19 =	spop (v2sf)  }
0x98: {  	s20 =	smin.u32 s19, $0x1388;
	s19 =	spop (v2sf)  }
0x99: {  	v2 =	vmax.f32 v2, v3;
	s19 =	smin.u32 s19, $0x1388  }
0x9a: {  	s1 =	sshll.u32 s1, $0x4;
	[tilespmem:s2+$0x0] =	vst v2  }
0x9b: {  	v2 =	vld [tilespmem:s1+$0x0]  }
0x9c: {  	v3 =	vld [tilespmem:s16+$0xFFFFFFA0];
	_ =	sdelay $0x4  }
0x9d: {  	v2 =	vmax.f32 v2, v3  }
0x9e: {  	s0 =	sshll.u32 s0, $0x4;
	[tilespmem:s1+$0x0] =	vst v2  }
0x9f: {  	v2 =	vld [tilespmem:s0+$0x0]  }
0xa0: {  	v3 =	vld [tilespmem:s16+$0xFFFFFFB0];
	_ =	sdelay $0x4  }
0xa1: {  	v2 =	vmax.f32 v2, v3  }
0xa2: {  	[tilespmem:s0+$0x0] =	vst v2;
	s0 =	sshll.u32 s31, $0x4  }
0xa3: {  	v2 =	vld [tilespmem:s0+$0x0]  }
0xa4: {  	v3 =	vld [tilespmem:s16+$0xFFFFFFC0];
	_ =	sdelay $0x4  }
0xa5: {  	v2 =	vmax.f32 v2, v3  }
0xa6: {  	[tilespmem:s0+$0x0] =	vst v2;
	s0 =	sshll.u32 s30, $0x4  }
0xa7: {  	v2 =	vld [tilespmem:s0+$0x0]  }
0xa8: {  	v3 =	vld [tilespmem:s16+$0xFFFFFFD0];
	_ =	sdelay $0x4  }
0xa9: {  	v2 =	vmax.f32 v2, v3  }
0xaa: {  	[tilespmem:s0+$0x0] =	vst v2;
	s0 =	sshll.u32 s29, $0x4  }
0xab: {  	v2 =	vld [tilespmem:s0+$0x0]  }
0xac: {  	v3 =	vld [tilespmem:s16+$0xFFFFFFE0];
	_ =	sdelay $0x4  }
0xad: {  	v2 =	vmax.f32 v2, v3  }
0xae: {  	[tilespmem:s0+$0x0] =	vst v2;
	s0 =	sshll.u32 s28, $0x4  }
0xaf: {  	v2 =	vld [tilespmem:s0+$0x0]  }
0xb0: {  	v3 =	vld [tilespmem:s16+$0xFFFFFFF0];
	_ =	sdelay $0x4  }
0xb1: {  	v2 =	vmax.f32 v2, v3  }
0xb2: {  	[tilespmem:s0+$0x0] =	vst v2;
	s0 =	sshll.u32 s26, $0x4  }
0xb3: {  	v2 =	vld [tilespmem:s0+$0x0]  }
0xb4: {  	v3 =	vld [tilespmem:s16+$0x0];
	_ =	sdelay $0x4  }
0xb5: {  	v2 =	vmax.f32 v2, v3  }
0xb6: {  	[tilespmem:s0+$0x0] =	vst v2;
	s0 =	sshll.u32 s25, $0x4  }
0xb7: {  	v2 =	vld [tilespmem:s0+$0x0]  }
0xb8: {  	v3 =	vld [tilespmem:s16+$0x10];
	_ =	sdelay $0x4  }
0xb9: {  	v2 =	vmax.f32 v2, v3  }
0xba: {  	[tilespmem:s0+$0x0] =	vst v2;
	s0 =	sshll.u32 s24, $0x4  }
0xbb: {  	v2 =	vld [tilespmem:s0+$0x0]  }
0xbc: {  	v3 =	vld [tilespmem:s16+$0x20];
	_ =	sdelay $0x4  }
0xbd: {  	v2 =	vmax.f32 v2, v3  }
0xbe: {  	[tilespmem:s0+$0x0] =	vst v2;
	s0 =	sshll.u32 s23, $0x4  }
0xbf: {  	v2 =	vld [tilespmem:s0+$0x0]  }
0xc0: {  	v3 =	vld [tilespmem:s16+$0x30];
	_ =	sdelay $0x4  }
0xc1: {  	v2 =	vmax.f32 v2, v3  }
0xc2: {  	[tilespmem:s0+$0x0] =	vst v2;
	s0 =	sshll.u32 s22, $0x4  }
0xc3: {  	v2 =	vld [tilespmem:s0+$0x0]  }
0xc4: {  	v3 =	vld [tilespmem:s16+$0x40];
	_ =	sdelay $0x4  }
0xc5: {  	v2 =	vmax.f32 v2, v3  }
0xc6: {  	[tilespmem:s0+$0x0] =	vst v2;
	s0 =	sshll.u32 s21, $0x4  }
0xc7: {  	v2 =	vld [tilespmem:s0+$0x0]  }
0xc8: {  	v3 =	vld [tilespmem:s16+$0x50];
	_ =	sdelay $0x1  }
.Ltmp1:
0xc9: {  	(pc) =	sbr.rel @p0 .LBB2_5-.Ltmp1, $3  }
0xca: {  	_ =	sdelay $0x1  }
0xcb: {  	v2 =	vmax.f32 v2, v3  }
0xcc: {  	s20 =	sshll.u32 s20, $0x4;
	[tilespmem:s0+$0x0] =	vst v2  }
0xcd: {  	v2 =	vld [tilespmem:s20+$0x0]  }
0xce: {  	v3 =	vld [tilespmem:s18+$0x60];
	_ =	sdelay $0x4  }
0xcf: {  	v2 =	vmax.f32 v2, v3  }
0xd0: {  	s0 =	sshll.u32 s19, $0x4;
	[tilespmem:s20+$0x0] =	vst v2  }
0xd1: {  	v2 =	vld [tilespmem:s0+$0x0]  }
0xd2: {  	s15 =	sadd.s32 $0x1, s15;
	v3 =	vld [tilespmem:s18+$0x70]  }
0xd3: {  	p0 =	sne.s32 s15, $0x19  }
.Ltmp2:
0xd4: {  	_ = 	snop;
	(pc) =	sbr.rel @p0 .LBB2_4-.Ltmp2, $3  }
0xd5: {  	_ =	sdelay $0x1  }
0xd6: {  	v2 =	vmax.f32 v2, v3  }
0xd7: {  	[tilespmem:s0+$0x0] =	vst v2  }
0xd8: {  	s13 =	sadd.s32 $0x1, s13  }
0xd9: {  	p0 =	sne.s32 s13, s8  }
.Ltmp3:
0xda: {  	s0 =	simm.s32 $0x0;
	(pc) =	sbr.rel @p0 .LBB2_1-.Ltmp3, $4  }
0xdb: {  	[hbm4b:s7+s11] =	stream.strided.scatter [tilespmem:s0], [sflag:$0x1], $0x13880, s12, s11, $0x38;
	[tilespmem:$0x16E80] =	vst v63  }
0xdc: {  	_ =	swait.ge [sflag:s5], $0x13880  }
0xdd: {  	[sflag:s5] =	ssyncset.done $0x0  }
0xde: {  	[sflag:s5] =	ssyncadd.s32 $0xFFFEC780  }
0xdf: {  	_ =	sfence.sel $0x180000  }
0xe0: {  	[bflag:$0x0] =	sbarrier.arrive $0xFFFF  }
0xe1: {  	_ =	strace $0x90000050  }
0xe2: {  	s0 =	stileid.u32;
	[bflag:$0x2] =	sbarrier.arrive $0xFFFF  }
0xe3: {  	p0 =	sne.s32 s0, $0x0;
	s0 =	rddreg [dreg:$0x1]  }
0xe4: {  	s0 =	sadd.s32 @!p0 $0x100000, s0  }
0xe5: {  	[sflag:s0] =	ssyncadd.tile.s32 @!p0 $0x1;
	_ =	shalt  }
.Lfunc_end2:
_tile_overlayer_lowered:
.L_overlay_start_2:
0xe6: {  	(tag) =	ssettag $0x2  }
0xe7: {  	s0 =	rddreg [dreg:$0x0];
	s2 =	stileid.u32  }
0xe8: {  	s1 =	rddreg [dreg:$0x1];
	p0 =	sne.s32 s2, $0x0  }
0xe9: {  	s3 =	rddreg [dreg:$0x2];
	[bflag:$0x3] =	sbarrier.arrive $0xFFFF;
	s2 =	simm.s32 @!p0 $0x1C01  }
0xea: {  	[timem:s3], [sflag:s2] =	dma.local @!p0 [hbm:s0], s1  }
0xeb: {  	s0 =	simm.s32 @!p0 $0x1  }
0xec: {  	_ =	swait.ge @!p0 [sflag:s0], s1  }
0xed: {  	s1 =	ssub.s32 @!p0 $0x0, s1;
	[sflag:s0] =	ssyncset.done @!p0 $0x0  }
0xee: {  	[sflag:s0] =	ssyncadd.s32 @!p0 s1  }
0xef: {  	[bflag:$0x3] =	sbarrier.arrive $0xFFFF  }
0xf0: {  	_ =	shalt  }

// kernel: kernel.25.cloned.1.call-start
scs
__scs_entry_jumppad:
0x0: {  	(pc) =	sbr.rel $0x88, $3  }
0x1: {  	(tag) =	ssettag $0x0;
	lr =	simm.s32 $0x1  }
0x2: {  	[smem:$0x3F8E] =	sst lr;
	_ =	strace $0xD0000000  }
0x3: {  	_ = 	snop  }
0x4: {  	_ = 	snop  }
0x5: {  	_ = 	snop  }
0x6: {  	_ = 	snop  }
0x7: {  	_ = 	snop  }
__scs_overlays_trampoline_lowered:
0x8: {  	[smem:$0x3F9D] =	sst s0  }
0x9: {  	[smem:$0x3F9E] =	sst s1  }
0xa: {  	[smem:$0x3F9F] =	sst s2  }
0xb: {  	[smem:$0x3FA0] =	sst s3  }
0xc: {  	[smem:$0x3FA1] =	sst s4  }
0xd: {  	[smem:$0x3FA2] =	sst s5  }
0xe: {  	[smem:$0x3FA3] =	sst s6  }
0xf: {  	[smem:$0x3FA4] =	sst s7  }
0x10: {  	[smem:$0x3FA5] =	sst s8  }
0x11: {  	[smem:$0x3FA6] =	sst s9;
	s0 =	simm.s32 @!p0 $0x0  }
0x12: {  	s1 =	sld [smem:$0x3F8C];
	s0 =	simm.s32 @p0 $0x1  }
0x13: {  	[smem:$0x3FA7] =	sst s0;
	s0 =	simm.s32 @!p1 $0x0  }
0x14: {  	s2 =	sld [smem:$0x3F8B];
	s0 =	simm.s32 @p1 $0x1  }
0x15: {  	[smem:$0x3FA8] =	sst s0;
	s0 =	simm.s32 @!p2 $0x0  }
0x16: {  	s3 =	sld [smem:$0x3FDB];
	s0 =	simm.s32 @p2 $0x1  }
0x17: {  	s4 =	simm.s32 $0x1BF5;
	[smem:$0x3FAA] =	sst s0  }
0x18: {  	s0 =	sld [smem:$0x3F8D];
	_ =	swait.ge [sflag:s4], $0x0  }
0x19: {  	s7 =	sld [smem:$0x3F8E]  }
0x1a: {  	s8 =	sadd.s32 $0xFFFFE003, lr  }
0x1b: {  	s9 =	sadd.s32 $0xFFFFFEF7, lr;
	s5 =	simm.s32 $0xFFFFFFFF;
	p2 =	slt.u32 s8, $0xFFFFF086  }
0x1c: {  	p1 =	slt.u32 s9, $0xF7A;
	s5 =	simm.s32 @!p2 $0x0  }
0x1d: {  	s5 =	simm.s32 @p1 $0x1;
	p0 =	seq.s32 s7, s2  }
0x1e: {  	s7 =	smul.u32 @!p0 $0xF7A, s2;
	p2 =	seq.s32 @!p0 s5, $0x0  }
0x1f: {  	s9 =	smul.u32 $0xF7A, s1;
	s8 =	simm.s32 @!p0 $0x1BF5;
	p2 =	por !p2, p0  }
0x20: {  	[sflag:s8] =	ssyncset.s32 @!p0 $0xFFFFF086;
	s6 =	sadd.s32 @!p0 s3, s7;
	s7 =	simm.s32 @!p0 $0x108  }
0x21: {  	s3 =	sadd.s32 s3, s9;
	s6 =	sadd.s32 @!p0 $0x88, s6;
	s7 =	simm.s32 @p2 $0x1082  }
0x22: {  	[simem:s7], [sflag:s8] =	dma.local @!p0 [hbm:s6], $0xF7A  }
0x23: {  	s9 =	sor.u32 $0xD0000000, s2;
	s6 =	simm.s32 $0x108;
	_ =	swait.ge @!p0 [sflag:s8], $0x0  }
0x24: {  	s3 =	sadd.s32 $0x88, s3;
	s6 =	simm.s32 @!p1 $0x1082;
	[sflag:s4] =	ssyncset.s32 $0xFFFFF086  }
0x25: {  	[simem:s6], [sflag:s4] =	dma.local [hbm:s3], $0xF7A  }
0x26: {  	[smem:$0x3F8E] =	sst s1;
	(tag) =	ssettag s2;
	_ =	strace s9  }
0x27: {  	s1 =	sld [smem:$0x3F9E]  }
0x28: {  	s2 =	sld [smem:$0x3F9F]  }
0x29: {  	s4 =	sld [smem:$0x3FA1]  }
0x2a: {  	p0 =	seq.s32 s5, $0x0;
	s5 =	sld [smem:$0x3FA2]  }
0x2b: {  	s6 =	sld [smem:$0x3FA3]  }
0x2c: {  	s7 =	sld [smem:$0x3FA4]  }
0x2d: {  	s3 =	simm.s32 $0x108;
	s8 =	sld [smem:$0x3FA5]  }
0x2e: {  	s3 =	simm.s32 @!p0 $0x1082;
	s9 =	sld [smem:$0x3FA6]  }
0x2f: {  	lr =	sadd.s32 s0, s3;
	s0 =	sld [smem:$0x3F9D]  }
0x30: {  	s3 =	sld [smem:$0x3FA0]  }
0x31: {  	[smem:$0x3FA9] =	sst s10  }
0x32: {  	s10 =	sld [smem:$0x3FA7];
	_ =	sdelay $0x3  }
0x33: {  	p0 =	seq.s32 s10, $0x1;
	s10 =	sld [smem:$0x3FA9];
	_ =	sdelay $0x3  }
0x34: {  	[smem:$0x3FA9] =	sst s10  }
0x35: {  	s10 =	sld [smem:$0x3FA8];
	_ =	sdelay $0x3  }
0x36: {  	p1 =	seq.s32 s10, $0x1;
	s10 =	sld [smem:$0x3FA9];
	_ =	sdelay $0x3  }
0x37: {  	[smem:$0x3FA9] =	sst s10  }
0x38: {  	s10 =	sld [smem:$0x3FAA]  }
0x39: {  	_ = 	snop;
	(pc) =	sbr.ind lr, $3  }
0x3a: {  	_ = 	snop  }
0x3b: {  	_ = 	snop  }
0x3c: {  	p2 =	seq.s32 s10, $0x1;
	s10 =	sld [smem:$0x3FA9]  }
0x3d: {  	_ =	shalt  }
0x3e: {  	_ =	shalt  }
0x3f: {  	_ =	shalt  }
0x40: {  	_ =	shalt  }
0x41: {  	_ =	shalt  }
0x42: {  	_ =	shalt  }
0x43: {  	_ =	shalt  }
0x44: {  	_ =	shalt  }
0x45: {  	_ =	shalt  }
0x46: {  	_ =	shalt  }
0x47: {  	_ =	shalt  }
0x48: {  	_ =	shalt  }
0x49: {  	_ =	shalt  }
0x4a: {  	_ =	shalt  }
0x4b: {  	_ =	shalt  }
0x4c: {  	_ =	shalt  }
0x4d: {  	_ =	shalt  }
0x4e: {  	_ =	shalt  }
0x4f: {  	_ =	shalt  }
0x50: {  	_ =	shalt  }
0x51: {  	_ =	shalt  }
0x52: {  	_ =	shalt  }
0x53: {  	_ =	shalt  }
0x54: {  	_ =	shalt  }
0x55: {  	_ =	shalt  }
0x56: {  	_ =	shalt  }
0x57: {  	_ =	shalt  }
0x58: {  	_ =	shalt  }
0x59: {  	_ =	shalt  }
0x5a: {  	_ =	shalt  }
0x5b: {  	_ =	shalt  }
0x5c: {  	_ =	shalt  }
0x5d: {  	_ =	shalt  }
0x5e: {  	_ =	shalt  }
0x5f: {  	_ =	shalt  }
0x60: {  	_ =	shalt  }
0x61: {  	_ =	shalt  }
0x62: {  	_ =	shalt  }
0x63: {  	_ =	shalt  }
0x64: {  	_ =	shalt  }
0x65: {  	_ =	shalt  }
0x66: {  	_ =	shalt  }
0x67: {  	_ =	shalt  }
0x68: {  	_ =	shalt  }
0x69: {  	_ =	shalt  }
0x6a: {  	_ =	shalt  }
0x6b: {  	_ =	shalt  }
0x6c: {  	_ =	shalt  }
0x6d: {  	_ =	shalt  }
0x6e: {  	_ =	shalt  }
0x6f: {  	_ =	shalt  }
0x70: {  	_ =	shalt  }
0x71: {  	_ =	shalt  }
0x72: {  	_ =	shalt  }
0x73: {  	_ =	shalt  }
0x74: {  	_ =	shalt  }
0x75: {  	_ =	shalt  }
0x76: {  	_ =	shalt  }
0x77: {  	_ =	shalt  }
0x78: {  	_ =	shalt  }
0x79: {  	_ =	shalt  }
0x7a: {  	_ =	shalt  }
0x7b: {  	_ =	shalt  }
0x7c: {  	_ =	shalt  }
0x7d: {  	_ =	shalt  }
0x7e: {  	_ =	shalt  }
0x7f: {  	_ =	shalt  }
0x80: {  	_ =	shalt  }
0x81: {  	_ =	shalt  }
0x82: {  	_ =	shalt  }
0x83: {  	_ =	shalt  }
0x84: {  	_ =	shalt  }
0x85: {  	_ =	shalt  }
0x86: {  	_ =	shalt  }
0x87: {  	_ =	shalt  }
.Lfunc_end0:
.L_simem_size_0:
called_computation.4_lowered:
.L_overlay_start_0:
0x88: {  	s2 =	sld [smem:$0x3FD9]  }
0x89: {  	s3 =	sld [smem:$0x3FFE];
	_ =	sdelay $0x1  }
0x8a: {  	s1 =	srdreg.scid  }
0x8b: {  	s0 =	sand.u32 $0x1, s1  }
0x8c: {  	s17 =	sshll.u32 s0, $0xA;
	s2 =	sadd.s32 s3, s2  }
0x8d: {  	s2 =	sadd.s32 s2, s17  }
0x8e: {  	[smem:$0x3FB5] =	sst s2  }
0x8f: {  	_ = 	snop  }
0x90: {  	(tm) =	ssettm $0x1  }
0x91: {  	s18 =	sld [smem:$0x3FFB];
	_ =	sdelay $0x3  }
0x92: {  	_ =	strace s18  }
0x93: {  	s2 =	sld [smem:$0x3FFC];
	_ =	sdelay $0x3  }
0x94: {  	_ =	strace s2  }
0x95: {  	s2 =	sld [smem:$0x3FFD];
	_ =	sdelay $0x3  }
0x96: {  	_ =	strace s2  }
0x97: {  	_ =	strace $0x8FFFFFFF  }
0x98: {  	s19 =	sld [smem:$0x3FDB];
	_ =	sdelay $0x1  }
0x99: {  	s20 =	simm.s32 $_scs_section_size  }
0x9a: {  	s4 =	simm.s32 $_size__tile_overlayer_lowered;
	s5 =	simm.s32 $_tile_overlayer_lowered  }
0x9b: {  	s6 =	simm.s32 $0x1BFF;
	s21 =	sshll.u32 s5, $0x1;
	s3 =	sadd.s32 s20, s19  }
0x9c: {  	s22 =	simm.s32 $0x0;
	s4 =	sshll.u32 s4, $0x1;
	s5 =	sadd.s32 s21, s3  }
0x9d: {  	[timem:s22], [sflag:s6] =	dma.local [hbm:s5], s4  }
0x9e: {  	_ =	swait.ge [sflag:s6], s4  }
0x9f: {  	s4 =	ssub.s32 $0x0, s4;
	[sflag:s6] =	ssyncset.done $0x0  }
0xa0: {  	[sflag:s6] =	ssyncadd.s32 s4;
	_ =	sdelay $0x1  }
0xa1: {  	s23 =	simm.s32 $0x1B8B  }
0xa2: {  	_ =	swait.ge [sflag:s23], $0x1  }
0xa3: {  	[sflag:s23] =	ssyncset.done $0x0  }
0xa4: {  	[sflag:s23] =	ssyncadd.s32 $0xFFFFFFFF  }
0xa5: {  	s4 =	sld [smem:$0x0]  }
0xa6: {  	s5 =	sand.u32 $0xFFFFFFFE, s1  }
0xa7: {  	p0 =	sne.s32 s1, s5  }
0xa8: {  	s5 =	sshll.u32 @p0 s5, $0xE  }
0xa9: {  	s5 =	sadd.s32 @p0 $0x11B8D, s5;
	s6 =	sshll.u32 @p0 s4, $0x11  }
0xaa: {  	s5 =	sor.u32 @p0 s6, s5  }
0xab: {  	[sflag:s5] =	ssyncadd.remote.s32 @p0 $0x1;
	_ =	sdelay $0x1  }
0xac: {  	s5 =	simm.s32 @p0 $0x1B8D  }
0xad: {  	_ =	swait.eq @p0 [sflag:s5], $0x1  }
0xae: {  	[sflag:s5] =	ssyncadd.s32 @p0 $0xFFFFFFFF  }
0xaf: {  	s6 =	sshll.u32 @!p0 s1, $0xE  }
0xb0: {  	s6 =	sor.u32 @!p0 $0x4000, s6;
	s5 =	simm.s32 @!p0 $0x1B8D  }
0xb1: {  	s4 =	sshll.u32 @!p0 s4, $0x11;
	s6 =	sadd.s32 @!p0 $0x11B8D, s6;
	_ =	swait.eq @!p0 [sflag:s5], $0x1  }
0xb2: {  	s4 =	sor.u32 @!p0 s4, s6;
	[sflag:s5] =	ssyncadd.s32 @!p0 $0xFFFFFFFF  }
0xb3: {  	s25 =	simm.s32 $0x1B8E;
	s24 =	sld [smem:$0x3FFE];
	[sflag:s4] =	ssyncadd.remote.s32 @!p0 $0x1  }
0xb4: {  	s26 =	simm.s32 $execute0_lowered;
	[smem:$0x3FD2] =	sst s25  }
0xb5: {  	s5 =	sshll.u32 s26, $0x1;
	_ =	strace $0x80000052;
	[dreg:$0x1] =	wrdreg $0xFFFFFFFF  }
0xb6: {  	s28 =	simm.s32 $_size_execute0_lowered;
	s3 =	sadd.s32 s3, s5;
	[dreg:$0x0] =	wrdreg $0x0  }
0xb7: {  	s5 =	sshll.u32 s28, $0x1;
	[dreg:$0x2] =	wrdreg s3  }
0xb8: {  	[dreg:$0x3] =	wrdreg s5  }
0xb9: {  	[dreg:$0x4] =	wrdreg $0xC0  }
0xba: {  	_ =	task [dreg:s22], $0x5FFFF  }
0xbb: {  	[dreg:$0x1] =	wrdreg $0xFFFFFFFF  }
0xbc: {  	[dreg:$0x0] =	wrdreg $0x60  }
0xbd: {  	[dreg:$0x2] =	wrdreg s24  }
0xbe: {  	[dreg:$0x3] =	wrdreg $0xA  }
0xbf: {  	_ =	task.clear_ibuf [dreg:s22], $0x4FFFF;
	_ =	strace $0x90000052  }
0xc0: {  	s29 =	simm.s32 $0xA;
	_ =	strace $0x80000054  }
0xc1: {  	_ =	swait.ge [sflag:s29], $0x1  }
0xc2: {  	[sflag:s29] =	ssyncadd.s32 $0xFFFFFFFF  }
0xc3: {  	_ =	strace $0x90000054  }
0xc4: {  	_ =	sfence  }
0xc5: {  	s30 =	sld [smem:$0x0];
	_ =	sdelay $0x2  }
0xc6: {  	s31 =	sshll.u32 s1, $0xD;
	s1 =	sshrl.u32 s1, $0x2  }
0xc7: {  	s4 =	sand.u32 $0x4000, s31;
	s1 =	sadd.s32 s1, s30  }
0xc8: {  	s0 =	sor.u32 s4, s0;
	s1 =	sshll.u32 s1, $0x11  }
0xc9: {  	s0 =	sor.u32 s1, s0  }
0xca: {  	s0 =	sadd.s32 $0x8F2B, s0  }
0xcb: {  	[sflag:s0] =	ssyncadd.remote.s32 $0x1  }
0xcc: {  	_ =	sfence.sel $0xFFFF  }
0xcd: {  	[dreg:$0x0] =	wrdreg $0xFFFFFFFF;
	(pc) =	sbr.abs _section_cstart, $3  }
0xce: {  	[dreg:$0x1] =	wrdreg $0xFFFFFFFF  }
0xcf: {  	_ =	task.clear_ibuf [dreg:s22], $0x2FFFF;
	_ =	strace $0x9FFFFFFF  }
0xd0: {  	(tm) =	ssettm $0x7FFFFFFF  }
0xd1: {  	_ =	shalt  }
tec
execute0_lowered:
.L_overlay_start_1:
0x0: {  	(tag) =	ssettag $0x1  }
0x1: {  	s1 =	srdreg.scid  }
0x2: {  	s0 =	stileid.u32;
	s6 =	sand.u32 $0x1, s1  }
0x3: {  	s1 =	sor.u32 s6, s0  }
0x4: {  	p0 =	seq.s32 s6, $0x1;
	p1 =	seq.s32 s1, $0x0  }
0x5: {  	p0 =	por !p1, !p0  }
0x6: {  	s1 =	simm.s32 $0x1;
	p0 =	por !p0, !p0  }
0x7: {  	s8 =	rddreg [dreg:$0x0];
	s29 =	simm.s32 $0x0;
	s1 =	simm.s32 @!p0 $0x0  }
0x8: {  	s12 =	simm.s32 $0x400;
	s28 =	sshll.u32 s6, $0x4;
	s7 =	ssub.s32 s0, s1  }
0x9: {  	s13 =	simm.s32 $0x0;
	[smem:$0x7FF] =	sst s29;
	s3 =	sadd.s32 s28, s7  }
0xa: {  	s4 =	sadd.s32 $0xDA00, s8;
	s11 =	smul.u32 $0x1388, s6;
	s3 =	sshrl.u32 s3, $0x3  }
0xb: {  	s10 =	ssub.s32 $0x2, s6;
	s30 =	sshll.u32 s7, $0x7;
	s5 =	smul.u32 $0x9C400, s3  }
0xc: {  	_ =	strace $0x80000053;
	s31 =	sshrl.u32 s10, $0x1;
	s9 =	sand.u32 $0x380, s30  }
0xd: {  	v1 =	vmov s11;
	s11 =	simm.s32 $0x80;
	s6 =	smul.u32 $0x4E20, s7;
	s9 =	sor.u32 s9, s5  }
0xe: {  	s3 =	sadd.s32 $0x177200, s8;
	s5 =	simm.s32 $0x1;
	s9 =	sshrl.u32 s9, $0x3  }
0xf: {  	s8 =	sadd.s32 s9, s8;
	s9 =	ssub.s32 s10, s31;
	s10 =	simm.s32 $0x13C80  }
0x10: {  	v0 =	vimm.f32 $-Inf;
	s7 =	sadd.s32 $0x101E00, s8;
	s8 =	smax.u32 s9, $0x1;
	s9 =	simm.s32 $0x13900  }
.LBB2_1:
0x11: {  	s14 =	simm.s32 $0x40;
	s15 =	simm.s32 $0x0  }
.LBB2_2:
0x12: {  	p0 =	sne.s32 s14, $0x4E200;
	[tilespmem:s15+$0x0] =	vst v0;
	s15 =	smov.u32 s14;
	s14 =	sadd.s32 $0x40, s14  }
.Ltmp0:
0x13: {  	(pc) =	sbr.rel @p0 .LBB2_2-.Ltmp0, $2  }
0x14: {  	_ =	sdelay $0x2  }
0x15: {  	s15 =	sshra.s32 s15, $0x2  }
0x16: {  	[tilespmem:s15+$0x0] =	vst v0;
	s14 =	simm.s32 $0x0;
	s15 =	simm.s32 $0x0  }
.LBB2_4:
0x17: {  	s16 =	smul.u32 $0x320, s15;
	_ =	sdelay $0x1  }
0x18: {  	s16 =	sadd.s32 s6, s16  }
0x19: {  	s17 =	sshrl.u32 s16, $0x3  }
0x1a: {  	s17 =	sadd.s32 s4, s17  }
0x1b: {  	[tilespmem:s9], [sflag:$0x1] =	stream.linear.gather [hbm4b:s17+s14], $0x320, $0x38;
	[tilespmem:$0x16E80] =	vst v63  }
0x1c: {  	s16 =	sshll.u32 s16, $0x1;
	_ =	swait.ge [sflag:s5], $0x320  }
0x1d: {  	s16 =	sand.u32 $0x1FFFFFC0, s16;
	[sflag:s5] =	ssyncset.done $0x0  }
0x1e: {  	s16 =	sadd.s32 s3, s16;
	[sflag:s5] =	ssyncadd.s32 $0xFFFFFCE0  }
0x1f: {  	[tilespmem:s10], [sflag:$0x1] =	stream.linear.gather [hbm4b:s16+s14], $0x3200, $0x38;
	[tilespmem:$0x16E80] =	vst v63  }
0x20: {  	_ =	swait.ge [sflag:s5], $0x3200  }
0x21: {  	[sflag:s5] =	ssyncset.done $0x0  }
0x22: {  	s19 =	simm.s32 $0x0;
	[sflag:s5] =	ssyncadd.s32 $0xFFFFCE00  }
0x23: {  	v2 =	vld [tilespmem:s19+$0x13900];
	_ =	sdelay $0x4  }
0x24: {  	v2 =	vsub.s32 v2, v1  }
0x25: {  	(v2sf) =	vpush v2, $0x0;
	_ =	sdelay $0x6  }
0x26: {  	(v2sf) =	vpush v2, $0x1;
	_ =	sdelay $0x7  }
0x27: {  	(v2sf) =	vpush v2, $0x2;
	s20 =	spop (v2sf)  }
0x28: {  	s16 =	simm.s32 $0x13D00;
	s17 =	smin.u32 s20, $0x1388  }
0x29: {  	v3 =	vld [tilespmem:s16+$0xFFFFFF80];
	s17 =	sshll.u32 s17, $0x4  }
0x2a: {  	v4 =	vld [tilespmem:s17+$0x0];
	_ =	sdelay $0x3  }
0x2b: {  	s18 =	spop (v2sf)  }
0x2c: {  	(v2sf) =	vpush v2, $0x3;
	s18 =	smin.u32 s18, $0x1388;
	v3 =	vmax.f32 v4, v3  }
0x2d: {  	s21 =	sshll.u32 s18, $0x4;
	[tilespmem:s17+$0x0] =	vst v3  }
0x2e: {  	v3 =	vld [tilespmem:s21+$0x0]  }
0x2f: {  	v53 =	vld [tilespmem:s16+$0xFFFFFF90];
	_ =	sdelay $0x3  }
0x30: {  	s22 =	spop (v2sf)  }
0x31: {  	(v2sf) =	vpush v2, $0x4;
	s18 =	smin.u32 s22, $0x1388;
	v3 =	vmax.f32 v3, v53  }
0x32: {  	s23 =	sshll.u32 s18, $0x4;
	[tilespmem:s21+$0x0] =	vst v3  }
0x33: {  	v3 =	vld [tilespmem:s23+$0x0]  }
0x34: {  	v54 =	vld [tilespmem:s16+$0xFFFFFFA0];
	_ =	sdelay $0x3  }
0x35: {  	s24 =	spop (v2sf)  }
0x36: {  	(v2sf) =	vpush v2, $0x5;
	s18 =	smin.u32 s24, $0x1388;
	v3 =	vmax.f32 v3, v54  }
0x37: {  	s25 =	sshll.u32 s18, $0x4;
	[tilespmem:s23+$0x0] =	vst v3  }
0x38: {  	v3 =	vld [tilespmem:s25+$0x0]  }
0x39: {  	v55 =	vld [tilespmem:s16+$0xFFFFFFB0];
	_ =	sdelay $0x3  }
0x3a: {  	s26 =	spop (v2sf)  }
0x3b: {  	(v2sf) =	vpush v2, $0x6;
	s18 =	smin.u32 s26, $0x1388;
	v3 =	vmax.f32 v3, v55  }
0x3c: {  	s28 =	sshll.u32 s18, $0x4;
	[tilespmem:s25+$0x0] =	vst v3  }
0x3d: {  	v3 =	vld [tilespmem:s28+$0x0]  }
0x3e: {  	v56 =	vld [tilespmem:s16+$0xFFFFFFC0];
	_ =	sdelay $0x3  }
0x3f: {  	s29 =	spop (v2sf)  }
0x40: {  	(v2sf) =	vpush v2, $0x7;
	s18 =	smin.u32 s29, $0x1388;
	v3 =	vmax.f32 v3, v56  }
0x41: {  	s30 =	sshll.u32 s18, $0x4;
	[tilespmem:s28+$0x0] =	vst v3  }
0x42: {  	v3 =	vld [tilespmem:s30+$0x0]  }
0x43: {  	v57 =	vld [tilespmem:s16+$0xFFFFFFD0];
	_ =	sdelay $0x3  }
0x44: {  	s31 =	spop (v2sf)  }
0x45: {  	(v2sf) =	vpush v2, $0x8;
	s18 =	smin.u32 s31, $0x1388;
	v3 =	vmax.f32 v3, v57  }
0x46: {  	s0 =	sshll.u32 s18, $0x4;
	[tilespmem:s30+$0x0] =	vst v3  }
0x47: {  	v3 =	vld [tilespmem:s0+$0x0]  }
0x48: {  	v58 =	vld [tilespmem:s16+$0xFFFFFFE0];
	_ =	sdelay $0x3  }
0x49: {  	s1 =	spop (v2sf)  }
0x4a: {  	(v2sf) =	vpush v2, $0x9;
	s18 =	smin.u32 s1, $0x1388;
	v3 =	vmax.f32 v3, v58  }
0x4b: {  	s2 =	sshll.u32 s18, $0x4;
	[tilespmem:s0+$0x0] =	vst v3  }
0x4c: {  	v3 =	vld [tilespmem:s2+$0x0]  }
0x4d: {  	v59 =	vld [tilespmem:s16+$0xFFFFFFF0];
	_ =	sdelay $0x3  }
0x4e: {  	s19 =	spop (v2sf)  }
0x4f: {  	(v2sf) =	vpush v2, $0xA;
	s18 =	smin.u32 s19, $0x1388;
	v3 =	vmax.f32 v3, v59  }
0x50: {  	s20 =	sshll.u32 s18, $0x4;
	[tilespmem:s2+$0x0] =	vst v3  }
0x51: {  	v3 =	vld [tilespmem:s20+$0x0]  }
0x52: {  	v60 =	vld [tilespmem:s16+$0x0];
	_ =	sdelay $0x3  }
0x53: {  	s21 =	spop (v2sf)  }
0x54: {  	(v2sf) =	vpush v2, $0xB;
	s18 =	smin.u32 s21, $0x1388;
	v3 =	vmax.f32 v3, v60  }
0x55: {  	s22 =	sshll.u32 s18, $0x4;
	[tilespmem:s20+$0x0] =	vst v3  }
0x56: {  	v3 =	vld [tilespmem:s22+$0x0]  }
0x57: {  	v61 =	vld [tilespmem:s16+$0x10];
	_ =	sdelay $0x3  }
0x58: {  	s23 =	spop (v2sf)  }
0x59: {  	(v2sf) =	vpush v2, $0xC;
	s18 =	smin.u32 s23, $0x1388;
	v3 =	vmax.f32 v3, v61  }
0x5a: {  	s24 =	sshll.u32 s18, $0x4;
	[tilespmem:s22+$0x0] =	vst v3  }
0x5b: {  	v3 =	vld [tilespmem:s24+$0x0]  }
0x5c: {  	v62 =	vld [tilespmem:s16+$0x20];
	_ =	sdelay $0x3  }
0x5d: {  	s25 =	spop (v2sf)  }
0x5e: {  	(v2sf) =	vpush v2, $0xD;
	s18 =	smin.u32 s25, $0x1388;
	v3 =	vmax.f32 v3, v62  }
0x5f: {  	s26 =	sshll.u32 s18, $0x4;
	[tilespmem:s24+$0x0] =	vst v3  }
0x60: {  	v3 =	vld [tilespmem:s26+$0x0]  }
0x61: {  	v63 =	vld [tilespmem:s16+$0x30];
	_ =	sdelay $0x3  }
0x62: {  	s28 =	spop (v2sf)  }
0x63: {  	(v2sf) =	vpush v2, $0xE;
	s18 =	smin.u32 s28, $0x1388;
	v3 =	vmax.f32 v3, v63  }
0x64: {  	(v2sf) =	vpush v2, $0xF;
	s29 =	sshll.u32 s18, $0x4;
	[tilespmem:s26+$0x0] =	vst v3  }
0x65: {  	v2 =	vld [tilespmem:s29+$0x0]  }
0x66: {  	v3 =	vld [tilespmem:s16+$0x40];
	_ =	sdelay $0x3  }
0x67: {  	s30 =	spop (v2sf)  }
0x68: {  	s18 =	smin.u32 s30, $0x1388;
	v2 =	vmax.f32 v2, v3  }
0x69: {  	s18 =	sshll.u32 s18, $0x4;
	[tilespmem:s29+$0x0] =	vst v2  }
0x6a: {  	v2 =	vld [tilespmem:s18+$0x0]  }
0x6b: {  	v3 =	vld [tilespmem:s16+$0x50];
	_ =	sdelay $0x3  }
0x6c: {  	s19 =	spop (v2sf)  }
0x6d: {  	s17 =	simm.s32 $0x40;
	s20 =	smin.u32 s19, $0x1388;
	s31 =	spop (v2sf);
	v2 =	vmax.f32 v2, v3  }
0x6e: {  	s20 =	sshll.u32 s20, $0x4;
	s19 =	smin.u32 s31, $0x1388;
	[tilespmem:s18+$0x0] =	vst v2;
	s18 =	simm.s32 $0x13D00  }
.LBB2_5:
0x6f: {  	p0 =	sne.s32 s17, $0xC40  }
0x70: {  	v2 =	vld [tilespmem:s20+$0x0];
	s16 =	sadd.s32 $0x100, s16;
	s21 =	smov.u32 s17;
	s17 =	sadd.s32 $0x40, s17  }
0x71: {  	v3 =	vld [tilespmem:s18+$0x60];
	_ =	sdelay $0x4  }
0x72: {  	v2 =	vmax.f32 v2, v3  }
0x73: {  	s19 =	sshll.u32 s19, $0x4;
	[tilespmem:s20+$0x0] =	vst v2  }
0x74: {  	v2 =	vld [tilespmem:s19+$0x0]  }
0x75: {  	v3 =	vld [tilespmem:s18+$0x70];
	s18 =	smov.u32 s16;
	_ =	sdelay $0x4  }
0x76: {  	v2 =	vmax.f32 v2, v3  }
0x77: {  	s20 =	sshra.s32 s21, $0x2;
	[tilespmem:s19+$0x0] =	vst v2  }
0x78: {  	v2 =	vld [tilespmem:s20+$0x13900];
	_ =	sdelay $0x4  }
0x79: {  	v2 =	vsub.s32 v2, v1  }
0x7a: {  	(v2sf) =	vpush v2, $0x0  }
0x7b: {  	(v2sf) =	vpush v2, $0x1  }
0x7c: {  	(v2sf) =	vpush v2, $0x2  }
0x7d: {  	(v2sf) =	vpush v2, $0x3  }
0x7e: {  	(v2sf) =	vpush v2, $0x4  }
0x7f: {  	(v2sf) =	vpush v2, $0x5  }
0x80: {  	(v2sf) =	vpush v2, $0x6  }
0x81: {  	(v2sf) =	vpush v2, $0x7  }
0x82: {  	(v2sf) =	vpush v2, $0x8  }
0x83: {  	(v2sf) =	vpush v2, $0x9  }
0x84: {  	(v2sf) =	vpush v2, $0xA  }
0x85: {  	(v2sf) =	vpush v2, $0xB  }
0x86: {  	(v2sf) =	vpush v2, $0xC  }
0x87: {  	(v2sf) =	vpush v2, $0xD  }
0x88: {  	(v2sf) =	vpush v2, $0xE  }
0x89: {  	s19 =	spop (v2sf);
	(v2sf) =	vpush v2, $0xF  }
0x8a: {  	s19 =	smin.u32 s19, $0x1388;
	s20 =	spop (v2sf)  }
0x8b: {  	s19 =	sshll.u32 s19, $0x4;
	v2 =	vld [tilespmem:s16+$0xFFFFFF80];
	s20 =	smin.u32 s20, $0x1388;
	s21 =	spop (v2sf)  }
0x8c: {  	v3 =	vld [tilespmem:s19+$0x0];
	s1 =	smin.u32 s21, $0x1388;
	s21 =	spop (v2sf)  }
0x8d: {  	s0 =	smin.u32 s21, $0x1388;
	s21 =	spop (v2sf)  }
0x8e: {  	s31 =	smin.u32 s21, $0x1388;
	s21 =	spop (v2sf)  }
0x8f: {  	s30 =	smin.u32 s21, $0x1388;
	s21 =	spop (v2sf)  }
0x90: {  	s29 =	smin.u32 s21, $0x1388;
	s21 =	spop (v2sf)  }
0x91: {  	v2 =	vmax.f32 v3, v2;
	s28 =	smin.u32 s21, $0x1388;
	s21 =	spop (v2sf)  }
0x92: {  	s2 =	sshll.u32 s20, $0x4;
	[tilespmem:s19+$0x0] =	vst v2;
	s26 =	smin.u32 s21, $0x1388;
	s19 =	spop (v2sf)  }
0x93: {  	v2 =	vld [tilespmem:s2+$0x0];
	s25 =	smin.u32 s19, $0x1388;
	s19 =	spop (v2sf)  }
0x94: {  	v3 =	vld [tilespmem:s16+$0xFFFFFF90];
	s24 =	smin.u32 s19, $0x1388;
	s19 =	spop (v2sf)  }
0x95: {  	s23 =	smin.u32 s19, $0x1388;
	s19 =	spop (v2sf)  }
0x96: {  	s22 =	smin.u32 s19, $0x1388;
	s19 =	spop (v2sf)  }
0x97: {  	s21 =	smin.u32 s19, $0x1388;
	s19 =	spop (v2sf)  }
0x98: {  	s20 =	smin.u32 s19, $0x1388;
	s19 =	spop (v2sf)  }
0x99: {  	v2 =	vmax.f32 v2, v3;
	s19 =	smin.u32 s19, $0x1388  }
0x9a: {  	s1 =	sshll.u32 s1, $0x4;
	[tilespmem:s2+$0x0] =	vst v2  }
0x9b: {  	v2 =	vld [tilespmem:s1+$0x0]  }
0x9c: {  	v3 =	vld [tilespmem:s16+$0xFFFFFFA0];
	_ =	sdelay $0x4  }
0x9d: {  	v2 =	vmax.f32 v2, v3  }
0x9e: {  	s0 =	sshll.u32 s0, $0x4;
	[tilespmem:s1+$0x0] =	vst v2  }
0x9f: {  	v2 =	vld [tilespmem:s0+$0x0]  }
0xa0: {  	v3 =	vld [tilespmem:s16+$0xFFFFFFB0];
	_ =	sdelay $0x4  }
0xa1: {  	v2 =	vmax.f32 v2, v3  }
0xa2: {  	[tilespmem:s0+$0x0] =	vst v2;
	s0 =	sshll.u32 s31, $0x4  }
0xa3: {  	v2 =	vld [tilespmem:s0+$0x0]  }
0xa4: {  	v3 =	vld [tilespmem:s16+$0xFFFFFFC0];
	_ =	sdelay $0x4  }
0xa5: {  	v2 =	vmax.f32 v2, v3  }
0xa6: {  	[tilespmem:s0+$0x0] =	vst v2;
	s0 =	sshll.u32 s30, $0x4  }
0xa7: {  	v2 =	vld [tilespmem:s0+$0x0]  }
0xa8: {  	v3 =	vld [tilespmem:s16+$0xFFFFFFD0];
	_ =	sdelay $0x4  }
0xa9: {  	v2 =	vmax.f32 v2, v3  }
0xaa: {  	[tilespmem:s0+$0x0] =	vst v2;
	s0 =	sshll.u32 s29, $0x4  }
0xab: {  	v2 =	vld [tilespmem:s0+$0x0]  }
0xac: {  	v3 =	vld [tilespmem:s16+$0xFFFFFFE0];
	_ =	sdelay $0x4  }
0xad: {  	v2 =	vmax.f32 v2, v3  }
0xae: {  	[tilespmem:s0+$0x0] =	vst v2;
	s0 =	sshll.u32 s28, $0x4  }
0xaf: {  	v2 =	vld [tilespmem:s0+$0x0]  }
0xb0: {  	v3 =	vld [tilespmem:s16+$0xFFFFFFF0];
	_ =	sdelay $0x4  }
0xb1: {  	v2 =	vmax.f32 v2, v3  }
0xb2: {  	[tilespmem:s0+$0x0] =	vst v2;
	s0 =	sshll.u32 s26, $0x4  }
0xb3: {  	v2 =	vld [tilespmem:s0+$0x0]  }
0xb4: {  	v3 =	vld [tilespmem:s16+$0x0];
	_ =	sdelay $0x4  }
0xb5: {  	v2 =	vmax.f32 v2, v3  }
0xb6: {  	[tilespmem:s0+$0x0] =	vst v2;
	s0 =	sshll.u32 s25, $0x4  }
0xb7: {  	v2 =	vld [tilespmem:s0+$0x0]  }
0xb8: {  	v3 =	vld [tilespmem:s16+$0x10];
	_ =	sdelay $0x4  }
0xb9: {  	v2 =	vmax.f32 v2, v3  }
0xba: {  	[tilespmem:s0+$0x0] =	vst v2;
	s0 =	sshll.u32 s24, $0x4  }
0xbb: {  	v2 =	vld [tilespmem:s0+$0x0]  }
0xbc: {  	v3 =	vld [tilespmem:s16+$0x20];
	_ =	sdelay $0x4  }
0xbd: {  	v2 =	vmax.f32 v2, v3  }
0xbe: {  	[tilespmem:s0+$0x0] =	vst v2;
	s0 =	sshll.u32 s23, $0x4  }
0xbf: {  	v2 =	vld [tilespmem:s0+$0x0]  }
0xc0: {  	v3 =	vld [tilespmem:s16+$0x30];
	_ =	sdelay $0x4  }
0xc1: {  	v2 =	vmax.f32 v2, v3  }
0xc2: {  	[tilespmem:s0+$0x0] =	vst v2;
	s0 =	sshll.u32 s22, $0x4  }
0xc3: {  	v2 =	vld [tilespmem:s0+$0x0]  }
0xc4: {  	v3 =	vld [tilespmem:s16+$0x40];
	_ =	sdelay $0x4  }
0xc5: {  	v2 =	vmax.f32 v2, v3  }
0xc6: {  	[tilespmem:s0+$0x0] =	vst v2;
	s0 =	sshll.u32 s21, $0x4  }
0xc7: {  	v2 =	vld [tilespmem:s0+$0x0]  }
0xc8: {  	v3 =	vld [tilespmem:s16+$0x50];
	_ =	sdelay $0x1  }
.Ltmp1:
0xc9: {  	(pc) =	sbr.rel @p0 .LBB2_5-.Ltmp1, $3  }
0xca: {  	_ =	sdelay $0x1  }
0xcb: {  	v2 =	vmax.f32 v2, v3  }
0xcc: {  	s20 =	sshll.u32 s20, $0x4;
	[tilespmem:s0+$0x0] =	vst v2  }
0xcd: {  	v2 =	vld [tilespmem:s20+$0x0]  }
0xce: {  	v3 =	vld [tilespmem:s18+$0x60];
	_ =	sdelay $0x4  }
0xcf: {  	v2 =	vmax.f32 v2, v3  }
0xd0: {  	s0 =	sshll.u32 s19, $0x4;
	[tilespmem:s20+$0x0] =	vst v2  }
0xd1: {  	v2 =	vld [tilespmem:s0+$0x0]  }
0xd2: {  	s15 =	sadd.s32 $0x1, s15;
	v3 =	vld [tilespmem:s18+$0x70]  }
0xd3: {  	p0 =	sne.s32 s15, $0x19  }
.Ltmp2:
0xd4: {  	_ = 	snop;
	(pc) =	sbr.rel @p0 .LBB2_4-.Ltmp2, $3  }
0xd5: {  	_ =	sdelay $0x1  }
0xd6: {  	v2 =	vmax.f32 v2, v3  }
0xd7: {  	[tilespmem:s0+$0x0] =	vst v2  }
0xd8: {  	s13 =	sadd.s32 $0x1, s13  }
0xd9: {  	p0 =	sne.s32 s13, s8  }
.Ltmp3:
0xda: {  	s0 =	simm.s32 $0x0;
	(pc) =	sbr.rel @p0 .LBB2_1-.Ltmp3, $4  }
0xdb: {  	[hbm4b:s7+s11] =	stream.strided.scatter [tilespmem:s0], [sflag:$0x1], $0x13880, s12, s11, $0x38;
	[tilespmem:$0x16E80] =	vst v63  }
0xdc: {  	_ =	swait.ge [sflag:s5], $0x13880  }
0xdd: {  	[sflag:s5] =	ssyncset.done $0x0  }
0xde: {  	[sflag:s5] =	ssyncadd.s32 $0xFFFEC780  }
0xdf: {  	_ =	sfence.sel $0x180000  }
0xe0: {  	[bflag:$0x0] =	sbarrier.arrive $0xFFFF  }
0xe1: {  	_ =	strace $0x90000053  }
0xe2: {  	s0 =	stileid.u32;
	[bflag:$0x2] =	sbarrier.arrive $0xFFFF  }
0xe3: {  	p0 =	sne.s32 s0, $0x0;
	s0 =	rddreg [dreg:$0x1]  }
0xe4: {  	s0 =	sadd.s32 @!p0 $0x100000, s0  }
0xe5: {  	[sflag:s0] =	ssyncadd.tile.s32 @!p0 $0x1;
	_ =	shalt  }
.Lfunc_end2:
_tile_overlayer_lowered:
.L_overlay_start_2:
0xe6: {  	(tag) =	ssettag $0x2  }
0xe7: {  	s0 =	rddreg [dreg:$0x0];
	s2 =	stileid.u32  }
0xe8: {  	s1 =	rddreg [dreg:$0x1];
	p0 =	sne.s32 s2, $0x0  }
0xe9: {  	s3 =	rddreg [dreg:$0x2];
	[bflag:$0x3] =	sbarrier.arrive $0xFFFF;
	s2 =	simm.s32 @!p0 $0x1C01  }
0xea: {  	[timem:s3], [sflag:s2] =	dma.local @!p0 [hbm:s0], s1  }
0xeb: {  	s0 =	simm.s32 @!p0 $0x1  }
0xec: {  	_ =	swait.ge @!p0 [sflag:s0], s1  }
0xed: {  	s1 =	ssub.s32 @!p0 $0x0, s1;
	[sflag:s0] =	ssyncset.done @!p0 $0x0  }
0xee: {  	[sflag:s0] =	ssyncadd.s32 @!p0 s1  }
0xef: {  	[bflag:$0x3] =	sbarrier.arrive $0xFFFF  }
0xf0: {  	_ =	shalt  }

</sc_bundles>
